<compile_context>
chip_gen: v7x
topology: tpu7x:2x2x1
jax: 0.10.2.dev20260603
libtpu: 0.0.44.dev20260713+nightly
codegen_flags: <defaults>
</compile_context>

<pallas_src>
import functools

import jax
import jax.numpy as jnp
from jax import lax
from jax.experimental import pallas as pl
from jax.experimental.pallas import tpu as pltpu
from jax.experimental.pallas import tpu_sc as plsc

N = 524288
D = 3
T = 64
RES = 128
B = 64
RADIUS = 1.0

NW = 32
L = 16
PPW = N // NW
HSZ = RES * T
GSZ = 16
NGROUPS = PPW // GSZ
NTG = T // L

SLOTS = NW * B
CH = 128
NSTEPS = SLOTS // CH


def _sc_hist(x0, x1, x2, batch, v_flat):
    mesh = plsc.VectorSubcoreMesh(
        core_axis_name="c", subcore_axis_name="s", num_cores=2
    )

    @functools.partial(
        pl.kernel,
        mesh=mesh,
        compiler_params=pltpu.CompilerParams(needs_layout_passes=False),
        out_type=(
            jax.ShapeDtypeStruct((NW, B, HSZ), jnp.float32),
            jax.ShapeDtypeStruct((NW, B), jnp.int32),
        ),
        scratch_types=[
            pltpu.VMEM((PPW,), jnp.float32),
            pltpu.VMEM((PPW,), jnp.float32),
            pltpu.VMEM((PPW,), jnp.float32),
            pltpu.VMEM((PPW,), jnp.int32),
            pltpu.VMEM((D * T,), jnp.float32),
            pltpu.VMEM((HSZ,), jnp.float32),
            pltpu.VMEM((B,), jnp.int32),
        ],
    )
    def k(x0_hbm, x1_hbm, x2_hbm, b_hbm, v_hbm, part_hbm, ids_hbm,
          xb0, xb1, xb2, bb, vb, hist, idsb):
        cid = lax.axis_index("c")
        sid = lax.axis_index("s")
        wid = sid * 2 + cid
        start = wid * PPW

        pltpu.sync_copy(x0_hbm.at[pl.ds(start, PPW)], xb0)
        pltpu.sync_copy(x1_hbm.at[pl.ds(start, PPW)], xb1)
        pltpu.sync_copy(x2_hbm.at[pl.ds(start, PPW)], xb2)
        pltpu.sync_copy(b_hbm.at[pl.ds(start, PPW)], bb)
        pltpu.sync_copy(v_hbm, vb)

        zeros16 = jnp.zeros((L,), jnp.float32)
        ones16 = jnp.ones((L,), jnp.float32)
        neg16 = jnp.full((L,), -1, jnp.int32)
        lane = lax.iota(jnp.int32, L)
        lane0 = lane == 0

        c64 = jnp.full((L,), jnp.float32(T))
        vvec = [
            [vb[pl.ds(d * T + g * L, L)] * jnp.float32(T) for d in range(D)]
            for g in range(NTG)
        ]
        tvec = [lane + g * L for g in range(NTG)]

        def zero_hist():
            def zb(i, c):
                hist[pl.ds(i * L, L)] = zeros16
                return c
            lax.fori_loop(0, HSZ // L, zb, 0, unroll=8)

        def flush(cur_b, slot):
            pltpu.sync_copy(hist, part_hbm.at[wid, slot])
            plsc.store_scatter(
                idsb,
                [jnp.full((L,), slot, jnp.int32)],
                jnp.full((L,), cur_b, jnp.int32),
                mask=lane0,
            )
            zero_hist()

        def load_block(base):
            xa = xb0[pl.ds(base, L)]
            ya = xb1[pl.ds(base, L)]
            za = xb2[pl.ds(base, L)]
            return xa, ya, za

        def process(coords, kk):
            xa, ya, za = coords
            x0 = xa[kk]
            x1 = ya[kk]
            x2 = za[kk]
            sis = []
            for g in range(NTG):
                v0, v1, v2 = vvec[g]
                y = x0 * v0 + (x1 * v1 + (x2 * v2 + c64))
                yc = jnp.minimum(jnp.maximum(y, 0.0), jnp.float32(RES - 1))
                yi = yc.astype(jnp.int32)
                sis.append(yi * T + tvec[g])
            for si in sis:
                plsc.addupdate_scatter(hist, [si], ones16)

        for j in range(B // L):
            idsb[pl.ds(j * L, L)] = neg16
        zero_hist()

        def group_body(g, carry):
            base = g * GSZ
            bvec = bb[pl.ds(base, GSZ)]
            bf = bvec[0]
            bl = bvec[GSZ - 1]
            cur_b = carry[0]
            same = jnp.logical_and(bf == cur_b, bl == cur_b)

            def fast(c):
                coords = load_block(base)
                for kk in range(GSZ):
                    process(coords, kk)
                return c

            def slow(c):
                cb, sl = c
                coords = load_block(base)
                for kk in range(GSZ):
                    bp = bvec[kk]

                    def do_flush(cs):
                        flush(cs[0], cs[1])
                        return (bp, cs[1] + 1)

                    cb, sl = lax.cond(bp != cb, do_flush, lambda cs: cs, (cb, sl))
                    process(coords, kk)
                return (cb, sl)

            return lax.cond(same, fast, slow, carry)

        b0 = bb[pl.ds(0, L)][0]
        cur_b, slot = lax.fori_loop(
            0, NGROUPS, group_body, (b0, jnp.int32(0))
        )
        flush(cur_b, slot)
        pltpu.sync_copy(idsb, ids_hbm.at[wid])

    return k(x0, x1, x2, batch, v_flat)


def _tc_reduce(parts, ids3, idcol):

    def body(ids_ref, idcol_ref, parts_ref, out_ref, acc_ref):
        kk = pl.program_id(0)
        ids_row = ids_ref[0]
        idc = idcol_ref[...]
        rows = jnp.where(idc[:, 0:1] >= 0, parts_ref[...], 0.0)
        bio = lax.broadcasted_iota(jnp.int32, (B, CH), 0)
        mask = (jnp.broadcast_to(ids_row, (B, CH)) == bio).astype(jnp.float32)
        contrib = jax.lax.dot(
            mask, rows,
            precision=lax.Precision.HIGHEST,
            preferred_element_type=jnp.float32,
        )

        @pl.when(kk == 0)
        def _():
            acc_ref[...] = contrib

        @pl.when(kk > 0)
        def _():
            acc_ref[...] = acc_ref[...] + contrib

        @pl.when(kk == NSTEPS - 1)
        def _():
            h = acc_ref[...]
            s = 1
            while s < RES:
                h = h + jnp.concatenate(
                    [jnp.zeros((B, s * T), jnp.float32), h[:, : (RES - s) * T]],
                    axis=1,
                )
                s *= 2
            out_ref[...] = h

    return pl.pallas_call(
        body,
        grid=(NSTEPS,),
        in_specs=[
            pl.BlockSpec((1, 1, CH), lambda k: (k, 0, 0)),
            pl.BlockSpec((CH, 128), lambda k: (k, 0)),
            pl.BlockSpec((CH, HSZ), lambda k: (k, 0)),
        ],
        out_specs=pl.BlockSpec((B, HSZ), lambda k: (0, 0)),
        out_shape=jax.ShapeDtypeStruct((B, HSZ), jnp.float32),
        scratch_shapes=[pltpu.VMEM((B, HSZ), jnp.float32)],
    )(ids3, idcol, parts)


def kernel(x, batch, v):
    xt = x.T
    b32 = batch.astype(jnp.int32)
    vf = v.reshape(-1)
    parts, ids = _sc_hist(xt[0], xt[1], xt[2], b32, vf)
    ids_flat = ids.reshape(SLOTS)
    flat = _tc_reduce(
        parts.reshape(SLOTS, HSZ),
        ids_flat.reshape(NSTEPS, 1, CH),
        jnp.broadcast_to(ids_flat[:, None], (SLOTS, 128)),
    )
    return flat.reshape(B, RES, T)

# --- scband reference (transcript-rebuilt; emitter-appended) ---
"""Pipeline reference for scband-fast-ect-layer-73065983639654 (READ-ONLY COPY).

The authoritative reference and input builder live on the scoring server;
editing this copy changes nothing except your own understanding.
"""

import jax, jax.numpy as jnp
import numpy as np

N = 524288
D = 3
T = 64
RES = 128
B = 64
RADIUS = 1.0


def setup_inputs(seed: int = 0) -> dict:
    key = jax.random.key(seed)
    k1, k2, k3 = jax.random.split(key, 3)
    x = jax.random.normal(k1, (N, D), dtype=jnp.float32)
    batch = jnp.sort(jax.random.randint(k2, (N,), 0, B)).astype(jnp.int64)
    # learned/buffered direction vectors (unit norm, as generate_directions would produce)
    v = jax.random.normal(k3, (D, T), dtype=jnp.float32)
    v = v / jnp.linalg.norm(v, axis=0, keepdims=True)
    return {"x": x, "batch": batch, "v": v}


def reference(x, batch, v):
    # Project points onto each direction: node heights [N, T]
    nh = x @ v
    # Fast ECT via bincount: discretize heights into `RES` bins over [-RADIUS, RADIUS],
    # histogram per (batch, bin, theta), then cumulative sum over bins
    # (ECT value at threshold r = #points with height <= threshold_r).
    idx = jnp.clip(
        jnp.floor((nh + RADIUS) / (2.0 * RADIUS) * RES), 0, RES - 1
    ).astype(jnp.int32)  # [N, T]
    theta = jnp.broadcast_to(jnp.arange(T, dtype=jnp.int32), (N, T))
    b = jnp.broadcast_to(batch.astype(jnp.int32)[:, None], (N, T))
    hist = jnp.zeros((B, RES, T), dtype=jnp.float32).at[b, idx, theta].add(1.0)
    ect = jnp.cumsum(hist, axis=1)  # [B, RES, T]
    return ect

if __name__ == "__main__":
    import jax
    _d = setup_inputs()
    print(jax.jit(kernel)(*tuple(_d.values())))

</pallas_src>

<mosaic_0001>
#map = affine_map<(d0, d1) -> (0)>
#map1 = affine_map<(d0, d1) -> (0, 0, 0)>
#map2 = affine_map<(d0, d1) -> (0, 0)>
module attributes {stable_mosaic.version = 14 : i64} {
  func.func @k(%arg0: i32, %arg1: i32, %arg2: memref<524288xf32, #tpu.memory_space<hbm>>, %arg3: memref<524288xf32, #tpu.memory_space<hbm>>, %arg4: memref<524288xf32, #tpu.memory_space<hbm>>, %arg5: memref<524288xi32, #tpu.memory_space<hbm>>, %arg6: memref<192xf32, #tpu.memory_space<hbm>>, %arg7: memref<32x64x8192xf32, #tpu.memory_space<hbm>>, %arg8: memref<32x64xi32, #tpu.memory_space<hbm>>, %arg9: memref<16384xf32, #tpu.memory_space<vmem>>, %arg10: memref<16384xf32, #tpu.memory_space<vmem>>, %arg11: memref<16384xf32, #tpu.memory_space<vmem>>, %arg12: memref<16384xi32, #tpu.memory_space<vmem>>, %arg13: memref<192xf32, #tpu.memory_space<vmem>>, %arg14: memref<8192xf32, #tpu.memory_space<vmem>>, %arg15: memref<64xi32, #tpu.memory_space<vmem>>) attributes {dimension_semantics = [#tpu.dimension_semantics<core_parallel>, #tpu.dimension_semantics<subcore_parallel>], iteration_bounds = array<i64: 2, 16>, scalar_prefetch = 0 : i64, scratch_operands = 7 : i64, tpu.core_type = #tpu.core_type<sc_vector_subcore>, window_params = [{transform_indices = #map}, {transform_indices = #map}, {transform_indices = #map}, {transform_indices = #map}, {transform_indices = #map}, {transform_indices = #map1}, {transform_indices = #map2}]} {
    %mul3A = arith.constant 2 : i32
    %mul3A_0 = arith.muli %arg1, %mul3A : i32
    %add3A = arith.addi %mul3A_0, %arg0 : i32
    %mul3A_1 = arith.constant 16384 : i32
    %mul3A_2 = arith.muli %add3A, %mul3A_1 : i32
    "tpu.region"() ({
      %run_scoped3A = tpu.sem_alloc : memref<!tpu.dma_semaphore, #tpu.memory_space<semaphore_mem>>
      %dma_start3A = tpu.memref_slice %arg2[%mul3A_2] : memref<524288xf32, #tpu.memory_space<hbm>> -> memref<16384xf32, #tpu.memory_space<hbm>>
      %dma_start3A_112 = tpu.memref_slice %arg2[%mul3A_2] : memref<524288xf32, #tpu.memory_space<hbm>> -> memref<16384xf32, #tpu.memory_space<hbm>>
      tpu.enqueue_dma source(%dma_start3A_112 : memref<16384xf32, #tpu.memory_space<hbm>>) target(%arg9 : memref<16384xf32, #tpu.memory_space<vmem>>) target_semaphore(%run_scoped3A : memref<!tpu.dma_semaphore, #tpu.memory_space<semaphore_mem>>)
      %dma_wait3A = tpu.memref_slice %arg2[%mul3A_2] : memref<524288xf32, #tpu.memory_space<hbm>> -> memref<16384xf32, #tpu.memory_space<hbm>>
      %dma_wait3A_113 = tpu.memref_slice %arg2[%mul3A_2] : memref<524288xf32, #tpu.memory_space<hbm>> -> memref<16384xf32, #tpu.memory_space<hbm>>
      tpu.wait_dma2 semaphore(%run_scoped3A : memref<!tpu.dma_semaphore, #tpu.memory_space<semaphore_mem>>) src(%dma_wait3A_113 : memref<16384xf32, #tpu.memory_space<hbm>>) dst(%arg9 : memref<16384xf32, #tpu.memory_space<vmem>>)
      tpu.yield
    }) : () -> ()
    "tpu.region"() ({
      %run_scoped3A = tpu.sem_alloc : memref<!tpu.dma_semaphore, #tpu.memory_space<semaphore_mem>>
      %dma_start3A = tpu.memref_slice %arg3[%mul3A_2] : memref<524288xf32, #tpu.memory_space<hbm>> -> memref<16384xf32, #tpu.memory_space<hbm>>
      %dma_start3A_112 = tpu.memref_slice %arg3[%mul3A_2] : memref<524288xf32, #tpu.memory_space<hbm>> -> memref<16384xf32, #tpu.memory_space<hbm>>
      tpu.enqueue_dma source(%dma_start3A_112 : memref<16384xf32, #tpu.memory_space<hbm>>) target(%arg10 : memref<16384xf32, #tpu.memory_space<vmem>>) target_semaphore(%run_scoped3A : memref<!tpu.dma_semaphore, #tpu.memory_space<semaphore_mem>>)
      %dma_wait3A = tpu.memref_slice %arg3[%mul3A_2] : memref<524288xf32, #tpu.memory_space<hbm>> -> memref<16384xf32, #tpu.memory_space<hbm>>
      %dma_wait3A_113 = tpu.memref_slice %arg3[%mul3A_2] : memref<524288xf32, #tpu.memory_space<hbm>> -> memref<16384xf32, #tpu.memory_space<hbm>>
      tpu.wait_dma2 semaphore(%run_scoped3A : memref<!tpu.dma_semaphore, #tpu.memory_space<semaphore_mem>>) src(%dma_wait3A_113 : memref<16384xf32, #tpu.memory_space<hbm>>) dst(%arg10 : memref<16384xf32, #tpu.memory_space<vmem>>)
      tpu.yield
    }) : () -> ()
    "tpu.region"() ({
      %run_scoped3A = tpu.sem_alloc : memref<!tpu.dma_semaphore, #tpu.memory_space<semaphore_mem>>
      %dma_start3A = tpu.memref_slice %arg4[%mul3A_2] : memref<524288xf32, #tpu.memory_space<hbm>> -> memref<16384xf32, #tpu.memory_space<hbm>>
      %dma_start3A_112 = tpu.memref_slice %arg4[%mul3A_2] : memref<524288xf32, #tpu.memory_space<hbm>> -> memref<16384xf32, #tpu.memory_space<hbm>>
      tpu.enqueue_dma source(%dma_start3A_112 : memref<16384xf32, #tpu.memory_space<hbm>>) target(%arg11 : memref<16384xf32, #tpu.memory_space<vmem>>) target_semaphore(%run_scoped3A : memref<!tpu.dma_semaphore, #tpu.memory_space<semaphore_mem>>)
      %dma_wait3A = tpu.memref_slice %arg4[%mul3A_2] : memref<524288xf32, #tpu.memory_space<hbm>> -> memref<16384xf32, #tpu.memory_space<hbm>>
      %dma_wait3A_113 = tpu.memref_slice %arg4[%mul3A_2] : memref<524288xf32, #tpu.memory_space<hbm>> -> memref<16384xf32, #tpu.memory_space<hbm>>
      tpu.wait_dma2 semaphore(%run_scoped3A : memref<!tpu.dma_semaphore, #tpu.memory_space<semaphore_mem>>) src(%dma_wait3A_113 : memref<16384xf32, #tpu.memory_space<hbm>>) dst(%arg11 : memref<16384xf32, #tpu.memory_space<vmem>>)
      tpu.yield
    }) : () -> ()
    "tpu.region"() ({
      %run_scoped3A = tpu.sem_alloc : memref<!tpu.dma_semaphore, #tpu.memory_space<semaphore_mem>>
      %dma_start3A = tpu.memref_slice %arg5[%mul3A_2] : memref<524288xi32, #tpu.memory_space<hbm>> -> memref<16384xi32, #tpu.memory_space<hbm>>
      %dma_start3A_112 = tpu.memref_slice %arg5[%mul3A_2] : memref<524288xi32, #tpu.memory_space<hbm>> -> memref<16384xi32, #tpu.memory_space<hbm>>
      tpu.enqueue_dma source(%dma_start3A_112 : memref<16384xi32, #tpu.memory_space<hbm>>) target(%arg12 : memref<16384xi32, #tpu.memory_space<vmem>>) target_semaphore(%run_scoped3A : memref<!tpu.dma_semaphore, #tpu.memory_space<semaphore_mem>>)
      %dma_wait3A = tpu.memref_slice %arg5[%mul3A_2] : memref<524288xi32, #tpu.memory_space<hbm>> -> memref<16384xi32, #tpu.memory_space<hbm>>
      %dma_wait3A_113 = tpu.memref_slice %arg5[%mul3A_2] : memref<524288xi32, #tpu.memory_space<hbm>> -> memref<16384xi32, #tpu.memory_space<hbm>>
      tpu.wait_dma2 semaphore(%run_scoped3A : memref<!tpu.dma_semaphore, #tpu.memory_space<semaphore_mem>>) src(%dma_wait3A_113 : memref<16384xi32, #tpu.memory_space<hbm>>) dst(%arg12 : memref<16384xi32, #tpu.memory_space<vmem>>)
      tpu.yield
    }) : () -> ()
    "tpu.region"() ({
      %run_scoped3A = tpu.sem_alloc : memref<!tpu.dma_semaphore, #tpu.memory_space<semaphore_mem>>
      tpu.enqueue_dma source(%arg6 : memref<192xf32, #tpu.memory_space<hbm>>) target(%arg13 : memref<192xf32, #tpu.memory_space<vmem>>) target_semaphore(%run_scoped3A : memref<!tpu.dma_semaphore, #tpu.memory_space<semaphore_mem>>)
      tpu.wait_dma2 semaphore(%run_scoped3A : memref<!tpu.dma_semaphore, #tpu.memory_space<semaphore_mem>>) src(%arg6 : memref<192xf32, #tpu.memory_space<hbm>>) dst(%arg13 : memref<192xf32, #tpu.memory_space<vmem>>)
      tpu.yield
    }) : () -> ()
    %broadcast_in_dim3A = arith.constant 0.000000e+00 : f32
    %broadcast_in_dim3A_3 = vector.broadcast %broadcast_in_dim3A : f32 to vector<16xf32>
    %broadcast_in_dim3A_4 = arith.constant 1.000000e+00 : f32
    %broadcast_in_dim3A_5 = vector.broadcast %broadcast_in_dim3A_4 : f32 to vector<16xf32>
    %broadcast_in_dim3A_6 = arith.constant -1 : i32
    %broadcast_in_dim3A_7 = vector.broadcast %broadcast_in_dim3A_6 : i32 to vector<16xi32>
    %iota3A = tpu.iota {dimensions = array<i32: 0>} : vector<16xi32>
    %eq3A = arith.constant 0 : i32
    %eq3A_8 = vector.broadcast %eq3A : i32 to vector<16xi32>
    %eq3A_9 = arith.cmpi eq, %iota3A, %eq3A_8 : vector<16xi32>
    %broadcast_in_dim3A_10 = arith.constant 6.400000e+01 : f32
    %broadcast_in_dim3A_11 = vector.broadcast %broadcast_in_dim3A_10 : f32 to vector<16xf32>
    %get3A = arith.constant 0 : index
    %get3A_12 = tpu.vector_load %arg13[%get3A] {strides = array<i32>} : memref<192xf32, #tpu.memory_space<vmem>>, vector<16xf32>,
    %mul3A_13 = arith.constant 6.400000e+01 : f32
    %mul3A_14 = vector.broadcast %mul3A_13 : f32 to vector<16xf32>
    %mul3A_15 = arith.mulf %get3A_12, %mul3A_14 : vector<16xf32>
    %get3A_16 = arith.constant 64 : index
    %get3A_17 = tpu.vector_load %arg13[%get3A_16] {strides = array<i32>} : memref<192xf32, #tpu.memory_space<vmem>>, vector<16xf32>,
    %mul3A_18 = arith.constant 6.400000e+01 : f32
    %mul3A_19 = vector.broadcast %mul3A_18 : f32 to vector<16xf32>
    %mul3A_20 = arith.mulf %get3A_17, %mul3A_19 : vector<16xf32>
    %get3A_21 = arith.constant 128 : index
    %get3A_22 = tpu.vector_load %arg13[%get3A_21] {strides = array<i32>} : memref<192xf32, #tpu.memory_space<vmem>>, vector<16xf32>,
    %mul3A_23 = arith.constant 6.400000e+01 : f32
    %mul3A_24 = vector.broadcast %mul3A_23 : f32 to vector<16xf32>
    %mul3A_25 = arith.mulf %get3A_22, %mul3A_24 : vector<16xf32>
    %get3A_26 = arith.constant 16 : index
    %get3A_27 = tpu.vector_load %arg13[%get3A_26] {strides = array<i32>} : memref<192xf32, #tpu.memory_space<vmem>>, vector<16xf32>,
    %mul3A_28 = arith.constant 6.400000e+01 : f32
    %mul3A_29 = vector.broadcast %mul3A_28 : f32 to vector<16xf32>
    %mul3A_30 = arith.mulf %get3A_27, %mul3A_29 : vector<16xf32>
    %get3A_31 = arith.constant 80 : index
    %get3A_32 = tpu.vector_load %arg13[%get3A_31] {strides = array<i32>} : memref<192xf32, #tpu.memory_space<vmem>>, vector<16xf32>,
    %mul3A_33 = arith.constant 6.400000e+01 : f32
    %mul3A_34 = vector.broadcast %mul3A_33 : f32 to vector<16xf32>
    %mul3A_35 = arith.mulf %get3A_32, %mul3A_34 : vector<16xf32>
    %get3A_36 = arith.constant 144 : index
    %get3A_37 = tpu.vector_load %arg13[%get3A_36] {strides = array<i32>} : memref<192xf32, #tpu.memory_space<vmem>>, vector<16xf32>,
    %mul3A_38 = arith.constant 6.400000e+01 : f32
    %mul3A_39 = vector.broadcast %mul3A_38 : f32 to vector<16xf32>
    %mul3A_40 = arith.mulf %get3A_37, %mul3A_39 : vector<16xf32>
    %get3A_41 = arith.constant 32 : index
    %get3A_42 = tpu.vector_load %arg13[%get3A_41] {strides = array<i32>} : memref<192xf32, #tpu.memory_space<vmem>>, vector<16xf32>,
    %mul3A_43 = arith.constant 6.400000e+01 : f32
    %mul3A_44 = vector.broadcast %mul3A_43 : f32 to vector<16xf32>
    %mul3A_45 = arith.mulf %get3A_42, %mul3A_44 : vector<16xf32>
    %get3A_46 = arith.constant 96 : index
    %get3A_47 = tpu.vector_load %arg13[%get3A_46] {strides = array<i32>} : memref<192xf32, #tpu.memory_space<vmem>>, vector<16xf32>,
    %mul3A_48 = arith.constant 6.400000e+01 : f32
    %mul3A_49 = vector.broadcast %mul3A_48 : f32 to vector<16xf32>
    %mul3A_50 = arith.mulf %get3A_47, %mul3A_49 : vector<16xf32>
    %get3A_51 = arith.constant 160 : index
    %get3A_52 = tpu.vector_load %arg13[%get3A_51] {strides = array<i32>} : memref<192xf32, #tpu.memory_space<vmem>>, vector<16xf32>,
    %mul3A_53 = arith.constant 6.400000e+01 : f32
    %mul3A_54 = vector.broadcast %mul3A_53 : f32 to vector<16xf32>
    %mul3A_55 = arith.mulf %get3A_52, %mul3A_54 : vector<16xf32>
    %get3A_56 = arith.constant 48 : index
    %get3A_57 = tpu.vector_load %arg13[%get3A_56] {strides = array<i32>} : memref<192xf32, #tpu.memory_space<vmem>>, vector<16xf32>,
    %mul3A_58 = arith.constant 6.400000e+01 : f32
    %mul3A_59 = vector.broadcast %mul3A_58 : f32 to vector<16xf32>
    %mul3A_60 = arith.mulf %get3A_57, %mul3A_59 : vector<16xf32>
    %get3A_61 = arith.constant 112 : index
    %get3A_62 = tpu.vector_load %arg13[%get3A_61] {strides = array<i32>} : memref<192xf32, #tpu.memory_space<vmem>>, vector<16xf32>,
    %mul3A_63 = arith.constant 6.400000e+01 : f32
    %mul3A_64 = vector.broadcast %mul3A_63 : f32 to vector<16xf32>
    %mul3A_65 = arith.mulf %get3A_62, %mul3A_64 : vector<16xf32>
    %get3A_66 = arith.constant 176 : index
    %get3A_67 = tpu.vector_load %arg13[%get3A_66] {strides = array<i32>} : memref<192xf32, #tpu.memory_space<vmem>>, vector<16xf32>,
    %mul3A_68 = arith.constant 6.400000e+01 : f32
    %mul3A_69 = vector.broadcast %mul3A_68 : f32 to vector<16xf32>
    %mul3A_70 = arith.mulf %get3A_67, %mul3A_69 : vector<16xf32>
    %add3A_71 = arith.constant 0 : i32
    %add3A_72 = vector.broadcast %add3A_71 : i32 to vector<16xi32>
    %add3A_73 = arith.addi %iota3A, %add3A_72 : vector<16xi32>
    %add3A_74 = arith.constant 16 : i32
    %add3A_75 = vector.broadcast %add3A_74 : i32 to vector<16xi32>
    %add3A_76 = arith.addi %iota3A, %add3A_75 : vector<16xi32>
    %add3A_77 = arith.constant 32 : i32
    %add3A_78 = vector.broadcast %add3A_77 : i32 to vector<16xi32>
    %add3A_79 = arith.addi %iota3A, %add3A_78 : vector<16xi32>
    %add3A_80 = arith.constant 48 : i32
    %add3A_81 = vector.broadcast %add3A_80 : i32 to vector<16xi32>
    %add3A_82 = arith.addi %iota3A, %add3A_81 : vector<16xi32>
    %swap3A = arith.constant 0 : index
    %swap3A_83 = tpu.vector_load %arg15[%swap3A] {strides = array<i32>} : memref<64xi32, #tpu.memory_space<vmem>>, vector<16xi32>,
    tpu.vector_store %arg15[%swap3A], %broadcast_in_dim3A_7 {strides = array<i32>} : memref<64xi32, #tpu.memory_space<vmem>>, vector<16xi32>,
    %swap3A_84 = arith.constant 16 : index
    %swap3A_85 = tpu.vector_load %arg15[%swap3A_84] {strides = array<i32>} : memref<64xi32, #tpu.memory_space<vmem>>, vector<16xi32>,
    tpu.vector_store %arg15[%swap3A_84], %broadcast_in_dim3A_7 {strides = array<i32>} : memref<64xi32, #tpu.memory_space<vmem>>, vector<16xi32>,
    %swap3A_86 = arith.constant 32 : index
    %swap3A_87 = tpu.vector_load %arg15[%swap3A_86] {strides = array<i32>} : memref<64xi32, #tpu.memory_space<vmem>>, vector<16xi32>,
    tpu.vector_store %arg15[%swap3A_86], %broadcast_in_dim3A_7 {strides = array<i32>} : memref<64xi32, #tpu.memory_space<vmem>>, vector<16xi32>,
    %swap3A_88 = arith.constant 48 : index
    %swap3A_89 = tpu.vector_load %arg15[%swap3A_88] {strides = array<i32>} : memref<64xi32, #tpu.memory_space<vmem>>, vector<16xi32>,
    tpu.vector_store %arg15[%swap3A_88], %broadcast_in_dim3A_7 {strides = array<i32>} : memref<64xi32, #tpu.memory_space<vmem>>, vector<16xi32>,
    %scan3A = arith.constant 0 : i32
    %scan3A_90 = arith.constant 0 : i32
    %scan3A_91 = arith.constant 512 : i32
    %scan3A_92 = arith.addi %scan3A_90, %scan3A_91 : i32
    %scan3A_93 = arith.constant 8 : i32
    scf.for %scan3A_112 = %scan3A_90 to %scan3A_92 step %scan3A_93  : i32 {
      %mul3A_113 = arith.constant 16 : i32
      %mul3A_114 = arith.muli %scan3A_112, %mul3A_113 : i32
      %swap3A_115 = arith.index_cast %mul3A_114 : i32 to index
      %swap3A_116 = tpu.vector_load %arg14[%swap3A_115] {strides = array<i32>} : memref<8192xf32, #tpu.memory_space<vmem>>, vector<16xf32>,
      tpu.vector_store %arg14[%swap3A_115], %broadcast_in_dim3A_3 {strides = array<i32>} : memref<8192xf32, #tpu.memory_space<vmem>>, vector<16xf32>,
      %scan3A_117 = arith.constant 1 : i32
      %scan3A_118 = arith.addi %scan3A_112, %scan3A_117 : i32
      %mul3A_119 = arith.constant 16 : i32
      %mul3A_120 = arith.muli %scan3A_118, %mul3A_119 : i32
      %swap3A_121 = arith.index_cast %mul3A_120 : i32 to index
      %swap3A_122 = tpu.vector_load %arg14[%swap3A_121] {strides = array<i32>} : memref<8192xf32, #tpu.memory_space<vmem>>, vector<16xf32>,
      tpu.vector_store %arg14[%swap3A_121], %broadcast_in_dim3A_3 {strides = array<i32>} : memref<8192xf32, #tpu.memory_space<vmem>>, vector<16xf32>,
      %scan3A_123 = arith.constant 2 : i32
      %scan3A_124 = arith.addi %scan3A_112, %scan3A_123 : i32
      %mul3A_125 = arith.constant 16 : i32
      %mul3A_126 = arith.muli %scan3A_124, %mul3A_125 : i32
      %swap3A_127 = arith.index_cast %mul3A_126 : i32 to index
      %swap3A_128 = tpu.vector_load %arg14[%swap3A_127] {strides = array<i32>} : memref<8192xf32, #tpu.memory_space<vmem>>, vector<16xf32>,
      tpu.vector_store %arg14[%swap3A_127], %broadcast_in_dim3A_3 {strides = array<i32>} : memref<8192xf32, #tpu.memory_space<vmem>>, vector<16xf32>,
      %scan3A_129 = arith.constant 3 : i32
      %scan3A_130 = arith.addi %scan3A_112, %scan3A_129 : i32
      %mul3A_131 = arith.constant 16 : i32
      %mul3A_132 = arith.muli %scan3A_130, %mul3A_131 : i32
      %swap3A_133 = arith.index_cast %mul3A_132 : i32 to index
      %swap3A_134 = tpu.vector_load %arg14[%swap3A_133] {strides = array<i32>} : memref<8192xf32, #tpu.memory_space<vmem>>, vector<16xf32>,
      tpu.vector_store %arg14[%swap3A_133], %broadcast_in_dim3A_3 {strides = array<i32>} : memref<8192xf32, #tpu.memory_space<vmem>>, vector<16xf32>,
      %scan3A_135 = arith.constant 4 : i32
      %scan3A_136 = arith.addi %scan3A_112, %scan3A_135 : i32
      %mul3A_137 = arith.constant 16 : i32
      %mul3A_138 = arith.muli %scan3A_136, %mul3A_137 : i32
      %swap3A_139 = arith.index_cast %mul3A_138 : i32 to index
      %swap3A_140 = tpu.vector_load %arg14[%swap3A_139] {strides = array<i32>} : memref<8192xf32, #tpu.memory_space<vmem>>, vector<16xf32>,
      tpu.vector_store %arg14[%swap3A_139], %broadcast_in_dim3A_3 {strides = array<i32>} : memref<8192xf32, #tpu.memory_space<vmem>>, vector<16xf32>,
      %scan3A_141 = arith.constant 5 : i32
      %scan3A_142 = arith.addi %scan3A_112, %scan3A_141 : i32
      %mul3A_143 = arith.constant 16 : i32
      %mul3A_144 = arith.muli %scan3A_142, %mul3A_143 : i32
      %swap3A_145 = arith.index_cast %mul3A_144 : i32 to index
      %swap3A_146 = tpu.vector_load %arg14[%swap3A_145] {strides = array<i32>} : memref<8192xf32, #tpu.memory_space<vmem>>, vector<16xf32>,
      tpu.vector_store %arg14[%swap3A_145], %broadcast_in_dim3A_3 {strides = array<i32>} : memref<8192xf32, #tpu.memory_space<vmem>>, vector<16xf32>,
      %scan3A_147 = arith.constant 6 : i32
      %scan3A_148 = arith.addi %scan3A_112, %scan3A_147 : i32
      %mul3A_149 = arith.constant 16 : i32
      %mul3A_150 = arith.muli %scan3A_148, %mul3A_149 : i32
      %swap3A_151 = arith.index_cast %mul3A_150 : i32 to index
      %swap3A_152 = tpu.vector_load %arg14[%swap3A_151] {strides = array<i32>} : memref<8192xf32, #tpu.memory_space<vmem>>, vector<16xf32>,
      tpu.vector_store %arg14[%swap3A_151], %broadcast_in_dim3A_3 {strides = array<i32>} : memref<8192xf32, #tpu.memory_space<vmem>>, vector<16xf32>,
      %scan3A_153 = arith.constant 7 : i32
      %scan3A_154 = arith.addi %scan3A_112, %scan3A_153 : i32
      %mul3A_155 = arith.constant 16 : i32
      %mul3A_156 = arith.muli %scan3A_154, %mul3A_155 : i32
      %swap3A_157 = arith.index_cast %mul3A_156 : i32 to index
      %swap3A_158 = tpu.vector_load %arg14[%swap3A_157] {strides = array<i32>} : memref<8192xf32, #tpu.memory_space<vmem>>, vector<16xf32>,
      tpu.vector_store %arg14[%swap3A_157], %broadcast_in_dim3A_3 {strides = array<i32>} : memref<8192xf32, #tpu.memory_space<vmem>>, vector<16xf32>,
    }
    %scan3A_94 = arith.constant 512 : i32
    %get3A_95 = arith.constant 0 : index
    %get3A_96 = tpu.vector_load %arg12[%get3A_95] {strides = array<i32>} : memref<16384xi32, #tpu.memory_space<vmem>>, vector<16xi32>,
    %slice3A = vector.extract_strided_slice %get3A_96 {offsets = [0], sizes = [1], strides = [1]} : vector<16xi32> to vector<1xi32>
    %squeeze3A = vector.extract %slice3A[0] : i32 from vector<1xi32>
    %scan3A_97 = arith.constant 0 : i32
    %scan3A_98 = arith.constant 0 : i32
    %scan3A_99 = arith.constant 1024 : i32
    %scan3A_100 = arith.addi %scan3A_98, %scan3A_99 : i32
    %scan3A_101 = arith.constant 1 : i32
    %scan3A_102:2 = scf.for %scan3A_112 = %scan3A_98 to %scan3A_100 step %scan3A_101 iter_args(%scan3A_113 = %squeeze3A, %scan3A_114 = %scan3A_97) -> (i32, i32)  : i32 {
      %mul3A_115 = arith.constant 16 : i32
      %mul3A_116 = arith.muli %scan3A_112, %mul3A_115 : i32
      %get3A_117 = arith.index_cast %mul3A_116 : i32 to index
      %get3A_118 = tpu.vector_load %arg12[%get3A_117] {strides = array<i32>} : memref<16384xi32, #tpu.memory_space<vmem>>, vector<16xi32>,
      %slice3A_119 = vector.extract_strided_slice %get3A_118 {offsets = [0], sizes = [1], strides = [1]} : vector<16xi32> to vector<1xi32>
      %squeeze3A_120 = vector.extract %slice3A_119[0] : i32 from vector<1xi32>
      %slice3A_121 = vector.extract_strided_slice %get3A_118 {offsets = [15], sizes = [1], strides = [1]} : vector<16xi32> to vector<1xi32>
      %squeeze3A_122 = vector.extract %slice3A_121[0] : i32 from vector<1xi32>
      %eq3A_123 = arith.cmpi eq, %squeeze3A_120, %scan3A_113 : i32
      %eq3A_124 = arith.cmpi eq, %squeeze3A_122, %scan3A_113 : i32
      %and3A = arith.andi %eq3A_123, %eq3A_124 : i1
      %convert_element_type3A = arith.extui %and3A : i1 to i32
      %cond3A = arith.constant 0 : i32
      %cond3A_125 = arith.cmpi ne, %convert_element_type3A, %cond3A : i32
      %cond3A_126:2 = scf.if %cond3A_125 -> (i32, i32) {
        %get3A_127 = arith.index_cast %mul3A_116 : i32 to index
        %get3A_128 = tpu.vector_load %arg9[%get3A_127] {strides = array<i32>} : memref<16384xf32, #tpu.memory_space<vmem>>, vector<16xf32>,
        %get3A_129 = arith.index_cast %mul3A_116 : i32 to index
        %get3A_130 = tpu.vector_load %arg10[%get3A_129] {strides = array<i32>} : memref<16384xf32, #tpu.memory_space<vmem>>, vector<16xf32>,
        %get3A_131 = arith.index_cast %mul3A_116 : i32 to index
        %get3A_132 = tpu.vector_load %arg11[%get3A_131] {strides = array<i32>} : memref<16384xf32, #tpu.memory_space<vmem>>, vector<16xf32>,
        %slice3A_133 = vector.extract_strided_slice %get3A_128 {offsets = [0], sizes = [1], strides = [1]} : vector<16xf32> to vector<1xf32>
        %squeeze3A_134 = vector.extract %slice3A_133[0] : f32 from vector<1xf32>
        %slice3A_135 = vector.extract_strided_slice %get3A_130 {offsets = [0], sizes = [1], strides = [1]} : vector<16xf32> to vector<1xf32>
        %squeeze3A_136 = vector.extract %slice3A_135[0] : f32 from vector<1xf32>
        %slice3A_137 = vector.extract_strided_slice %get3A_132 {offsets = [0], sizes = [1], strides = [1]} : vector<16xf32> to vector<1xf32>
        %squeeze3A_138 = vector.extract %slice3A_137[0] : f32 from vector<1xf32>
        %mul3A_139 = vector.broadcast %squeeze3A_134 : f32 to vector<16xf32>
        %mul3A_140 = arith.mulf %mul3A_139, %mul3A_15 : vector<16xf32>
        %mul3A_141 = vector.broadcast %squeeze3A_136 : f32 to vector<16xf32>
        %mul3A_142 = arith.mulf %mul3A_141, %mul3A_20 : vector<16xf32>
        %mul3A_143 = vector.broadcast %squeeze3A_138 : f32 to vector<16xf32>
        %mul3A_144 = arith.mulf %mul3A_143, %mul3A_25 : vector<16xf32>
        %add3A_145 = arith.addf %mul3A_144, %broadcast_in_dim3A_11 : vector<16xf32>
        %add3A_146 = arith.addf %mul3A_142, %add3A_145 : vector<16xf32>
        %add3A_147 = arith.addf %mul3A_140, %add3A_146 : vector<16xf32>
        %max3A = arith.constant 0.000000e+00 : f32
        %max3A_148 = vector.broadcast %max3A : f32 to vector<16xf32>
        %max3A_149 = arith.maximumf %add3A_147, %max3A_148 : vector<16xf32>
        %min3A = arith.constant 1.270000e+02 : f32
        %min3A_150 = vector.broadcast %min3A : f32 to vector<16xf32>
        %min3A_151 = arith.minimumf %max3A_149, %min3A_150 : vector<16xf32>
        %convert_element_type3A_152 = arith.fptosi %min3A_151 : vector<16xf32> to vector<16xi32>
        %mul3A_153 = arith.constant 64 : i32
        %mul3A_154 = vector.broadcast %mul3A_153 : i32 to vector<16xi32>
        %mul3A_155 = arith.muli %convert_element_type3A_152, %mul3A_154 : vector<16xi32>
        %add3A_156 = arith.addi %mul3A_155, %add3A_73 : vector<16xi32>
        %mul3A_157 = vector.broadcast %squeeze3A_134 : f32 to vector<16xf32>
        %mul3A_158 = arith.mulf %mul3A_157, %mul3A_30 : vector<16xf32>
        %mul3A_159 = vector.broadcast %squeeze3A_136 : f32 to vector<16xf32>
        %mul3A_160 = arith.mulf %mul3A_159, %mul3A_35 : vector<16xf32>
        %mul3A_161 = vector.broadcast %squeeze3A_138 : f32 to vector<16xf32>
        %mul3A_162 = arith.mulf %mul3A_161, %mul3A_40 : vector<16xf32>
        %add3A_163 = arith.addf %mul3A_162, %broadcast_in_dim3A_11 : vector<16xf32>
        %add3A_164 = arith.addf %mul3A_160, %add3A_163 : vector<16xf32>
        %add3A_165 = arith.addf %mul3A_158, %add3A_164 : vector<16xf32>
        %max3A_166 = arith.constant 0.000000e+00 : f32
        %max3A_167 = vector.broadcast %max3A_166 : f32 to vector<16xf32>
        %max3A_168 = arith.maximumf %add3A_165, %max3A_167 : vector<16xf32>
        %min3A_169 = arith.constant 1.270000e+02 : f32
        %min3A_170 = vector.broadcast %min3A_169 : f32 to vector<16xf32>
        %min3A_171 = arith.minimumf %max3A_168, %min3A_170 : vector<16xf32>
        %convert_element_type3A_172 = arith.fptosi %min3A_171 : vector<16xf32> to vector<16xi32>
        %mul3A_173 = arith.constant 64 : i32
        %mul3A_174 = vector.broadcast %mul3A_173 : i32 to vector<16xi32>
        %mul3A_175 = arith.muli %convert_element_type3A_172, %mul3A_174 : vector<16xi32>
        %add3A_176 = arith.addi %mul3A_175, %add3A_76 : vector<16xi32>
        %mul3A_177 = vector.broadcast %squeeze3A_134 : f32 to vector<16xf32>
        %mul3A_178 = arith.mulf %mul3A_177, %mul3A_45 : vector<16xf32>
        %mul3A_179 = vector.broadcast %squeeze3A_136 : f32 to vector<16xf32>
        %mul3A_180 = arith.mulf %mul3A_179, %mul3A_50 : vector<16xf32>
        %mul3A_181 = vector.broadcast %squeeze3A_138 : f32 to vector<16xf32>
        %mul3A_182 = arith.mulf %mul3A_181, %mul3A_55 : vector<16xf32>
        %add3A_183 = arith.addf %mul3A_182, %broadcast_in_dim3A_11 : vector<16xf32>
        %add3A_184 = arith.addf %mul3A_180, %add3A_183 : vector<16xf32>
        %add3A_185 = arith.addf %mul3A_178, %add3A_184 : vector<16xf32>
        %max3A_186 = arith.constant 0.000000e+00 : f32
        %max3A_187 = vector.broadcast %max3A_186 : f32 to vector<16xf32>
        %max3A_188 = arith.maximumf %add3A_185, %max3A_187 : vector<16xf32>
        %min3A_189 = arith.constant 1.270000e+02 : f32
        %min3A_190 = vector.broadcast %min3A_189 : f32 to vector<16xf32>
        %min3A_191 = arith.minimumf %max3A_188, %min3A_190 : vector<16xf32>
        %convert_element_type3A_192 = arith.fptosi %min3A_191 : vector<16xf32> to vector<16xi32>
        %mul3A_193 = arith.constant 64 : i32
        %mul3A_194 = vector.broadcast %mul3A_193 : i32 to vector<16xi32>
        %mul3A_195 = arith.muli %convert_element_type3A_192, %mul3A_194 : vector<16xi32>
        %add3A_196 = arith.addi %mul3A_195, %add3A_79 : vector<16xi32>
        %mul3A_197 = vector.broadcast %squeeze3A_134 : f32 to vector<16xf32>
        %mul3A_198 = arith.mulf %mul3A_197, %mul3A_60 : vector<16xf32>
        %mul3A_199 = vector.broadcast %squeeze3A_136 : f32 to vector<16xf32>
        %mul3A_200 = arith.mulf %mul3A_199, %mul3A_65 : vector<16xf32>
        %mul3A_201 = vector.broadcast %squeeze3A_138 : f32 to vector<16xf32>
        %mul3A_202 = arith.mulf %mul3A_201, %mul3A_70 : vector<16xf32>
        %add3A_203 = arith.addf %mul3A_202, %broadcast_in_dim3A_11 : vector<16xf32>
        %add3A_204 = arith.addf %mul3A_200, %add3A_203 : vector<16xf32>
        %add3A_205 = arith.addf %mul3A_198, %add3A_204 : vector<16xf32>
        %max3A_206 = arith.constant 0.000000e+00 : f32
        %max3A_207 = vector.broadcast %max3A_206 : f32 to vector<16xf32>
        %max3A_208 = arith.maximumf %add3A_205, %max3A_207 : vector<16xf32>
        %min3A_209 = arith.constant 1.270000e+02 : f32
        %min3A_210 = vector.broadcast %min3A_209 : f32 to vector<16xf32>
        %min3A_211 = arith.minimumf %max3A_208, %min3A_210 : vector<16xf32>
        %convert_element_type3A_212 = arith.fptosi %min3A_211 : vector<16xf32> to vector<16xi32>
        %mul3A_213 = arith.constant 64 : i32
        %mul3A_214 = vector.broadcast %mul3A_213 : i32 to vector<16xi32>
        %mul3A_215 = arith.muli %convert_element_type3A_212, %mul3A_214 : vector<16xi32>
        %add3A_216 = arith.addi %mul3A_215, %add3A_82 : vector<16xi32>
        tpu.vector_store_idx %arg14[%add3A_156], %broadcast_in_dim3A_5 {add = true} : memref<8192xf32, #tpu.memory_space<vmem>>[vector<16xi32>], vector<16xf32>,
        tpu.vector_store_idx %arg14[%add3A_176], %broadcast_in_dim3A_5 {add = true} : memref<8192xf32, #tpu.memory_space<vmem>>[vector<16xi32>], vector<16xf32>,
        tpu.vector_store_idx %arg14[%add3A_196], %broadcast_in_dim3A_5 {add = true} : memref<8192xf32, #tpu.memory_space<vmem>>[vector<16xi32>], vector<16xf32>,
        tpu.vector_store_idx %arg14[%add3A_216], %broadcast_in_dim3A_5 {add = true} : memref<8192xf32, #tpu.memory_space<vmem>>[vector<16xi32>], vector<16xf32>,
        %slice3A_217 = vector.extract_strided_slice %get3A_128 {offsets = [1], sizes = [1], strides = [1]} : vector<16xf32> to vector<1xf32>
        %squeeze3A_218 = vector.extract %slice3A_217[0] : f32 from vector<1xf32>
        %slice3A_219 = vector.extract_strided_slice %get3A_130 {offsets = [1], sizes = [1], strides = [1]} : vector<16xf32> to vector<1xf32>
        %squeeze3A_220 = vector.extract %slice3A_219[0] : f32 from vector<1xf32>
        %slice3A_221 = vector.extract_strided_slice %get3A_132 {offsets = [1], sizes = [1], strides = [1]} : vector<16xf32> to vector<1xf32>
        %squeeze3A_222 = vector.extract %slice3A_221[0] : f32 from vector<1xf32>
        %mul3A_223 = vector.broadcast %squeeze3A_218 : f32 to vector<16xf32>
        %mul3A_224 = arith.mulf %mul3A_223, %mul3A_15 : vector<16xf32>
        %mul3A_225 = vector.broadcast %squeeze3A_220 : f32 to vector<16xf32>
        %mul3A_226 = arith.mulf %mul3A_225, %mul3A_20 : vector<16xf32>
        %mul3A_227 = vector.broadcast %squeeze3A_222 : f32 to vector<16xf32>
        %mul3A_228 = arith.mulf %mul3A_227, %mul3A_25 : vector<16xf32>
        %add3A_229 = arith.addf %mul3A_228, %broadcast_in_dim3A_11 : vector<16xf32>
        %add3A_230 = arith.addf %mul3A_226, %add3A_229 : vector<16xf32>
        %add3A_231 = arith.addf %mul3A_224, %add3A_230 : vector<16xf32>
        %max3A_232 = arith.constant 0.000000e+00 : f32
        %max3A_233 = vector.broadcast %max3A_232 : f32 to vector<16xf32>
        %max3A_234 = arith.maximumf %add3A_231, %max3A_233 : vector<16xf32>
        %min3A_235 = arith.constant 1.270000e+02 : f32
        %min3A_236 = vector.broadcast %min3A_235 : f32 to vector<16xf32>
        %min3A_237 = arith.minimumf %max3A_234, %min3A_236 : vector<16xf32>
        %convert_element_type3A_238 = arith.fptosi %min3A_237 : vector<16xf32> to vector<16xi32>
        %mul3A_239 = arith.constant 64 : i32
        %mul3A_240 = vector.broadcast %mul3A_239 : i32 to vector<16xi32>
        %mul3A_241 = arith.muli %convert_element_type3A_238, %mul3A_240 : vector<16xi32>
        %add3A_242 = arith.addi %mul3A_241, %add3A_73 : vector<16xi32>
        %mul3A_243 = vector.broadcast %squeeze3A_218 : f32 to vector<16xf32>
        %mul3A_244 = arith.mulf %mul3A_243, %mul3A_30 : vector<16xf32>
        %mul3A_245 = vector.broadcast %squeeze3A_220 : f32 to vector<16xf32>
        %mul3A_246 = arith.mulf %mul3A_245, %mul3A_35 : vector<16xf32>
        %mul3A_247 = vector.broadcast %squeeze3A_222 : f32 to vector<16xf32>
        %mul3A_248 = arith.mulf %mul3A_247, %mul3A_40 : vector<16xf32>
        %add3A_249 = arith.addf %mul3A_248, %broadcast_in_dim3A_11 : vector<16xf32>
        %add3A_250 = arith.addf %mul3A_246, %add3A_249 : vector<16xf32>
        %add3A_251 = arith.addf %mul3A_244, %add3A_250 : vector<16xf32>
        %max3A_252 = arith.constant 0.000000e+00 : f32
        %max3A_253 = vector.broadcast %max3A_252 : f32 to vector<16xf32>
        %max3A_254 = arith.maximumf %add3A_251, %max3A_253 : vector<16xf32>
        %min3A_255 = arith.constant 1.270000e+02 : f32
        %min3A_256 = vector.broadcast %min3A_255 : f32 to vector<16xf32>
        %min3A_257 = arith.minimumf %max3A_254, %min3A_256 : vector<16xf32>
        %convert_element_type3A_258 = arith.fptosi %min3A_257 : vector<16xf32> to vector<16xi32>
        %mul3A_259 = arith.constant 64 : i32
        %mul3A_260 = vector.broadcast %mul3A_259 : i32 to vector<16xi32>
        %mul3A_261 = arith.muli %convert_element_type3A_258, %mul3A_260 : vector<16xi32>
        %add3A_262 = arith.addi %mul3A_261, %add3A_76 : vector<16xi32>
        %mul3A_263 = vector.broadcast %squeeze3A_218 : f32 to vector<16xf32>
        %mul3A_264 = arith.mulf %mul3A_263, %mul3A_45 : vector<16xf32>
        %mul3A_265 = vector.broadcast %squeeze3A_220 : f32 to vector<16xf32>
        %mul3A_266 = arith.mulf %mul3A_265, %mul3A_50 : vector<16xf32>
        %mul3A_267 = vector.broadcast %squeeze3A_222 : f32 to vector<16xf32>
        %mul3A_268 = arith.mulf %mul3A_267, %mul3A_55 : vector<16xf32>
        %add3A_269 = arith.addf %mul3A_268, %broadcast_in_dim3A_11 : vector<16xf32>
        %add3A_270 = arith.addf %mul3A_266, %add3A_269 : vector<16xf32>
        %add3A_271 = arith.addf %mul3A_264, %add3A_270 : vector<16xf32>
        %max3A_272 = arith.constant 0.000000e+00 : f32
        %max3A_273 = vector.broadcast %max3A_272 : f32 to vector<16xf32>
        %max3A_274 = arith.maximumf %add3A_271, %max3A_273 : vector<16xf32>
        %min3A_275 = arith.constant 1.270000e+02 : f32
        %min3A_276 = vector.broadcast %min3A_275 : f32 to vector<16xf32>
        %min3A_277 = arith.minimumf %max3A_274, %min3A_276 : vector<16xf32>
        %convert_element_type3A_278 = arith.fptosi %min3A_277 : vector<16xf32> to vector<16xi32>
        %mul3A_279 = arith.constant 64 : i32
        %mul3A_280 = vector.broadcast %mul3A_279 : i32 to vector<16xi32>
        %mul3A_281 = arith.muli %convert_element_type3A_278, %mul3A_280 : vector<16xi32>
        %add3A_282 = arith.addi %mul3A_281, %add3A_79 : vector<16xi32>
        %mul3A_283 = vector.broadcast %squeeze3A_218 : f32 to vector<16xf32>
        %mul3A_284 = arith.mulf %mul3A_283, %mul3A_60 : vector<16xf32>
        %mul3A_285 = vector.broadcast %squeeze3A_220 : f32 to vector<16xf32>
        %mul3A_286 = arith.mulf %mul3A_285, %mul3A_65 : vector<16xf32>
        %mul3A_287 = vector.broadcast %squeeze3A_222 : f32 to vector<16xf32>
        %mul3A_288 = arith.mulf %mul3A_287, %mul3A_70 : vector<16xf32>
        %add3A_289 = arith.addf %mul3A_288, %broadcast_in_dim3A_11 : vector<16xf32>
        %add3A_290 = arith.addf %mul3A_286, %add3A_289 : vector<16xf32>
        %add3A_291 = arith.addf %mul3A_284, %add3A_290 : vector<16xf32>
        %max3A_292 = arith.constant 0.000000e+00 : f32
        %max3A_293 = vector.broadcast %max3A_292 : f32 to vector<16xf32>
        %max3A_294 = arith.maximumf %add3A_291, %max3A_293 : vector<16xf32>
        %min3A_295 = arith.constant 1.270000e+02 : f32
        %min3A_296 = vector.broadcast %min3A_295 : f32 to vector<16xf32>
        %min3A_297 = arith.minimumf %max3A_294, %min3A_296 : vector<16xf32>
        %convert_element_type3A_298 = arith.fptosi %min3A_297 : vector<16xf32> to vector<16xi32>
        %mul3A_299 = arith.constant 64 : i32
        %mul3A_300 = vector.broadcast %mul3A_299 : i32 to vector<16xi32>
        %mul3A_301 = arith.muli %convert_element_type3A_298, %mul3A_300 : vector<16xi32>
        %add3A_302 = arith.addi %mul3A_301, %add3A_82 : vector<16xi32>
        tpu.vector_store_idx %arg14[%add3A_242], %broadcast_in_dim3A_5 {add = true} : memref<8192xf32, #tpu.memory_space<vmem>>[vector<16xi32>], vector<16xf32>,
        tpu.vector_store_idx %arg14[%add3A_262], %broadcast_in_dim3A_5 {add = true} : memref<8192xf32, #tpu.memory_space<vmem>>[vector<16xi32>], vector<16xf32>,
        tpu.vector_store_idx %arg14[%add3A_282], %broadcast_in_dim3A_5 {add = true} : memref<8192xf32, #tpu.memory_space<vmem>>[vector<16xi32>], vector<16xf32>,
        tpu.vector_store_idx %arg14[%add3A_302], %broadcast_in_dim3A_5 {add = true} : memref<8192xf32, #tpu.memory_space<vmem>>[vector<16xi32>], vector<16xf32>,
        %slice3A_303 = vector.extract_strided_slice %get3A_128 {offsets = [2], sizes = [1], strides = [1]} : vector<16xf32> to vector<1xf32>
        %squeeze3A_304 = vector.extract %slice3A_303[0] : f32 from vector<1xf32>
        %slice3A_305 = vector.extract_strided_slice %get3A_130 {offsets = [2], sizes = [1], strides = [1]} : vector<16xf32> to vector<1xf32>
        %squeeze3A_306 = vector.extract %slice3A_305[0] : f32 from vector<1xf32>
        %slice3A_307 = vector.extract_strided_slice %get3A_132 {offsets = [2], sizes = [1], strides = [1]} : vector<16xf32> to vector<1xf32>
        %squeeze3A_308 = vector.extract %slice3A_307[0] : f32 from vector<1xf32>
        %mul3A_309 = vector.broadcast %squeeze3A_304 : f32 to vector<16xf32>
        %mul3A_310 = arith.mulf %mul3A_309, %mul3A_15 : vector<16xf32>
        %mul3A_311 = vector.broadcast %squeeze3A_306 : f32 to vector<16xf32>
        %mul3A_312 = arith.mulf %mul3A_311, %mul3A_20 : vector<16xf32>
        %mul3A_313 = vector.broadcast %squeeze3A_308 : f32 to vector<16xf32>
        %mul3A_314 = arith.mulf %mul3A_313, %mul3A_25 : vector<16xf32>
        %add3A_315 = arith.addf %mul3A_314, %broadcast_in_dim3A_11 : vector<16xf32>
        %add3A_316 = arith.addf %mul3A_312, %add3A_315 : vector<16xf32>
        %add3A_317 = arith.addf %mul3A_310, %add3A_316 : vector<16xf32>
        %max3A_318 = arith.constant 0.000000e+00 : f32
        %max3A_319 = vector.broadcast %max3A_318 : f32 to vector<16xf32>
        %max3A_320 = arith.maximumf %add3A_317, %max3A_319 : vector<16xf32>
        %min3A_321 = arith.constant 1.270000e+02 : f32
        %min3A_322 = vector.broadcast %min3A_321 : f32 to vector<16xf32>
        %min3A_323 = arith.minimumf %max3A_320, %min3A_322 : vector<16xf32>
        %convert_element_type3A_324 = arith.fptosi %min3A_323 : vector<16xf32> to vector<16xi32>
        %mul3A_325 = arith.constant 64 : i32
        %mul3A_326 = vector.broadcast %mul3A_325 : i32 to vector<16xi32>
        %mul3A_327 = arith.muli %convert_element_type3A_324, %mul3A_326 : vector<16xi32>
        %add3A_328 = arith.addi %mul3A_327, %add3A_73 : vector<16xi32>
        %mul3A_329 = vector.broadcast %squeeze3A_304 : f32 to vector<16xf32>
        %mul3A_330 = arith.mulf %mul3A_329, %mul3A_30 : vector<16xf32>
        %mul3A_331 = vector.broadcast %squeeze3A_306 : f32 to vector<16xf32>
        %mul3A_332 = arith.mulf %mul3A_331, %mul3A_35 : vector<16xf32>
        %mul3A_333 = vector.broadcast %squeeze3A_308 : f32 to vector<16xf32>
        %mul3A_334 = arith.mulf %mul3A_333, %mul3A_40 : vector<16xf32>
        %add3A_335 = arith.addf %mul3A_334, %broadcast_in_dim3A_11 : vector<16xf32>
        %add3A_336 = arith.addf %mul3A_332, %add3A_335 : vector<16xf32>
        %add3A_337 = arith.addf %mul3A_330, %add3A_336 : vector<16xf32>
        %max3A_338 = arith.constant 0.000000e+00 : f32
        %max3A_339 = vector.broadcast %max3A_338 : f32 to vector<16xf32>
        %max3A_340 = arith.maximumf %add3A_337, %max3A_339 : vector<16xf32>
        %min3A_341 = arith.constant 1.270000e+02 : f32
        %min3A_342 = vector.broadcast %min3A_341 : f32 to vector<16xf32>
        %min3A_343 = arith.minimumf %max3A_340, %min3A_342 : vector<16xf32>
        %convert_element_type3A_344 = arith.fptosi %min3A_343 : vector<16xf32> to vector<16xi32>
        %mul3A_345 = arith.constant 64 : i32
        %mul3A_346 = vector.broadcast %mul3A_345 : i32 to vector<16xi32>
        %mul3A_347 = arith.muli %convert_element_type3A_344, %mul3A_346 : vector<16xi32>
        %add3A_348 = arith.addi %mul3A_347, %add3A_76 : vector<16xi32>
        %mul3A_349 = vector.broadcast %squeeze3A_304 : f32 to vector<16xf32>
        %mul3A_350 = arith.mulf %mul3A_349, %mul3A_45 : vector<16xf32>
        %mul3A_351 = vector.broadcast %squeeze3A_306 : f32 to vector<16xf32>
        %mul3A_352 = arith.mulf %mul3A_351, %mul3A_50 : vector<16xf32>
        %mul3A_353 = vector.broadcast %squeeze3A_308 : f32 to vector<16xf32>
        %mul3A_354 = arith.mulf %mul3A_353, %mul3A_55 : vector<16xf32>
        %add3A_355 = arith.addf %mul3A_354, %broadcast_in_dim3A_11 : vector<16xf32>
        %add3A_356 = arith.addf %mul3A_352, %add3A_355 : vector<16xf32>
        %add3A_357 = arith.addf %mul3A_350, %add3A_356 : vector<16xf32>
        %max3A_358 = arith.constant 0.000000e+00 : f32
        %max3A_359 = vector.broadcast %max3A_358 : f32 to vector<16xf32>
        %max3A_360 = arith.maximumf %add3A_357, %max3A_359 : vector<16xf32>
        %min3A_361 = arith.constant 1.270000e+02 : f32
        %min3A_362 = vector.broadcast %min3A_361 : f32 to vector<16xf32>
        %min3A_363 = arith.minimumf %max3A_360, %min3A_362 : vector<16xf32>
        %convert_element_type3A_364 = arith.fptosi %min3A_363 : vector<16xf32> to vector<16xi32>
        %mul3A_365 = arith.constant 64 : i32
        %mul3A_366 = vector.broadcast %mul3A_365 : i32 to vector<16xi32>
        %mul3A_367 = arith.muli %convert_element_type3A_364, %mul3A_366 : vector<16xi32>
        %add3A_368 = arith.addi %mul3A_367, %add3A_79 : vector<16xi32>
        %mul3A_369 = vector.broadcast %squeeze3A_304 : f32 to vector<16xf32>
        %mul3A_370 = arith.mulf %mul3A_369, %mul3A_60 : vector<16xf32>
        %mul3A_371 = vector.broadcast %squeeze3A_306 : f32 to vector<16xf32>
        %mul3A_372 = arith.mulf %mul3A_371, %mul3A_65 : vector<16xf32>
        %mul3A_373 = vector.broadcast %squeeze3A_308 : f32 to vector<16xf32>
        %mul3A_374 = arith.mulf %mul3A_373, %mul3A_70 : vector<16xf32>
        %add3A_375 = arith.addf %mul3A_374, %broadcast_in_dim3A_11 : vector<16xf32>
        %add3A_376 = arith.addf %mul3A_372, %add3A_375 : vector<16xf32>
        %add3A_377 = arith.addf %mul3A_370, %add3A_376 : vector<16xf32>
        %max3A_378 = arith.constant 0.000000e+00 : f32
        %max3A_379 = vector.broadcast %max3A_378 : f32 to vector<16xf32>
        %max3A_380 = arith.maximumf %add3A_377, %max3A_379 : vector<16xf32>
        %min3A_381 = arith.constant 1.270000e+02 : f32
        %min3A_382 = vector.broadcast %min3A_381 : f32 to vector<16xf32>
        %min3A_383 = arith.minimumf %max3A_380, %min3A_382 : vector<16xf32>
        %convert_element_type3A_384 = arith.fptosi %min3A_383 : vector<16xf32> to vector<16xi32>
        %mul3A_385 = arith.constant 64 : i32
        %mul3A_386 = vector.broadcast %mul3A_385 : i32 to vector<16xi32>
        %mul3A_387 = arith.muli %convert_element_type3A_384, %mul3A_386 : vector<16xi32>
        %add3A_388 = arith.addi %mul3A_387, %add3A_82 : vector<16xi32>
        tpu.vector_store_idx %arg14[%add3A_328], %broadcast_in_dim3A_5 {add = true} : memref<8192xf32, #tpu.memory_space<vmem>>[vector<16xi32>], vector<16xf32>,
        tpu.vector_store_idx %arg14[%add3A_348], %broadcast_in_dim3A_5 {add = true} : memref<8192xf32, #tpu.memory_space<vmem>>[vector<16xi32>], vector<16xf32>,
        tpu.vector_store_idx %arg14[%add3A_368], %broadcast_in_dim3A_5 {add = true} : memref<8192xf32, #tpu.memory_space<vmem>>[vector<16xi32>], vector<16xf32>,
        tpu.vector_store_idx %arg14[%add3A_388], %broadcast_in_dim3A_5 {add = true} : memref<8192xf32, #tpu.memory_space<vmem>>[vector<16xi32>], vector<16xf32>,
        %slice3A_389 = vector.extract_strided_slice %get3A_128 {offsets = [3], sizes = [1], strides = [1]} : vector<16xf32> to vector<1xf32>
        %squeeze3A_390 = vector.extract %slice3A_389[0] : f32 from vector<1xf32>
        %slice3A_391 = vector.extract_strided_slice %get3A_130 {offsets = [3], sizes = [1], strides = [1]} : vector<16xf32> to vector<1xf32>
        %squeeze3A_392 = vector.extract %slice3A_391[0] : f32 from vector<1xf32>
        %slice3A_393 = vector.extract_strided_slice %get3A_132 {offsets = [3], sizes = [1], strides = [1]} : vector<16xf32> to vector<1xf32>
        %squeeze3A_394 = vector.extract %slice3A_393[0] : f32 from vector<1xf32>
        %mul3A_395 = vector.broadcast %squeeze3A_390 : f32 to vector<16xf32>
        %mul3A_396 = arith.mulf %mul3A_395, %mul3A_15 : vector<16xf32>
        %mul3A_397 = vector.broadcast %squeeze3A_392 : f32 to vector<16xf32>
        %mul3A_398 = arith.mulf %mul3A_397, %mul3A_20 : vector<16xf32>
        %mul3A_399 = vector.broadcast %squeeze3A_394 : f32 to vector<16xf32>
        %mul3A_400 = arith.mulf %mul3A_399, %mul3A_25 : vector<16xf32>
        %add3A_401 = arith.addf %mul3A_400, %broadcast_in_dim3A_11 : vector<16xf32>
        %add3A_402 = arith.addf %mul3A_398, %add3A_401 : vector<16xf32>
        %add3A_403 = arith.addf %mul3A_396, %add3A_402 : vector<16xf32>
        %max3A_404 = arith.constant 0.000000e+00 : f32
        %max3A_405 = vector.broadcast %max3A_404 : f32 to vector<16xf32>
        %max3A_406 = arith.maximumf %add3A_403, %max3A_405 : vector<16xf32>
        %min3A_407 = arith.constant 1.270000e+02 : f32
        %min3A_408 = vector.broadcast %min3A_407 : f32 to vector<16xf32>
        %min3A_409 = arith.minimumf %max3A_406, %min3A_408 : vector<16xf32>
        %convert_element_type3A_410 = arith.fptosi %min3A_409 : vector<16xf32> to vector<16xi32>
        %mul3A_411 = arith.constant 64 : i32
        %mul3A_412 = vector.broadcast %mul3A_411 : i32 to vector<16xi32>
        %mul3A_413 = arith.muli %convert_element_type3A_410, %mul3A_412 : vector<16xi32>
        %add3A_414 = arith.addi %mul3A_413, %add3A_73 : vector<16xi32>
        %mul3A_415 = vector.broadcast %squeeze3A_390 : f32 to vector<16xf32>
        %mul3A_416 = arith.mulf %mul3A_415, %mul3A_30 : vector<16xf32>
        %mul3A_417 = vector.broadcast %squeeze3A_392 : f32 to vector<16xf32>
        %mul3A_418 = arith.mulf %mul3A_417, %mul3A_35 : vector<16xf32>
        %mul3A_419 = vector.broadcast %squeeze3A_394 : f32 to vector<16xf32>
        %mul3A_420 = arith.mulf %mul3A_419, %mul3A_40 : vector<16xf32>
        %add3A_421 = arith.addf %mul3A_420, %broadcast_in_dim3A_11 : vector<16xf32>
        %add3A_422 = arith.addf %mul3A_418, %add3A_421 : vector<16xf32>
        %add3A_423 = arith.addf %mul3A_416, %add3A_422 : vector<16xf32>
        %max3A_424 = arith.constant 0.000000e+00 : f32
        %max3A_425 = vector.broadcast %max3A_424 : f32 to vector<16xf32>
        %max3A_426 = arith.maximumf %add3A_423, %max3A_425 : vector<16xf32>
        %min3A_427 = arith.constant 1.270000e+02 : f32
        %min3A_428 = vector.broadcast %min3A_427 : f32 to vector<16xf32>
        %min3A_429 = arith.minimumf %max3A_426, %min3A_428 : vector<16xf32>
        %convert_element_type3A_430 = arith.fptosi %min3A_429 : vector<16xf32> to vector<16xi32>
        %mul3A_431 = arith.constant 64 : i32
        %mul3A_432 = vector.broadcast %mul3A_431 : i32 to vector<16xi32>
        %mul3A_433 = arith.muli %convert_element_type3A_430, %mul3A_432 : vector<16xi32>
        %add3A_434 = arith.addi %mul3A_433, %add3A_76 : vector<16xi32>
        %mul3A_435 = vector.broadcast %squeeze3A_390 : f32 to vector<16xf32>
        %mul3A_436 = arith.mulf %mul3A_435, %mul3A_45 : vector<16xf32>
        %mul3A_437 = vector.broadcast %squeeze3A_392 : f32 to vector<16xf32>
        %mul3A_438 = arith.mulf %mul3A_437, %mul3A_50 : vector<16xf32>
        %mul3A_439 = vector.broadcast %squeeze3A_394 : f32 to vector<16xf32>
        %mul3A_440 = arith.mulf %mul3A_439, %mul3A_55 : vector<16xf32>
        %add3A_441 = arith.addf %mul3A_440, %broadcast_in_dim3A_11 : vector<16xf32>
        %add3A_442 = arith.addf %mul3A_438, %add3A_441 : vector<16xf32>
        %add3A_443 = arith.addf %mul3A_436, %add3A_442 : vector<16xf32>
        %max3A_444 = arith.constant 0.000000e+00 : f32
        %max3A_445 = vector.broadcast %max3A_444 : f32 to vector<16xf32>
        %max3A_446 = arith.maximumf %add3A_443, %max3A_445 : vector<16xf32>
        %min3A_447 = arith.constant 1.270000e+02 : f32
        %min3A_448 = vector.broadcast %min3A_447 : f32 to vector<16xf32>
        %min3A_449 = arith.minimumf %max3A_446, %min3A_448 : vector<16xf32>
        %convert_element_type3A_450 = arith.fptosi %min3A_449 : vector<16xf32> to vector<16xi32>
        %mul3A_451 = arith.constant 64 : i32
        %mul3A_452 = vector.broadcast %mul3A_451 : i32 to vector<16xi32>
        %mul3A_453 = arith.muli %convert_element_type3A_450, %mul3A_452 : vector<16xi32>
        %add3A_454 = arith.addi %mul3A_453, %add3A_79 : vector<16xi32>
        %mul3A_455 = vector.broadcast %squeeze3A_390 : f32 to vector<16xf32>
        %mul3A_456 = arith.mulf %mul3A_455, %mul3A_60 : vector<16xf32>
        %mul3A_457 = vector.broadcast %squeeze3A_392 : f32 to vector<16xf32>
        %mul3A_458 = arith.mulf %mul3A_457, %mul3A_65 : vector<16xf32>
        %mul3A_459 = vector.broadcast %squeeze3A_394 : f32 to vector<16xf32>
        %mul3A_460 = arith.mulf %mul3A_459, %mul3A_70 : vector<16xf32>
        %add3A_461 = arith.addf %mul3A_460, %broadcast_in_dim3A_11 : vector<16xf32>
        %add3A_462 = arith.addf %mul3A_458, %add3A_461 : vector<16xf32>
        %add3A_463 = arith.addf %mul3A_456, %add3A_462 : vector<16xf32>
        %max3A_464 = arith.constant 0.000000e+00 : f32
        %max3A_465 = vector.broadcast %max3A_464 : f32 to vector<16xf32>
        %max3A_466 = arith.maximumf %add3A_463, %max3A_465 : vector<16xf32>
        %min3A_467 = arith.constant 1.270000e+02 : f32
        %min3A_468 = vector.broadcast %min3A_467 : f32 to vector<16xf32>
        %min3A_469 = arith.minimumf %max3A_466, %min3A_468 : vector<16xf32>
        %convert_element_type3A_470 = arith.fptosi %min3A_469 : vector<16xf32> to vector<16xi32>
        %mul3A_471 = arith.constant 64 : i32
        %mul3A_472 = vector.broadcast %mul3A_471 : i32 to vector<16xi32>
        %mul3A_473 = arith.muli %convert_element_type3A_470, %mul3A_472 : vector<16xi32>
        %add3A_474 = arith.addi %mul3A_473, %add3A_82 : vector<16xi32>
        tpu.vector_store_idx %arg14[%add3A_414], %broadcast_in_dim3A_5 {add = true} : memref<8192xf32, #tpu.memory_space<vmem>>[vector<16xi32>], vector<16xf32>,
        tpu.vector_store_idx %arg14[%add3A_434], %broadcast_in_dim3A_5 {add = true} : memref<8192xf32, #tpu.memory_space<vmem>>[vector<16xi32>], vector<16xf32>,
        tpu.vector_store_idx %arg14[%add3A_454], %broadcast_in_dim3A_5 {add = true} : memref<8192xf32, #tpu.memory_space<vmem>>[vector<16xi32>], vector<16xf32>,
        tpu.vector_store_idx %arg14[%add3A_474], %broadcast_in_dim3A_5 {add = true} : memref<8192xf32, #tpu.memory_space<vmem>>[vector<16xi32>], vector<16xf32>,
        %slice3A_475 = vector.extract_strided_slice %get3A_128 {offsets = [4], sizes = [1], strides = [1]} : vector<16xf32> to vector<1xf32>
        %squeeze3A_476 = vector.extract %slice3A_475[0] : f32 from vector<1xf32>
        %slice3A_477 = vector.extract_strided_slice %get3A_130 {offsets = [4], sizes = [1], strides = [1]} : vector<16xf32> to vector<1xf32>
        %squeeze3A_478 = vector.extract %slice3A_477[0] : f32 from vector<1xf32>
        %slice3A_479 = vector.extract_strided_slice %get3A_132 {offsets = [4], sizes = [1], strides = [1]} : vector<16xf32> to vector<1xf32>
        %squeeze3A_480 = vector.extract %slice3A_479[0] : f32 from vector<1xf32>
        %mul3A_481 = vector.broadcast %squeeze3A_476 : f32 to vector<16xf32>
        %mul3A_482 = arith.mulf %mul3A_481, %mul3A_15 : vector<16xf32>
        %mul3A_483 = vector.broadcast %squeeze3A_478 : f32 to vector<16xf32>
        %mul3A_484 = arith.mulf %mul3A_483, %mul3A_20 : vector<16xf32>
        %mul3A_485 = vector.broadcast %squeeze3A_480 : f32 to vector<16xf32>
        %mul3A_486 = arith.mulf %mul3A_485, %mul3A_25 : vector<16xf32>
        %add3A_487 = arith.addf %mul3A_486, %broadcast_in_dim3A_11 : vector<16xf32>
        %add3A_488 = arith.addf %mul3A_484, %add3A_487 : vector<16xf32>
        %add3A_489 = arith.addf %mul3A_482, %add3A_488 : vector<16xf32>
        %max3A_490 = arith.constant 0.000000e+00 : f32
        %max3A_491 = vector.broadcast %max3A_490 : f32 to vector<16xf32>
        %max3A_492 = arith.maximumf %add3A_489, %max3A_491 : vector<16xf32>
        %min3A_493 = arith.constant 1.270000e+02 : f32
        %min3A_494 = vector.broadcast %min3A_493 : f32 to vector<16xf32>
        %min3A_495 = arith.minimumf %max3A_492, %min3A_494 : vector<16xf32>
        %convert_element_type3A_496 = arith.fptosi %min3A_495 : vector<16xf32> to vector<16xi32>
        %mul3A_497 = arith.constant 64 : i32
        %mul3A_498 = vector.broadcast %mul3A_497 : i32 to vector<16xi32>
        %mul3A_499 = arith.muli %convert_element_type3A_496, %mul3A_498 : vector<16xi32>
        %add3A_500 = arith.addi %mul3A_499, %add3A_73 : vector<16xi32>
        %mul3A_501 = vector.broadcast %squeeze3A_476 : f32 to vector<16xf32>
        %mul3A_502 = arith.mulf %mul3A_501, %mul3A_30 : vector<16xf32>
        %mul3A_503 = vector.broadcast %squeeze3A_478 : f32 to vector<16xf32>
        %mul3A_504 = arith.mulf %mul3A_503, %mul3A_35 : vector<16xf32>
        %mul3A_505 = vector.broadcast %squeeze3A_480 : f32 to vector<16xf32>
        %mul3A_506 = arith.mulf %mul3A_505, %mul3A_40 : vector<16xf32>
        %add3A_507 = arith.addf %mul3A_506, %broadcast_in_dim3A_11 : vector<16xf32>
        %add3A_508 = arith.addf %mul3A_504, %add3A_507 : vector<16xf32>
        %add3A_509 = arith.addf %mul3A_502, %add3A_508 : vector<16xf32>
        %max3A_510 = arith.constant 0.000000e+00 : f32
        %max3A_511 = vector.broadcast %max3A_510 : f32 to vector<16xf32>
        %max3A_512 = arith.maximumf %add3A_509, %max3A_511 : vector<16xf32>
        %min3A_513 = arith.constant 1.270000e+02 : f32
        %min3A_514 = vector.broadcast %min3A_513 : f32 to vector<16xf32>
        %min3A_515 = arith.minimumf %max3A_512, %min3A_514 : vector<16xf32>
        %convert_element_type3A_516 = arith.fptosi %min3A_515 : vector<16xf32> to vector<16xi32>
        %mul3A_517 = arith.constant 64 : i32
        %mul3A_518 = vector.broadcast %mul3A_517 : i32 to vector<16xi32>
        %mul3A_519 = arith.muli %convert_element_type3A_516, %mul3A_518 : vector<16xi32>
        %add3A_520 = arith.addi %mul3A_519, %add3A_76 : vector<16xi32>
        %mul3A_521 = vector.broadcast %squeeze3A_476 : f32 to vector<16xf32>
        %mul3A_522 = arith.mulf %mul3A_521, %mul3A_45 : vector<16xf32>
        %mul3A_523 = vector.broadcast %squeeze3A_478 : f32 to vector<16xf32>
        %mul3A_524 = arith.mulf %mul3A_523, %mul3A_50 : vector<16xf32>
        %mul3A_525 = vector.broadcast %squeeze3A_480 : f32 to vector<16xf32>
        %mul3A_526 = arith.mulf %mul3A_525, %mul3A_55 : vector<16xf32>
        %add3A_527 = arith.addf %mul3A_526, %broadcast_in_dim3A_11 : vector<16xf32>
        %add3A_528 = arith.addf %mul3A_524, %add3A_527 : vector<16xf32>
        %add3A_529 = arith.addf %mul3A_522, %add3A_528 : vector<16xf32>
        %max3A_530 = arith.constant 0.000000e+00 : f32
        %max3A_531 = vector.broadcast %max3A_530 : f32 to vector<16xf32>
        %max3A_532 = arith.maximumf %add3A_529, %max3A_531 : vector<16xf32>
        %min3A_533 = arith.constant 1.270000e+02 : f32
        %min3A_534 = vector.broadcast %min3A_533 : f32 to vector<16xf32>
        %min3A_535 = arith.minimumf %max3A_532, %min3A_534 : vector<16xf32>
        %convert_element_type3A_536 = arith.fptosi %min3A_535 : vector<16xf32> to vector<16xi32>
        %mul3A_537 = arith.constant 64 : i32
        %mul3A_538 = vector.broadcast %mul3A_537 : i32 to vector<16xi32>
        %mul3A_539 = arith.muli %convert_element_type3A_536, %mul3A_538 : vector<16xi32>
        %add3A_540 = arith.addi %mul3A_539, %add3A_79 : vector<16xi32>
        %mul3A_541 = vector.broadcast %squeeze3A_476 : f32 to vector<16xf32>
        %mul3A_542 = arith.mulf %mul3A_541, %mul3A_60 : vector<16xf32>
        %mul3A_543 = vector.broadcast %squeeze3A_478 : f32 to vector<16xf32>
        %mul3A_544 = arith.mulf %mul3A_543, %mul3A_65 : vector<16xf32>
        %mul3A_545 = vector.broadcast %squeeze3A_480 : f32 to vector<16xf32>
        %mul3A_546 = arith.mulf %mul3A_545, %mul3A_70 : vector<16xf32>
        %add3A_547 = arith.addf %mul3A_546, %broadcast_in_dim3A_11 : vector<16xf32>
        %add3A_548 = arith.addf %mul3A_544, %add3A_547 : vector<16xf32>
        %add3A_549 = arith.addf %mul3A_542, %add3A_548 : vector<16xf32>
        %max3A_550 = arith.constant 0.000000e+00 : f32
        %max3A_551 = vector.broadcast %max3A_550 : f32 to vector<16xf32>
        %max3A_552 = arith.maximumf %add3A_549, %max3A_551 : vector<16xf32>
        %min3A_553 = arith.constant 1.270000e+02 : f32
        %min3A_554 = vector.broadcast %min3A_553 : f32 to vector<16xf32>
        %min3A_555 = arith.minimumf %max3A_552, %min3A_554 : vector<16xf32>
        %convert_element_type3A_556 = arith.fptosi %min3A_555 : vector<16xf32> to vector<16xi32>
        %mul3A_557 = arith.constant 64 : i32
        %mul3A_558 = vector.broadcast %mul3A_557 : i32 to vector<16xi32>
        %mul3A_559 = arith.muli %convert_element_type3A_556, %mul3A_558 : vector<16xi32>
        %add3A_560 = arith.addi %mul3A_559, %add3A_82 : vector<16xi32>
        tpu.vector_store_idx %arg14[%add3A_500], %broadcast_in_dim3A_5 {add = true} : memref<8192xf32, #tpu.memory_space<vmem>>[vector<16xi32>], vector<16xf32>,
        tpu.vector_store_idx %arg14[%add3A_520], %broadcast_in_dim3A_5 {add = true} : memref<8192xf32, #tpu.memory_space<vmem>>[vector<16xi32>], vector<16xf32>,
        tpu.vector_store_idx %arg14[%add3A_540], %broadcast_in_dim3A_5 {add = true} : memref<8192xf32, #tpu.memory_space<vmem>>[vector<16xi32>], vector<16xf32>,
        tpu.vector_store_idx %arg14[%add3A_560], %broadcast_in_dim3A_5 {add = true} : memref<8192xf32, #tpu.memory_space<vmem>>[vector<16xi32>], vector<16xf32>,
        %slice3A_561 = vector.extract_strided_slice %get3A_128 {offsets = [5], sizes = [1], strides = [1]} : vector<16xf32> to vector<1xf32>
        %squeeze3A_562 = vector.extract %slice3A_561[0] : f32 from vector<1xf32>
        %slice3A_563 = vector.extract_strided_slice %get3A_130 {offsets = [5], sizes = [1], strides = [1]} : vector<16xf32> to vector<1xf32>
        %squeeze3A_564 = vector.extract %slice3A_563[0] : f32 from vector<1xf32>
        %slice3A_565 = vector.extract_strided_slice %get3A_132 {offsets = [5], sizes = [1], strides = [1]} : vector<16xf32> to vector<1xf32>
        %squeeze3A_566 = vector.extract %slice3A_565[0] : f32 from vector<1xf32>
        %mul3A_567 = vector.broadcast %squeeze3A_562 : f32 to vector<16xf32>
        %mul3A_568 = arith.mulf %mul3A_567, %mul3A_15 : vector<16xf32>
        %mul3A_569 = vector.broadcast %squeeze3A_564 : f32 to vector<16xf32>
        %mul3A_570 = arith.mulf %mul3A_569, %mul3A_20 : vector<16xf32>
        %mul3A_571 = vector.broadcast %squeeze3A_566 : f32 to vector<16xf32>
        %mul3A_572 = arith.mulf %mul3A_571, %mul3A_25 : vector<16xf32>
        %add3A_573 = arith.addf %mul3A_572, %broadcast_in_dim3A_11 : vector<16xf32>
        %add3A_574 = arith.addf %mul3A_570, %add3A_573 : vector<16xf32>
        %add3A_575 = arith.addf %mul3A_568, %add3A_574 : vector<16xf32>
        %max3A_576 = arith.constant 0.000000e+00 : f32
        %max3A_577 = vector.broadcast %max3A_576 : f32 to vector<16xf32>
        %max3A_578 = arith.maximumf %add3A_575, %max3A_577 : vector<16xf32>
        %min3A_579 = arith.constant 1.270000e+02 : f32
        %min3A_580 = vector.broadcast %min3A_579 : f32 to vector<16xf32>
        %min3A_581 = arith.minimumf %max3A_578, %min3A_580 : vector<16xf32>
        %convert_element_type3A_582 = arith.fptosi %min3A_581 : vector<16xf32> to vector<16xi32>
        %mul3A_583 = arith.constant 64 : i32
        %mul3A_584 = vector.broadcast %mul3A_583 : i32 to vector<16xi32>
        %mul3A_585 = arith.muli %convert_element_type3A_582, %mul3A_584 : vector<16xi32>
        %add3A_586 = arith.addi %mul3A_585, %add3A_73 : vector<16xi32>
        %mul3A_587 = vector.broadcast %squeeze3A_562 : f32 to vector<16xf32>
        %mul3A_588 = arith.mulf %mul3A_587, %mul3A_30 : vector<16xf32>
        %mul3A_589 = vector.broadcast %squeeze3A_564 : f32 to vector<16xf32>
        %mul3A_590 = arith.mulf %mul3A_589, %mul3A_35 : vector<16xf32>
        %mul3A_591 = vector.broadcast %squeeze3A_566 : f32 to vector<16xf32>
        %mul3A_592 = arith.mulf %mul3A_591, %mul3A_40 : vector<16xf32>
        %add3A_593 = arith.addf %mul3A_592, %broadcast_in_dim3A_11 : vector<16xf32>
        %add3A_594 = arith.addf %mul3A_590, %add3A_593 : vector<16xf32>
        %add3A_595 = arith.addf %mul3A_588, %add3A_594 : vector<16xf32>
        %max3A_596 = arith.constant 0.000000e+00 : f32
        %max3A_597 = vector.broadcast %max3A_596 : f32 to vector<16xf32>
        %max3A_598 = arith.maximumf %add3A_595, %max3A_597 : vector<16xf32>
        %min3A_599 = arith.constant 1.270000e+02 : f32
        %min3A_600 = vector.broadcast %min3A_599 : f32 to vector<16xf32>
        %min3A_601 = arith.minimumf %max3A_598, %min3A_600 : vector<16xf32>
        %convert_element_type3A_602 = arith.fptosi %min3A_601 : vector<16xf32> to vector<16xi32>
        %mul3A_603 = arith.constant 64 : i32
        %mul3A_604 = vector.broadcast %mul3A_603 : i32 to vector<16xi32>
        %mul3A_605 = arith.muli %convert_element_type3A_602, %mul3A_604 : vector<16xi32>
        %add3A_606 = arith.addi %mul3A_605, %add3A_76 : vector<16xi32>
        %mul3A_607 = vector.broadcast %squeeze3A_562 : f32 to vector<16xf32>
        %mul3A_608 = arith.mulf %mul3A_607, %mul3A_45 : vector<16xf32>
        %mul3A_609 = vector.broadcast %squeeze3A_564 : f32 to vector<16xf32>
        %mul3A_610 = arith.mulf %mul3A_609, %mul3A_50 : vector<16xf32>
        %mul3A_611 = vector.broadcast %squeeze3A_566 : f32 to vector<16xf32>
        %mul3A_612 = arith.mulf %mul3A_611, %mul3A_55 : vector<16xf32>
        %add3A_613 = arith.addf %mul3A_612, %broadcast_in_dim3A_11 : vector<16xf32>
        %add3A_614 = arith.addf %mul3A_610, %add3A_613 : vector<16xf32>
        %add3A_615 = arith.addf %mul3A_608, %add3A_614 : vector<16xf32>
        %max3A_616 = arith.constant 0.000000e+00 : f32
        %max3A_617 = vector.broadcast %max3A_616 : f32 to vector<16xf32>
        %max3A_618 = arith.maximumf %add3A_615, %max3A_617 : vector<16xf32>
        %min3A_619 = arith.constant 1.270000e+02 : f32
        %min3A_620 = vector.broadcast %min3A_619 : f32 to vector<16xf32>
        %min3A_621 = arith.minimumf %max3A_618, %min3A_620 : vector<16xf32>
        %convert_element_type3A_622 = arith.fptosi %min3A_621 : vector<16xf32> to vector<16xi32>
        %mul3A_623 = arith.constant 64 : i32
        %mul3A_624 = vector.broadcast %mul3A_623 : i32 to vector<16xi32>
        %mul3A_625 = arith.muli %convert_element_type3A_622, %mul3A_624 : vector<16xi32>
        %add3A_626 = arith.addi %mul3A_625, %add3A_79 : vector<16xi32>
        %mul3A_627 = vector.broadcast %squeeze3A_562 : f32 to vector<16xf32>
        %mul3A_628 = arith.mulf %mul3A_627, %mul3A_60 : vector<16xf32>
        %mul3A_629 = vector.broadcast %squeeze3A_564 : f32 to vector<16xf32>
        %mul3A_630 = arith.mulf %mul3A_629, %mul3A_65 : vector<16xf32>
        %mul3A_631 = vector.broadcast %squeeze3A_566 : f32 to vector<16xf32>
        %mul3A_632 = arith.mulf %mul3A_631, %mul3A_70 : vector<16xf32>
        %add3A_633 = arith.addf %mul3A_632, %broadcast_in_dim3A_11 : vector<16xf32>
        %add3A_634 = arith.addf %mul3A_630, %add3A_633 : vector<16xf32>
        %add3A_635 = arith.addf %mul3A_628, %add3A_634 : vector<16xf32>
        %max3A_636 = arith.constant 0.000000e+00 : f32
        %max3A_637 = vector.broadcast %max3A_636 : f32 to vector<16xf32>
        %max3A_638 = arith.maximumf %add3A_635, %max3A_637 : vector<16xf32>
        %min3A_639 = arith.constant 1.270000e+02 : f32
        %min3A_640 = vector.broadcast %min3A_639 : f32 to vector<16xf32>
        %min3A_641 = arith.minimumf %max3A_638, %min3A_640 : vector<16xf32>
        %convert_element_type3A_642 = arith.fptosi %min3A_641 : vector<16xf32> to vector<16xi32>
        %mul3A_643 = arith.constant 64 : i32
        %mul3A_644 = vector.broadcast %mul3A_643 : i32 to vector<16xi32>
        %mul3A_645 = arith.muli %convert_element_type3A_642, %mul3A_644 : vector<16xi32>
        %add3A_646 = arith.addi %mul3A_645, %add3A_82 : vector<16xi32>
        tpu.vector_store_idx %arg14[%add3A_586], %broadcast_in_dim3A_5 {add = true} : memref<8192xf32, #tpu.memory_space<vmem>>[vector<16xi32>], vector<16xf32>,
        tpu.vector_store_idx %arg14[%add3A_606], %broadcast_in_dim3A_5 {add = true} : memref<8192xf32, #tpu.memory_space<vmem>>[vector<16xi32>], vector<16xf32>,
        tpu.vector_store_idx %arg14[%add3A_626], %broadcast_in_dim3A_5 {add = true} : memref<8192xf32, #tpu.memory_space<vmem>>[vector<16xi32>], vector<16xf32>,
        tpu.vector_store_idx %arg14[%add3A_646], %broadcast_in_dim3A_5 {add = true} : memref<8192xf32, #tpu.memory_space<vmem>>[vector<16xi32>], vector<16xf32>,
        %slice3A_647 = vector.extract_strided_slice %get3A_128 {offsets = [6], sizes = [1], strides = [1]} : vector<16xf32> to vector<1xf32>
        %squeeze3A_648 = vector.extract %slice3A_647[0] : f32 from vector<1xf32>
        %slice3A_649 = vector.extract_strided_slice %get3A_130 {offsets = [6], sizes = [1], strides = [1]} : vector<16xf32> to vector<1xf32>
        %squeeze3A_650 = vector.extract %slice3A_649[0] : f32 from vector<1xf32>
        %slice3A_651 = vector.extract_strided_slice %get3A_132 {offsets = [6], sizes = [1], strides = [1]} : vector<16xf32> to vector<1xf32>
        %squeeze3A_652 = vector.extract %slice3A_651[0] : f32 from vector<1xf32>
        %mul3A_653 = vector.broadcast %squeeze3A_648 : f32 to vector<16xf32>
        %mul3A_654 = arith.mulf %mul3A_653, %mul3A_15 : vector<16xf32>
        %mul3A_655 = vector.broadcast %squeeze3A_650 : f32 to vector<16xf32>
        %mul3A_656 = arith.mulf %mul3A_655, %mul3A_20 : vector<16xf32>
        %mul3A_657 = vector.broadcast %squeeze3A_652 : f32 to vector<16xf32>
        %mul3A_658 = arith.mulf %mul3A_657, %mul3A_25 : vector<16xf32>
        %add3A_659 = arith.addf %mul3A_658, %broadcast_in_dim3A_11 : vector<16xf32>
        %add3A_660 = arith.addf %mul3A_656, %add3A_659 : vector<16xf32>
        %add3A_661 = arith.addf %mul3A_654, %add3A_660 : vector<16xf32>
        %max3A_662 = arith.constant 0.000000e+00 : f32
        %max3A_663 = vector.broadcast %max3A_662 : f32 to vector<16xf32>
        %max3A_664 = arith.maximumf %add3A_661, %max3A_663 : vector<16xf32>
        %min3A_665 = arith.constant 1.270000e+02 : f32
        %min3A_666 = vector.broadcast %min3A_665 : f32 to vector<16xf32>
        %min3A_667 = arith.minimumf %max3A_664, %min3A_666 : vector<16xf32>
        %convert_element_type3A_668 = arith.fptosi %min3A_667 : vector<16xf32> to vector<16xi32>
        %mul3A_669 = arith.constant 64 : i32
        %mul3A_670 = vector.broadcast %mul3A_669 : i32 to vector<16xi32>
        %mul3A_671 = arith.muli %convert_element_type3A_668, %mul3A_670 : vector<16xi32>
        %add3A_672 = arith.addi %mul3A_671, %add3A_73 : vector<16xi32>
        %mul3A_673 = vector.broadcast %squeeze3A_648 : f32 to vector<16xf32>
        %mul3A_674 = arith.mulf %mul3A_673, %mul3A_30 : vector<16xf32>
        %mul3A_675 = vector.broadcast %squeeze3A_650 : f32 to vector<16xf32>
        %mul3A_676 = arith.mulf %mul3A_675, %mul3A_35 : vector<16xf32>
        %mul3A_677 = vector.broadcast %squeeze3A_652 : f32 to vector<16xf32>
        %mul3A_678 = arith.mulf %mul3A_677, %mul3A_40 : vector<16xf32>
        %add3A_679 = arith.addf %mul3A_678, %broadcast_in_dim3A_11 : vector<16xf32>
        %add3A_680 = arith.addf %mul3A_676, %add3A_679 : vector<16xf32>
        %add3A_681 = arith.addf %mul3A_674, %add3A_680 : vector<16xf32>
        %max3A_682 = arith.constant 0.000000e+00 : f32
        %max3A_683 = vector.broadcast %max3A_682 : f32 to vector<16xf32>
        %max3A_684 = arith.maximumf %add3A_681, %max3A_683 : vector<16xf32>
        %min3A_685 = arith.constant 1.270000e+02 : f32
        %min3A_686 = vector.broadcast %min3A_685 : f32 to vector<16xf32>
        %min3A_687 = arith.minimumf %max3A_684, %min3A_686 : vector<16xf32>
        %convert_element_type3A_688 = arith.fptosi %min3A_687 : vector<16xf32> to vector<16xi32>
        %mul3A_689 = arith.constant 64 : i32
        %mul3A_690 = vector.broadcast %mul3A_689 : i32 to vector<16xi32>
        %mul3A_691 = arith.muli %convert_element_type3A_688, %mul3A_690 : vector<16xi32>
        %add3A_692 = arith.addi %mul3A_691, %add3A_76 : vector<16xi32>
        %mul3A_693 = vector.broadcast %squeeze3A_648 : f32 to vector<16xf32>
        %mul3A_694 = arith.mulf %mul3A_693, %mul3A_45 : vector<16xf32>
        %mul3A_695 = vector.broadcast %squeeze3A_650 : f32 to vector<16xf32>
        %mul3A_696 = arith.mulf %mul3A_695, %mul3A_50 : vector<16xf32>
        %mul3A_697 = vector.broadcast %squeeze3A_652 : f32 to vector<16xf32>
        %mul3A_698 = arith.mulf %mul3A_697, %mul3A_55 : vector<16xf32>
        %add3A_699 = arith.addf %mul3A_698, %broadcast_in_dim3A_11 : vector<16xf32>
        %add3A_700 = arith.addf %mul3A_696, %add3A_699 : vector<16xf32>
        %add3A_701 = arith.addf %mul3A_694, %add3A_700 : vector<16xf32>
        %max3A_702 = arith.constant 0.000000e+00 : f32
        %max3A_703 = vector.broadcast %max3A_702 : f32 to vector<16xf32>
        %max3A_704 = arith.maximumf %add3A_701, %max3A_703 : vector<16xf32>
        %min3A_705 = arith.constant 1.270000e+02 : f32
        %min3A_706 = vector.broadcast %min3A_705 : f32 to vector<16xf32>
        %min3A_707 = arith.minimumf %max3A_704, %min3A_706 : vector<16xf32>
        %convert_element_type3A_708 = arith.fptosi %min3A_707 : vector<16xf32> to vector<16xi32>
        %mul3A_709 = arith.constant 64 : i32
        %mul3A_710 = vector.broadcast %mul3A_709 : i32 to vector<16xi32>
        %mul3A_711 = arith.muli %convert_element_type3A_708, %mul3A_710 : vector<16xi32>
        %add3A_712 = arith.addi %mul3A_711, %add3A_79 : vector<16xi32>
        %mul3A_713 = vector.broadcast %squeeze3A_648 : f32 to vector<16xf32>
        %mul3A_714 = arith.mulf %mul3A_713, %mul3A_60 : vector<16xf32>
        %mul3A_715 = vector.broadcast %squeeze3A_650 : f32 to vector<16xf32>
        %mul3A_716 = arith.mulf %mul3A_715, %mul3A_65 : vector<16xf32>
        %mul3A_717 = vector.broadcast %squeeze3A_652 : f32 to vector<16xf32>
        %mul3A_718 = arith.mulf %mul3A_717, %mul3A_70 : vector<16xf32>
        %add3A_719 = arith.addf %mul3A_718, %broadcast_in_dim3A_11 : vector<16xf32>
        %add3A_720 = arith.addf %mul3A_716, %add3A_719 : vector<16xf32>
        %add3A_721 = arith.addf %mul3A_714, %add3A_720 : vector<16xf32>
        %max3A_722 = arith.constant 0.000000e+00 : f32
        %max3A_723 = vector.broadcast %max3A_722 : f32 to vector<16xf32>
        %max3A_724 = arith.maximumf %add3A_721, %max3A_723 : vector<16xf32>
        %min3A_725 = arith.constant 1.270000e+02 : f32
        %min3A_726 = vector.broadcast %min3A_725 : f32 to vector<16xf32>
        %min3A_727 = arith.minimumf %max3A_724, %min3A_726 : vector<16xf32>
        %convert_element_type3A_728 = arith.fptosi %min3A_727 : vector<16xf32> to vector<16xi32>
        %mul3A_729 = arith.constant 64 : i32
        %mul3A_730 = vector.broadcast %mul3A_729 : i32 to vector<16xi32>
        %mul3A_731 = arith.muli %convert_element_type3A_728, %mul3A_730 : vector<16xi32>
        %add3A_732 = arith.addi %mul3A_731, %add3A_82 : vector<16xi32>
        tpu.vector_store_idx %arg14[%add3A_672], %broadcast_in_dim3A_5 {add = true} : memref<8192xf32, #tpu.memory_space<vmem>>[vector<16xi32>], vector<16xf32>,
        tpu.vector_store_idx %arg14[%add3A_692], %broadcast_in_dim3A_5 {add = true} : memref<8192xf32, #tpu.memory_space<vmem>>[vector<16xi32>], vector<16xf32>,
        tpu.vector_store_idx %arg14[%add3A_712], %broadcast_in_dim3A_5 {add = true} : memref<8192xf32, #tpu.memory_space<vmem>>[vector<16xi32>], vector<16xf32>,
        tpu.vector_store_idx %arg14[%add3A_732], %broadcast_in_dim3A_5 {add = true} : memref<8192xf32, #tpu.memory_space<vmem>>[vector<16xi32>], vector<16xf32>,
        %slice3A_733 = vector.extract_strided_slice %get3A_128 {offsets = [7], sizes = [1], strides = [1]} : vector<16xf32> to vector<1xf32>
        %squeeze3A_734 = vector.extract %slice3A_733[0] : f32 from vector<1xf32>
        %slice3A_735 = vector.extract_strided_slice %get3A_130 {offsets = [7], sizes = [1], strides = [1]} : vector<16xf32> to vector<1xf32>
        %squeeze3A_736 = vector.extract %slice3A_735[0] : f32 from vector<1xf32>
        %slice3A_737 = vector.extract_strided_slice %get3A_132 {offsets = [7], sizes = [1], strides = [1]} : vector<16xf32> to vector<1xf32>
        %squeeze3A_738 = vector.extract %slice3A_737[0] : f32 from vector<1xf32>
        %mul3A_739 = vector.broadcast %squeeze3A_734 : f32 to vector<16xf32>
        %mul3A_740 = arith.mulf %mul3A_739, %mul3A_15 : vector<16xf32>
        %mul3A_741 = vector.broadcast %squeeze3A_736 : f32 to vector<16xf32>
        %mul3A_742 = arith.mulf %mul3A_741, %mul3A_20 : vector<16xf32>
        %mul3A_743 = vector.broadcast %squeeze3A_738 : f32 to vector<16xf32>
        %mul3A_744 = arith.mulf %mul3A_743, %mul3A_25 : vector<16xf32>
        %add3A_745 = arith.addf %mul3A_744, %broadcast_in_dim3A_11 : vector<16xf32>
        %add3A_746 = arith.addf %mul3A_742, %add3A_745 : vector<16xf32>
        %add3A_747 = arith.addf %mul3A_740, %add3A_746 : vector<16xf32>
        %max3A_748 = arith.constant 0.000000e+00 : f32
        %max3A_749 = vector.broadcast %max3A_748 : f32 to vector<16xf32>
        %max3A_750 = arith.maximumf %add3A_747, %max3A_749 : vector<16xf32>
        %min3A_751 = arith.constant 1.270000e+02 : f32
        %min3A_752 = vector.broadcast %min3A_751 : f32 to vector<16xf32>
        %min3A_753 = arith.minimumf %max3A_750, %min3A_752 : vector<16xf32>
        %convert_element_type3A_754 = arith.fptosi %min3A_753 : vector<16xf32> to vector<16xi32>
        %mul3A_755 = arith.constant 64 : i32
        %mul3A_756 = vector.broadcast %mul3A_755 : i32 to vector<16xi32>
        %mul3A_757 = arith.muli %convert_element_type3A_754, %mul3A_756 : vector<16xi32>
        %add3A_758 = arith.addi %mul3A_757, %add3A_73 : vector<16xi32>
        %mul3A_759 = vector.broadcast %squeeze3A_734 : f32 to vector<16xf32>
        %mul3A_760 = arith.mulf %mul3A_759, %mul3A_30 : vector<16xf32>
        %mul3A_761 = vector.broadcast %squeeze3A_736 : f32 to vector<16xf32>
        %mul3A_762 = arith.mulf %mul3A_761, %mul3A_35 : vector<16xf32>
        %mul3A_763 = vector.broadcast %squeeze3A_738 : f32 to vector<16xf32>
        %mul3A_764 = arith.mulf %mul3A_763, %mul3A_40 : vector<16xf32>
        %add3A_765 = arith.addf %mul3A_764, %broadcast_in_dim3A_11 : vector<16xf32>
        %add3A_766 = arith.addf %mul3A_762, %add3A_765 : vector<16xf32>
        %add3A_767 = arith.addf %mul3A_760, %add3A_766 : vector<16xf32>
        %max3A_768 = arith.constant 0.000000e+00 : f32
        %max3A_769 = vector.broadcast %max3A_768 : f32 to vector<16xf32>
        %max3A_770 = arith.maximumf %add3A_767, %max3A_769 : vector<16xf32>
        %min3A_771 = arith.constant 1.270000e+02 : f32
        %min3A_772 = vector.broadcast %min3A_771 : f32 to vector<16xf32>
        %min3A_773 = arith.minimumf %max3A_770, %min3A_772 : vector<16xf32>
        %convert_element_type3A_774 = arith.fptosi %min3A_773 : vector<16xf32> to vector<16xi32>
        %mul3A_775 = arith.constant 64 : i32
        %mul3A_776 = vector.broadcast %mul3A_775 : i32 to vector<16xi32>
        %mul3A_777 = arith.muli %convert_element_type3A_774, %mul3A_776 : vector<16xi32>
        %add3A_778 = arith.addi %mul3A_777, %add3A_76 : vector<16xi32>
        %mul3A_779 = vector.broadcast %squeeze3A_734 : f32 to vector<16xf32>
        %mul3A_780 = arith.mulf %mul3A_779, %mul3A_45 : vector<16xf32>
        %mul3A_781 = vector.broadcast %squeeze3A_736 : f32 to vector<16xf32>
        %mul3A_782 = arith.mulf %mul3A_781, %mul3A_50 : vector<16xf32>
        %mul3A_783 = vector.broadcast %squeeze3A_738 : f32 to vector<16xf32>
        %mul3A_784 = arith.mulf %mul3A_783, %mul3A_55 : vector<16xf32>
        %add3A_785 = arith.addf %mul3A_784, %broadcast_in_dim3A_11 : vector<16xf32>
        %add3A_786 = arith.addf %mul3A_782, %add3A_785 : vector<16xf32>
        %add3A_787 = arith.addf %mul3A_780, %add3A_786 : vector<16xf32>
        %max3A_788 = arith.constant 0.000000e+00 : f32
        %max3A_789 = vector.broadcast %max3A_788 : f32 to vector<16xf32>
        %max3A_790 = arith.maximumf %add3A_787, %max3A_789 : vector<16xf32>
        %min3A_791 = arith.constant 1.270000e+02 : f32
        %min3A_792 = vector.broadcast %min3A_791 : f32 to vector<16xf32>
        %min3A_793 = arith.minimumf %max3A_790, %min3A_792 : vector<16xf32>
        %convert_element_type3A_794 = arith.fptosi %min3A_793 : vector<16xf32> to vector<16xi32>
        %mul3A_795 = arith.constant 64 : i32
        %mul3A_796 = vector.broadcast %mul3A_795 : i32 to vector<16xi32>
        %mul3A_797 = arith.muli %convert_element_type3A_794, %mul3A_796 : vector<16xi32>
        %add3A_798 = arith.addi %mul3A_797, %add3A_79 : vector<16xi32>
        %mul3A_799 = vector.broadcast %squeeze3A_734 : f32 to vector<16xf32>
        %mul3A_800 = arith.mulf %mul3A_799, %mul3A_60 : vector<16xf32>
        %mul3A_801 = vector.broadcast %squeeze3A_736 : f32 to vector<16xf32>
        %mul3A_802 = arith.mulf %mul3A_801, %mul3A_65 : vector<16xf32>
        %mul3A_803 = vector.broadcast %squeeze3A_738 : f32 to vector<16xf32>
        %mul3A_804 = arith.mulf %mul3A_803, %mul3A_70 : vector<16xf32>
        %add3A_805 = arith.addf %mul3A_804, %broadcast_in_dim3A_11 : vector<16xf32>
        %add3A_806 = arith.addf %mul3A_802, %add3A_805 : vector<16xf32>
        %add3A_807 = arith.addf %mul3A_800, %add3A_806 : vector<16xf32>
        %max3A_808 = arith.constant 0.000000e+00 : f32
        %max3A_809 = vector.broadcast %max3A_808 : f32 to vector<16xf32>
        %max3A_810 = arith.maximumf %add3A_807, %max3A_809 : vector<16xf32>
        %min3A_811 = arith.constant 1.270000e+02 : f32
        %min3A_812 = vector.broadcast %min3A_811 : f32 to vector<16xf32>
        %min3A_813 = arith.minimumf %max3A_810, %min3A_812 : vector<16xf32>
        %convert_element_type3A_814 = arith.fptosi %min3A_813 : vector<16xf32> to vector<16xi32>
        %mul3A_815 = arith.constant 64 : i32
        %mul3A_816 = vector.broadcast %mul3A_815 : i32 to vector<16xi32>
        %mul3A_817 = arith.muli %convert_element_type3A_814, %mul3A_816 : vector<16xi32>
        %add3A_818 = arith.addi %mul3A_817, %add3A_82 : vector<16xi32>
        tpu.vector_store_idx %arg14[%add3A_758], %broadcast_in_dim3A_5 {add = true} : memref<8192xf32, #tpu.memory_space<vmem>>[vector<16xi32>], vector<16xf32>,
        tpu.vector_store_idx %arg14[%add3A_778], %broadcast_in_dim3A_5 {add = true} : memref<8192xf32, #tpu.memory_space<vmem>>[vector<16xi32>], vector<16xf32>,
        tpu.vector_store_idx %arg14[%add3A_798], %broadcast_in_dim3A_5 {add = true} : memref<8192xf32, #tpu.memory_space<vmem>>[vector<16xi32>], vector<16xf32>,
        tpu.vector_store_idx %arg14[%add3A_818], %broadcast_in_dim3A_5 {add = true} : memref<8192xf32, #tpu.memory_space<vmem>>[vector<16xi32>], vector<16xf32>,
        %slice3A_819 = vector.extract_strided_slice %get3A_128 {offsets = [8], sizes = [1], strides = [1]} : vector<16xf32> to vector<1xf32>
        %squeeze3A_820 = vector.extract %slice3A_819[0] : f32 from vector<1xf32>
        %slice3A_821 = vector.extract_strided_slice %get3A_130 {offsets = [8], sizes = [1], strides = [1]} : vector<16xf32> to vector<1xf32>
        %squeeze3A_822 = vector.extract %slice3A_821[0] : f32 from vector<1xf32>
        %slice3A_823 = vector.extract_strided_slice %get3A_132 {offsets = [8], sizes = [1], strides = [1]} : vector<16xf32> to vector<1xf32>
        %squeeze3A_824 = vector.extract %slice3A_823[0] : f32 from vector<1xf32>
        %mul3A_825 = vector.broadcast %squeeze3A_820 : f32 to vector<16xf32>
        %mul3A_826 = arith.mulf %mul3A_825, %mul3A_15 : vector<16xf32>
        %mul3A_827 = vector.broadcast %squeeze3A_822 : f32 to vector<16xf32>
        %mul3A_828 = arith.mulf %mul3A_827, %mul3A_20 : vector<16xf32>
        %mul3A_829 = vector.broadcast %squeeze3A_824 : f32 to vector<16xf32>
        %mul3A_830 = arith.mulf %mul3A_829, %mul3A_25 : vector<16xf32>
        %add3A_831 = arith.addf %mul3A_830, %broadcast_in_dim3A_11 : vector<16xf32>
        %add3A_832 = arith.addf %mul3A_828, %add3A_831 : vector<16xf32>
        %add3A_833 = arith.addf %mul3A_826, %add3A_832 : vector<16xf32>
        %max3A_834 = arith.constant 0.000000e+00 : f32
        %max3A_835 = vector.broadcast %max3A_834 : f32 to vector<16xf32>
        %max3A_836 = arith.maximumf %add3A_833, %max3A_835 : vector<16xf32>
        %min3A_837 = arith.constant 1.270000e+02 : f32
        %min3A_838 = vector.broadcast %min3A_837 : f32 to vector<16xf32>
        %min3A_839 = arith.minimumf %max3A_836, %min3A_838 : vector<16xf32>
        %convert_element_type3A_840 = arith.fptosi %min3A_839 : vector<16xf32> to vector<16xi32>
        %mul3A_841 = arith.constant 64 : i32
        %mul3A_842 = vector.broadcast %mul3A_841 : i32 to vector<16xi32>
        %mul3A_843 = arith.muli %convert_element_type3A_840, %mul3A_842 : vector<16xi32>
        %add3A_844 = arith.addi %mul3A_843, %add3A_73 : vector<16xi32>
        %mul3A_845 = vector.broadcast %squeeze3A_820 : f32 to vector<16xf32>
        %mul3A_846 = arith.mulf %mul3A_845, %mul3A_30 : vector<16xf32>
        %mul3A_847 = vector.broadcast %squeeze3A_822 : f32 to vector<16xf32>
        %mul3A_848 = arith.mulf %mul3A_847, %mul3A_35 : vector<16xf32>
        %mul3A_849 = vector.broadcast %squeeze3A_824 : f32 to vector<16xf32>
        %mul3A_850 = arith.mulf %mul3A_849, %mul3A_40 : vector<16xf32>
        %add3A_851 = arith.addf %mul3A_850, %broadcast_in_dim3A_11 : vector<16xf32>
        %add3A_852 = arith.addf %mul3A_848, %add3A_851 : vector<16xf32>
        %add3A_853 = arith.addf %mul3A_846, %add3A_852 : vector<16xf32>
        %max3A_854 = arith.constant 0.000000e+00 : f32
        %max3A_855 = vector.broadcast %max3A_854 : f32 to vector<16xf32>
        %max3A_856 = arith.maximumf %add3A_853, %max3A_855 : vector<16xf32>
        %min3A_857 = arith.constant 1.270000e+02 : f32
        %min3A_858 = vector.broadcast %min3A_857 : f32 to vector<16xf32>
        %min3A_859 = arith.minimumf %max3A_856, %min3A_858 : vector<16xf32>
        %convert_element_type3A_860 = arith.fptosi %min3A_859 : vector<16xf32> to vector<16xi32>
        %mul3A_861 = arith.constant 64 : i32
        %mul3A_862 = vector.broadcast %mul3A_861 : i32 to vector<16xi32>
        %mul3A_863 = arith.muli %convert_element_type3A_860, %mul3A_862 : vector<16xi32>
        %add3A_864 = arith.addi %mul3A_863, %add3A_76 : vector<16xi32>
        %mul3A_865 = vector.broadcast %squeeze3A_820 : f32 to vector<16xf32>
        %mul3A_866 = arith.mulf %mul3A_865, %mul3A_45 : vector<16xf32>
        %mul3A_867 = vector.broadcast %squeeze3A_822 : f32 to vector<16xf32>
        %mul3A_868 = arith.mulf %mul3A_867, %mul3A_50 : vector<16xf32>
        %mul3A_869 = vector.broadcast %squeeze3A_824 : f32 to vector<16xf32>
        %mul3A_870 = arith.mulf %mul3A_869, %mul3A_55 : vector<16xf32>
        %add3A_871 = arith.addf %mul3A_870, %broadcast_in_dim3A_11 : vector<16xf32>
        %add3A_872 = arith.addf %mul3A_868, %add3A_871 : vector<16xf32>
        %add3A_873 = arith.addf %mul3A_866, %add3A_872 : vector<16xf32>
        %max3A_874 = arith.constant 0.000000e+00 : f32
        %max3A_875 = vector.broadcast %max3A_874 : f32 to vector<16xf32>
        %max3A_876 = arith.maximumf %add3A_873, %max3A_875 : vector<16xf32>
        %min3A_877 = arith.constant 1.270000e+02 : f32
        %min3A_878 = vector.broadcast %min3A_877 : f32 to vector<16xf32>
        %min3A_879 = arith.minimumf %max3A_876, %min3A_878 : vector<16xf32>
        %convert_element_type3A_880 = arith.fptosi %min3A_879 : vector<16xf32> to vector<16xi32>
        %mul3A_881 = arith.constant 64 : i32
        %mul3A_882 = vector.broadcast %mul3A_881 : i32 to vector<16xi32>
        %mul3A_883 = arith.muli %convert_element_type3A_880, %mul3A_882 : vector<16xi32>
        %add3A_884 = arith.addi %mul3A_883, %add3A_79 : vector<16xi32>
        %mul3A_885 = vector.broadcast %squeeze3A_820 : f32 to vector<16xf32>
        %mul3A_886 = arith.mulf %mul3A_885, %mul3A_60 : vector<16xf32>
        %mul3A_887 = vector.broadcast %squeeze3A_822 : f32 to vector<16xf32>
        %mul3A_888 = arith.mulf %mul3A_887, %mul3A_65 : vector<16xf32>
        %mul3A_889 = vector.broadcast %squeeze3A_824 : f32 to vector<16xf32>
        %mul3A_890 = arith.mulf %mul3A_889, %mul3A_70 : vector<16xf32>
        %add3A_891 = arith.addf %mul3A_890, %broadcast_in_dim3A_11 : vector<16xf32>
        %add3A_892 = arith.addf %mul3A_888, %add3A_891 : vector<16xf32>
        %add3A_893 = arith.addf %mul3A_886, %add3A_892 : vector<16xf32>
        %max3A_894 = arith.constant 0.000000e+00 : f32
        %max3A_895 = vector.broadcast %max3A_894 : f32 to vector<16xf32>
        %max3A_896 = arith.maximumf %add3A_893, %max3A_895 : vector<16xf32>
        %min3A_897 = arith.constant 1.270000e+02 : f32
        %min3A_898 = vector.broadcast %min3A_897 : f32 to vector<16xf32>
        %min3A_899 = arith.minimumf %max3A_896, %min3A_898 : vector<16xf32>
        %convert_element_type3A_900 = arith.fptosi %min3A_899 : vector<16xf32> to vector<16xi32>
        %mul3A_901 = arith.constant 64 : i32
        %mul3A_902 = vector.broadcast %mul3A_901 : i32 to vector<16xi32>
        %mul3A_903 = arith.muli %convert_element_type3A_900, %mul3A_902 : vector<16xi32>
        %add3A_904 = arith.addi %mul3A_903, %add3A_82 : vector<16xi32>
        tpu.vector_store_idx %arg14[%add3A_844], %broadcast_in_dim3A_5 {add = true} : memref<8192xf32, #tpu.memory_space<vmem>>[vector<16xi32>], vector<16xf32>,
        tpu.vector_store_idx %arg14[%add3A_864], %broadcast_in_dim3A_5 {add = true} : memref<8192xf32, #tpu.memory_space<vmem>>[vector<16xi32>], vector<16xf32>,
        tpu.vector_store_idx %arg14[%add3A_884], %broadcast_in_dim3A_5 {add = true} : memref<8192xf32, #tpu.memory_space<vmem>>[vector<16xi32>], vector<16xf32>,
        tpu.vector_store_idx %arg14[%add3A_904], %broadcast_in_dim3A_5 {add = true} : memref<8192xf32, #tpu.memory_space<vmem>>[vector<16xi32>], vector<16xf32>,
        %slice3A_905 = vector.extract_strided_slice %get3A_128 {offsets = [9], sizes = [1], strides = [1]} : vector<16xf32> to vector<1xf32>
        %squeeze3A_906 = vector.extract %slice3A_905[0] : f32 from vector<1xf32>
        %slice3A_907 = vector.extract_strided_slice %get3A_130 {offsets = [9], sizes = [1], strides = [1]} : vector<16xf32> to vector<1xf32>
        %squeeze3A_908 = vector.extract %slice3A_907[0] : f32 from vector<1xf32>
        %slice3A_909 = vector.extract_strided_slice %get3A_132 {offsets = [9], sizes = [1], strides = [1]} : vector<16xf32> to vector<1xf32>
        %squeeze3A_910 = vector.extract %slice3A_909[0] : f32 from vector<1xf32>
        %mul3A_911 = vector.broadcast %squeeze3A_906 : f32 to vector<16xf32>
        %mul3A_912 = arith.mulf %mul3A_911, %mul3A_15 : vector<16xf32>
        %mul3A_913 = vector.broadcast %squeeze3A_908 : f32 to vector<16xf32>
        %mul3A_914 = arith.mulf %mul3A_913, %mul3A_20 : vector<16xf32>
        %mul3A_915 = vector.broadcast %squeeze3A_910 : f32 to vector<16xf32>
        %mul3A_916 = arith.mulf %mul3A_915, %mul3A_25 : vector<16xf32>
        %add3A_917 = arith.addf %mul3A_916, %broadcast_in_dim3A_11 : vector<16xf32>
        %add3A_918 = arith.addf %mul3A_914, %add3A_917 : vector<16xf32>
        %add3A_919 = arith.addf %mul3A_912, %add3A_918 : vector<16xf32>
        %max3A_920 = arith.constant 0.000000e+00 : f32
        %max3A_921 = vector.broadcast %max3A_920 : f32 to vector<16xf32>
        %max3A_922 = arith.maximumf %add3A_919, %max3A_921 : vector<16xf32>
        %min3A_923 = arith.constant 1.270000e+02 : f32
        %min3A_924 = vector.broadcast %min3A_923 : f32 to vector<16xf32>
        %min3A_925 = arith.minimumf %max3A_922, %min3A_924 : vector<16xf32>
        %convert_element_type3A_926 = arith.fptosi %min3A_925 : vector<16xf32> to vector<16xi32>
        %mul3A_927 = arith.constant 64 : i32
        %mul3A_928 = vector.broadcast %mul3A_927 : i32 to vector<16xi32>
        %mul3A_929 = arith.muli %convert_element_type3A_926, %mul3A_928 : vector<16xi32>
        %add3A_930 = arith.addi %mul3A_929, %add3A_73 : vector<16xi32>
        %mul3A_931 = vector.broadcast %squeeze3A_906 : f32 to vector<16xf32>
        %mul3A_932 = arith.mulf %mul3A_931, %mul3A_30 : vector<16xf32>
        %mul3A_933 = vector.broadcast %squeeze3A_908 : f32 to vector<16xf32>
        %mul3A_934 = arith.mulf %mul3A_933, %mul3A_35 : vector<16xf32>
        %mul3A_935 = vector.broadcast %squeeze3A_910 : f32 to vector<16xf32>
        %mul3A_936 = arith.mulf %mul3A_935, %mul3A_40 : vector<16xf32>
        %add3A_937 = arith.addf %mul3A_936, %broadcast_in_dim3A_11 : vector<16xf32>
        %add3A_938 = arith.addf %mul3A_934, %add3A_937 : vector<16xf32>
        %add3A_939 = arith.addf %mul3A_932, %add3A_938 : vector<16xf32>
        %max3A_940 = arith.constant 0.000000e+00 : f32
        %max3A_941 = vector.broadcast %max3A_940 : f32 to vector<16xf32>
        %max3A_942 = arith.maximumf %add3A_939, %max3A_941 : vector<16xf32>
        %min3A_943 = arith.constant 1.270000e+02 : f32
        %min3A_944 = vector.broadcast %min3A_943 : f32 to vector<16xf32>
        %min3A_945 = arith.minimumf %max3A_942, %min3A_944 : vector<16xf32>
        %convert_element_type3A_946 = arith.fptosi %min3A_945 : vector<16xf32> to vector<16xi32>
        %mul3A_947 = arith.constant 64 : i32
        %mul3A_948 = vector.broadcast %mul3A_947 : i32 to vector<16xi32>
        %mul3A_949 = arith.muli %convert_element_type3A_946, %mul3A_948 : vector<16xi32>
        %add3A_950 = arith.addi %mul3A_949, %add3A_76 : vector<16xi32>
        %mul3A_951 = vector.broadcast %squeeze3A_906 : f32 to vector<16xf32>
        %mul3A_952 = arith.mulf %mul3A_951, %mul3A_45 : vector<16xf32>
        %mul3A_953 = vector.broadcast %squeeze3A_908 : f32 to vector<16xf32>
        %mul3A_954 = arith.mulf %mul3A_953, %mul3A_50 : vector<16xf32>
        %mul3A_955 = vector.broadcast %squeeze3A_910 : f32 to vector<16xf32>
        %mul3A_956 = arith.mulf %mul3A_955, %mul3A_55 : vector<16xf32>
        %add3A_957 = arith.addf %mul3A_956, %broadcast_in_dim3A_11 : vector<16xf32>
        %add3A_958 = arith.addf %mul3A_954, %add3A_957 : vector<16xf32>
        %add3A_959 = arith.addf %mul3A_952, %add3A_958 : vector<16xf32>
        %max3A_960 = arith.constant 0.000000e+00 : f32
        %max3A_961 = vector.broadcast %max3A_960 : f32 to vector<16xf32>
        %max3A_962 = arith.maximumf %add3A_959, %max3A_961 : vector<16xf32>
        %min3A_963 = arith.constant 1.270000e+02 : f32
        %min3A_964 = vector.broadcast %min3A_963 : f32 to vector<16xf32>
        %min3A_965 = arith.minimumf %max3A_962, %min3A_964 : vector<16xf32>
        %convert_element_type3A_966 = arith.fptosi %min3A_965 : vector<16xf32> to vector<16xi32>
        %mul3A_967 = arith.constant 64 : i32
        %mul3A_968 = vector.broadcast %mul3A_967 : i32 to vector<16xi32>
        %mul3A_969 = arith.muli %convert_element_type3A_966, %mul3A_968 : vector<16xi32>
        %add3A_970 = arith.addi %mul3A_969, %add3A_79 : vector<16xi32>
        %mul3A_971 = vector.broadcast %squeeze3A_906 : f32 to vector<16xf32>
        %mul3A_972 = arith.mulf %mul3A_971, %mul3A_60 : vector<16xf32>
        %mul3A_973 = vector.broadcast %squeeze3A_908 : f32 to vector<16xf32>
        %mul3A_974 = arith.mulf %mul3A_973, %mul3A_65 : vector<16xf32>
        %mul3A_975 = vector.broadcast %squeeze3A_910 : f32 to vector<16xf32>
        %mul3A_976 = arith.mulf %mul3A_975, %mul3A_70 : vector<16xf32>
        %add3A_977 = arith.addf %mul3A_976, %broadcast_in_dim3A_11 : vector<16xf32>
        %add3A_978 = arith.addf %mul3A_974, %add3A_977 : vector<16xf32>
        %add3A_979 = arith.addf %mul3A_972, %add3A_978 : vector<16xf32>
        %max3A_980 = arith.constant 0.000000e+00 : f32
        %max3A_981 = vector.broadcast %max3A_980 : f32 to vector<16xf32>
        %max3A_982 = arith.maximumf %add3A_979, %max3A_981 : vector<16xf32>
        %min3A_983 = arith.constant 1.270000e+02 : f32
        %min3A_984 = vector.broadcast %min3A_983 : f32 to vector<16xf32>
        %min3A_985 = arith.minimumf %max3A_982, %min3A_984 : vector<16xf32>
        %convert_element_type3A_986 = arith.fptosi %min3A_985 : vector<16xf32> to vector<16xi32>
        %mul3A_987 = arith.constant 64 : i32
        %mul3A_988 = vector.broadcast %mul3A_987 : i32 to vector<16xi32>
        %mul3A_989 = arith.muli %convert_element_type3A_986, %mul3A_988 : vector<16xi32>
        %add3A_990 = arith.addi %mul3A_989, %add3A_82 : vector<16xi32>
        tpu.vector_store_idx %arg14[%add3A_930], %broadcast_in_dim3A_5 {add = true} : memref<8192xf32, #tpu.memory_space<vmem>>[vector<16xi32>], vector<16xf32>,
        tpu.vector_store_idx %arg14[%add3A_950], %broadcast_in_dim3A_5 {add = true} : memref<8192xf32, #tpu.memory_space<vmem>>[vector<16xi32>], vector<16xf32>,
        tpu.vector_store_idx %arg14[%add3A_970], %broadcast_in_dim3A_5 {add = true} : memref<8192xf32, #tpu.memory_space<vmem>>[vector<16xi32>], vector<16xf32>,
        tpu.vector_store_idx %arg14[%add3A_990], %broadcast_in_dim3A_5 {add = true} : memref<8192xf32, #tpu.memory_space<vmem>>[vector<16xi32>], vector<16xf32>,
        %slice3A_991 = vector.extract_strided_slice %get3A_128 {offsets = [10], sizes = [1], strides = [1]} : vector<16xf32> to vector<1xf32>
        %squeeze3A_992 = vector.extract %slice3A_991[0] : f32 from vector<1xf32>
        %slice3A_993 = vector.extract_strided_slice %get3A_130 {offsets = [10], sizes = [1], strides = [1]} : vector<16xf32> to vector<1xf32>
        %squeeze3A_994 = vector.extract %slice3A_993[0] : f32 from vector<1xf32>
        %slice3A_995 = vector.extract_strided_slice %get3A_132 {offsets = [10], sizes = [1], strides = [1]} : vector<16xf32> to vector<1xf32>
        %squeeze3A_996 = vector.extract %slice3A_995[0] : f32 from vector<1xf32>
        %mul3A_997 = vector.broadcast %squeeze3A_992 : f32 to vector<16xf32>
        %mul3A_998 = arith.mulf %mul3A_997, %mul3A_15 : vector<16xf32>
        %mul3A_999 = vector.broadcast %squeeze3A_994 : f32 to vector<16xf32>
        %mul3A_1000 = arith.mulf %mul3A_999, %mul3A_20 : vector<16xf32>
        %mul3A_1001 = vector.broadcast %squeeze3A_996 : f32 to vector<16xf32>
        %mul3A_1002 = arith.mulf %mul3A_1001, %mul3A_25 : vector<16xf32>
        %add3A_1003 = arith.addf %mul3A_1002, %broadcast_in_dim3A_11 : vector<16xf32>
        %add3A_1004 = arith.addf %mul3A_1000, %add3A_1003 : vector<16xf32>
        %add3A_1005 = arith.addf %mul3A_998, %add3A_1004 : vector<16xf32>
        %max3A_1006 = arith.constant 0.000000e+00 : f32
        %max3A_1007 = vector.broadcast %max3A_1006 : f32 to vector<16xf32>
        %max3A_1008 = arith.maximumf %add3A_1005, %max3A_1007 : vector<16xf32>
        %min3A_1009 = arith.constant 1.270000e+02 : f32
        %min3A_1010 = vector.broadcast %min3A_1009 : f32 to vector<16xf32>
        %min3A_1011 = arith.minimumf %max3A_1008, %min3A_1010 : vector<16xf32>
        %convert_element_type3A_1012 = arith.fptosi %min3A_1011 : vector<16xf32> to vector<16xi32>
        %mul3A_1013 = arith.constant 64 : i32
        %mul3A_1014 = vector.broadcast %mul3A_1013 : i32 to vector<16xi32>
        %mul3A_1015 = arith.muli %convert_element_type3A_1012, %mul3A_1014 : vector<16xi32>
        %add3A_1016 = arith.addi %mul3A_1015, %add3A_73 : vector<16xi32>
        %mul3A_1017 = vector.broadcast %squeeze3A_992 : f32 to vector<16xf32>
        %mul3A_1018 = arith.mulf %mul3A_1017, %mul3A_30 : vector<16xf32>
        %mul3A_1019 = vector.broadcast %squeeze3A_994 : f32 to vector<16xf32>
        %mul3A_1020 = arith.mulf %mul3A_1019, %mul3A_35 : vector<16xf32>
        %mul3A_1021 = vector.broadcast %squeeze3A_996 : f32 to vector<16xf32>
        %mul3A_1022 = arith.mulf %mul3A_1021, %mul3A_40 : vector<16xf32>
        %add3A_1023 = arith.addf %mul3A_1022, %broadcast_in_dim3A_11 : vector<16xf32>
        %add3A_1024 = arith.addf %mul3A_1020, %add3A_1023 : vector<16xf32>
        %add3A_1025 = arith.addf %mul3A_1018, %add3A_1024 : vector<16xf32>
        %max3A_1026 = arith.constant 0.000000e+00 : f32
        %max3A_1027 = vector.broadcast %max3A_1026 : f32 to vector<16xf32>
        %max3A_1028 = arith.maximumf %add3A_1025, %max3A_1027 : vector<16xf32>
        %min3A_1029 = arith.constant 1.270000e+02 : f32
        %min3A_1030 = vector.broadcast %min3A_1029 : f32 to vector<16xf32>
        %min3A_1031 = arith.minimumf %max3A_1028, %min3A_1030 : vector<16xf32>
        %convert_element_type3A_1032 = arith.fptosi %min3A_1031 : vector<16xf32> to vector<16xi32>
        %mul3A_1033 = arith.constant 64 : i32
        %mul3A_1034 = vector.broadcast %mul3A_1033 : i32 to vector<16xi32>
        %mul3A_1035 = arith.muli %convert_element_type3A_1032, %mul3A_1034 : vector<16xi32>
        %add3A_1036 = arith.addi %mul3A_1035, %add3A_76 : vector<16xi32>
        %mul3A_1037 = vector.broadcast %squeeze3A_992 : f32 to vector<16xf32>
        %mul3A_1038 = arith.mulf %mul3A_1037, %mul3A_45 : vector<16xf32>
        %mul3A_1039 = vector.broadcast %squeeze3A_994 : f32 to vector<16xf32>
        %mul3A_1040 = arith.mulf %mul3A_1039, %mul3A_50 : vector<16xf32>
        %mul3A_1041 = vector.broadcast %squeeze3A_996 : f32 to vector<16xf32>
        %mul3A_1042 = arith.mulf %mul3A_1041, %mul3A_55 : vector<16xf32>
        %add3A_1043 = arith.addf %mul3A_1042, %broadcast_in_dim3A_11 : vector<16xf32>
        %add3A_1044 = arith.addf %mul3A_1040, %add3A_1043 : vector<16xf32>
        %add3A_1045 = arith.addf %mul3A_1038, %add3A_1044 : vector<16xf32>
        %max3A_1046 = arith.constant 0.000000e+00 : f32
        %max3A_1047 = vector.broadcast %max3A_1046 : f32 to vector<16xf32>
        %max3A_1048 = arith.maximumf %add3A_1045, %max3A_1047 : vector<16xf32>
        %min3A_1049 = arith.constant 1.270000e+02 : f32
        %min3A_1050 = vector.broadcast %min3A_1049 : f32 to vector<16xf32>
        %min3A_1051 = arith.minimumf %max3A_1048, %min3A_1050 : vector<16xf32>
        %convert_element_type3A_1052 = arith.fptosi %min3A_1051 : vector<16xf32> to vector<16xi32>
        %mul3A_1053 = arith.constant 64 : i32
        %mul3A_1054 = vector.broadcast %mul3A_1053 : i32 to vector<16xi32>
        %mul3A_1055 = arith.muli %convert_element_type3A_1052, %mul3A_1054 : vector<16xi32>
        %add3A_1056 = arith.addi %mul3A_1055, %add3A_79 : vector<16xi32>
        %mul3A_1057 = vector.broadcast %squeeze3A_992 : f32 to vector<16xf32>
        %mul3A_1058 = arith.mulf %mul3A_1057, %mul3A_60 : vector<16xf32>
        %mul3A_1059 = vector.broadcast %squeeze3A_994 : f32 to vector<16xf32>
        %mul3A_1060 = arith.mulf %mul3A_1059, %mul3A_65 : vector<16xf32>
        %mul3A_1061 = vector.broadcast %squeeze3A_996 : f32 to vector<16xf32>
        %mul3A_1062 = arith.mulf %mul3A_1061, %mul3A_70 : vector<16xf32>
        %add3A_1063 = arith.addf %mul3A_1062, %broadcast_in_dim3A_11 : vector<16xf32>
        %add3A_1064 = arith.addf %mul3A_1060, %add3A_1063 : vector<16xf32>
        %add3A_1065 = arith.addf %mul3A_1058, %add3A_1064 : vector<16xf32>
        %max3A_1066 = arith.constant 0.000000e+00 : f32
        %max3A_1067 = vector.broadcast %max3A_1066 : f32 to vector<16xf32>
        %max3A_1068 = arith.maximumf %add3A_1065, %max3A_1067 : vector<16xf32>
        %min3A_1069 = arith.constant 1.270000e+02 : f32
        %min3A_1070 = vector.broadcast %min3A_1069 : f32 to vector<16xf32>
        %min3A_1071 = arith.minimumf %max3A_1068, %min3A_1070 : vector<16xf32>
        %convert_element_type3A_1072 = arith.fptosi %min3A_1071 : vector<16xf32> to vector<16xi32>
        %mul3A_1073 = arith.constant 64 : i32
        %mul3A_1074 = vector.broadcast %mul3A_1073 : i32 to vector<16xi32>
        %mul3A_1075 = arith.muli %convert_element_type3A_1072, %mul3A_1074 : vector<16xi32>
        %add3A_1076 = arith.addi %mul3A_1075, %add3A_82 : vector<16xi32>
        tpu.vector_store_idx %arg14[%add3A_1016], %broadcast_in_dim3A_5 {add = true} : memref<8192xf32, #tpu.memory_space<vmem>>[vector<16xi32>], vector<16xf32>,
        tpu.vector_store_idx %arg14[%add3A_1036], %broadcast_in_dim3A_5 {add = true} : memref<8192xf32, #tpu.memory_space<vmem>>[vector<16xi32>], vector<16xf32>,
        tpu.vector_store_idx %arg14[%add3A_1056], %broadcast_in_dim3A_5 {add = true} : memref<8192xf32, #tpu.memory_space<vmem>>[vector<16xi32>], vector<16xf32>,
        tpu.vector_store_idx %arg14[%add3A_1076], %broadcast_in_dim3A_5 {add = true} : memref<8192xf32, #tpu.memory_space<vmem>>[vector<16xi32>], vector<16xf32>,
        %slice3A_1077 = vector.extract_strided_slice %get3A_128 {offsets = [11], sizes = [1], strides = [1]} : vector<16xf32> to vector<1xf32>
        %squeeze3A_1078 = vector.extract %slice3A_1077[0] : f32 from vector<1xf32>
        %slice3A_1079 = vector.extract_strided_slice %get3A_130 {offsets = [11], sizes = [1], strides = [1]} : vector<16xf32> to vector<1xf32>
        %squeeze3A_1080 = vector.extract %slice3A_1079[0] : f32 from vector<1xf32>
        %slice3A_1081 = vector.extract_strided_slice %get3A_132 {offsets = [11], sizes = [1], strides = [1]} : vector<16xf32> to vector<1xf32>
        %squeeze3A_1082 = vector.extract %slice3A_1081[0] : f32 from vector<1xf32>
        %mul3A_1083 = vector.broadcast %squeeze3A_1078 : f32 to vector<16xf32>
        %mul3A_1084 = arith.mulf %mul3A_1083, %mul3A_15 : vector<16xf32>
        %mul3A_1085 = vector.broadcast %squeeze3A_1080 : f32 to vector<16xf32>
        %mul3A_1086 = arith.mulf %mul3A_1085, %mul3A_20 : vector<16xf32>
        %mul3A_1087 = vector.broadcast %squeeze3A_1082 : f32 to vector<16xf32>
        %mul3A_1088 = arith.mulf %mul3A_1087, %mul3A_25 : vector<16xf32>
        %add3A_1089 = arith.addf %mul3A_1088, %broadcast_in_dim3A_11 : vector<16xf32>
        %add3A_1090 = arith.addf %mul3A_1086, %add3A_1089 : vector<16xf32>
        %add3A_1091 = arith.addf %mul3A_1084, %add3A_1090 : vector<16xf32>
        %max3A_1092 = arith.constant 0.000000e+00 : f32
        %max3A_1093 = vector.broadcast %max3A_1092 : f32 to vector<16xf32>
        %max3A_1094 = arith.maximumf %add3A_1091, %max3A_1093 : vector<16xf32>
        %min3A_1095 = arith.constant 1.270000e+02 : f32
        %min3A_1096 = vector.broadcast %min3A_1095 : f32 to vector<16xf32>
        %min3A_1097 = arith.minimumf %max3A_1094, %min3A_1096 : vector<16xf32>
        %convert_element_type3A_1098 = arith.fptosi %min3A_1097 : vector<16xf32> to vector<16xi32>
        %mul3A_1099 = arith.constant 64 : i32
        %mul3A_1100 = vector.broadcast %mul3A_1099 : i32 to vector<16xi32>
        %mul3A_1101 = arith.muli %convert_element_type3A_1098, %mul3A_1100 : vector<16xi32>
        %add3A_1102 = arith.addi %mul3A_1101, %add3A_73 : vector<16xi32>
        %mul3A_1103 = vector.broadcast %squeeze3A_1078 : f32 to vector<16xf32>
        %mul3A_1104 = arith.mulf %mul3A_1103, %mul3A_30 : vector<16xf32>
        %mul3A_1105 = vector.broadcast %squeeze3A_1080 : f32 to vector<16xf32>
        %mul3A_1106 = arith.mulf %mul3A_1105, %mul3A_35 : vector<16xf32>
        %mul3A_1107 = vector.broadcast %squeeze3A_1082 : f32 to vector<16xf32>
        %mul3A_1108 = arith.mulf %mul3A_1107, %mul3A_40 : vector<16xf32>
        %add3A_1109 = arith.addf %mul3A_1108, %broadcast_in_dim3A_11 : vector<16xf32>
        %add3A_1110 = arith.addf %mul3A_1106, %add3A_1109 : vector<16xf32>
        %add3A_1111 = arith.addf %mul3A_1104, %add3A_1110 : vector<16xf32>
        %max3A_1112 = arith.constant 0.000000e+00 : f32
        %max3A_1113 = vector.broadcast %max3A_1112 : f32 to vector<16xf32>
        %max3A_1114 = arith.maximumf %add3A_1111, %max3A_1113 : vector<16xf32>
        %min3A_1115 = arith.constant 1.270000e+02 : f32
        %min3A_1116 = vector.broadcast %min3A_1115 : f32 to vector<16xf32>
        %min3A_1117 = arith.minimumf %max3A_1114, %min3A_1116 : vector<16xf32>
        %convert_element_type3A_1118 = arith.fptosi %min3A_1117 : vector<16xf32> to vector<16xi32>
        %mul3A_1119 = arith.constant 64 : i32
        %mul3A_1120 = vector.broadcast %mul3A_1119 : i32 to vector<16xi32>
        %mul3A_1121 = arith.muli %convert_element_type3A_1118, %mul3A_1120 : vector<16xi32>
        %add3A_1122 = arith.addi %mul3A_1121, %add3A_76 : vector<16xi32>
        %mul3A_1123 = vector.broadcast %squeeze3A_1078 : f32 to vector<16xf32>
        %mul3A_1124 = arith.mulf %mul3A_1123, %mul3A_45 : vector<16xf32>
        %mul3A_1125 = vector.broadcast %squeeze3A_1080 : f32 to vector<16xf32>
        %mul3A_1126 = arith.mulf %mul3A_1125, %mul3A_50 : vector<16xf32>
        %mul3A_1127 = vector.broadcast %squeeze3A_1082 : f32 to vector<16xf32>
        %mul3A_1128 = arith.mulf %mul3A_1127, %mul3A_55 : vector<16xf32>
        %add3A_1129 = arith.addf %mul3A_1128, %broadcast_in_dim3A_11 : vector<16xf32>
        %add3A_1130 = arith.addf %mul3A_1126, %add3A_1129 : vector<16xf32>
        %add3A_1131 = arith.addf %mul3A_1124, %add3A_1130 : vector<16xf32>
        %max3A_1132 = arith.constant 0.000000e+00 : f32
        %max3A_1133 = vector.broadcast %max3A_1132 : f32 to vector<16xf32>
        %max3A_1134 = arith.maximumf %add3A_1131, %max3A_1133 : vector<16xf32>
        %min3A_1135 = arith.constant 1.270000e+02 : f32
        %min3A_1136 = vector.broadcast %min3A_1135 : f32 to vector<16xf32>
        %min3A_1137 = arith.minimumf %max3A_1134, %min3A_1136 : vector<16xf32>
        %convert_element_type3A_1138 = arith.fptosi %min3A_1137 : vector<16xf32> to vector<16xi32>
        %mul3A_1139 = arith.constant 64 : i32
        %mul3A_1140 = vector.broadcast %mul3A_1139 : i32 to vector<16xi32>
        %mul3A_1141 = arith.muli %convert_element_type3A_1138, %mul3A_1140 : vector<16xi32>
        %add3A_1142 = arith.addi %mul3A_1141, %add3A_79 : vector<16xi32>
        %mul3A_1143 = vector.broadcast %squeeze3A_1078 : f32 to vector<16xf32>
        %mul3A_1144 = arith.mulf %mul3A_1143, %mul3A_60 : vector<16xf32>
        %mul3A_1145 = vector.broadcast %squeeze3A_1080 : f32 to vector<16xf32>
        %mul3A_1146 = arith.mulf %mul3A_1145, %mul3A_65 : vector<16xf32>
        %mul3A_1147 = vector.broadcast %squeeze3A_1082 : f32 to vector<16xf32>
        %mul3A_1148 = arith.mulf %mul3A_1147, %mul3A_70 : vector<16xf32>
        %add3A_1149 = arith.addf %mul3A_1148, %broadcast_in_dim3A_11 : vector<16xf32>
        %add3A_1150 = arith.addf %mul3A_1146, %add3A_1149 : vector<16xf32>
        %add3A_1151 = arith.addf %mul3A_1144, %add3A_1150 : vector<16xf32>
        %max3A_1152 = arith.constant 0.000000e+00 : f32
        %max3A_1153 = vector.broadcast %max3A_1152 : f32 to vector<16xf32>
        %max3A_1154 = arith.maximumf %add3A_1151, %max3A_1153 : vector<16xf32>
        %min3A_1155 = arith.constant 1.270000e+02 : f32
        %min3A_1156 = vector.broadcast %min3A_1155 : f32 to vector<16xf32>
        %min3A_1157 = arith.minimumf %max3A_1154, %min3A_1156 : vector<16xf32>
        %convert_element_type3A_1158 = arith.fptosi %min3A_1157 : vector<16xf32> to vector<16xi32>
        %mul3A_1159 = arith.constant 64 : i32
        %mul3A_1160 = vector.broadcast %mul3A_1159 : i32 to vector<16xi32>
        %mul3A_1161 = arith.muli %convert_element_type3A_1158, %mul3A_1160 : vector<16xi32>
        %add3A_1162 = arith.addi %mul3A_1161, %add3A_82 : vector<16xi32>
        tpu.vector_store_idx %arg14[%add3A_1102], %broadcast_in_dim3A_5 {add = true} : memref<8192xf32, #tpu.memory_space<vmem>>[vector<16xi32>], vector<16xf32>,
        tpu.vector_store_idx %arg14[%add3A_1122], %broadcast_in_dim3A_5 {add = true} : memref<8192xf32, #tpu.memory_space<vmem>>[vector<16xi32>], vector<16xf32>,
        tpu.vector_store_idx %arg14[%add3A_1142], %broadcast_in_dim3A_5 {add = true} : memref<8192xf32, #tpu.memory_space<vmem>>[vector<16xi32>], vector<16xf32>,
        tpu.vector_store_idx %arg14[%add3A_1162], %broadcast_in_dim3A_5 {add = true} : memref<8192xf32, #tpu.memory_space<vmem>>[vector<16xi32>], vector<16xf32>,
        %slice3A_1163 = vector.extract_strided_slice %get3A_128 {offsets = [12], sizes = [1], strides = [1]} : vector<16xf32> to vector<1xf32>
        %squeeze3A_1164 = vector.extract %slice3A_1163[0] : f32 from vector<1xf32>
        %slice3A_1165 = vector.extract_strided_slice %get3A_130 {offsets = [12], sizes = [1], strides = [1]} : vector<16xf32> to vector<1xf32>
        %squeeze3A_1166 = vector.extract %slice3A_1165[0] : f32 from vector<1xf32>
        %slice3A_1167 = vector.extract_strided_slice %get3A_132 {offsets = [12], sizes = [1], strides = [1]} : vector<16xf32> to vector<1xf32>
        %squeeze3A_1168 = vector.extract %slice3A_1167[0] : f32 from vector<1xf32>
        %mul3A_1169 = vector.broadcast %squeeze3A_1164 : f32 to vector<16xf32>
        %mul3A_1170 = arith.mulf %mul3A_1169, %mul3A_15 : vector<16xf32>
        %mul3A_1171 = vector.broadcast %squeeze3A_1166 : f32 to vector<16xf32>
        %mul3A_1172 = arith.mulf %mul3A_1171, %mul3A_20 : vector<16xf32>
        %mul3A_1173 = vector.broadcast %squeeze3A_1168 : f32 to vector<16xf32>
        %mul3A_1174 = arith.mulf %mul3A_1173, %mul3A_25 : vector<16xf32>
        %add3A_1175 = arith.addf %mul3A_1174, %broadcast_in_dim3A_11 : vector<16xf32>
        %add3A_1176 = arith.addf %mul3A_1172, %add3A_1175 : vector<16xf32>
        %add3A_1177 = arith.addf %mul3A_1170, %add3A_1176 : vector<16xf32>
        %max3A_1178 = arith.constant 0.000000e+00 : f32
        %max3A_1179 = vector.broadcast %max3A_1178 : f32 to vector<16xf32>
        %max3A_1180 = arith.maximumf %add3A_1177, %max3A_1179 : vector<16xf32>
        %min3A_1181 = arith.constant 1.270000e+02 : f32
        %min3A_1182 = vector.broadcast %min3A_1181 : f32 to vector<16xf32>
        %min3A_1183 = arith.minimumf %max3A_1180, %min3A_1182 : vector<16xf32>
        %convert_element_type3A_1184 = arith.fptosi %min3A_1183 : vector<16xf32> to vector<16xi32>
        %mul3A_1185 = arith.constant 64 : i32
        %mul3A_1186 = vector.broadcast %mul3A_1185 : i32 to vector<16xi32>
        %mul3A_1187 = arith.muli %convert_element_type3A_1184, %mul3A_1186 : vector<16xi32>
        %add3A_1188 = arith.addi %mul3A_1187, %add3A_73 : vector<16xi32>
        %mul3A_1189 = vector.broadcast %squeeze3A_1164 : f32 to vector<16xf32>
        %mul3A_1190 = arith.mulf %mul3A_1189, %mul3A_30 : vector<16xf32>
        %mul3A_1191 = vector.broadcast %squeeze3A_1166 : f32 to vector<16xf32>
        %mul3A_1192 = arith.mulf %mul3A_1191, %mul3A_35 : vector<16xf32>
        %mul3A_1193 = vector.broadcast %squeeze3A_1168 : f32 to vector<16xf32>
        %mul3A_1194 = arith.mulf %mul3A_1193, %mul3A_40 : vector<16xf32>
        %add3A_1195 = arith.addf %mul3A_1194, %broadcast_in_dim3A_11 : vector<16xf32>
        %add3A_1196 = arith.addf %mul3A_1192, %add3A_1195 : vector<16xf32>
        %add3A_1197 = arith.addf %mul3A_1190, %add3A_1196 : vector<16xf32>
        %max3A_1198 = arith.constant 0.000000e+00 : f32
        %max3A_1199 = vector.broadcast %max3A_1198 : f32 to vector<16xf32>
        %max3A_1200 = arith.maximumf %add3A_1197, %max3A_1199 : vector<16xf32>
        %min3A_1201 = arith.constant 1.270000e+02 : f32
        %min3A_1202 = vector.broadcast %min3A_1201 : f32 to vector<16xf32>
        %min3A_1203 = arith.minimumf %max3A_1200, %min3A_1202 : vector<16xf32>
        %convert_element_type3A_1204 = arith.fptosi %min3A_1203 : vector<16xf32> to vector<16xi32>
        %mul3A_1205 = arith.constant 64 : i32
        %mul3A_1206 = vector.broadcast %mul3A_1205 : i32 to vector<16xi32>
        %mul3A_1207 = arith.muli %convert_element_type3A_1204, %mul3A_1206 : vector<16xi32>
        %add3A_1208 = arith.addi %mul3A_1207, %add3A_76 : vector<16xi32>
        %mul3A_1209 = vector.broadcast %squeeze3A_1164 : f32 to vector<16xf32>
        %mul3A_1210 = arith.mulf %mul3A_1209, %mul3A_45 : vector<16xf32>
        %mul3A_1211 = vector.broadcast %squeeze3A_1166 : f32 to vector<16xf32>
        %mul3A_1212 = arith.mulf %mul3A_1211, %mul3A_50 : vector<16xf32>
        %mul3A_1213 = vector.broadcast %squeeze3A_1168 : f32 to vector<16xf32>
        %mul3A_1214 = arith.mulf %mul3A_1213, %mul3A_55 : vector<16xf32>
        %add3A_1215 = arith.addf %mul3A_1214, %broadcast_in_dim3A_11 : vector<16xf32>
        %add3A_1216 = arith.addf %mul3A_1212, %add3A_1215 : vector<16xf32>
        %add3A_1217 = arith.addf %mul3A_1210, %add3A_1216 : vector<16xf32>
        %max3A_1218 = arith.constant 0.000000e+00 : f32
        %max3A_1219 = vector.broadcast %max3A_1218 : f32 to vector<16xf32>
        %max3A_1220 = arith.maximumf %add3A_1217, %max3A_1219 : vector<16xf32>
        %min3A_1221 = arith.constant 1.270000e+02 : f32
        %min3A_1222 = vector.broadcast %min3A_1221 : f32 to vector<16xf32>
        %min3A_1223 = arith.minimumf %max3A_1220, %min3A_1222 : vector<16xf32>
        %convert_element_type3A_1224 = arith.fptosi %min3A_1223 : vector<16xf32> to vector<16xi32>
        %mul3A_1225 = arith.constant 64 : i32
        %mul3A_1226 = vector.broadcast %mul3A_1225 : i32 to vector<16xi32>
        %mul3A_1227 = arith.muli %convert_element_type3A_1224, %mul3A_1226 : vector<16xi32>
        %add3A_1228 = arith.addi %mul3A_1227, %add3A_79 : vector<16xi32>
        %mul3A_1229 = vector.broadcast %squeeze3A_1164 : f32 to vector<16xf32>
        %mul3A_1230 = arith.mulf %mul3A_1229, %mul3A_60 : vector<16xf32>
        %mul3A_1231 = vector.broadcast %squeeze3A_1166 : f32 to vector<16xf32>
        %mul3A_1232 = arith.mulf %mul3A_1231, %mul3A_65 : vector<16xf32>
        %mul3A_1233 = vector.broadcast %squeeze3A_1168 : f32 to vector<16xf32>
        %mul3A_1234 = arith.mulf %mul3A_1233, %mul3A_70 : vector<16xf32>
        %add3A_1235 = arith.addf %mul3A_1234, %broadcast_in_dim3A_11 : vector<16xf32>
        %add3A_1236 = arith.addf %mul3A_1232, %add3A_1235 : vector<16xf32>
        %add3A_1237 = arith.addf %mul3A_1230, %add3A_1236 : vector<16xf32>
        %max3A_1238 = arith.constant 0.000000e+00 : f32
        %max3A_1239 = vector.broadcast %max3A_1238 : f32 to vector<16xf32>
        %max3A_1240 = arith.maximumf %add3A_1237, %max3A_1239 : vector<16xf32>
        %min3A_1241 = arith.constant 1.270000e+02 : f32
        %min3A_1242 = vector.broadcast %min3A_1241 : f32 to vector<16xf32>
        %min3A_1243 = arith.minimumf %max3A_1240, %min3A_1242 : vector<16xf32>
        %convert_element_type3A_1244 = arith.fptosi %min3A_1243 : vector<16xf32> to vector<16xi32>
        %mul3A_1245 = arith.constant 64 : i32
        %mul3A_1246 = vector.broadcast %mul3A_1245 : i32 to vector<16xi32>
        %mul3A_1247 = arith.muli %convert_element_type3A_1244, %mul3A_1246 : vector<16xi32>
        %add3A_1248 = arith.addi %mul3A_1247, %add3A_82 : vector<16xi32>
        tpu.vector_store_idx %arg14[%add3A_1188], %broadcast_in_dim3A_5 {add = true} : memref<8192xf32, #tpu.memory_space<vmem>>[vector<16xi32>], vector<16xf32>,
        tpu.vector_store_idx %arg14[%add3A_1208], %broadcast_in_dim3A_5 {add = true} : memref<8192xf32, #tpu.memory_space<vmem>>[vector<16xi32>], vector<16xf32>,
        tpu.vector_store_idx %arg14[%add3A_1228], %broadcast_in_dim3A_5 {add = true} : memref<8192xf32, #tpu.memory_space<vmem>>[vector<16xi32>], vector<16xf32>,
        tpu.vector_store_idx %arg14[%add3A_1248], %broadcast_in_dim3A_5 {add = true} : memref<8192xf32, #tpu.memory_space<vmem>>[vector<16xi32>], vector<16xf32>,
        %slice3A_1249 = vector.extract_strided_slice %get3A_128 {offsets = [13], sizes = [1], strides = [1]} : vector<16xf32> to vector<1xf32>
        %squeeze3A_1250 = vector.extract %slice3A_1249[0] : f32 from vector<1xf32>
        %slice3A_1251 = vector.extract_strided_slice %get3A_130 {offsets = [13], sizes = [1], strides = [1]} : vector<16xf32> to vector<1xf32>
        %squeeze3A_1252 = vector.extract %slice3A_1251[0] : f32 from vector<1xf32>
        %slice3A_1253 = vector.extract_strided_slice %get3A_132 {offsets = [13], sizes = [1], strides = [1]} : vector<16xf32> to vector<1xf32>
        %squeeze3A_1254 = vector.extract %slice3A_1253[0] : f32 from vector<1xf32>
        %mul3A_1255 = vector.broadcast %squeeze3A_1250 : f32 to vector<16xf32>
        %mul3A_1256 = arith.mulf %mul3A_1255, %mul3A_15 : vector<16xf32>
        %mul3A_1257 = vector.broadcast %squeeze3A_1252 : f32 to vector<16xf32>
        %mul3A_1258 = arith.mulf %mul3A_1257, %mul3A_20 : vector<16xf32>
        %mul3A_1259 = vector.broadcast %squeeze3A_1254 : f32 to vector<16xf32>
        %mul3A_1260 = arith.mulf %mul3A_1259, %mul3A_25 : vector<16xf32>
        %add3A_1261 = arith.addf %mul3A_1260, %broadcast_in_dim3A_11 : vector<16xf32>
        %add3A_1262 = arith.addf %mul3A_1258, %add3A_1261 : vector<16xf32>
        %add3A_1263 = arith.addf %mul3A_1256, %add3A_1262 : vector<16xf32>
        %max3A_1264 = arith.constant 0.000000e+00 : f32
        %max3A_1265 = vector.broadcast %max3A_1264 : f32 to vector<16xf32>
        %max3A_1266 = arith.maximumf %add3A_1263, %max3A_1265 : vector<16xf32>
        %min3A_1267 = arith.constant 1.270000e+02 : f32
        %min3A_1268 = vector.broadcast %min3A_1267 : f32 to vector<16xf32>
        %min3A_1269 = arith.minimumf %max3A_1266, %min3A_1268 : vector<16xf32>
        %convert_element_type3A_1270 = arith.fptosi %min3A_1269 : vector<16xf32> to vector<16xi32>
        %mul3A_1271 = arith.constant 64 : i32
        %mul3A_1272 = vector.broadcast %mul3A_1271 : i32 to vector<16xi32>
        %mul3A_1273 = arith.muli %convert_element_type3A_1270, %mul3A_1272 : vector<16xi32>
        %add3A_1274 = arith.addi %mul3A_1273, %add3A_73 : vector<16xi32>
        %mul3A_1275 = vector.broadcast %squeeze3A_1250 : f32 to vector<16xf32>
        %mul3A_1276 = arith.mulf %mul3A_1275, %mul3A_30 : vector<16xf32>
        %mul3A_1277 = vector.broadcast %squeeze3A_1252 : f32 to vector<16xf32>
        %mul3A_1278 = arith.mulf %mul3A_1277, %mul3A_35 : vector<16xf32>
        %mul3A_1279 = vector.broadcast %squeeze3A_1254 : f32 to vector<16xf32>
        %mul3A_1280 = arith.mulf %mul3A_1279, %mul3A_40 : vector<16xf32>
        %add3A_1281 = arith.addf %mul3A_1280, %broadcast_in_dim3A_11 : vector<16xf32>
        %add3A_1282 = arith.addf %mul3A_1278, %add3A_1281 : vector<16xf32>
        %add3A_1283 = arith.addf %mul3A_1276, %add3A_1282 : vector<16xf32>
        %max3A_1284 = arith.constant 0.000000e+00 : f32
        %max3A_1285 = vector.broadcast %max3A_1284 : f32 to vector<16xf32>
        %max3A_1286 = arith.maximumf %add3A_1283, %max3A_1285 : vector<16xf32>
        %min3A_1287 = arith.constant 1.270000e+02 : f32
        %min3A_1288 = vector.broadcast %min3A_1287 : f32 to vector<16xf32>
        %min3A_1289 = arith.minimumf %max3A_1286, %min3A_1288 : vector<16xf32>
        %convert_element_type3A_1290 = arith.fptosi %min3A_1289 : vector<16xf32> to vector<16xi32>
        %mul3A_1291 = arith.constant 64 : i32
        %mul3A_1292 = vector.broadcast %mul3A_1291 : i32 to vector<16xi32>
        %mul3A_1293 = arith.muli %convert_element_type3A_1290, %mul3A_1292 : vector<16xi32>
        %add3A_1294 = arith.addi %mul3A_1293, %add3A_76 : vector<16xi32>
        %mul3A_1295 = vector.broadcast %squeeze3A_1250 : f32 to vector<16xf32>
        %mul3A_1296 = arith.mulf %mul3A_1295, %mul3A_45 : vector<16xf32>
        %mul3A_1297 = vector.broadcast %squeeze3A_1252 : f32 to vector<16xf32>
        %mul3A_1298 = arith.mulf %mul3A_1297, %mul3A_50 : vector<16xf32>
        %mul3A_1299 = vector.broadcast %squeeze3A_1254 : f32 to vector<16xf32>
        %mul3A_1300 = arith.mulf %mul3A_1299, %mul3A_55 : vector<16xf32>
        %add3A_1301 = arith.addf %mul3A_1300, %broadcast_in_dim3A_11 : vector<16xf32>
        %add3A_1302 = arith.addf %mul3A_1298, %add3A_1301 : vector<16xf32>
        %add3A_1303 = arith.addf %mul3A_1296, %add3A_1302 : vector<16xf32>
        %max3A_1304 = arith.constant 0.000000e+00 : f32
        %max3A_1305 = vector.broadcast %max3A_1304 : f32 to vector<16xf32>
        %max3A_1306 = arith.maximumf %add3A_1303, %max3A_1305 : vector<16xf32>
        %min3A_1307 = arith.constant 1.270000e+02 : f32
        %min3A_1308 = vector.broadcast %min3A_1307 : f32 to vector<16xf32>
        %min3A_1309 = arith.minimumf %max3A_1306, %min3A_1308 : vector<16xf32>
        %convert_element_type3A_1310 = arith.fptosi %min3A_1309 : vector<16xf32> to vector<16xi32>
        %mul3A_1311 = arith.constant 64 : i32
        %mul3A_1312 = vector.broadcast %mul3A_1311 : i32 to vector<16xi32>
        %mul3A_1313 = arith.muli %convert_element_type3A_1310, %mul3A_1312 : vector<16xi32>
        %add3A_1314 = arith.addi %mul3A_1313, %add3A_79 : vector<16xi32>
        %mul3A_1315 = vector.broadcast %squeeze3A_1250 : f32 to vector<16xf32>
        %mul3A_1316 = arith.mulf %mul3A_1315, %mul3A_60 : vector<16xf32>
        %mul3A_1317 = vector.broadcast %squeeze3A_1252 : f32 to vector<16xf32>
        %mul3A_1318 = arith.mulf %mul3A_1317, %mul3A_65 : vector<16xf32>
        %mul3A_1319 = vector.broadcast %squeeze3A_1254 : f32 to vector<16xf32>
        %mul3A_1320 = arith.mulf %mul3A_1319, %mul3A_70 : vector<16xf32>
        %add3A_1321 = arith.addf %mul3A_1320, %broadcast_in_dim3A_11 : vector<16xf32>
        %add3A_1322 = arith.addf %mul3A_1318, %add3A_1321 : vector<16xf32>
        %add3A_1323 = arith.addf %mul3A_1316, %add3A_1322 : vector<16xf32>
        %max3A_1324 = arith.constant 0.000000e+00 : f32
        %max3A_1325 = vector.broadcast %max3A_1324 : f32 to vector<16xf32>
        %max3A_1326 = arith.maximumf %add3A_1323, %max3A_1325 : vector<16xf32>
        %min3A_1327 = arith.constant 1.270000e+02 : f32
        %min3A_1328 = vector.broadcast %min3A_1327 : f32 to vector<16xf32>
        %min3A_1329 = arith.minimumf %max3A_1326, %min3A_1328 : vector<16xf32>
        %convert_element_type3A_1330 = arith.fptosi %min3A_1329 : vector<16xf32> to vector<16xi32>
        %mul3A_1331 = arith.constant 64 : i32
        %mul3A_1332 = vector.broadcast %mul3A_1331 : i32 to vector<16xi32>
        %mul3A_1333 = arith.muli %convert_element_type3A_1330, %mul3A_1332 : vector<16xi32>
        %add3A_1334 = arith.addi %mul3A_1333, %add3A_82 : vector<16xi32>
        tpu.vector_store_idx %arg14[%add3A_1274], %broadcast_in_dim3A_5 {add = true} : memref<8192xf32, #tpu.memory_space<vmem>>[vector<16xi32>], vector<16xf32>,
        tpu.vector_store_idx %arg14[%add3A_1294], %broadcast_in_dim3A_5 {add = true} : memref<8192xf32, #tpu.memory_space<vmem>>[vector<16xi32>], vector<16xf32>,
        tpu.vector_store_idx %arg14[%add3A_1314], %broadcast_in_dim3A_5 {add = true} : memref<8192xf32, #tpu.memory_space<vmem>>[vector<16xi32>], vector<16xf32>,
        tpu.vector_store_idx %arg14[%add3A_1334], %broadcast_in_dim3A_5 {add = true} : memref<8192xf32, #tpu.memory_space<vmem>>[vector<16xi32>], vector<16xf32>,
        %slice3A_1335 = vector.extract_strided_slice %get3A_128 {offsets = [14], sizes = [1], strides = [1]} : vector<16xf32> to vector<1xf32>
        %squeeze3A_1336 = vector.extract %slice3A_1335[0] : f32 from vector<1xf32>
        %slice3A_1337 = vector.extract_strided_slice %get3A_130 {offsets = [14], sizes = [1], strides = [1]} : vector<16xf32> to vector<1xf32>
        %squeeze3A_1338 = vector.extract %slice3A_1337[0] : f32 from vector<1xf32>
        %slice3A_1339 = vector.extract_strided_slice %get3A_132 {offsets = [14], sizes = [1], strides = [1]} : vector<16xf32> to vector<1xf32>
        %squeeze3A_1340 = vector.extract %slice3A_1339[0] : f32 from vector<1xf32>
        %mul3A_1341 = vector.broadcast %squeeze3A_1336 : f32 to vector<16xf32>
        %mul3A_1342 = arith.mulf %mul3A_1341, %mul3A_15 : vector<16xf32>
        %mul3A_1343 = vector.broadcast %squeeze3A_1338 : f32 to vector<16xf32>
        %mul3A_1344 = arith.mulf %mul3A_1343, %mul3A_20 : vector<16xf32>
        %mul3A_1345 = vector.broadcast %squeeze3A_1340 : f32 to vector<16xf32>
        %mul3A_1346 = arith.mulf %mul3A_1345, %mul3A_25 : vector<16xf32>
        %add3A_1347 = arith.addf %mul3A_1346, %broadcast_in_dim3A_11 : vector<16xf32>
        %add3A_1348 = arith.addf %mul3A_1344, %add3A_1347 : vector<16xf32>
        %add3A_1349 = arith.addf %mul3A_1342, %add3A_1348 : vector<16xf32>
        %max3A_1350 = arith.constant 0.000000e+00 : f32
        %max3A_1351 = vector.broadcast %max3A_1350 : f32 to vector<16xf32>
        %max3A_1352 = arith.maximumf %add3A_1349, %max3A_1351 : vector<16xf32>
        %min3A_1353 = arith.constant 1.270000e+02 : f32
        %min3A_1354 = vector.broadcast %min3A_1353 : f32 to vector<16xf32>
        %min3A_1355 = arith.minimumf %max3A_1352, %min3A_1354 : vector<16xf32>
        %convert_element_type3A_1356 = arith.fptosi %min3A_1355 : vector<16xf32> to vector<16xi32>
        %mul3A_1357 = arith.constant 64 : i32
        %mul3A_1358 = vector.broadcast %mul3A_1357 : i32 to vector<16xi32>
        %mul3A_1359 = arith.muli %convert_element_type3A_1356, %mul3A_1358 : vector<16xi32>
        %add3A_1360 = arith.addi %mul3A_1359, %add3A_73 : vector<16xi32>
        %mul3A_1361 = vector.broadcast %squeeze3A_1336 : f32 to vector<16xf32>
        %mul3A_1362 = arith.mulf %mul3A_1361, %mul3A_30 : vector<16xf32>
        %mul3A_1363 = vector.broadcast %squeeze3A_1338 : f32 to vector<16xf32>
        %mul3A_1364 = arith.mulf %mul3A_1363, %mul3A_35 : vector<16xf32>
        %mul3A_1365 = vector.broadcast %squeeze3A_1340 : f32 to vector<16xf32>
        %mul3A_1366 = arith.mulf %mul3A_1365, %mul3A_40 : vector<16xf32>
        %add3A_1367 = arith.addf %mul3A_1366, %broadcast_in_dim3A_11 : vector<16xf32>
        %add3A_1368 = arith.addf %mul3A_1364, %add3A_1367 : vector<16xf32>
        %add3A_1369 = arith.addf %mul3A_1362, %add3A_1368 : vector<16xf32>
        %max3A_1370 = arith.constant 0.000000e+00 : f32
        %max3A_1371 = vector.broadcast %max3A_1370 : f32 to vector<16xf32>
        %max3A_1372 = arith.maximumf %add3A_1369, %max3A_1371 : vector<16xf32>
        %min3A_1373 = arith.constant 1.270000e+02 : f32
        %min3A_1374 = vector.broadcast %min3A_1373 : f32 to vector<16xf32>
        %min3A_1375 = arith.minimumf %max3A_1372, %min3A_1374 : vector<16xf32>
        %convert_element_type3A_1376 = arith.fptosi %min3A_1375 : vector<16xf32> to vector<16xi32>
        %mul3A_1377 = arith.constant 64 : i32
        %mul3A_1378 = vector.broadcast %mul3A_1377 : i32 to vector<16xi32>
        %mul3A_1379 = arith.muli %convert_element_type3A_1376, %mul3A_1378 : vector<16xi32>
        %add3A_1380 = arith.addi %mul3A_1379, %add3A_76 : vector<16xi32>
        %mul3A_1381 = vector.broadcast %squeeze3A_1336 : f32 to vector<16xf32>
        %mul3A_1382 = arith.mulf %mul3A_1381, %mul3A_45 : vector<16xf32>
        %mul3A_1383 = vector.broadcast %squeeze3A_1338 : f32 to vector<16xf32>
        %mul3A_1384 = arith.mulf %mul3A_1383, %mul3A_50 : vector<16xf32>
        %mul3A_1385 = vector.broadcast %squeeze3A_1340 : f32 to vector<16xf32>
        %mul3A_1386 = arith.mulf %mul3A_1385, %mul3A_55 : vector<16xf32>
        %add3A_1387 = arith.addf %mul3A_1386, %broadcast_in_dim3A_11 : vector<16xf32>
        %add3A_1388 = arith.addf %mul3A_1384, %add3A_1387 : vector<16xf32>
        %add3A_1389 = arith.addf %mul3A_1382, %add3A_1388 : vector<16xf32>
        %max3A_1390 = arith.constant 0.000000e+00 : f32
        %max3A_1391 = vector.broadcast %max3A_1390 : f32 to vector<16xf32>
        %max3A_1392 = arith.maximumf %add3A_1389, %max3A_1391 : vector<16xf32>
        %min3A_1393 = arith.constant 1.270000e+02 : f32
        %min3A_1394 = vector.broadcast %min3A_1393 : f32 to vector<16xf32>
        %min3A_1395 = arith.minimumf %max3A_1392, %min3A_1394 : vector<16xf32>
        %convert_element_type3A_1396 = arith.fptosi %min3A_1395 : vector<16xf32> to vector<16xi32>
        %mul3A_1397 = arith.constant 64 : i32
        %mul3A_1398 = vector.broadcast %mul3A_1397 : i32 to vector<16xi32>
        %mul3A_1399 = arith.muli %convert_element_type3A_1396, %mul3A_1398 : vector<16xi32>
        %add3A_1400 = arith.addi %mul3A_1399, %add3A_79 : vector<16xi32>
        %mul3A_1401 = vector.broadcast %squeeze3A_1336 : f32 to vector<16xf32>
        %mul3A_1402 = arith.mulf %mul3A_1401, %mul3A_60 : vector<16xf32>
        %mul3A_1403 = vector.broadcast %squeeze3A_1338 : f32 to vector<16xf32>
        %mul3A_1404 = arith.mulf %mul3A_1403, %mul3A_65 : vector<16xf32>
        %mul3A_1405 = vector.broadcast %squeeze3A_1340 : f32 to vector<16xf32>
        %mul3A_1406 = arith.mulf %mul3A_1405, %mul3A_70 : vector<16xf32>
        %add3A_1407 = arith.addf %mul3A_1406, %broadcast_in_dim3A_11 : vector<16xf32>
        %add3A_1408 = arith.addf %mul3A_1404, %add3A_1407 : vector<16xf32>
        %add3A_1409 = arith.addf %mul3A_1402, %add3A_1408 : vector<16xf32>
        %max3A_1410 = arith.constant 0.000000e+00 : f32
        %max3A_1411 = vector.broadcast %max3A_1410 : f32 to vector<16xf32>
        %max3A_1412 = arith.maximumf %add3A_1409, %max3A_1411 : vector<16xf32>
        %min3A_1413 = arith.constant 1.270000e+02 : f32
        %min3A_1414 = vector.broadcast %min3A_1413 : f32 to vector<16xf32>
        %min3A_1415 = arith.minimumf %max3A_1412, %min3A_1414 : vector<16xf32>
        %convert_element_type3A_1416 = arith.fptosi %min3A_1415 : vector<16xf32> to vector<16xi32>
        %mul3A_1417 = arith.constant 64 : i32
        %mul3A_1418 = vector.broadcast %mul3A_1417 : i32 to vector<16xi32>
        %mul3A_1419 = arith.muli %convert_element_type3A_1416, %mul3A_1418 : vector<16xi32>
        %add3A_1420 = arith.addi %mul3A_1419, %add3A_82 : vector<16xi32>
        tpu.vector_store_idx %arg14[%add3A_1360], %broadcast_in_dim3A_5 {add = true} : memref<8192xf32, #tpu.memory_space<vmem>>[vector<16xi32>], vector<16xf32>,
        tpu.vector_store_idx %arg14[%add3A_1380], %broadcast_in_dim3A_5 {add = true} : memref<8192xf32, #tpu.memory_space<vmem>>[vector<16xi32>], vector<16xf32>,
        tpu.vector_store_idx %arg14[%add3A_1400], %broadcast_in_dim3A_5 {add = true} : memref<8192xf32, #tpu.memory_space<vmem>>[vector<16xi32>], vector<16xf32>,
        tpu.vector_store_idx %arg14[%add3A_1420], %broadcast_in_dim3A_5 {add = true} : memref<8192xf32, #tpu.memory_space<vmem>>[vector<16xi32>], vector<16xf32>,
        %slice3A_1421 = vector.extract_strided_slice %get3A_128 {offsets = [15], sizes = [1], strides = [1]} : vector<16xf32> to vector<1xf32>
        %squeeze3A_1422 = vector.extract %slice3A_1421[0] : f32 from vector<1xf32>
        %slice3A_1423 = vector.extract_strided_slice %get3A_130 {offsets = [15], sizes = [1], strides = [1]} : vector<16xf32> to vector<1xf32>
        %squeeze3A_1424 = vector.extract %slice3A_1423[0] : f32 from vector<1xf32>
        %slice3A_1425 = vector.extract_strided_slice %get3A_132 {offsets = [15], sizes = [1], strides = [1]} : vector<16xf32> to vector<1xf32>
        %squeeze3A_1426 = vector.extract %slice3A_1425[0] : f32 from vector<1xf32>
        %mul3A_1427 = vector.broadcast %squeeze3A_1422 : f32 to vector<16xf32>
        %mul3A_1428 = arith.mulf %mul3A_1427, %mul3A_15 : vector<16xf32>
        %mul3A_1429 = vector.broadcast %squeeze3A_1424 : f32 to vector<16xf32>
        %mul3A_1430 = arith.mulf %mul3A_1429, %mul3A_20 : vector<16xf32>
        %mul3A_1431 = vector.broadcast %squeeze3A_1426 : f32 to vector<16xf32>
        %mul3A_1432 = arith.mulf %mul3A_1431, %mul3A_25 : vector<16xf32>
        %add3A_1433 = arith.addf %mul3A_1432, %broadcast_in_dim3A_11 : vector<16xf32>
        %add3A_1434 = arith.addf %mul3A_1430, %add3A_1433 : vector<16xf32>
        %add3A_1435 = arith.addf %mul3A_1428, %add3A_1434 : vector<16xf32>
        %max3A_1436 = arith.constant 0.000000e+00 : f32
        %max3A_1437 = vector.broadcast %max3A_1436 : f32 to vector<16xf32>
        %max3A_1438 = arith.maximumf %add3A_1435, %max3A_1437 : vector<16xf32>
        %min3A_1439 = arith.constant 1.270000e+02 : f32
        %min3A_1440 = vector.broadcast %min3A_1439 : f32 to vector<16xf32>
        %min3A_1441 = arith.minimumf %max3A_1438, %min3A_1440 : vector<16xf32>
        %convert_element_type3A_1442 = arith.fptosi %min3A_1441 : vector<16xf32> to vector<16xi32>
        %mul3A_1443 = arith.constant 64 : i32
        %mul3A_1444 = vector.broadcast %mul3A_1443 : i32 to vector<16xi32>
        %mul3A_1445 = arith.muli %convert_element_type3A_1442, %mul3A_1444 : vector<16xi32>
        %add3A_1446 = arith.addi %mul3A_1445, %add3A_73 : vector<16xi32>
        %mul3A_1447 = vector.broadcast %squeeze3A_1422 : f32 to vector<16xf32>
        %mul3A_1448 = arith.mulf %mul3A_1447, %mul3A_30 : vector<16xf32>
        %mul3A_1449 = vector.broadcast %squeeze3A_1424 : f32 to vector<16xf32>
        %mul3A_1450 = arith.mulf %mul3A_1449, %mul3A_35 : vector<16xf32>
        %mul3A_1451 = vector.broadcast %squeeze3A_1426 : f32 to vector<16xf32>
        %mul3A_1452 = arith.mulf %mul3A_1451, %mul3A_40 : vector<16xf32>
        %add3A_1453 = arith.addf %mul3A_1452, %broadcast_in_dim3A_11 : vector<16xf32>
        %add3A_1454 = arith.addf %mul3A_1450, %add3A_1453 : vector<16xf32>
        %add3A_1455 = arith.addf %mul3A_1448, %add3A_1454 : vector<16xf32>
        %max3A_1456 = arith.constant 0.000000e+00 : f32
        %max3A_1457 = vector.broadcast %max3A_1456 : f32 to vector<16xf32>
        %max3A_1458 = arith.maximumf %add3A_1455, %max3A_1457 : vector<16xf32>
        %min3A_1459 = arith.constant 1.270000e+02 : f32
        %min3A_1460 = vector.broadcast %min3A_1459 : f32 to vector<16xf32>
        %min3A_1461 = arith.minimumf %max3A_1458, %min3A_1460 : vector<16xf32>
        %convert_element_type3A_1462 = arith.fptosi %min3A_1461 : vector<16xf32> to vector<16xi32>
        %mul3A_1463 = arith.constant 64 : i32
        %mul3A_1464 = vector.broadcast %mul3A_1463 : i32 to vector<16xi32>
        %mul3A_1465 = arith.muli %convert_element_type3A_1462, %mul3A_1464 : vector<16xi32>
        %add3A_1466 = arith.addi %mul3A_1465, %add3A_76 : vector<16xi32>
        %mul3A_1467 = vector.broadcast %squeeze3A_1422 : f32 to vector<16xf32>
        %mul3A_1468 = arith.mulf %mul3A_1467, %mul3A_45 : vector<16xf32>
        %mul3A_1469 = vector.broadcast %squeeze3A_1424 : f32 to vector<16xf32>
        %mul3A_1470 = arith.mulf %mul3A_1469, %mul3A_50 : vector<16xf32>
        %mul3A_1471 = vector.broadcast %squeeze3A_1426 : f32 to vector<16xf32>
        %mul3A_1472 = arith.mulf %mul3A_1471, %mul3A_55 : vector<16xf32>
        %add3A_1473 = arith.addf %mul3A_1472, %broadcast_in_dim3A_11 : vector<16xf32>
        %add3A_1474 = arith.addf %mul3A_1470, %add3A_1473 : vector<16xf32>
        %add3A_1475 = arith.addf %mul3A_1468, %add3A_1474 : vector<16xf32>
        %max3A_1476 = arith.constant 0.000000e+00 : f32
        %max3A_1477 = vector.broadcast %max3A_1476 : f32 to vector<16xf32>
        %max3A_1478 = arith.maximumf %add3A_1475, %max3A_1477 : vector<16xf32>
        %min3A_1479 = arith.constant 1.270000e+02 : f32
        %min3A_1480 = vector.broadcast %min3A_1479 : f32 to vector<16xf32>
        %min3A_1481 = arith.minimumf %max3A_1478, %min3A_1480 : vector<16xf32>
        %convert_element_type3A_1482 = arith.fptosi %min3A_1481 : vector<16xf32> to vector<16xi32>
        %mul3A_1483 = arith.constant 64 : i32
        %mul3A_1484 = vector.broadcast %mul3A_1483 : i32 to vector<16xi32>
        %mul3A_1485 = arith.muli %convert_element_type3A_1482, %mul3A_1484 : vector<16xi32>
        %add3A_1486 = arith.addi %mul3A_1485, %add3A_79 : vector<16xi32>
        %mul3A_1487 = vector.broadcast %squeeze3A_1422 : f32 to vector<16xf32>
        %mul3A_1488 = arith.mulf %mul3A_1487, %mul3A_60 : vector<16xf32>
        %mul3A_1489 = vector.broadcast %squeeze3A_1424 : f32 to vector<16xf32>
        %mul3A_1490 = arith.mulf %mul3A_1489, %mul3A_65 : vector<16xf32>
        %mul3A_1491 = vector.broadcast %squeeze3A_1426 : f32 to vector<16xf32>
        %mul3A_1492 = arith.mulf %mul3A_1491, %mul3A_70 : vector<16xf32>
        %add3A_1493 = arith.addf %mul3A_1492, %broadcast_in_dim3A_11 : vector<16xf32>
        %add3A_1494 = arith.addf %mul3A_1490, %add3A_1493 : vector<16xf32>
        %add3A_1495 = arith.addf %mul3A_1488, %add3A_1494 : vector<16xf32>
        %max3A_1496 = arith.constant 0.000000e+00 : f32
        %max3A_1497 = vector.broadcast %max3A_1496 : f32 to vector<16xf32>
        %max3A_1498 = arith.maximumf %add3A_1495, %max3A_1497 : vector<16xf32>
        %min3A_1499 = arith.constant 1.270000e+02 : f32
        %min3A_1500 = vector.broadcast %min3A_1499 : f32 to vector<16xf32>
        %min3A_1501 = arith.minimumf %max3A_1498, %min3A_1500 : vector<16xf32>
        %convert_element_type3A_1502 = arith.fptosi %min3A_1501 : vector<16xf32> to vector<16xi32>
        %mul3A_1503 = arith.constant 64 : i32
        %mul3A_1504 = vector.broadcast %mul3A_1503 : i32 to vector<16xi32>
        %mul3A_1505 = arith.muli %convert_element_type3A_1502, %mul3A_1504 : vector<16xi32>
        %add3A_1506 = arith.addi %mul3A_1505, %add3A_82 : vector<16xi32>
        tpu.vector_store_idx %arg14[%add3A_1446], %broadcast_in_dim3A_5 {add = true} : memref<8192xf32, #tpu.memory_space<vmem>>[vector<16xi32>], vector<16xf32>,
        tpu.vector_store_idx %arg14[%add3A_1466], %broadcast_in_dim3A_5 {add = true} : memref<8192xf32, #tpu.memory_space<vmem>>[vector<16xi32>], vector<16xf32>,
        tpu.vector_store_idx %arg14[%add3A_1486], %broadcast_in_dim3A_5 {add = true} : memref<8192xf32, #tpu.memory_space<vmem>>[vector<16xi32>], vector<16xf32>,
        tpu.vector_store_idx %arg14[%add3A_1506], %broadcast_in_dim3A_5 {add = true} : memref<8192xf32, #tpu.memory_space<vmem>>[vector<16xi32>], vector<16xf32>,
        scf.yield %scan3A_113, %scan3A_114 : i32, i32
      } else {
        %get3A_127 = arith.index_cast %mul3A_116 : i32 to index
        %get3A_128 = tpu.vector_load %arg9[%get3A_127] {strides = array<i32>} : memref<16384xf32, #tpu.memory_space<vmem>>, vector<16xf32>,
        %get3A_129 = arith.index_cast %mul3A_116 : i32 to index
        %get3A_130 = tpu.vector_load %arg10[%get3A_129] {strides = array<i32>} : memref<16384xf32, #tpu.memory_space<vmem>>, vector<16xf32>,
        %get3A_131 = arith.index_cast %mul3A_116 : i32 to index
        %get3A_132 = tpu.vector_load %arg11[%get3A_131] {strides = array<i32>} : memref<16384xf32, #tpu.memory_space<vmem>>, vector<16xf32>,
        %slice3A_133 = vector.extract_strided_slice %get3A_118 {offsets = [0], sizes = [1], strides = [1]} : vector<16xi32> to vector<1xi32>
        %squeeze3A_134 = vector.extract %slice3A_133[0] : i32 from vector<1xi32>
        %ne3A = arith.cmpi ne, %squeeze3A_134, %scan3A_113 : i32
        %convert_element_type3A_135 = arith.extui %ne3A : i1 to i32
        %cond3A_136 = arith.constant 0 : i32
        %cond3A_137 = arith.cmpi ne, %convert_element_type3A_135, %cond3A_136 : i32
        %cond3A_138:2 = scf.if %cond3A_137 -> (i32, i32) {
          "tpu.region"() ({
            %run_scoped3A = tpu.sem_alloc : memref<!tpu.dma_semaphore, #tpu.memory_space<semaphore_mem>>
            %dma_start3A = arith.constant 0 : i32
            %dma_start3A_1628 = tpu.memref_slice %arg7[%add3A, %scan3A_114, %dma_start3A] : memref<32x64x8192xf32, #tpu.memory_space<hbm>> -> memref<1x1x8192xf32, #tpu.memory_space<hbm>>
            %dma_start3A_1629 = tpu.memref_squeeze %dma_start3A_1628 : memref<1x1x8192xf32, #tpu.memory_space<hbm>> -> memref<8192xf32, #tpu.memory_space<hbm>>
            %dma_start3A_1630 = arith.constant 0 : i32
            %dma_start3A_1631 = tpu.memref_slice %arg7[%add3A, %scan3A_114, %dma_start3A_1630] : memref<32x64x8192xf32, #tpu.memory_space<hbm>> -> memref<1x1x8192xf32, #tpu.memory_space<hbm>>
            %dma_start3A_1632 = tpu.memref_squeeze %dma_start3A_1631 : memref<1x1x8192xf32, #tpu.memory_space<hbm>> -> memref<8192xf32, #tpu.memory_space<hbm>>
            tpu.enqueue_dma source(%arg14 : memref<8192xf32, #tpu.memory_space<vmem>>) target(%dma_start3A_1632 : memref<8192xf32, #tpu.memory_space<hbm>>) target_semaphore(%run_scoped3A : memref<!tpu.dma_semaphore, #tpu.memory_space<semaphore_mem>>)
            %dma_wait3A = arith.constant 0 : i32
            %dma_wait3A_1633 = tpu.memref_slice %arg7[%add3A, %scan3A_114, %dma_wait3A] : memref<32x64x8192xf32, #tpu.memory_space<hbm>> -> memref<1x1x8192xf32, #tpu.memory_space<hbm>>
            %dma_wait3A_1634 = tpu.memref_squeeze %dma_wait3A_1633 : memref<1x1x8192xf32, #tpu.memory_space<hbm>> -> memref<8192xf32, #tpu.memory_space<hbm>>
            %dma_wait3A_1635 = arith.constant 0 : i32
            %dma_wait3A_1636 = tpu.memref_slice %arg7[%add3A, %scan3A_114, %dma_wait3A_1635] : memref<32x64x8192xf32, #tpu.memory_space<hbm>> -> memref<1x1x8192xf32, #tpu.memory_space<hbm>>
            %dma_wait3A_1637 = tpu.memref_squeeze %dma_wait3A_1636 : memref<1x1x8192xf32, #tpu.memory_space<hbm>> -> memref<8192xf32, #tpu.memory_space<hbm>>
            tpu.wait_dma2 semaphore(%run_scoped3A : memref<!tpu.dma_semaphore, #tpu.memory_space<semaphore_mem>>) src(%arg14 : memref<8192xf32, #tpu.memory_space<vmem>>) dst(%dma_wait3A_1637 : memref<8192xf32, #tpu.memory_space<hbm>>)
            tpu.yield
          }) : () -> ()
          %broadcast_in_dim3A_1618 = vector.broadcast %scan3A_114 : i32 to vector<16xi32>
          %broadcast_in_dim3A_1619 = vector.broadcast %scan3A_113 : i32 to vector<16xi32>
          tpu.vector_store_idx %arg15[%broadcast_in_dim3A_1618], %broadcast_in_dim3A_1619 masked %eq3A_9 : memref<64xi32, #tpu.memory_space<vmem>>[vector<16xi32>], vector<16xi32>, vector<16xi1>
          %scan3A_1620 = arith.constant 0 : i32
          %scan3A_1621 = arith.constant 0 : i32
          %scan3A_1622 = arith.constant 512 : i32
          %scan3A_1623 = arith.addi %scan3A_1621, %scan3A_1622 : i32
          %scan3A_1624 = arith.constant 8 : i32
          scf.for %scan3A_1628 = %scan3A_1621 to %scan3A_1623 step %scan3A_1624  : i32 {
            %mul3A_1629 = arith.constant 16 : i32
            %mul3A_1630 = arith.muli %scan3A_1628, %mul3A_1629 : i32
            %swap3A_1631 = arith.index_cast %mul3A_1630 : i32 to index
            %swap3A_1632 = tpu.vector_load %arg14[%swap3A_1631] {strides = array<i32>} : memref<8192xf32, #tpu.memory_space<vmem>>, vector<16xf32>,
            tpu.vector_store %arg14[%swap3A_1631], %broadcast_in_dim3A_3 {strides = array<i32>} : memref<8192xf32, #tpu.memory_space<vmem>>, vector<16xf32>,
            %scan3A_1633 = arith.constant 1 : i32
            %scan3A_1634 = arith.addi %scan3A_1628, %scan3A_1633 : i32
            %mul3A_1635 = arith.constant 16 : i32
            %mul3A_1636 = arith.muli %scan3A_1634, %mul3A_1635 : i32
            %swap3A_1637 = arith.index_cast %mul3A_1636 : i32 to index
            %swap3A_1638 = tpu.vector_load %arg14[%swap3A_1637] {strides = array<i32>} : memref<8192xf32, #tpu.memory_space<vmem>>, vector<16xf32>,
            tpu.vector_store %arg14[%swap3A_1637], %broadcast_in_dim3A_3 {strides = array<i32>} : memref<8192xf32, #tpu.memory_space<vmem>>, vector<16xf32>,
            %scan3A_1639 = arith.constant 2 : i32
            %scan3A_1640 = arith.addi %scan3A_1628, %scan3A_1639 : i32
            %mul3A_1641 = arith.constant 16 : i32
            %mul3A_1642 = arith.muli %scan3A_1640, %mul3A_1641 : i32
            %swap3A_1643 = arith.index_cast %mul3A_1642 : i32 to index
            %swap3A_1644 = tpu.vector_load %arg14[%swap3A_1643] {strides = array<i32>} : memref<8192xf32, #tpu.memory_space<vmem>>, vector<16xf32>,
            tpu.vector_store %arg14[%swap3A_1643], %broadcast_in_dim3A_3 {strides = array<i32>} : memref<8192xf32, #tpu.memory_space<vmem>>, vector<16xf32>,
            %scan3A_1645 = arith.constant 3 : i32
            %scan3A_1646 = arith.addi %scan3A_1628, %scan3A_1645 : i32
            %mul3A_1647 = arith.constant 16 : i32
            %mul3A_1648 = arith.muli %scan3A_1646, %mul3A_1647 : i32
            %swap3A_1649 = arith.index_cast %mul3A_1648 : i32 to index
            %swap3A_1650 = tpu.vector_load %arg14[%swap3A_1649] {strides = array<i32>} : memref<8192xf32, #tpu.memory_space<vmem>>, vector<16xf32>,
            tpu.vector_store %arg14[%swap3A_1649], %broadcast_in_dim3A_3 {strides = array<i32>} : memref<8192xf32, #tpu.memory_space<vmem>>, vector<16xf32>,
            %scan3A_1651 = arith.constant 4 : i32
            %scan3A_1652 = arith.addi %scan3A_1628, %scan3A_1651 : i32
            %mul3A_1653 = arith.constant 16 : i32
            %mul3A_1654 = arith.muli %scan3A_1652, %mul3A_1653 : i32
            %swap3A_1655 = arith.index_cast %mul3A_1654 : i32 to index
            %swap3A_1656 = tpu.vector_load %arg14[%swap3A_1655] {strides = array<i32>} : memref<8192xf32, #tpu.memory_space<vmem>>, vector<16xf32>,
            tpu.vector_store %arg14[%swap3A_1655], %broadcast_in_dim3A_3 {strides = array<i32>} : memref<8192xf32, #tpu.memory_space<vmem>>, vector<16xf32>,
            %scan3A_1657 = arith.constant 5 : i32
            %scan3A_1658 = arith.addi %scan3A_1628, %scan3A_1657 : i32
            %mul3A_1659 = arith.constant 16 : i32
            %mul3A_1660 = arith.muli %scan3A_1658, %mul3A_1659 : i32
            %swap3A_1661 = arith.index_cast %mul3A_1660 : i32 to index
            %swap3A_1662 = tpu.vector_load %arg14[%swap3A_1661] {strides = array<i32>} : memref<8192xf32, #tpu.memory_space<vmem>>, vector<16xf32>,
            tpu.vector_store %arg14[%swap3A_1661], %broadcast_in_dim3A_3 {strides = array<i32>} : memref<8192xf32, #tpu.memory_space<vmem>>, vector<16xf32>,
            %scan3A_1663 = arith.constant 6 : i32
            %scan3A_1664 = arith.addi %scan3A_1628, %scan3A_1663 : i32
            %mul3A_1665 = arith.constant 16 : i32
            %mul3A_1666 = arith.muli %scan3A_1664, %mul3A_1665 : i32
            %swap3A_1667 = arith.index_cast %mul3A_1666 : i32 to index
            %swap3A_1668 = tpu.vector_load %arg14[%swap3A_1667] {strides = array<i32>} : memref<8192xf32, #tpu.memory_space<vmem>>, vector<16xf32>,
            tpu.vector_store %arg14[%swap3A_1667], %broadcast_in_dim3A_3 {strides = array<i32>} : memref<8192xf32, #tpu.memory_space<vmem>>, vector<16xf32>,
            %scan3A_1669 = arith.constant 7 : i32
            %scan3A_1670 = arith.addi %scan3A_1628, %scan3A_1669 : i32
            %mul3A_1671 = arith.constant 16 : i32
            %mul3A_1672 = arith.muli %scan3A_1670, %mul3A_1671 : i32
            %swap3A_1673 = arith.index_cast %mul3A_1672 : i32 to index
            %swap3A_1674 = tpu.vector_load %arg14[%swap3A_1673] {strides = array<i32>} : memref<8192xf32, #tpu.memory_space<vmem>>, vector<16xf32>,
            tpu.vector_store %arg14[%swap3A_1673], %broadcast_in_dim3A_3 {strides = array<i32>} : memref<8192xf32, #tpu.memory_space<vmem>>, vector<16xf32>,
          }
          %scan3A_1625 = arith.constant 512 : i32
          %add3A_1626 = arith.constant 1 : i32
          %add3A_1627 = arith.addi %scan3A_114, %add3A_1626 : i32
          scf.yield %squeeze3A_134, %add3A_1627 : i32, i32
        } else {
          scf.yield %scan3A_113, %scan3A_114 : i32, i32
        }
        %slice3A_139 = vector.extract_strided_slice %get3A_128 {offsets = [0], sizes = [1], strides = [1]} : vector<16xf32> to vector<1xf32>
        %squeeze3A_140 = vector.extract %slice3A_139[0] : f32 from vector<1xf32>
        %slice3A_141 = vector.extract_strided_slice %get3A_130 {offsets = [0], sizes = [1], strides = [1]} : vector<16xf32> to vector<1xf32>
        %squeeze3A_142 = vector.extract %slice3A_141[0] : f32 from vector<1xf32>
        %slice3A_143 = vector.extract_strided_slice %get3A_132 {offsets = [0], sizes = [1], strides = [1]} : vector<16xf32> to vector<1xf32>
        %squeeze3A_144 = vector.extract %slice3A_143[0] : f32 from vector<1xf32>
        %mul3A_145 = vector.broadcast %squeeze3A_140 : f32 to vector<16xf32>
        %mul3A_146 = arith.mulf %mul3A_145, %mul3A_15 : vector<16xf32>
        %mul3A_147 = vector.broadcast %squeeze3A_142 : f32 to vector<16xf32>
        %mul3A_148 = arith.mulf %mul3A_147, %mul3A_20 : vector<16xf32>
        %mul3A_149 = vector.broadcast %squeeze3A_144 : f32 to vector<16xf32>
        %mul3A_150 = arith.mulf %mul3A_149, %mul3A_25 : vector<16xf32>
        %add3A_151 = arith.addf %mul3A_150, %broadcast_in_dim3A_11 : vector<16xf32>
        %add3A_152 = arith.addf %mul3A_148, %add3A_151 : vector<16xf32>
        %add3A_153 = arith.addf %mul3A_146, %add3A_152 : vector<16xf32>
        %max3A = arith.constant 0.000000e+00 : f32
        %max3A_154 = vector.broadcast %max3A : f32 to vector<16xf32>
        %max3A_155 = arith.maximumf %add3A_153, %max3A_154 : vector<16xf32>
        %min3A = arith.constant 1.270000e+02 : f32
        %min3A_156 = vector.broadcast %min3A : f32 to vector<16xf32>
        %min3A_157 = arith.minimumf %max3A_155, %min3A_156 : vector<16xf32>
        %convert_element_type3A_158 = arith.fptosi %min3A_157 : vector<16xf32> to vector<16xi32>
        %mul3A_159 = arith.constant 64 : i32
        %mul3A_160 = vector.broadcast %mul3A_159 : i32 to vector<16xi32>
        %mul3A_161 = arith.muli %convert_element_type3A_158, %mul3A_160 : vector<16xi32>
        %add3A_162 = arith.addi %mul3A_161, %add3A_73 : vector<16xi32>
        %mul3A_163 = vector.broadcast %squeeze3A_140 : f32 to vector<16xf32>
        %mul3A_164 = arith.mulf %mul3A_163, %mul3A_30 : vector<16xf32>
        %mul3A_165 = vector.broadcast %squeeze3A_142 : f32 to vector<16xf32>
        %mul3A_166 = arith.mulf %mul3A_165, %mul3A_35 : vector<16xf32>
        %mul3A_167 = vector.broadcast %squeeze3A_144 : f32 to vector<16xf32>
        %mul3A_168 = arith.mulf %mul3A_167, %mul3A_40 : vector<16xf32>
        %add3A_169 = arith.addf %mul3A_168, %broadcast_in_dim3A_11 : vector<16xf32>
        %add3A_170 = arith.addf %mul3A_166, %add3A_169 : vector<16xf32>
        %add3A_171 = arith.addf %mul3A_164, %add3A_170 : vector<16xf32>
        %max3A_172 = arith.constant 0.000000e+00 : f32
        %max3A_173 = vector.broadcast %max3A_172 : f32 to vector<16xf32>
        %max3A_174 = arith.maximumf %add3A_171, %max3A_173 : vector<16xf32>
        %min3A_175 = arith.constant 1.270000e+02 : f32
        %min3A_176 = vector.broadcast %min3A_175 : f32 to vector<16xf32>
        %min3A_177 = arith.minimumf %max3A_174, %min3A_176 : vector<16xf32>
        %convert_element_type3A_178 = arith.fptosi %min3A_177 : vector<16xf32> to vector<16xi32>
        %mul3A_179 = arith.constant 64 : i32
        %mul3A_180 = vector.broadcast %mul3A_179 : i32 to vector<16xi32>
        %mul3A_181 = arith.muli %convert_element_type3A_178, %mul3A_180 : vector<16xi32>
        %add3A_182 = arith.addi %mul3A_181, %add3A_76 : vector<16xi32>
        %mul3A_183 = vector.broadcast %squeeze3A_140 : f32 to vector<16xf32>
        %mul3A_184 = arith.mulf %mul3A_183, %mul3A_45 : vector<16xf32>
        %mul3A_185 = vector.broadcast %squeeze3A_142 : f32 to vector<16xf32>
        %mul3A_186 = arith.mulf %mul3A_185, %mul3A_50 : vector<16xf32>
        %mul3A_187 = vector.broadcast %squeeze3A_144 : f32 to vector<16xf32>
        %mul3A_188 = arith.mulf %mul3A_187, %mul3A_55 : vector<16xf32>
        %add3A_189 = arith.addf %mul3A_188, %broadcast_in_dim3A_11 : vector<16xf32>
        %add3A_190 = arith.addf %mul3A_186, %add3A_189 : vector<16xf32>
        %add3A_191 = arith.addf %mul3A_184, %add3A_190 : vector<16xf32>
        %max3A_192 = arith.constant 0.000000e+00 : f32
        %max3A_193 = vector.broadcast %max3A_192 : f32 to vector<16xf32>
        %max3A_194 = arith.maximumf %add3A_191, %max3A_193 : vector<16xf32>
        %min3A_195 = arith.constant 1.270000e+02 : f32
        %min3A_196 = vector.broadcast %min3A_195 : f32 to vector<16xf32>
        %min3A_197 = arith.minimumf %max3A_194, %min3A_196 : vector<16xf32>
        %convert_element_type3A_198 = arith.fptosi %min3A_197 : vector<16xf32> to vector<16xi32>
        %mul3A_199 = arith.constant 64 : i32
        %mul3A_200 = vector.broadcast %mul3A_199 : i32 to vector<16xi32>
        %mul3A_201 = arith.muli %convert_element_type3A_198, %mul3A_200 : vector<16xi32>
        %add3A_202 = arith.addi %mul3A_201, %add3A_79 : vector<16xi32>
        %mul3A_203 = vector.broadcast %squeeze3A_140 : f32 to vector<16xf32>
        %mul3A_204 = arith.mulf %mul3A_203, %mul3A_60 : vector<16xf32>
        %mul3A_205 = vector.broadcast %squeeze3A_142 : f32 to vector<16xf32>
        %mul3A_206 = arith.mulf %mul3A_205, %mul3A_65 : vector<16xf32>
        %mul3A_207 = vector.broadcast %squeeze3A_144 : f32 to vector<16xf32>
        %mul3A_208 = arith.mulf %mul3A_207, %mul3A_70 : vector<16xf32>
        %add3A_209 = arith.addf %mul3A_208, %broadcast_in_dim3A_11 : vector<16xf32>
        %add3A_210 = arith.addf %mul3A_206, %add3A_209 : vector<16xf32>
        %add3A_211 = arith.addf %mul3A_204, %add3A_210 : vector<16xf32>
        %max3A_212 = arith.constant 0.000000e+00 : f32
        %max3A_213 = vector.broadcast %max3A_212 : f32 to vector<16xf32>
        %max3A_214 = arith.maximumf %add3A_211, %max3A_213 : vector<16xf32>
        %min3A_215 = arith.constant 1.270000e+02 : f32
        %min3A_216 = vector.broadcast %min3A_215 : f32 to vector<16xf32>
        %min3A_217 = arith.minimumf %max3A_214, %min3A_216 : vector<16xf32>
        %convert_element_type3A_218 = arith.fptosi %min3A_217 : vector<16xf32> to vector<16xi32>
        %mul3A_219 = arith.constant 64 : i32
        %mul3A_220 = vector.broadcast %mul3A_219 : i32 to vector<16xi32>
        %mul3A_221 = arith.muli %convert_element_type3A_218, %mul3A_220 : vector<16xi32>
        %add3A_222 = arith.addi %mul3A_221, %add3A_82 : vector<16xi32>
        tpu.vector_store_idx %arg14[%add3A_162], %broadcast_in_dim3A_5 {add = true} : memref<8192xf32, #tpu.memory_space<vmem>>[vector<16xi32>], vector<16xf32>,
        tpu.vector_store_idx %arg14[%add3A_182], %broadcast_in_dim3A_5 {add = true} : memref<8192xf32, #tpu.memory_space<vmem>>[vector<16xi32>], vector<16xf32>,
        tpu.vector_store_idx %arg14[%add3A_202], %broadcast_in_dim3A_5 {add = true} : memref<8192xf32, #tpu.memory_space<vmem>>[vector<16xi32>], vector<16xf32>,
        tpu.vector_store_idx %arg14[%add3A_222], %broadcast_in_dim3A_5 {add = true} : memref<8192xf32, #tpu.memory_space<vmem>>[vector<16xi32>], vector<16xf32>,
        %slice3A_223 = vector.extract_strided_slice %get3A_118 {offsets = [1], sizes = [1], strides = [1]} : vector<16xi32> to vector<1xi32>
        %squeeze3A_224 = vector.extract %slice3A_223[0] : i32 from vector<1xi32>
        %ne3A_225 = arith.cmpi ne, %squeeze3A_224, %cond3A_138#0 : i32
        %convert_element_type3A_226 = arith.extui %ne3A_225 : i1 to i32
        %cond3A_227 = arith.constant 0 : i32
        %cond3A_228 = arith.cmpi ne, %convert_element_type3A_226, %cond3A_227 : i32
        %cond3A_229:2 = scf.if %cond3A_228 -> (i32, i32) {
          "tpu.region"() ({
            %run_scoped3A = tpu.sem_alloc : memref<!tpu.dma_semaphore, #tpu.memory_space<semaphore_mem>>
            %dma_start3A = arith.constant 0 : i32
            %dma_start3A_1628 = tpu.memref_slice %arg7[%add3A, %cond3A_138#1, %dma_start3A] : memref<32x64x8192xf32, #tpu.memory_space<hbm>> -> memref<1x1x8192xf32, #tpu.memory_space<hbm>>
            %dma_start3A_1629 = tpu.memref_squeeze %dma_start3A_1628 : memref<1x1x8192xf32, #tpu.memory_space<hbm>> -> memref<8192xf32, #tpu.memory_space<hbm>>
            %dma_start3A_1630 = arith.constant 0 : i32
            %dma_start3A_1631 = tpu.memref_slice %arg7[%add3A, %cond3A_138#1, %dma_start3A_1630] : memref<32x64x8192xf32, #tpu.memory_space<hbm>> -> memref<1x1x8192xf32, #tpu.memory_space<hbm>>
            %dma_start3A_1632 = tpu.memref_squeeze %dma_start3A_1631 : memref<1x1x8192xf32, #tpu.memory_space<hbm>> -> memref<8192xf32, #tpu.memory_space<hbm>>
            tpu.enqueue_dma source(%arg14 : memref<8192xf32, #tpu.memory_space<vmem>>) target(%dma_start3A_1632 : memref<8192xf32, #tpu.memory_space<hbm>>) target_semaphore(%run_scoped3A : memref<!tpu.dma_semaphore, #tpu.memory_space<semaphore_mem>>)
            %dma_wait3A = arith.constant 0 : i32
            %dma_wait3A_1633 = tpu.memref_slice %arg7[%add3A, %cond3A_138#1, %dma_wait3A] : memref<32x64x8192xf32, #tpu.memory_space<hbm>> -> memref<1x1x8192xf32, #tpu.memory_space<hbm>>
            %dma_wait3A_1634 = tpu.memref_squeeze %dma_wait3A_1633 : memref<1x1x8192xf32, #tpu.memory_space<hbm>> -> memref<8192xf32, #tpu.memory_space<hbm>>
            %dma_wait3A_1635 = arith.constant 0 : i32
            %dma_wait3A_1636 = tpu.memref_slice %arg7[%add3A, %cond3A_138#1, %dma_wait3A_1635] : memref<32x64x8192xf32, #tpu.memory_space<hbm>> -> memref<1x1x8192xf32, #tpu.memory_space<hbm>>
            %dma_wait3A_1637 = tpu.memref_squeeze %dma_wait3A_1636 : memref<1x1x8192xf32, #tpu.memory_space<hbm>> -> memref<8192xf32, #tpu.memory_space<hbm>>
            tpu.wait_dma2 semaphore(%run_scoped3A : memref<!tpu.dma_semaphore, #tpu.memory_space<semaphore_mem>>) src(%arg14 : memref<8192xf32, #tpu.memory_space<vmem>>) dst(%dma_wait3A_1637 : memref<8192xf32, #tpu.memory_space<hbm>>)
            tpu.yield
          }) : () -> ()
          %broadcast_in_dim3A_1618 = vector.broadcast %cond3A_138#1 : i32 to vector<16xi32>
          %broadcast_in_dim3A_1619 = vector.broadcast %cond3A_138#0 : i32 to vector<16xi32>
          tpu.vector_store_idx %arg15[%broadcast_in_dim3A_1618], %broadcast_in_dim3A_1619 masked %eq3A_9 : memref<64xi32, #tpu.memory_space<vmem>>[vector<16xi32>], vector<16xi32>, vector<16xi1>
          %scan3A_1620 = arith.constant 0 : i32
          %scan3A_1621 = arith.constant 0 : i32
          %scan3A_1622 = arith.constant 512 : i32
          %scan3A_1623 = arith.addi %scan3A_1621, %scan3A_1622 : i32
          %scan3A_1624 = arith.constant 8 : i32
          scf.for %scan3A_1628 = %scan3A_1621 to %scan3A_1623 step %scan3A_1624  : i32 {
            %mul3A_1629 = arith.constant 16 : i32
            %mul3A_1630 = arith.muli %scan3A_1628, %mul3A_1629 : i32
            %swap3A_1631 = arith.index_cast %mul3A_1630 : i32 to index
            %swap3A_1632 = tpu.vector_load %arg14[%swap3A_1631] {strides = array<i32>} : memref<8192xf32, #tpu.memory_space<vmem>>, vector<16xf32>,
            tpu.vector_store %arg14[%swap3A_1631], %broadcast_in_dim3A_3 {strides = array<i32>} : memref<8192xf32, #tpu.memory_space<vmem>>, vector<16xf32>,
            %scan3A_1633 = arith.constant 1 : i32
            %scan3A_1634 = arith.addi %scan3A_1628, %scan3A_1633 : i32
            %mul3A_1635 = arith.constant 16 : i32
            %mul3A_1636 = arith.muli %scan3A_1634, %mul3A_1635 : i32
            %swap3A_1637 = arith.index_cast %mul3A_1636 : i32 to index
            %swap3A_1638 = tpu.vector_load %arg14[%swap3A_1637] {strides = array<i32>} : memref<8192xf32, #tpu.memory_space<vmem>>, vector<16xf32>,
            tpu.vector_store %arg14[%swap3A_1637], %broadcast_in_dim3A_3 {strides = array<i32>} : memref<8192xf32, #tpu.memory_space<vmem>>, vector<16xf32>,
            %scan3A_1639 = arith.constant 2 : i32
            %scan3A_1640 = arith.addi %scan3A_1628, %scan3A_1639 : i32
            %mul3A_1641 = arith.constant 16 : i32
            %mul3A_1642 = arith.muli %scan3A_1640, %mul3A_1641 : i32
            %swap3A_1643 = arith.index_cast %mul3A_1642 : i32 to index
            %swap3A_1644 = tpu.vector_load %arg14[%swap3A_1643] {strides = array<i32>} : memref<8192xf32, #tpu.memory_space<vmem>>, vector<16xf32>,
            tpu.vector_store %arg14[%swap3A_1643], %broadcast_in_dim3A_3 {strides = array<i32>} : memref<8192xf32, #tpu.memory_space<vmem>>, vector<16xf32>,
            %scan3A_1645 = arith.constant 3 : i32
            %scan3A_1646 = arith.addi %scan3A_1628, %scan3A_1645 : i32
            %mul3A_1647 = arith.constant 16 : i32
            %mul3A_1648 = arith.muli %scan3A_1646, %mul3A_1647 : i32
            %swap3A_1649 = arith.index_cast %mul3A_1648 : i32 to index
            %swap3A_1650 = tpu.vector_load %arg14[%swap3A_1649] {strides = array<i32>} : memref<8192xf32, #tpu.memory_space<vmem>>, vector<16xf32>,
            tpu.vector_store %arg14[%swap3A_1649], %broadcast_in_dim3A_3 {strides = array<i32>} : memref<8192xf32, #tpu.memory_space<vmem>>, vector<16xf32>,
            %scan3A_1651 = arith.constant 4 : i32
            %scan3A_1652 = arith.addi %scan3A_1628, %scan3A_1651 : i32
            %mul3A_1653 = arith.constant 16 : i32
            %mul3A_1654 = arith.muli %scan3A_1652, %mul3A_1653 : i32
            %swap3A_1655 = arith.index_cast %mul3A_1654 : i32 to index
            %swap3A_1656 = tpu.vector_load %arg14[%swap3A_1655] {strides = array<i32>} : memref<8192xf32, #tpu.memory_space<vmem>>, vector<16xf32>,
            tpu.vector_store %arg14[%swap3A_1655], %broadcast_in_dim3A_3 {strides = array<i32>} : memref<8192xf32, #tpu.memory_space<vmem>>, vector<16xf32>,
            %scan3A_1657 = arith.constant 5 : i32
            %scan3A_1658 = arith.addi %scan3A_1628, %scan3A_1657 : i32
            %mul3A_1659 = arith.constant 16 : i32
            %mul3A_1660 = arith.muli %scan3A_1658, %mul3A_1659 : i32
            %swap3A_1661 = arith.index_cast %mul3A_1660 : i32 to index
            %swap3A_1662 = tpu.vector_load %arg14[%swap3A_1661] {strides = array<i32>} : memref<8192xf32, #tpu.memory_space<vmem>>, vector<16xf32>,
            tpu.vector_store %arg14[%swap3A_1661], %broadcast_in_dim3A_3 {strides = array<i32>} : memref<8192xf32, #tpu.memory_space<vmem>>, vector<16xf32>,
            %scan3A_1663 = arith.constant 6 : i32
            %scan3A_1664 = arith.addi %scan3A_1628, %scan3A_1663 : i32
            %mul3A_1665 = arith.constant 16 : i32
            %mul3A_1666 = arith.muli %scan3A_1664, %mul3A_1665 : i32
            %swap3A_1667 = arith.index_cast %mul3A_1666 : i32 to index
            %swap3A_1668 = tpu.vector_load %arg14[%swap3A_1667] {strides = array<i32>} : memref<8192xf32, #tpu.memory_space<vmem>>, vector<16xf32>,
            tpu.vector_store %arg14[%swap3A_1667], %broadcast_in_dim3A_3 {strides = array<i32>} : memref<8192xf32, #tpu.memory_space<vmem>>, vector<16xf32>,
            %scan3A_1669 = arith.constant 7 : i32
            %scan3A_1670 = arith.addi %scan3A_1628, %scan3A_1669 : i32
            %mul3A_1671 = arith.constant 16 : i32
            %mul3A_1672 = arith.muli %scan3A_1670, %mul3A_1671 : i32
            %swap3A_1673 = arith.index_cast %mul3A_1672 : i32 to index
            %swap3A_1674 = tpu.vector_load %arg14[%swap3A_1673] {strides = array<i32>} : memref<8192xf32, #tpu.memory_space<vmem>>, vector<16xf32>,
            tpu.vector_store %arg14[%swap3A_1673], %broadcast_in_dim3A_3 {strides = array<i32>} : memref<8192xf32, #tpu.memory_space<vmem>>, vector<16xf32>,
          }
          %scan3A_1625 = arith.constant 512 : i32
          %add3A_1626 = arith.constant 1 : i32
          %add3A_1627 = arith.addi %cond3A_138#1, %add3A_1626 : i32
          scf.yield %squeeze3A_224, %add3A_1627 : i32, i32
        } else {
          scf.yield %cond3A_138#0, %cond3A_138#1 : i32, i32
        }
        %slice3A_230 = vector.extract_strided_slice %get3A_128 {offsets = [1], sizes = [1], strides = [1]} : vector<16xf32> to vector<1xf32>
        %squeeze3A_231 = vector.extract %slice3A_230[0] : f32 from vector<1xf32>
        %slice3A_232 = vector.extract_strided_slice %get3A_130 {offsets = [1], sizes = [1], strides = [1]} : vector<16xf32> to vector<1xf32>
        %squeeze3A_233 = vector.extract %slice3A_232[0] : f32 from vector<1xf32>
        %slice3A_234 = vector.extract_strided_slice %get3A_132 {offsets = [1], sizes = [1], strides = [1]} : vector<16xf32> to vector<1xf32>
        %squeeze3A_235 = vector.extract %slice3A_234[0] : f32 from vector<1xf32>
        %mul3A_236 = vector.broadcast %squeeze3A_231 : f32 to vector<16xf32>
        %mul3A_237 = arith.mulf %mul3A_236, %mul3A_15 : vector<16xf32>
        %mul3A_238 = vector.broadcast %squeeze3A_233 : f32 to vector<16xf32>
        %mul3A_239 = arith.mulf %mul3A_238, %mul3A_20 : vector<16xf32>
        %mul3A_240 = vector.broadcast %squeeze3A_235 : f32 to vector<16xf32>
        %mul3A_241 = arith.mulf %mul3A_240, %mul3A_25 : vector<16xf32>
        %add3A_242 = arith.addf %mul3A_241, %broadcast_in_dim3A_11 : vector<16xf32>
        %add3A_243 = arith.addf %mul3A_239, %add3A_242 : vector<16xf32>
        %add3A_244 = arith.addf %mul3A_237, %add3A_243 : vector<16xf32>
        %max3A_245 = arith.constant 0.000000e+00 : f32
        %max3A_246 = vector.broadcast %max3A_245 : f32 to vector<16xf32>
        %max3A_247 = arith.maximumf %add3A_244, %max3A_246 : vector<16xf32>
        %min3A_248 = arith.constant 1.270000e+02 : f32
        %min3A_249 = vector.broadcast %min3A_248 : f32 to vector<16xf32>
        %min3A_250 = arith.minimumf %max3A_247, %min3A_249 : vector<16xf32>
        %convert_element_type3A_251 = arith.fptosi %min3A_250 : vector<16xf32> to vector<16xi32>
        %mul3A_252 = arith.constant 64 : i32
        %mul3A_253 = vector.broadcast %mul3A_252 : i32 to vector<16xi32>
        %mul3A_254 = arith.muli %convert_element_type3A_251, %mul3A_253 : vector<16xi32>
        %add3A_255 = arith.addi %mul3A_254, %add3A_73 : vector<16xi32>
        %mul3A_256 = vector.broadcast %squeeze3A_231 : f32 to vector<16xf32>
        %mul3A_257 = arith.mulf %mul3A_256, %mul3A_30 : vector<16xf32>
        %mul3A_258 = vector.broadcast %squeeze3A_233 : f32 to vector<16xf32>
        %mul3A_259 = arith.mulf %mul3A_258, %mul3A_35 : vector<16xf32>
        %mul3A_260 = vector.broadcast %squeeze3A_235 : f32 to vector<16xf32>
        %mul3A_261 = arith.mulf %mul3A_260, %mul3A_40 : vector<16xf32>
        %add3A_262 = arith.addf %mul3A_261, %broadcast_in_dim3A_11 : vector<16xf32>
        %add3A_263 = arith.addf %mul3A_259, %add3A_262 : vector<16xf32>
        %add3A_264 = arith.addf %mul3A_257, %add3A_263 : vector<16xf32>
        %max3A_265 = arith.constant 0.000000e+00 : f32
        %max3A_266 = vector.broadcast %max3A_265 : f32 to vector<16xf32>
        %max3A_267 = arith.maximumf %add3A_264, %max3A_266 : vector<16xf32>
        %min3A_268 = arith.constant 1.270000e+02 : f32
        %min3A_269 = vector.broadcast %min3A_268 : f32 to vector<16xf32>
        %min3A_270 = arith.minimumf %max3A_267, %min3A_269 : vector<16xf32>
        %convert_element_type3A_271 = arith.fptosi %min3A_270 : vector<16xf32> to vector<16xi32>
        %mul3A_272 = arith.constant 64 : i32
        %mul3A_273 = vector.broadcast %mul3A_272 : i32 to vector<16xi32>
        %mul3A_274 = arith.muli %convert_element_type3A_271, %mul3A_273 : vector<16xi32>
        %add3A_275 = arith.addi %mul3A_274, %add3A_76 : vector<16xi32>
        %mul3A_276 = vector.broadcast %squeeze3A_231 : f32 to vector<16xf32>
        %mul3A_277 = arith.mulf %mul3A_276, %mul3A_45 : vector<16xf32>
        %mul3A_278 = vector.broadcast %squeeze3A_233 : f32 to vector<16xf32>
        %mul3A_279 = arith.mulf %mul3A_278, %mul3A_50 : vector<16xf32>
        %mul3A_280 = vector.broadcast %squeeze3A_235 : f32 to vector<16xf32>
        %mul3A_281 = arith.mulf %mul3A_280, %mul3A_55 : vector<16xf32>
        %add3A_282 = arith.addf %mul3A_281, %broadcast_in_dim3A_11 : vector<16xf32>
        %add3A_283 = arith.addf %mul3A_279, %add3A_282 : vector<16xf32>
        %add3A_284 = arith.addf %mul3A_277, %add3A_283 : vector<16xf32>
        %max3A_285 = arith.constant 0.000000e+00 : f32
        %max3A_286 = vector.broadcast %max3A_285 : f32 to vector<16xf32>
        %max3A_287 = arith.maximumf %add3A_284, %max3A_286 : vector<16xf32>
        %min3A_288 = arith.constant 1.270000e+02 : f32
        %min3A_289 = vector.broadcast %min3A_288 : f32 to vector<16xf32>
        %min3A_290 = arith.minimumf %max3A_287, %min3A_289 : vector<16xf32>
        %convert_element_type3A_291 = arith.fptosi %min3A_290 : vector<16xf32> to vector<16xi32>
        %mul3A_292 = arith.constant 64 : i32
        %mul3A_293 = vector.broadcast %mul3A_292 : i32 to vector<16xi32>
        %mul3A_294 = arith.muli %convert_element_type3A_291, %mul3A_293 : vector<16xi32>
        %add3A_295 = arith.addi %mul3A_294, %add3A_79 : vector<16xi32>
        %mul3A_296 = vector.broadcast %squeeze3A_231 : f32 to vector<16xf32>
        %mul3A_297 = arith.mulf %mul3A_296, %mul3A_60 : vector<16xf32>
        %mul3A_298 = vector.broadcast %squeeze3A_233 : f32 to vector<16xf32>
        %mul3A_299 = arith.mulf %mul3A_298, %mul3A_65 : vector<16xf32>
        %mul3A_300 = vector.broadcast %squeeze3A_235 : f32 to vector<16xf32>
        %mul3A_301 = arith.mulf %mul3A_300, %mul3A_70 : vector<16xf32>
        %add3A_302 = arith.addf %mul3A_301, %broadcast_in_dim3A_11 : vector<16xf32>
        %add3A_303 = arith.addf %mul3A_299, %add3A_302 : vector<16xf32>
        %add3A_304 = arith.addf %mul3A_297, %add3A_303 : vector<16xf32>
        %max3A_305 = arith.constant 0.000000e+00 : f32
        %max3A_306 = vector.broadcast %max3A_305 : f32 to vector<16xf32>
        %max3A_307 = arith.maximumf %add3A_304, %max3A_306 : vector<16xf32>
        %min3A_308 = arith.constant 1.270000e+02 : f32
        %min3A_309 = vector.broadcast %min3A_308 : f32 to vector<16xf32>
        %min3A_310 = arith.minimumf %max3A_307, %min3A_309 : vector<16xf32>
        %convert_element_type3A_311 = arith.fptosi %min3A_310 : vector<16xf32> to vector<16xi32>
        %mul3A_312 = arith.constant 64 : i32
        %mul3A_313 = vector.broadcast %mul3A_312 : i32 to vector<16xi32>
        %mul3A_314 = arith.muli %convert_element_type3A_311, %mul3A_313 : vector<16xi32>
        %add3A_315 = arith.addi %mul3A_314, %add3A_82 : vector<16xi32>
        tpu.vector_store_idx %arg14[%add3A_255], %broadcast_in_dim3A_5 {add = true} : memref<8192xf32, #tpu.memory_space<vmem>>[vector<16xi32>], vector<16xf32>,
        tpu.vector_store_idx %arg14[%add3A_275], %broadcast_in_dim3A_5 {add = true} : memref<8192xf32, #tpu.memory_space<vmem>>[vector<16xi32>], vector<16xf32>,
        tpu.vector_store_idx %arg14[%add3A_295], %broadcast_in_dim3A_5 {add = true} : memref<8192xf32, #tpu.memory_space<vmem>>[vector<16xi32>], vector<16xf32>,
        tpu.vector_store_idx %arg14[%add3A_315], %broadcast_in_dim3A_5 {add = true} : memref<8192xf32, #tpu.memory_space<vmem>>[vector<16xi32>], vector<16xf32>,
        %slice3A_316 = vector.extract_strided_slice %get3A_118 {offsets = [2], sizes = [1], strides = [1]} : vector<16xi32> to vector<1xi32>
        %squeeze3A_317 = vector.extract %slice3A_316[0] : i32 from vector<1xi32>
        %ne3A_318 = arith.cmpi ne, %squeeze3A_317, %cond3A_229#0 : i32
        %convert_element_type3A_319 = arith.extui %ne3A_318 : i1 to i32
        %cond3A_320 = arith.constant 0 : i32
        %cond3A_321 = arith.cmpi ne, %convert_element_type3A_319, %cond3A_320 : i32
        %cond3A_322:2 = scf.if %cond3A_321 -> (i32, i32) {
          "tpu.region"() ({
            %run_scoped3A = tpu.sem_alloc : memref<!tpu.dma_semaphore, #tpu.memory_space<semaphore_mem>>
            %dma_start3A = arith.constant 0 : i32
            %dma_start3A_1628 = tpu.memref_slice %arg7[%add3A, %cond3A_229#1, %dma_start3A] : memref<32x64x8192xf32, #tpu.memory_space<hbm>> -> memref<1x1x8192xf32, #tpu.memory_space<hbm>>
            %dma_start3A_1629 = tpu.memref_squeeze %dma_start3A_1628 : memref<1x1x8192xf32, #tpu.memory_space<hbm>> -> memref<8192xf32, #tpu.memory_space<hbm>>
            %dma_start3A_1630 = arith.constant 0 : i32
            %dma_start3A_1631 = tpu.memref_slice %arg7[%add3A, %cond3A_229#1, %dma_start3A_1630] : memref<32x64x8192xf32, #tpu.memory_space<hbm>> -> memref<1x1x8192xf32, #tpu.memory_space<hbm>>
            %dma_start3A_1632 = tpu.memref_squeeze %dma_start3A_1631 : memref<1x1x8192xf32, #tpu.memory_space<hbm>> -> memref<8192xf32, #tpu.memory_space<hbm>>
            tpu.enqueue_dma source(%arg14 : memref<8192xf32, #tpu.memory_space<vmem>>) target(%dma_start3A_1632 : memref<8192xf32, #tpu.memory_space<hbm>>) target_semaphore(%run_scoped3A : memref<!tpu.dma_semaphore, #tpu.memory_space<semaphore_mem>>)
            %dma_wait3A = arith.constant 0 : i32
            %dma_wait3A_1633 = tpu.memref_slice %arg7[%add3A, %cond3A_229#1, %dma_wait3A] : memref<32x64x8192xf32, #tpu.memory_space<hbm>> -> memref<1x1x8192xf32, #tpu.memory_space<hbm>>
            %dma_wait3A_1634 = tpu.memref_squeeze %dma_wait3A_1633 : memref<1x1x8192xf32, #tpu.memory_space<hbm>> -> memref<8192xf32, #tpu.memory_space<hbm>>
            %dma_wait3A_1635 = arith.constant 0 : i32
            %dma_wait3A_1636 = tpu.memref_slice %arg7[%add3A, %cond3A_229#1, %dma_wait3A_1635] : memref<32x64x8192xf32, #tpu.memory_space<hbm>> -> memref<1x1x8192xf32, #tpu.memory_space<hbm>>
            %dma_wait3A_1637 = tpu.memref_squeeze %dma_wait3A_1636 : memref<1x1x8192xf32, #tpu.memory_space<hbm>> -> memref<8192xf32, #tpu.memory_space<hbm>>
            tpu.wait_dma2 semaphore(%run_scoped3A : memref<!tpu.dma_semaphore, #tpu.memory_space<semaphore_mem>>) src(%arg14 : memref<8192xf32, #tpu.memory_space<vmem>>) dst(%dma_wait3A_1637 : memref<8192xf32, #tpu.memory_space<hbm>>)
            tpu.yield
          }) : () -> ()
          %broadcast_in_dim3A_1618 = vector.broadcast %cond3A_229#1 : i32 to vector<16xi32>
          %broadcast_in_dim3A_1619 = vector.broadcast %cond3A_229#0 : i32 to vector<16xi32>
          tpu.vector_store_idx %arg15[%broadcast_in_dim3A_1618], %broadcast_in_dim3A_1619 masked %eq3A_9 : memref<64xi32, #tpu.memory_space<vmem>>[vector<16xi32>], vector<16xi32>, vector<16xi1>
          %scan3A_1620 = arith.constant 0 : i32
          %scan3A_1621 = arith.constant 0 : i32
          %scan3A_1622 = arith.constant 512 : i32
          %scan3A_1623 = arith.addi %scan3A_1621, %scan3A_1622 : i32
          %scan3A_1624 = arith.constant 8 : i32
          scf.for %scan3A_1628 = %scan3A_1621 to %scan3A_1623 step %scan3A_1624  : i32 {
            %mul3A_1629 = arith.constant 16 : i32
            %mul3A_1630 = arith.muli %scan3A_1628, %mul3A_1629 : i32
            %swap3A_1631 = arith.index_cast %mul3A_1630 : i32 to index
            %swap3A_1632 = tpu.vector_load %arg14[%swap3A_1631] {strides = array<i32>} : memref<8192xf32, #tpu.memory_space<vmem>>, vector<16xf32>,
            tpu.vector_store %arg14[%swap3A_1631], %broadcast_in_dim3A_3 {strides = array<i32>} : memref<8192xf32, #tpu.memory_space<vmem>>, vector<16xf32>,
            %scan3A_1633 = arith.constant 1 : i32
            %scan3A_1634 = arith.addi %scan3A_1628, %scan3A_1633 : i32
            %mul3A_1635 = arith.constant 16 : i32
            %mul3A_1636 = arith.muli %scan3A_1634, %mul3A_1635 : i32
            %swap3A_1637 = arith.index_cast %mul3A_1636 : i32 to index
            %swap3A_1638 = tpu.vector_load %arg14[%swap3A_1637] {strides = array<i32>} : memref<8192xf32, #tpu.memory_space<vmem>>, vector<16xf32>,
            tpu.vector_store %arg14[%swap3A_1637], %broadcast_in_dim3A_3 {strides = array<i32>} : memref<8192xf32, #tpu.memory_space<vmem>>, vector<16xf32>,
            %scan3A_1639 = arith.constant 2 : i32
            %scan3A_1640 = arith.addi %scan3A_1628, %scan3A_1639 : i32
            %mul3A_1641 = arith.constant 16 : i32
            %mul3A_1642 = arith.muli %scan3A_1640, %mul3A_1641 : i32
            %swap3A_1643 = arith.index_cast %mul3A_1642 : i32 to index
            %swap3A_1644 = tpu.vector_load %arg14[%swap3A_1643] {strides = array<i32>} : memref<8192xf32, #tpu.memory_space<vmem>>, vector<16xf32>,
            tpu.vector_store %arg14[%swap3A_1643], %broadcast_in_dim3A_3 {strides = array<i32>} : memref<8192xf32, #tpu.memory_space<vmem>>, vector<16xf32>,
            %scan3A_1645 = arith.constant 3 : i32
            %scan3A_1646 = arith.addi %scan3A_1628, %scan3A_1645 : i32
            %mul3A_1647 = arith.constant 16 : i32
            %mul3A_1648 = arith.muli %scan3A_1646, %mul3A_1647 : i32
            %swap3A_1649 = arith.index_cast %mul3A_1648 : i32 to index
            %swap3A_1650 = tpu.vector_load %arg14[%swap3A_1649] {strides = array<i32>} : memref<8192xf32, #tpu.memory_space<vmem>>, vector<16xf32>,
            tpu.vector_store %arg14[%swap3A_1649], %broadcast_in_dim3A_3 {strides = array<i32>} : memref<8192xf32, #tpu.memory_space<vmem>>, vector<16xf32>,
            %scan3A_1651 = arith.constant 4 : i32
            %scan3A_1652 = arith.addi %scan3A_1628, %scan3A_1651 : i32
            %mul3A_1653 = arith.constant 16 : i32
            %mul3A_1654 = arith.muli %scan3A_1652, %mul3A_1653 : i32
            %swap3A_1655 = arith.index_cast %mul3A_1654 : i32 to index
            %swap3A_1656 = tpu.vector_load %arg14[%swap3A_1655] {strides = array<i32>} : memref<8192xf32, #tpu.memory_space<vmem>>, vector<16xf32>,
            tpu.vector_store %arg14[%swap3A_1655], %broadcast_in_dim3A_3 {strides = array<i32>} : memref<8192xf32, #tpu.memory_space<vmem>>, vector<16xf32>,
            %scan3A_1657 = arith.constant 5 : i32
            %scan3A_1658 = arith.addi %scan3A_1628, %scan3A_1657 : i32
            %mul3A_1659 = arith.constant 16 : i32
            %mul3A_1660 = arith.muli %scan3A_1658, %mul3A_1659 : i32
            %swap3A_1661 = arith.index_cast %mul3A_1660 : i32 to index
            %swap3A_1662 = tpu.vector_load %arg14[%swap3A_1661] {strides = array<i32>} : memref<8192xf32, #tpu.memory_space<vmem>>, vector<16xf32>,
            tpu.vector_store %arg14[%swap3A_1661], %broadcast_in_dim3A_3 {strides = array<i32>} : memref<8192xf32, #tpu.memory_space<vmem>>, vector<16xf32>,
            %scan3A_1663 = arith.constant 6 : i32
            %scan3A_1664 = arith.addi %scan3A_1628, %scan3A_1663 : i32
            %mul3A_1665 = arith.constant 16 : i32
            %mul3A_1666 = arith.muli %scan3A_1664, %mul3A_1665 : i32
            %swap3A_1667 = arith.index_cast %mul3A_1666 : i32 to index
            %swap3A_1668 = tpu.vector_load %arg14[%swap3A_1667] {strides = array<i32>} : memref<8192xf32, #tpu.memory_space<vmem>>, vector<16xf32>,
            tpu.vector_store %arg14[%swap3A_1667], %broadcast_in_dim3A_3 {strides = array<i32>} : memref<8192xf32, #tpu.memory_space<vmem>>, vector<16xf32>,
            %scan3A_1669 = arith.constant 7 : i32
            %scan3A_1670 = arith.addi %scan3A_1628, %scan3A_1669 : i32
            %mul3A_1671 = arith.constant 16 : i32
            %mul3A_1672 = arith.muli %scan3A_1670, %mul3A_1671 : i32
            %swap3A_1673 = arith.index_cast %mul3A_1672 : i32 to index
            %swap3A_1674 = tpu.vector_load %arg14[%swap3A_1673] {strides = array<i32>} : memref<8192xf32, #tpu.memory_space<vmem>>, vector<16xf32>,
            tpu.vector_store %arg14[%swap3A_1673], %broadcast_in_dim3A_3 {strides = array<i32>} : memref<8192xf32, #tpu.memory_space<vmem>>, vector<16xf32>,
          }
          %scan3A_1625 = arith.constant 512 : i32
          %add3A_1626 = arith.constant 1 : i32
          %add3A_1627 = arith.addi %cond3A_229#1, %add3A_1626 : i32
          scf.yield %squeeze3A_317, %add3A_1627 : i32, i32
        } else {
          scf.yield %cond3A_229#0, %cond3A_229#1 : i32, i32
        }
        %slice3A_323 = vector.extract_strided_slice %get3A_128 {offsets = [2], sizes = [1], strides = [1]} : vector<16xf32> to vector<1xf32>
        %squeeze3A_324 = vector.extract %slice3A_323[0] : f32 from vector<1xf32>
        %slice3A_325 = vector.extract_strided_slice %get3A_130 {offsets = [2], sizes = [1], strides = [1]} : vector<16xf32> to vector<1xf32>
        %squeeze3A_326 = vector.extract %slice3A_325[0] : f32 from vector<1xf32>
        %slice3A_327 = vector.extract_strided_slice %get3A_132 {offsets = [2], sizes = [1], strides = [1]} : vector<16xf32> to vector<1xf32>
        %squeeze3A_328 = vector.extract %slice3A_327[0] : f32 from vector<1xf32>
        %mul3A_329 = vector.broadcast %squeeze3A_324 : f32 to vector<16xf32>
        %mul3A_330 = arith.mulf %mul3A_329, %mul3A_15 : vector<16xf32>
        %mul3A_331 = vector.broadcast %squeeze3A_326 : f32 to vector<16xf32>
        %mul3A_332 = arith.mulf %mul3A_331, %mul3A_20 : vector<16xf32>
        %mul3A_333 = vector.broadcast %squeeze3A_328 : f32 to vector<16xf32>
        %mul3A_334 = arith.mulf %mul3A_333, %mul3A_25 : vector<16xf32>
        %add3A_335 = arith.addf %mul3A_334, %broadcast_in_dim3A_11 : vector<16xf32>
        %add3A_336 = arith.addf %mul3A_332, %add3A_335 : vector<16xf32>
        %add3A_337 = arith.addf %mul3A_330, %add3A_336 : vector<16xf32>
        %max3A_338 = arith.constant 0.000000e+00 : f32
        %max3A_339 = vector.broadcast %max3A_338 : f32 to vector<16xf32>
        %max3A_340 = arith.maximumf %add3A_337, %max3A_339 : vector<16xf32>
        %min3A_341 = arith.constant 1.270000e+02 : f32
        %min3A_342 = vector.broadcast %min3A_341 : f32 to vector<16xf32>
        %min3A_343 = arith.minimumf %max3A_340, %min3A_342 : vector<16xf32>
        %convert_element_type3A_344 = arith.fptosi %min3A_343 : vector<16xf32> to vector<16xi32>
        %mul3A_345 = arith.constant 64 : i32
        %mul3A_346 = vector.broadcast %mul3A_345 : i32 to vector<16xi32>
        %mul3A_347 = arith.muli %convert_element_type3A_344, %mul3A_346 : vector<16xi32>
        %add3A_348 = arith.addi %mul3A_347, %add3A_73 : vector<16xi32>
        %mul3A_349 = vector.broadcast %squeeze3A_324 : f32 to vector<16xf32>
        %mul3A_350 = arith.mulf %mul3A_349, %mul3A_30 : vector<16xf32>
        %mul3A_351 = vector.broadcast %squeeze3A_326 : f32 to vector<16xf32>
        %mul3A_352 = arith.mulf %mul3A_351, %mul3A_35 : vector<16xf32>
        %mul3A_353 = vector.broadcast %squeeze3A_328 : f32 to vector<16xf32>
        %mul3A_354 = arith.mulf %mul3A_353, %mul3A_40 : vector<16xf32>
        %add3A_355 = arith.addf %mul3A_354, %broadcast_in_dim3A_11 : vector<16xf32>
        %add3A_356 = arith.addf %mul3A_352, %add3A_355 : vector<16xf32>
        %add3A_357 = arith.addf %mul3A_350, %add3A_356 : vector<16xf32>
        %max3A_358 = arith.constant 0.000000e+00 : f32
        %max3A_359 = vector.broadcast %max3A_358 : f32 to vector<16xf32>
        %max3A_360 = arith.maximumf %add3A_357, %max3A_359 : vector<16xf32>
        %min3A_361 = arith.constant 1.270000e+02 : f32
        %min3A_362 = vector.broadcast %min3A_361 : f32 to vector<16xf32>
        %min3A_363 = arith.minimumf %max3A_360, %min3A_362 : vector<16xf32>
        %convert_element_type3A_364 = arith.fptosi %min3A_363 : vector<16xf32> to vector<16xi32>
        %mul3A_365 = arith.constant 64 : i32
        %mul3A_366 = vector.broadcast %mul3A_365 : i32 to vector<16xi32>
        %mul3A_367 = arith.muli %convert_element_type3A_364, %mul3A_366 : vector<16xi32>
        %add3A_368 = arith.addi %mul3A_367, %add3A_76 : vector<16xi32>
        %mul3A_369 = vector.broadcast %squeeze3A_324 : f32 to vector<16xf32>
        %mul3A_370 = arith.mulf %mul3A_369, %mul3A_45 : vector<16xf32>
        %mul3A_371 = vector.broadcast %squeeze3A_326 : f32 to vector<16xf32>
        %mul3A_372 = arith.mulf %mul3A_371, %mul3A_50 : vector<16xf32>
        %mul3A_373 = vector.broadcast %squeeze3A_328 : f32 to vector<16xf32>
        %mul3A_374 = arith.mulf %mul3A_373, %mul3A_55 : vector<16xf32>
        %add3A_375 = arith.addf %mul3A_374, %broadcast_in_dim3A_11 : vector<16xf32>
        %add3A_376 = arith.addf %mul3A_372, %add3A_375 : vector<16xf32>
        %add3A_377 = arith.addf %mul3A_370, %add3A_376 : vector<16xf32>
        %max3A_378 = arith.constant 0.000000e+00 : f32
        %max3A_379 = vector.broadcast %max3A_378 : f32 to vector<16xf32>
        %max3A_380 = arith.maximumf %add3A_377, %max3A_379 : vector<16xf32>
        %min3A_381 = arith.constant 1.270000e+02 : f32
        %min3A_382 = vector.broadcast %min3A_381 : f32 to vector<16xf32>
        %min3A_383 = arith.minimumf %max3A_380, %min3A_382 : vector<16xf32>
        %convert_element_type3A_384 = arith.fptosi %min3A_383 : vector<16xf32> to vector<16xi32>
        %mul3A_385 = arith.constant 64 : i32
        %mul3A_386 = vector.broadcast %mul3A_385 : i32 to vector<16xi32>
        %mul3A_387 = arith.muli %convert_element_type3A_384, %mul3A_386 : vector<16xi32>
        %add3A_388 = arith.addi %mul3A_387, %add3A_79 : vector<16xi32>
        %mul3A_389 = vector.broadcast %squeeze3A_324 : f32 to vector<16xf32>
        %mul3A_390 = arith.mulf %mul3A_389, %mul3A_60 : vector<16xf32>
        %mul3A_391 = vector.broadcast %squeeze3A_326 : f32 to vector<16xf32>
        %mul3A_392 = arith.mulf %mul3A_391, %mul3A_65 : vector<16xf32>
        %mul3A_393 = vector.broadcast %squeeze3A_328 : f32 to vector<16xf32>
        %mul3A_394 = arith.mulf %mul3A_393, %mul3A_70 : vector<16xf32>
        %add3A_395 = arith.addf %mul3A_394, %broadcast_in_dim3A_11 : vector<16xf32>
        %add3A_396 = arith.addf %mul3A_392, %add3A_395 : vector<16xf32>
        %add3A_397 = arith.addf %mul3A_390, %add3A_396 : vector<16xf32>
        %max3A_398 = arith.constant 0.000000e+00 : f32
        %max3A_399 = vector.broadcast %max3A_398 : f32 to vector<16xf32>
        %max3A_400 = arith.maximumf %add3A_397, %max3A_399 : vector<16xf32>
        %min3A_401 = arith.constant 1.270000e+02 : f32
        %min3A_402 = vector.broadcast %min3A_401 : f32 to vector<16xf32>
        %min3A_403 = arith.minimumf %max3A_400, %min3A_402 : vector<16xf32>
        %convert_element_type3A_404 = arith.fptosi %min3A_403 : vector<16xf32> to vector<16xi32>
        %mul3A_405 = arith.constant 64 : i32
        %mul3A_406 = vector.broadcast %mul3A_405 : i32 to vector<16xi32>
        %mul3A_407 = arith.muli %convert_element_type3A_404, %mul3A_406 : vector<16xi32>
        %add3A_408 = arith.addi %mul3A_407, %add3A_82 : vector<16xi32>
        tpu.vector_store_idx %arg14[%add3A_348], %broadcast_in_dim3A_5 {add = true} : memref<8192xf32, #tpu.memory_space<vmem>>[vector<16xi32>], vector<16xf32>,
        tpu.vector_store_idx %arg14[%add3A_368], %broadcast_in_dim3A_5 {add = true} : memref<8192xf32, #tpu.memory_space<vmem>>[vector<16xi32>], vector<16xf32>,
        tpu.vector_store_idx %arg14[%add3A_388], %broadcast_in_dim3A_5 {add = true} : memref<8192xf32, #tpu.memory_space<vmem>>[vector<16xi32>], vector<16xf32>,
        tpu.vector_store_idx %arg14[%add3A_408], %broadcast_in_dim3A_5 {add = true} : memref<8192xf32, #tpu.memory_space<vmem>>[vector<16xi32>], vector<16xf32>,
        %slice3A_409 = vector.extract_strided_slice %get3A_118 {offsets = [3], sizes = [1], strides = [1]} : vector<16xi32> to vector<1xi32>
        %squeeze3A_410 = vector.extract %slice3A_409[0] : i32 from vector<1xi32>
        %ne3A_411 = arith.cmpi ne, %squeeze3A_410, %cond3A_322#0 : i32
        %convert_element_type3A_412 = arith.extui %ne3A_411 : i1 to i32
        %cond3A_413 = arith.constant 0 : i32
        %cond3A_414 = arith.cmpi ne, %convert_element_type3A_412, %cond3A_413 : i32
        %cond3A_415:2 = scf.if %cond3A_414 -> (i32, i32) {
          "tpu.region"() ({
            %run_scoped3A = tpu.sem_alloc : memref<!tpu.dma_semaphore, #tpu.memory_space<semaphore_mem>>
            %dma_start3A = arith.constant 0 : i32
            %dma_start3A_1628 = tpu.memref_slice %arg7[%add3A, %cond3A_322#1, %dma_start3A] : memref<32x64x8192xf32, #tpu.memory_space<hbm>> -> memref<1x1x8192xf32, #tpu.memory_space<hbm>>
            %dma_start3A_1629 = tpu.memref_squeeze %dma_start3A_1628 : memref<1x1x8192xf32, #tpu.memory_space<hbm>> -> memref<8192xf32, #tpu.memory_space<hbm>>
            %dma_start3A_1630 = arith.constant 0 : i32
            %dma_start3A_1631 = tpu.memref_slice %arg7[%add3A, %cond3A_322#1, %dma_start3A_1630] : memref<32x64x8192xf32, #tpu.memory_space<hbm>> -> memref<1x1x8192xf32, #tpu.memory_space<hbm>>
            %dma_start3A_1632 = tpu.memref_squeeze %dma_start3A_1631 : memref<1x1x8192xf32, #tpu.memory_space<hbm>> -> memref<8192xf32, #tpu.memory_space<hbm>>
            tpu.enqueue_dma source(%arg14 : memref<8192xf32, #tpu.memory_space<vmem>>) target(%dma_start3A_1632 : memref<8192xf32, #tpu.memory_space<hbm>>) target_semaphore(%run_scoped3A : memref<!tpu.dma_semaphore, #tpu.memory_space<semaphore_mem>>)
            %dma_wait3A = arith.constant 0 : i32
            %dma_wait3A_1633 = tpu.memref_slice %arg7[%add3A, %cond3A_322#1, %dma_wait3A] : memref<32x64x8192xf32, #tpu.memory_space<hbm>> -> memref<1x1x8192xf32, #tpu.memory_space<hbm>>
            %dma_wait3A_1634 = tpu.memref_squeeze %dma_wait3A_1633 : memref<1x1x8192xf32, #tpu.memory_space<hbm>> -> memref<8192xf32, #tpu.memory_space<hbm>>
            %dma_wait3A_1635 = arith.constant 0 : i32
            %dma_wait3A_1636 = tpu.memref_slice %arg7[%add3A, %cond3A_322#1, %dma_wait3A_1635] : memref<32x64x8192xf32, #tpu.memory_space<hbm>> -> memref<1x1x8192xf32, #tpu.memory_space<hbm>>
            %dma_wait3A_1637 = tpu.memref_squeeze %dma_wait3A_1636 : memref<1x1x8192xf32, #tpu.memory_space<hbm>> -> memref<8192xf32, #tpu.memory_space<hbm>>
            tpu.wait_dma2 semaphore(%run_scoped3A : memref<!tpu.dma_semaphore, #tpu.memory_space<semaphore_mem>>) src(%arg14 : memref<8192xf32, #tpu.memory_space<vmem>>) dst(%dma_wait3A_1637 : memref<8192xf32, #tpu.memory_space<hbm>>)
            tpu.yield
          }) : () -> ()
          %broadcast_in_dim3A_1618 = vector.broadcast %cond3A_322#1 : i32 to vector<16xi32>
          %broadcast_in_dim3A_1619 = vector.broadcast %cond3A_322#0 : i32 to vector<16xi32>
          tpu.vector_store_idx %arg15[%broadcast_in_dim3A_1618], %broadcast_in_dim3A_1619 masked %eq3A_9 : memref<64xi32, #tpu.memory_space<vmem>>[vector<16xi32>], vector<16xi32>, vector<16xi1>
          %scan3A_1620 = arith.constant 0 : i32
          %scan3A_1621 = arith.constant 0 : i32
          %scan3A_1622 = arith.constant 512 : i32
          %scan3A_1623 = arith.addi %scan3A_1621, %scan3A_1622 : i32
          %scan3A_1624 = arith.constant 8 : i32
          scf.for %scan3A_1628 = %scan3A_1621 to %scan3A_1623 step %scan3A_1624  : i32 {
            %mul3A_1629 = arith.constant 16 : i32
            %mul3A_1630 = arith.muli %scan3A_1628, %mul3A_1629 : i32
            %swap3A_1631 = arith.index_cast %mul3A_1630 : i32 to index
            %swap3A_1632 = tpu.vector_load %arg14[%swap3A_1631] {strides = array<i32>} : memref<8192xf32, #tpu.memory_space<vmem>>, vector<16xf32>,
            tpu.vector_store %arg14[%swap3A_1631], %broadcast_in_dim3A_3 {strides = array<i32>} : memref<8192xf32, #tpu.memory_space<vmem>>, vector<16xf32>,
            %scan3A_1633 = arith.constant 1 : i32
            %scan3A_1634 = arith.addi %scan3A_1628, %scan3A_1633 : i32
            %mul3A_1635 = arith.constant 16 : i32
            %mul3A_1636 = arith.muli %scan3A_1634, %mul3A_1635 : i32
            %swap3A_1637 = arith.index_cast %mul3A_1636 : i32 to index
            %swap3A_1638 = tpu.vector_load %arg14[%swap3A_1637] {strides = array<i32>} : memref<8192xf32, #tpu.memory_space<vmem>>, vector<16xf32>,
            tpu.vector_store %arg14[%swap3A_1637], %broadcast_in_dim3A_3 {strides = array<i32>} : memref<8192xf32, #tpu.memory_space<vmem>>, vector<16xf32>,
            %scan3A_1639 = arith.constant 2 : i32
            %scan3A_1640 = arith.addi %scan3A_1628, %scan3A_1639 : i32
            %mul3A_1641 = arith.constant 16 : i32
            %mul3A_1642 = arith.muli %scan3A_1640, %mul3A_1641 : i32
            %swap3A_1643 = arith.index_cast %mul3A_1642 : i32 to index
            %swap3A_1644 = tpu.vector_load %arg14[%swap3A_1643] {strides = array<i32>} : memref<8192xf32, #tpu.memory_space<vmem>>, vector<16xf32>,
            tpu.vector_store %arg14[%swap3A_1643], %broadcast_in_dim3A_3 {strides = array<i32>} : memref<8192xf32, #tpu.memory_space<vmem>>, vector<16xf32>,
            %scan3A_1645 = arith.constant 3 : i32
            %scan3A_1646 = arith.addi %scan3A_1628, %scan3A_1645 : i32
            %mul3A_1647 = arith.constant 16 : i32
            %mul3A_1648 = arith.muli %scan3A_1646, %mul3A_1647 : i32
            %swap3A_1649 = arith.index_cast %mul3A_1648 : i32 to index
            %swap3A_1650 = tpu.vector_load %arg14[%swap3A_1649] {strides = array<i32>} : memref<8192xf32, #tpu.memory_space<vmem>>, vector<16xf32>,
            tpu.vector_store %arg14[%swap3A_1649], %broadcast_in_dim3A_3 {strides = array<i32>} : memref<8192xf32, #tpu.memory_space<vmem>>, vector<16xf32>,
            %scan3A_1651 = arith.constant 4 : i32
            %scan3A_1652 = arith.addi %scan3A_1628, %scan3A_1651 : i32
            %mul3A_1653 = arith.constant 16 : i32
            %mul3A_1654 = arith.muli %scan3A_1652, %mul3A_1653 : i32
            %swap3A_1655 = arith.index_cast %mul3A_1654 : i32 to index
            %swap3A_1656 = tpu.vector_load %arg14[%swap3A_1655] {strides = array<i32>} : memref<8192xf32, #tpu.memory_space<vmem>>, vector<16xf32>,
            tpu.vector_store %arg14[%swap3A_1655], %broadcast_in_dim3A_3 {strides = array<i32>} : memref<8192xf32, #tpu.memory_space<vmem>>, vector<16xf32>,
            %scan3A_1657 = arith.constant 5 : i32
            %scan3A_1658 = arith.addi %scan3A_1628, %scan3A_1657 : i32
            %mul3A_1659 = arith.constant 16 : i32
            %mul3A_1660 = arith.muli %scan3A_1658, %mul3A_1659 : i32
            %swap3A_1661 = arith.index_cast %mul3A_1660 : i32 to index
            %swap3A_1662 = tpu.vector_load %arg14[%swap3A_1661] {strides = array<i32>} : memref<8192xf32, #tpu.memory_space<vmem>>, vector<16xf32>,
            tpu.vector_store %arg14[%swap3A_1661], %broadcast_in_dim3A_3 {strides = array<i32>} : memref<8192xf32, #tpu.memory_space<vmem>>, vector<16xf32>,
            %scan3A_1663 = arith.constant 6 : i32
            %scan3A_1664 = arith.addi %scan3A_1628, %scan3A_1663 : i32
            %mul3A_1665 = arith.constant 16 : i32
            %mul3A_1666 = arith.muli %scan3A_1664, %mul3A_1665 : i32
            %swap3A_1667 = arith.index_cast %mul3A_1666 : i32 to index
            %swap3A_1668 = tpu.vector_load %arg14[%swap3A_1667] {strides = array<i32>} : memref<8192xf32, #tpu.memory_space<vmem>>, vector<16xf32>,
            tpu.vector_store %arg14[%swap3A_1667], %broadcast_in_dim3A_3 {strides = array<i32>} : memref<8192xf32, #tpu.memory_space<vmem>>, vector<16xf32>,
            %scan3A_1669 = arith.constant 7 : i32
            %scan3A_1670 = arith.addi %scan3A_1628, %scan3A_1669 : i32
            %mul3A_1671 = arith.constant 16 : i32
            %mul3A_1672 = arith.muli %scan3A_1670, %mul3A_1671 : i32
            %swap3A_1673 = arith.index_cast %mul3A_1672 : i32 to index
            %swap3A_1674 = tpu.vector_load %arg14[%swap3A_1673] {strides = array<i32>} : memref<8192xf32, #tpu.memory_space<vmem>>, vector<16xf32>,
            tpu.vector_store %arg14[%swap3A_1673], %broadcast_in_dim3A_3 {strides = array<i32>} : memref<8192xf32, #tpu.memory_space<vmem>>, vector<16xf32>,
          }
          %scan3A_1625 = arith.constant 512 : i32
          %add3A_1626 = arith.constant 1 : i32
          %add3A_1627 = arith.addi %cond3A_322#1, %add3A_1626 : i32
          scf.yield %squeeze3A_410, %add3A_1627 : i32, i32
        } else {
          scf.yield %cond3A_322#0, %cond3A_322#1 : i32, i32
        }
        %slice3A_416 = vector.extract_strided_slice %get3A_128 {offsets = [3], sizes = [1], strides = [1]} : vector<16xf32> to vector<1xf32>
        %squeeze3A_417 = vector.extract %slice3A_416[0] : f32 from vector<1xf32>
        %slice3A_418 = vector.extract_strided_slice %get3A_130 {offsets = [3], sizes = [1], strides = [1]} : vector<16xf32> to vector<1xf32>
        %squeeze3A_419 = vector.extract %slice3A_418[0] : f32 from vector<1xf32>
        %slice3A_420 = vector.extract_strided_slice %get3A_132 {offsets = [3], sizes = [1], strides = [1]} : vector<16xf32> to vector<1xf32>
        %squeeze3A_421 = vector.extract %slice3A_420[0] : f32 from vector<1xf32>
        %mul3A_422 = vector.broadcast %squeeze3A_417 : f32 to vector<16xf32>
        %mul3A_423 = arith.mulf %mul3A_422, %mul3A_15 : vector<16xf32>
        %mul3A_424 = vector.broadcast %squeeze3A_419 : f32 to vector<16xf32>
        %mul3A_425 = arith.mulf %mul3A_424, %mul3A_20 : vector<16xf32>
        %mul3A_426 = vector.broadcast %squeeze3A_421 : f32 to vector<16xf32>
        %mul3A_427 = arith.mulf %mul3A_426, %mul3A_25 : vector<16xf32>
        %add3A_428 = arith.addf %mul3A_427, %broadcast_in_dim3A_11 : vector<16xf32>
        %add3A_429 = arith.addf %mul3A_425, %add3A_428 : vector<16xf32>
        %add3A_430 = arith.addf %mul3A_423, %add3A_429 : vector<16xf32>
        %max3A_431 = arith.constant 0.000000e+00 : f32
        %max3A_432 = vector.broadcast %max3A_431 : f32 to vector<16xf32>
        %max3A_433 = arith.maximumf %add3A_430, %max3A_432 : vector<16xf32>
        %min3A_434 = arith.constant 1.270000e+02 : f32
        %min3A_435 = vector.broadcast %min3A_434 : f32 to vector<16xf32>
        %min3A_436 = arith.minimumf %max3A_433, %min3A_435 : vector<16xf32>
        %convert_element_type3A_437 = arith.fptosi %min3A_436 : vector<16xf32> to vector<16xi32>
        %mul3A_438 = arith.constant 64 : i32
        %mul3A_439 = vector.broadcast %mul3A_438 : i32 to vector<16xi32>
        %mul3A_440 = arith.muli %convert_element_type3A_437, %mul3A_439 : vector<16xi32>
        %add3A_441 = arith.addi %mul3A_440, %add3A_73 : vector<16xi32>
        %mul3A_442 = vector.broadcast %squeeze3A_417 : f32 to vector<16xf32>
        %mul3A_443 = arith.mulf %mul3A_442, %mul3A_30 : vector<16xf32>
        %mul3A_444 = vector.broadcast %squeeze3A_419 : f32 to vector<16xf32>
        %mul3A_445 = arith.mulf %mul3A_444, %mul3A_35 : vector<16xf32>
        %mul3A_446 = vector.broadcast %squeeze3A_421 : f32 to vector<16xf32>
        %mul3A_447 = arith.mulf %mul3A_446, %mul3A_40 : vector<16xf32>
        %add3A_448 = arith.addf %mul3A_447, %broadcast_in_dim3A_11 : vector<16xf32>
        %add3A_449 = arith.addf %mul3A_445, %add3A_448 : vector<16xf32>
        %add3A_450 = arith.addf %mul3A_443, %add3A_449 : vector<16xf32>
        %max3A_451 = arith.constant 0.000000e+00 : f32
        %max3A_452 = vector.broadcast %max3A_451 : f32 to vector<16xf32>
        %max3A_453 = arith.maximumf %add3A_450, %max3A_452 : vector<16xf32>
        %min3A_454 = arith.constant 1.270000e+02 : f32
        %min3A_455 = vector.broadcast %min3A_454 : f32 to vector<16xf32>
        %min3A_456 = arith.minimumf %max3A_453, %min3A_455 : vector<16xf32>
        %convert_element_type3A_457 = arith.fptosi %min3A_456 : vector<16xf32> to vector<16xi32>
        %mul3A_458 = arith.constant 64 : i32
        %mul3A_459 = vector.broadcast %mul3A_458 : i32 to vector<16xi32>
        %mul3A_460 = arith.muli %convert_element_type3A_457, %mul3A_459 : vector<16xi32>
        %add3A_461 = arith.addi %mul3A_460, %add3A_76 : vector<16xi32>
        %mul3A_462 = vector.broadcast %squeeze3A_417 : f32 to vector<16xf32>
        %mul3A_463 = arith.mulf %mul3A_462, %mul3A_45 : vector<16xf32>
        %mul3A_464 = vector.broadcast %squeeze3A_419 : f32 to vector<16xf32>
        %mul3A_465 = arith.mulf %mul3A_464, %mul3A_50 : vector<16xf32>
        %mul3A_466 = vector.broadcast %squeeze3A_421 : f32 to vector<16xf32>
        %mul3A_467 = arith.mulf %mul3A_466, %mul3A_55 : vector<16xf32>
        %add3A_468 = arith.addf %mul3A_467, %broadcast_in_dim3A_11 : vector<16xf32>
        %add3A_469 = arith.addf %mul3A_465, %add3A_468 : vector<16xf32>
        %add3A_470 = arith.addf %mul3A_463, %add3A_469 : vector<16xf32>
        %max3A_471 = arith.constant 0.000000e+00 : f32
        %max3A_472 = vector.broadcast %max3A_471 : f32 to vector<16xf32>
        %max3A_473 = arith.maximumf %add3A_470, %max3A_472 : vector<16xf32>
        %min3A_474 = arith.constant 1.270000e+02 : f32
        %min3A_475 = vector.broadcast %min3A_474 : f32 to vector<16xf32>
        %min3A_476 = arith.minimumf %max3A_473, %min3A_475 : vector<16xf32>
        %convert_element_type3A_477 = arith.fptosi %min3A_476 : vector<16xf32> to vector<16xi32>
        %mul3A_478 = arith.constant 64 : i32
        %mul3A_479 = vector.broadcast %mul3A_478 : i32 to vector<16xi32>
        %mul3A_480 = arith.muli %convert_element_type3A_477, %mul3A_479 : vector<16xi32>
        %add3A_481 = arith.addi %mul3A_480, %add3A_79 : vector<16xi32>
        %mul3A_482 = vector.broadcast %squeeze3A_417 : f32 to vector<16xf32>
        %mul3A_483 = arith.mulf %mul3A_482, %mul3A_60 : vector<16xf32>
        %mul3A_484 = vector.broadcast %squeeze3A_419 : f32 to vector<16xf32>
        %mul3A_485 = arith.mulf %mul3A_484, %mul3A_65 : vector<16xf32>
        %mul3A_486 = vector.broadcast %squeeze3A_421 : f32 to vector<16xf32>
        %mul3A_487 = arith.mulf %mul3A_486, %mul3A_70 : vector<16xf32>
        %add3A_488 = arith.addf %mul3A_487, %broadcast_in_dim3A_11 : vector<16xf32>
        %add3A_489 = arith.addf %mul3A_485, %add3A_488 : vector<16xf32>
        %add3A_490 = arith.addf %mul3A_483, %add3A_489 : vector<16xf32>
        %max3A_491 = arith.constant 0.000000e+00 : f32
        %max3A_492 = vector.broadcast %max3A_491 : f32 to vector<16xf32>
        %max3A_493 = arith.maximumf %add3A_490, %max3A_492 : vector<16xf32>
        %min3A_494 = arith.constant 1.270000e+02 : f32
        %min3A_495 = vector.broadcast %min3A_494 : f32 to vector<16xf32>
        %min3A_496 = arith.minimumf %max3A_493, %min3A_495 : vector<16xf32>
        %convert_element_type3A_497 = arith.fptosi %min3A_496 : vector<16xf32> to vector<16xi32>
        %mul3A_498 = arith.constant 64 : i32
        %mul3A_499 = vector.broadcast %mul3A_498 : i32 to vector<16xi32>
        %mul3A_500 = arith.muli %convert_element_type3A_497, %mul3A_499 : vector<16xi32>
        %add3A_501 = arith.addi %mul3A_500, %add3A_82 : vector<16xi32>
        tpu.vector_store_idx %arg14[%add3A_441], %broadcast_in_dim3A_5 {add = true} : memref<8192xf32, #tpu.memory_space<vmem>>[vector<16xi32>], vector<16xf32>,
        tpu.vector_store_idx %arg14[%add3A_461], %broadcast_in_dim3A_5 {add = true} : memref<8192xf32, #tpu.memory_space<vmem>>[vector<16xi32>], vector<16xf32>,
        tpu.vector_store_idx %arg14[%add3A_481], %broadcast_in_dim3A_5 {add = true} : memref<8192xf32, #tpu.memory_space<vmem>>[vector<16xi32>], vector<16xf32>,
        tpu.vector_store_idx %arg14[%add3A_501], %broadcast_in_dim3A_5 {add = true} : memref<8192xf32, #tpu.memory_space<vmem>>[vector<16xi32>], vector<16xf32>,
        %slice3A_502 = vector.extract_strided_slice %get3A_118 {offsets = [4], sizes = [1], strides = [1]} : vector<16xi32> to vector<1xi32>
        %squeeze3A_503 = vector.extract %slice3A_502[0] : i32 from vector<1xi32>
        %ne3A_504 = arith.cmpi ne, %squeeze3A_503, %cond3A_415#0 : i32
        %convert_element_type3A_505 = arith.extui %ne3A_504 : i1 to i32
        %cond3A_506 = arith.constant 0 : i32
        %cond3A_507 = arith.cmpi ne, %convert_element_type3A_505, %cond3A_506 : i32
        %cond3A_508:2 = scf.if %cond3A_507 -> (i32, i32) {
          "tpu.region"() ({
            %run_scoped3A = tpu.sem_alloc : memref<!tpu.dma_semaphore, #tpu.memory_space<semaphore_mem>>
            %dma_start3A = arith.constant 0 : i32
            %dma_start3A_1628 = tpu.memref_slice %arg7[%add3A, %cond3A_415#1, %dma_start3A] : memref<32x64x8192xf32, #tpu.memory_space<hbm>> -> memref<1x1x8192xf32, #tpu.memory_space<hbm>>
            %dma_start3A_1629 = tpu.memref_squeeze %dma_start3A_1628 : memref<1x1x8192xf32, #tpu.memory_space<hbm>> -> memref<8192xf32, #tpu.memory_space<hbm>>
            %dma_start3A_1630 = arith.constant 0 : i32
            %dma_start3A_1631 = tpu.memref_slice %arg7[%add3A, %cond3A_415#1, %dma_start3A_1630] : memref<32x64x8192xf32, #tpu.memory_space<hbm>> -> memref<1x1x8192xf32, #tpu.memory_space<hbm>>
            %dma_start3A_1632 = tpu.memref_squeeze %dma_start3A_1631 : memref<1x1x8192xf32, #tpu.memory_space<hbm>> -> memref<8192xf32, #tpu.memory_space<hbm>>
            tpu.enqueue_dma source(%arg14 : memref<8192xf32, #tpu.memory_space<vmem>>) target(%dma_start3A_1632 : memref<8192xf32, #tpu.memory_space<hbm>>) target_semaphore(%run_scoped3A : memref<!tpu.dma_semaphore, #tpu.memory_space<semaphore_mem>>)
            %dma_wait3A = arith.constant 0 : i32
            %dma_wait3A_1633 = tpu.memref_slice %arg7[%add3A, %cond3A_415#1, %dma_wait3A] : memref<32x64x8192xf32, #tpu.memory_space<hbm>> -> memref<1x1x8192xf32, #tpu.memory_space<hbm>>
            %dma_wait3A_1634 = tpu.memref_squeeze %dma_wait3A_1633 : memref<1x1x8192xf32, #tpu.memory_space<hbm>> -> memref<8192xf32, #tpu.memory_space<hbm>>
            %dma_wait3A_1635 = arith.constant 0 : i32
            %dma_wait3A_1636 = tpu.memref_slice %arg7[%add3A, %cond3A_415#1, %dma_wait3A_1635] : memref<32x64x8192xf32, #tpu.memory_space<hbm>> -> memref<1x1x8192xf32, #tpu.memory_space<hbm>>
            %dma_wait3A_1637 = tpu.memref_squeeze %dma_wait3A_1636 : memref<1x1x8192xf32, #tpu.memory_space<hbm>> -> memref<8192xf32, #tpu.memory_space<hbm>>
            tpu.wait_dma2 semaphore(%run_scoped3A : memref<!tpu.dma_semaphore, #tpu.memory_space<semaphore_mem>>) src(%arg14 : memref<8192xf32, #tpu.memory_space<vmem>>) dst(%dma_wait3A_1637 : memref<8192xf32, #tpu.memory_space<hbm>>)
            tpu.yield
          }) : () -> ()
          %broadcast_in_dim3A_1618 = vector.broadcast %cond3A_415#1 : i32 to vector<16xi32>
          %broadcast_in_dim3A_1619 = vector.broadcast %cond3A_415#0 : i32 to vector<16xi32>
          tpu.vector_store_idx %arg15[%broadcast_in_dim3A_1618], %broadcast_in_dim3A_1619 masked %eq3A_9 : memref<64xi32, #tpu.memory_space<vmem>>[vector<16xi32>], vector<16xi32>, vector<16xi1>
          %scan3A_1620 = arith.constant 0 : i32
          %scan3A_1621 = arith.constant 0 : i32
          %scan3A_1622 = arith.constant 512 : i32
          %scan3A_1623 = arith.addi %scan3A_1621, %scan3A_1622 : i32
          %scan3A_1624 = arith.constant 8 : i32
          scf.for %scan3A_1628 = %scan3A_1621 to %scan3A_1623 step %scan3A_1624  : i32 {
            %mul3A_1629 = arith.constant 16 : i32
            %mul3A_1630 = arith.muli %scan3A_1628, %mul3A_1629 : i32
            %swap3A_1631 = arith.index_cast %mul3A_1630 : i32 to index
            %swap3A_1632 = tpu.vector_load %arg14[%swap3A_1631] {strides = array<i32>} : memref<8192xf32, #tpu.memory_space<vmem>>, vector<16xf32>,
            tpu.vector_store %arg14[%swap3A_1631], %broadcast_in_dim3A_3 {strides = array<i32>} : memref<8192xf32, #tpu.memory_space<vmem>>, vector<16xf32>,
            %scan3A_1633 = arith.constant 1 : i32
            %scan3A_1634 = arith.addi %scan3A_1628, %scan3A_1633 : i32
            %mul3A_1635 = arith.constant 16 : i32
            %mul3A_1636 = arith.muli %scan3A_1634, %mul3A_1635 : i32
            %swap3A_1637 = arith.index_cast %mul3A_1636 : i32 to index
            %swap3A_1638 = tpu.vector_load %arg14[%swap3A_1637] {strides = array<i32>} : memref<8192xf32, #tpu.memory_space<vmem>>, vector<16xf32>,
            tpu.vector_store %arg14[%swap3A_1637], %broadcast_in_dim3A_3 {strides = array<i32>} : memref<8192xf32, #tpu.memory_space<vmem>>, vector<16xf32>,
            %scan3A_1639 = arith.constant 2 : i32
            %scan3A_1640 = arith.addi %scan3A_1628, %scan3A_1639 : i32
            %mul3A_1641 = arith.constant 16 : i32
            %mul3A_1642 = arith.muli %scan3A_1640, %mul3A_1641 : i32
            %swap3A_1643 = arith.index_cast %mul3A_1642 : i32 to index
            %swap3A_1644 = tpu.vector_load %arg14[%swap3A_1643] {strides = array<i32>} : memref<8192xf32, #tpu.memory_space<vmem>>, vector<16xf32>,
            tpu.vector_store %arg14[%swap3A_1643], %broadcast_in_dim3A_3 {strides = array<i32>} : memref<8192xf32, #tpu.memory_space<vmem>>, vector<16xf32>,
            %scan3A_1645 = arith.constant 3 : i32
            %scan3A_1646 = arith.addi %scan3A_1628, %scan3A_1645 : i32
            %mul3A_1647 = arith.constant 16 : i32
            %mul3A_1648 = arith.muli %scan3A_1646, %mul3A_1647 : i32
            %swap3A_1649 = arith.index_cast %mul3A_1648 : i32 to index
            %swap3A_1650 = tpu.vector_load %arg14[%swap3A_1649] {strides = array<i32>} : memref<8192xf32, #tpu.memory_space<vmem>>, vector<16xf32>,
            tpu.vector_store %arg14[%swap3A_1649], %broadcast_in_dim3A_3 {strides = array<i32>} : memref<8192xf32, #tpu.memory_space<vmem>>, vector<16xf32>,
            %scan3A_1651 = arith.constant 4 : i32
            %scan3A_1652 = arith.addi %scan3A_1628, %scan3A_1651 : i32
            %mul3A_1653 = arith.constant 16 : i32
            %mul3A_1654 = arith.muli %scan3A_1652, %mul3A_1653 : i32
            %swap3A_1655 = arith.index_cast %mul3A_1654 : i32 to index
            %swap3A_1656 = tpu.vector_load %arg14[%swap3A_1655] {strides = array<i32>} : memref<8192xf32, #tpu.memory_space<vmem>>, vector<16xf32>,
            tpu.vector_store %arg14[%swap3A_1655], %broadcast_in_dim3A_3 {strides = array<i32>} : memref<8192xf32, #tpu.memory_space<vmem>>, vector<16xf32>,
            %scan3A_1657 = arith.constant 5 : i32
            %scan3A_1658 = arith.addi %scan3A_1628, %scan3A_1657 : i32
            %mul3A_1659 = arith.constant 16 : i32
            %mul3A_1660 = arith.muli %scan3A_1658, %mul3A_1659 : i32
            %swap3A_1661 = arith.index_cast %mul3A_1660 : i32 to index
            %swap3A_1662 = tpu.vector_load %arg14[%swap3A_1661] {strides = array<i32>} : memref<8192xf32, #tpu.memory_space<vmem>>, vector<16xf32>,
            tpu.vector_store %arg14[%swap3A_1661], %broadcast_in_dim3A_3 {strides = array<i32>} : memref<8192xf32, #tpu.memory_space<vmem>>, vector<16xf32>,
            %scan3A_1663 = arith.constant 6 : i32
            %scan3A_1664 = arith.addi %scan3A_1628, %scan3A_1663 : i32
            %mul3A_1665 = arith.constant 16 : i32
            %mul3A_1666 = arith.muli %scan3A_1664, %mul3A_1665 : i32
            %swap3A_1667 = arith.index_cast %mul3A_1666 : i32 to index
            %swap3A_1668 = tpu.vector_load %arg14[%swap3A_1667] {strides = array<i32>} : memref<8192xf32, #tpu.memory_space<vmem>>, vector<16xf32>,
            tpu.vector_store %arg14[%swap3A_1667], %broadcast_in_dim3A_3 {strides = array<i32>} : memref<8192xf32, #tpu.memory_space<vmem>>, vector<16xf32>,
            %scan3A_1669 = arith.constant 7 : i32
            %scan3A_1670 = arith.addi %scan3A_1628, %scan3A_1669 : i32
            %mul3A_1671 = arith.constant 16 : i32
            %mul3A_1672 = arith.muli %scan3A_1670, %mul3A_1671 : i32
            %swap3A_1673 = arith.index_cast %mul3A_1672 : i32 to index
            %swap3A_1674 = tpu.vector_load %arg14[%swap3A_1673] {strides = array<i32>} : memref<8192xf32, #tpu.memory_space<vmem>>, vector<16xf32>,
            tpu.vector_store %arg14[%swap3A_1673], %broadcast_in_dim3A_3 {strides = array<i32>} : memref<8192xf32, #tpu.memory_space<vmem>>, vector<16xf32>,
          }
          %scan3A_1625 = arith.constant 512 : i32
          %add3A_1626 = arith.constant 1 : i32
          %add3A_1627 = arith.addi %cond3A_415#1, %add3A_1626 : i32
          scf.yield %squeeze3A_503, %add3A_1627 : i32, i32
        } else {
          scf.yield %cond3A_415#0, %cond3A_415#1 : i32, i32
        }
        %slice3A_509 = vector.extract_strided_slice %get3A_128 {offsets = [4], sizes = [1], strides = [1]} : vector<16xf32> to vector<1xf32>
        %squeeze3A_510 = vector.extract %slice3A_509[0] : f32 from vector<1xf32>
        %slice3A_511 = vector.extract_strided_slice %get3A_130 {offsets = [4], sizes = [1], strides = [1]} : vector<16xf32> to vector<1xf32>
        %squeeze3A_512 = vector.extract %slice3A_511[0] : f32 from vector<1xf32>
        %slice3A_513 = vector.extract_strided_slice %get3A_132 {offsets = [4], sizes = [1], strides = [1]} : vector<16xf32> to vector<1xf32>
        %squeeze3A_514 = vector.extract %slice3A_513[0] : f32 from vector<1xf32>
        %mul3A_515 = vector.broadcast %squeeze3A_510 : f32 to vector<16xf32>
        %mul3A_516 = arith.mulf %mul3A_515, %mul3A_15 : vector<16xf32>
        %mul3A_517 = vector.broadcast %squeeze3A_512 : f32 to vector<16xf32>
        %mul3A_518 = arith.mulf %mul3A_517, %mul3A_20 : vector<16xf32>
        %mul3A_519 = vector.broadcast %squeeze3A_514 : f32 to vector<16xf32>
        %mul3A_520 = arith.mulf %mul3A_519, %mul3A_25 : vector<16xf32>
        %add3A_521 = arith.addf %mul3A_520, %broadcast_in_dim3A_11 : vector<16xf32>
        %add3A_522 = arith.addf %mul3A_518, %add3A_521 : vector<16xf32>
        %add3A_523 = arith.addf %mul3A_516, %add3A_522 : vector<16xf32>
        %max3A_524 = arith.constant 0.000000e+00 : f32
        %max3A_525 = vector.broadcast %max3A_524 : f32 to vector<16xf32>
        %max3A_526 = arith.maximumf %add3A_523, %max3A_525 : vector<16xf32>
        %min3A_527 = arith.constant 1.270000e+02 : f32
        %min3A_528 = vector.broadcast %min3A_527 : f32 to vector<16xf32>
        %min3A_529 = arith.minimumf %max3A_526, %min3A_528 : vector<16xf32>
        %convert_element_type3A_530 = arith.fptosi %min3A_529 : vector<16xf32> to vector<16xi32>
        %mul3A_531 = arith.constant 64 : i32
        %mul3A_532 = vector.broadcast %mul3A_531 : i32 to vector<16xi32>
        %mul3A_533 = arith.muli %convert_element_type3A_530, %mul3A_532 : vector<16xi32>
        %add3A_534 = arith.addi %mul3A_533, %add3A_73 : vector<16xi32>
        %mul3A_535 = vector.broadcast %squeeze3A_510 : f32 to vector<16xf32>
        %mul3A_536 = arith.mulf %mul3A_535, %mul3A_30 : vector<16xf32>
        %mul3A_537 = vector.broadcast %squeeze3A_512 : f32 to vector<16xf32>
        %mul3A_538 = arith.mulf %mul3A_537, %mul3A_35 : vector<16xf32>
        %mul3A_539 = vector.broadcast %squeeze3A_514 : f32 to vector<16xf32>
        %mul3A_540 = arith.mulf %mul3A_539, %mul3A_40 : vector<16xf32>
        %add3A_541 = arith.addf %mul3A_540, %broadcast_in_dim3A_11 : vector<16xf32>
        %add3A_542 = arith.addf %mul3A_538, %add3A_541 : vector<16xf32>
        %add3A_543 = arith.addf %mul3A_536, %add3A_542 : vector<16xf32>
        %max3A_544 = arith.constant 0.000000e+00 : f32
        %max3A_545 = vector.broadcast %max3A_544 : f32 to vector<16xf32>
        %max3A_546 = arith.maximumf %add3A_543, %max3A_545 : vector<16xf32>
        %min3A_547 = arith.constant 1.270000e+02 : f32
        %min3A_548 = vector.broadcast %min3A_547 : f32 to vector<16xf32>
        %min3A_549 = arith.minimumf %max3A_546, %min3A_548 : vector<16xf32>
        %convert_element_type3A_550 = arith.fptosi %min3A_549 : vector<16xf32> to vector<16xi32>
        %mul3A_551 = arith.constant 64 : i32
        %mul3A_552 = vector.broadcast %mul3A_551 : i32 to vector<16xi32>
        %mul3A_553 = arith.muli %convert_element_type3A_550, %mul3A_552 : vector<16xi32>
        %add3A_554 = arith.addi %mul3A_553, %add3A_76 : vector<16xi32>
        %mul3A_555 = vector.broadcast %squeeze3A_510 : f32 to vector<16xf32>
        %mul3A_556 = arith.mulf %mul3A_555, %mul3A_45 : vector<16xf32>
        %mul3A_557 = vector.broadcast %squeeze3A_512 : f32 to vector<16xf32>
        %mul3A_558 = arith.mulf %mul3A_557, %mul3A_50 : vector<16xf32>
        %mul3A_559 = vector.broadcast %squeeze3A_514 : f32 to vector<16xf32>
        %mul3A_560 = arith.mulf %mul3A_559, %mul3A_55 : vector<16xf32>
        %add3A_561 = arith.addf %mul3A_560, %broadcast_in_dim3A_11 : vector<16xf32>
        %add3A_562 = arith.addf %mul3A_558, %add3A_561 : vector<16xf32>
        %add3A_563 = arith.addf %mul3A_556, %add3A_562 : vector<16xf32>
        %max3A_564 = arith.constant 0.000000e+00 : f32
        %max3A_565 = vector.broadcast %max3A_564 : f32 to vector<16xf32>
        %max3A_566 = arith.maximumf %add3A_563, %max3A_565 : vector<16xf32>
        %min3A_567 = arith.constant 1.270000e+02 : f32
        %min3A_568 = vector.broadcast %min3A_567 : f32 to vector<16xf32>
        %min3A_569 = arith.minimumf %max3A_566, %min3A_568 : vector<16xf32>
        %convert_element_type3A_570 = arith.fptosi %min3A_569 : vector<16xf32> to vector<16xi32>
        %mul3A_571 = arith.constant 64 : i32
        %mul3A_572 = vector.broadcast %mul3A_571 : i32 to vector<16xi32>
        %mul3A_573 = arith.muli %convert_element_type3A_570, %mul3A_572 : vector<16xi32>
        %add3A_574 = arith.addi %mul3A_573, %add3A_79 : vector<16xi32>
        %mul3A_575 = vector.broadcast %squeeze3A_510 : f32 to vector<16xf32>
        %mul3A_576 = arith.mulf %mul3A_575, %mul3A_60 : vector<16xf32>
        %mul3A_577 = vector.broadcast %squeeze3A_512 : f32 to vector<16xf32>
        %mul3A_578 = arith.mulf %mul3A_577, %mul3A_65 : vector<16xf32>
        %mul3A_579 = vector.broadcast %squeeze3A_514 : f32 to vector<16xf32>
        %mul3A_580 = arith.mulf %mul3A_579, %mul3A_70 : vector<16xf32>
        %add3A_581 = arith.addf %mul3A_580, %broadcast_in_dim3A_11 : vector<16xf32>
        %add3A_582 = arith.addf %mul3A_578, %add3A_581 : vector<16xf32>
        %add3A_583 = arith.addf %mul3A_576, %add3A_582 : vector<16xf32>
        %max3A_584 = arith.constant 0.000000e+00 : f32
        %max3A_585 = vector.broadcast %max3A_584 : f32 to vector<16xf32>
        %max3A_586 = arith.maximumf %add3A_583, %max3A_585 : vector<16xf32>
        %min3A_587 = arith.constant 1.270000e+02 : f32
        %min3A_588 = vector.broadcast %min3A_587 : f32 to vector<16xf32>
        %min3A_589 = arith.minimumf %max3A_586, %min3A_588 : vector<16xf32>
        %convert_element_type3A_590 = arith.fptosi %min3A_589 : vector<16xf32> to vector<16xi32>
        %mul3A_591 = arith.constant 64 : i32
        %mul3A_592 = vector.broadcast %mul3A_591 : i32 to vector<16xi32>
        %mul3A_593 = arith.muli %convert_element_type3A_590, %mul3A_592 : vector<16xi32>
        %add3A_594 = arith.addi %mul3A_593, %add3A_82 : vector<16xi32>
        tpu.vector_store_idx %arg14[%add3A_534], %broadcast_in_dim3A_5 {add = true} : memref<8192xf32, #tpu.memory_space<vmem>>[vector<16xi32>], vector<16xf32>,
        tpu.vector_store_idx %arg14[%add3A_554], %broadcast_in_dim3A_5 {add = true} : memref<8192xf32, #tpu.memory_space<vmem>>[vector<16xi32>], vector<16xf32>,
        tpu.vector_store_idx %arg14[%add3A_574], %broadcast_in_dim3A_5 {add = true} : memref<8192xf32, #tpu.memory_space<vmem>>[vector<16xi32>], vector<16xf32>,
        tpu.vector_store_idx %arg14[%add3A_594], %broadcast_in_dim3A_5 {add = true} : memref<8192xf32, #tpu.memory_space<vmem>>[vector<16xi32>], vector<16xf32>,
        %slice3A_595 = vector.extract_strided_slice %get3A_118 {offsets = [5], sizes = [1], strides = [1]} : vector<16xi32> to vector<1xi32>
        %squeeze3A_596 = vector.extract %slice3A_595[0] : i32 from vector<1xi32>
        %ne3A_597 = arith.cmpi ne, %squeeze3A_596, %cond3A_508#0 : i32
        %convert_element_type3A_598 = arith.extui %ne3A_597 : i1 to i32
        %cond3A_599 = arith.constant 0 : i32
        %cond3A_600 = arith.cmpi ne, %convert_element_type3A_598, %cond3A_599 : i32
        %cond3A_601:2 = scf.if %cond3A_600 -> (i32, i32) {
          "tpu.region"() ({
            %run_scoped3A = tpu.sem_alloc : memref<!tpu.dma_semaphore, #tpu.memory_space<semaphore_mem>>
            %dma_start3A = arith.constant 0 : i32
            %dma_start3A_1628 = tpu.memref_slice %arg7[%add3A, %cond3A_508#1, %dma_start3A] : memref<32x64x8192xf32, #tpu.memory_space<hbm>> -> memref<1x1x8192xf32, #tpu.memory_space<hbm>>
            %dma_start3A_1629 = tpu.memref_squeeze %dma_start3A_1628 : memref<1x1x8192xf32, #tpu.memory_space<hbm>> -> memref<8192xf32, #tpu.memory_space<hbm>>
            %dma_start3A_1630 = arith.constant 0 : i32
            %dma_start3A_1631 = tpu.memref_slice %arg7[%add3A, %cond3A_508#1, %dma_start3A_1630] : memref<32x64x8192xf32, #tpu.memory_space<hbm>> -> memref<1x1x8192xf32, #tpu.memory_space<hbm>>
            %dma_start3A_1632 = tpu.memref_squeeze %dma_start3A_1631 : memref<1x1x8192xf32, #tpu.memory_space<hbm>> -> memref<8192xf32, #tpu.memory_space<hbm>>
            tpu.enqueue_dma source(%arg14 : memref<8192xf32, #tpu.memory_space<vmem>>) target(%dma_start3A_1632 : memref<8192xf32, #tpu.memory_space<hbm>>) target_semaphore(%run_scoped3A : memref<!tpu.dma_semaphore, #tpu.memory_space<semaphore_mem>>)
            %dma_wait3A = arith.constant 0 : i32
            %dma_wait3A_1633 = tpu.memref_slice %arg7[%add3A, %cond3A_508#1, %dma_wait3A] : memref<32x64x8192xf32, #tpu.memory_space<hbm>> -> memref<1x1x8192xf32, #tpu.memory_space<hbm>>
            %dma_wait3A_1634 = tpu.memref_squeeze %dma_wait3A_1633 : memref<1x1x8192xf32, #tpu.memory_space<hbm>> -> memref<8192xf32, #tpu.memory_space<hbm>>
            %dma_wait3A_1635 = arith.constant 0 : i32
            %dma_wait3A_1636 = tpu.memref_slice %arg7[%add3A, %cond3A_508#1, %dma_wait3A_1635] : memref<32x64x8192xf32, #tpu.memory_space<hbm>> -> memref<1x1x8192xf32, #tpu.memory_space<hbm>>
            %dma_wait3A_1637 = tpu.memref_squeeze %dma_wait3A_1636 : memref<1x1x8192xf32, #tpu.memory_space<hbm>> -> memref<8192xf32, #tpu.memory_space<hbm>>
            tpu.wait_dma2 semaphore(%run_scoped3A : memref<!tpu.dma_semaphore, #tpu.memory_space<semaphore_mem>>) src(%arg14 : memref<8192xf32, #tpu.memory_space<vmem>>) dst(%dma_wait3A_1637 : memref<8192xf32, #tpu.memory_space<hbm>>)
            tpu.yield
          }) : () -> ()
          %broadcast_in_dim3A_1618 = vector.broadcast %cond3A_508#1 : i32 to vector<16xi32>
          %broadcast_in_dim3A_1619 = vector.broadcast %cond3A_508#0 : i32 to vector<16xi32>
          tpu.vector_store_idx %arg15[%broadcast_in_dim3A_1618], %broadcast_in_dim3A_1619 masked %eq3A_9 : memref<64xi32, #tpu.memory_space<vmem>>[vector<16xi32>], vector<16xi32>, vector<16xi1>
          %scan3A_1620 = arith.constant 0 : i32
          %scan3A_1621 = arith.constant 0 : i32
          %scan3A_1622 = arith.constant 512 : i32
          %scan3A_1623 = arith.addi %scan3A_1621, %scan3A_1622 : i32
          %scan3A_1624 = arith.constant 8 : i32
          scf.for %scan3A_1628 = %scan3A_1621 to %scan3A_1623 step %scan3A_1624  : i32 {
            %mul3A_1629 = arith.constant 16 : i32
            %mul3A_1630 = arith.muli %scan3A_1628, %mul3A_1629 : i32
            %swap3A_1631 = arith.index_cast %mul3A_1630 : i32 to index
            %swap3A_1632 = tpu.vector_load %arg14[%swap3A_1631] {strides = array<i32>} : memref<8192xf32, #tpu.memory_space<vmem>>, vector<16xf32>,
            tpu.vector_store %arg14[%swap3A_1631], %broadcast_in_dim3A_3 {strides = array<i32>} : memref<8192xf32, #tpu.memory_space<vmem>>, vector<16xf32>,
            %scan3A_1633 = arith.constant 1 : i32
            %scan3A_1634 = arith.addi %scan3A_1628, %scan3A_1633 : i32
            %mul3A_1635 = arith.constant 16 : i32
            %mul3A_1636 = arith.muli %scan3A_1634, %mul3A_1635 : i32
            %swap3A_1637 = arith.index_cast %mul3A_1636 : i32 to index
            %swap3A_1638 = tpu.vector_load %arg14[%swap3A_1637] {strides = array<i32>} : memref<8192xf32, #tpu.memory_space<vmem>>, vector<16xf32>,
            tpu.vector_store %arg14[%swap3A_1637], %broadcast_in_dim3A_3 {strides = array<i32>} : memref<8192xf32, #tpu.memory_space<vmem>>, vector<16xf32>,
            %scan3A_1639 = arith.constant 2 : i32
            %scan3A_1640 = arith.addi %scan3A_1628, %scan3A_1639 : i32
            %mul3A_1641 = arith.constant 16 : i32
            %mul3A_1642 = arith.muli %scan3A_1640, %mul3A_1641 : i32
            %swap3A_1643 = arith.index_cast %mul3A_1642 : i32 to index
            %swap3A_1644 = tpu.vector_load %arg14[%swap3A_1643] {strides = array<i32>} : memref<8192xf32, #tpu.memory_space<vmem>>, vector<16xf32>,
            tpu.vector_store %arg14[%swap3A_1643], %broadcast_in_dim3A_3 {strides = array<i32>} : memref<8192xf32, #tpu.memory_space<vmem>>, vector<16xf32>,
            %scan3A_1645 = arith.constant 3 : i32
            %scan3A_1646 = arith.addi %scan3A_1628, %scan3A_1645 : i32
            %mul3A_1647 = arith.constant 16 : i32
            %mul3A_1648 = arith.muli %scan3A_1646, %mul3A_1647 : i32
            %swap3A_1649 = arith.index_cast %mul3A_1648 : i32 to index
            %swap3A_1650 = tpu.vector_load %arg14[%swap3A_1649] {strides = array<i32>} : memref<8192xf32, #tpu.memory_space<vmem>>, vector<16xf32>,
            tpu.vector_store %arg14[%swap3A_1649], %broadcast_in_dim3A_3 {strides = array<i32>} : memref<8192xf32, #tpu.memory_space<vmem>>, vector<16xf32>,
            %scan3A_1651 = arith.constant 4 : i32
            %scan3A_1652 = arith.addi %scan3A_1628, %scan3A_1651 : i32
            %mul3A_1653 = arith.constant 16 : i32
            %mul3A_1654 = arith.muli %scan3A_1652, %mul3A_1653 : i32
            %swap3A_1655 = arith.index_cast %mul3A_1654 : i32 to index
            %swap3A_1656 = tpu.vector_load %arg14[%swap3A_1655] {strides = array<i32>} : memref<8192xf32, #tpu.memory_space<vmem>>, vector<16xf32>,
            tpu.vector_store %arg14[%swap3A_1655], %broadcast_in_dim3A_3 {strides = array<i32>} : memref<8192xf32, #tpu.memory_space<vmem>>, vector<16xf32>,
            %scan3A_1657 = arith.constant 5 : i32
            %scan3A_1658 = arith.addi %scan3A_1628, %scan3A_1657 : i32
            %mul3A_1659 = arith.constant 16 : i32
            %mul3A_1660 = arith.muli %scan3A_1658, %mul3A_1659 : i32
            %swap3A_1661 = arith.index_cast %mul3A_1660 : i32 to index
            %swap3A_1662 = tpu.vector_load %arg14[%swap3A_1661] {strides = array<i32>} : memref<8192xf32, #tpu.memory_space<vmem>>, vector<16xf32>,
            tpu.vector_store %arg14[%swap3A_1661], %broadcast_in_dim3A_3 {strides = array<i32>} : memref<8192xf32, #tpu.memory_space<vmem>>, vector<16xf32>,
            %scan3A_1663 = arith.constant 6 : i32
            %scan3A_1664 = arith.addi %scan3A_1628, %scan3A_1663 : i32
            %mul3A_1665 = arith.constant 16 : i32
            %mul3A_1666 = arith.muli %scan3A_1664, %mul3A_1665 : i32
            %swap3A_1667 = arith.index_cast %mul3A_1666 : i32 to index
            %swap3A_1668 = tpu.vector_load %arg14[%swap3A_1667] {strides = array<i32>} : memref<8192xf32, #tpu.memory_space<vmem>>, vector<16xf32>,
            tpu.vector_store %arg14[%swap3A_1667], %broadcast_in_dim3A_3 {strides = array<i32>} : memref<8192xf32, #tpu.memory_space<vmem>>, vector<16xf32>,
            %scan3A_1669 = arith.constant 7 : i32
            %scan3A_1670 = arith.addi %scan3A_1628, %scan3A_1669 : i32
            %mul3A_1671 = arith.constant 16 : i32
            %mul3A_1672 = arith.muli %scan3A_1670, %mul3A_1671 : i32
            %swap3A_1673 = arith.index_cast %mul3A_1672 : i32 to index
            %swap3A_1674 = tpu.vector_load %arg14[%swap3A_1673] {strides = array<i32>} : memref<8192xf32, #tpu.memory_space<vmem>>, vector<16xf32>,
            tpu.vector_store %arg14[%swap3A_1673], %broadcast_in_dim3A_3 {strides = array<i32>} : memref<8192xf32, #tpu.memory_space<vmem>>, vector<16xf32>,
          }
          %scan3A_1625 = arith.constant 512 : i32
          %add3A_1626 = arith.constant 1 : i32
          %add3A_1627 = arith.addi %cond3A_508#1, %add3A_1626 : i32
          scf.yield %squeeze3A_596, %add3A_1627 : i32, i32
        } else {
          scf.yield %cond3A_508#0, %cond3A_508#1 : i32, i32
        }
        %slice3A_602 = vector.extract_strided_slice %get3A_128 {offsets = [5], sizes = [1], strides = [1]} : vector<16xf32> to vector<1xf32>
        %squeeze3A_603 = vector.extract %slice3A_602[0] : f32 from vector<1xf32>
        %slice3A_604 = vector.extract_strided_slice %get3A_130 {offsets = [5], sizes = [1], strides = [1]} : vector<16xf32> to vector<1xf32>
        %squeeze3A_605 = vector.extract %slice3A_604[0] : f32 from vector<1xf32>
        %slice3A_606 = vector.extract_strided_slice %get3A_132 {offsets = [5], sizes = [1], strides = [1]} : vector<16xf32> to vector<1xf32>
        %squeeze3A_607 = vector.extract %slice3A_606[0] : f32 from vector<1xf32>
        %mul3A_608 = vector.broadcast %squeeze3A_603 : f32 to vector<16xf32>
        %mul3A_609 = arith.mulf %mul3A_608, %mul3A_15 : vector<16xf32>
        %mul3A_610 = vector.broadcast %squeeze3A_605 : f32 to vector<16xf32>
        %mul3A_611 = arith.mulf %mul3A_610, %mul3A_20 : vector<16xf32>
        %mul3A_612 = vector.broadcast %squeeze3A_607 : f32 to vector<16xf32>
        %mul3A_613 = arith.mulf %mul3A_612, %mul3A_25 : vector<16xf32>
        %add3A_614 = arith.addf %mul3A_613, %broadcast_in_dim3A_11 : vector<16xf32>
        %add3A_615 = arith.addf %mul3A_611, %add3A_614 : vector<16xf32>
        %add3A_616 = arith.addf %mul3A_609, %add3A_615 : vector<16xf32>
        %max3A_617 = arith.constant 0.000000e+00 : f32
        %max3A_618 = vector.broadcast %max3A_617 : f32 to vector<16xf32>
        %max3A_619 = arith.maximumf %add3A_616, %max3A_618 : vector<16xf32>
        %min3A_620 = arith.constant 1.270000e+02 : f32
        %min3A_621 = vector.broadcast %min3A_620 : f32 to vector<16xf32>
        %min3A_622 = arith.minimumf %max3A_619, %min3A_621 : vector<16xf32>
        %convert_element_type3A_623 = arith.fptosi %min3A_622 : vector<16xf32> to vector<16xi32>
        %mul3A_624 = arith.constant 64 : i32
        %mul3A_625 = vector.broadcast %mul3A_624 : i32 to vector<16xi32>
        %mul3A_626 = arith.muli %convert_element_type3A_623, %mul3A_625 : vector<16xi32>
        %add3A_627 = arith.addi %mul3A_626, %add3A_73 : vector<16xi32>
        %mul3A_628 = vector.broadcast %squeeze3A_603 : f32 to vector<16xf32>
        %mul3A_629 = arith.mulf %mul3A_628, %mul3A_30 : vector<16xf32>
        %mul3A_630 = vector.broadcast %squeeze3A_605 : f32 to vector<16xf32>
        %mul3A_631 = arith.mulf %mul3A_630, %mul3A_35 : vector<16xf32>
        %mul3A_632 = vector.broadcast %squeeze3A_607 : f32 to vector<16xf32>
        %mul3A_633 = arith.mulf %mul3A_632, %mul3A_40 : vector<16xf32>
        %add3A_634 = arith.addf %mul3A_633, %broadcast_in_dim3A_11 : vector<16xf32>
        %add3A_635 = arith.addf %mul3A_631, %add3A_634 : vector<16xf32>
        %add3A_636 = arith.addf %mul3A_629, %add3A_635 : vector<16xf32>
        %max3A_637 = arith.constant 0.000000e+00 : f32
        %max3A_638 = vector.broadcast %max3A_637 : f32 to vector<16xf32>
        %max3A_639 = arith.maximumf %add3A_636, %max3A_638 : vector<16xf32>
        %min3A_640 = arith.constant 1.270000e+02 : f32
        %min3A_641 = vector.broadcast %min3A_640 : f32 to vector<16xf32>
        %min3A_642 = arith.minimumf %max3A_639, %min3A_641 : vector<16xf32>
        %convert_element_type3A_643 = arith.fptosi %min3A_642 : vector<16xf32> to vector<16xi32>
        %mul3A_644 = arith.constant 64 : i32
        %mul3A_645 = vector.broadcast %mul3A_644 : i32 to vector<16xi32>
        %mul3A_646 = arith.muli %convert_element_type3A_643, %mul3A_645 : vector<16xi32>
        %add3A_647 = arith.addi %mul3A_646, %add3A_76 : vector<16xi32>
        %mul3A_648 = vector.broadcast %squeeze3A_603 : f32 to vector<16xf32>
        %mul3A_649 = arith.mulf %mul3A_648, %mul3A_45 : vector<16xf32>
        %mul3A_650 = vector.broadcast %squeeze3A_605 : f32 to vector<16xf32>
        %mul3A_651 = arith.mulf %mul3A_650, %mul3A_50 : vector<16xf32>
        %mul3A_652 = vector.broadcast %squeeze3A_607 : f32 to vector<16xf32>
        %mul3A_653 = arith.mulf %mul3A_652, %mul3A_55 : vector<16xf32>
        %add3A_654 = arith.addf %mul3A_653, %broadcast_in_dim3A_11 : vector<16xf32>
        %add3A_655 = arith.addf %mul3A_651, %add3A_654 : vector<16xf32>
        %add3A_656 = arith.addf %mul3A_649, %add3A_655 : vector<16xf32>
        %max3A_657 = arith.constant 0.000000e+00 : f32
        %max3A_658 = vector.broadcast %max3A_657 : f32 to vector<16xf32>
        %max3A_659 = arith.maximumf %add3A_656, %max3A_658 : vector<16xf32>
        %min3A_660 = arith.constant 1.270000e+02 : f32
        %min3A_661 = vector.broadcast %min3A_660 : f32 to vector<16xf32>
        %min3A_662 = arith.minimumf %max3A_659, %min3A_661 : vector<16xf32>
        %convert_element_type3A_663 = arith.fptosi %min3A_662 : vector<16xf32> to vector<16xi32>
        %mul3A_664 = arith.constant 64 : i32
        %mul3A_665 = vector.broadcast %mul3A_664 : i32 to vector<16xi32>
        %mul3A_666 = arith.muli %convert_element_type3A_663, %mul3A_665 : vector<16xi32>
        %add3A_667 = arith.addi %mul3A_666, %add3A_79 : vector<16xi32>
        %mul3A_668 = vector.broadcast %squeeze3A_603 : f32 to vector<16xf32>
        %mul3A_669 = arith.mulf %mul3A_668, %mul3A_60 : vector<16xf32>
        %mul3A_670 = vector.broadcast %squeeze3A_605 : f32 to vector<16xf32>
        %mul3A_671 = arith.mulf %mul3A_670, %mul3A_65 : vector<16xf32>
        %mul3A_672 = vector.broadcast %squeeze3A_607 : f32 to vector<16xf32>
        %mul3A_673 = arith.mulf %mul3A_672, %mul3A_70 : vector<16xf32>
        %add3A_674 = arith.addf %mul3A_673, %broadcast_in_dim3A_11 : vector<16xf32>
        %add3A_675 = arith.addf %mul3A_671, %add3A_674 : vector<16xf32>
        %add3A_676 = arith.addf %mul3A_669, %add3A_675 : vector<16xf32>
        %max3A_677 = arith.constant 0.000000e+00 : f32
        %max3A_678 = vector.broadcast %max3A_677 : f32 to vector<16xf32>
        %max3A_679 = arith.maximumf %add3A_676, %max3A_678 : vector<16xf32>
        %min3A_680 = arith.constant 1.270000e+02 : f32
        %min3A_681 = vector.broadcast %min3A_680 : f32 to vector<16xf32>
        %min3A_682 = arith.minimumf %max3A_679, %min3A_681 : vector<16xf32>
        %convert_element_type3A_683 = arith.fptosi %min3A_682 : vector<16xf32> to vector<16xi32>
        %mul3A_684 = arith.constant 64 : i32
        %mul3A_685 = vector.broadcast %mul3A_684 : i32 to vector<16xi32>
        %mul3A_686 = arith.muli %convert_element_type3A_683, %mul3A_685 : vector<16xi32>
        %add3A_687 = arith.addi %mul3A_686, %add3A_82 : vector<16xi32>
        tpu.vector_store_idx %arg14[%add3A_627], %broadcast_in_dim3A_5 {add = true} : memref<8192xf32, #tpu.memory_space<vmem>>[vector<16xi32>], vector<16xf32>,
        tpu.vector_store_idx %arg14[%add3A_647], %broadcast_in_dim3A_5 {add = true} : memref<8192xf32, #tpu.memory_space<vmem>>[vector<16xi32>], vector<16xf32>,
        tpu.vector_store_idx %arg14[%add3A_667], %broadcast_in_dim3A_5 {add = true} : memref<8192xf32, #tpu.memory_space<vmem>>[vector<16xi32>], vector<16xf32>,
        tpu.vector_store_idx %arg14[%add3A_687], %broadcast_in_dim3A_5 {add = true} : memref<8192xf32, #tpu.memory_space<vmem>>[vector<16xi32>], vector<16xf32>,
        %slice3A_688 = vector.extract_strided_slice %get3A_118 {offsets = [6], sizes = [1], strides = [1]} : vector<16xi32> to vector<1xi32>
        %squeeze3A_689 = vector.extract %slice3A_688[0] : i32 from vector<1xi32>
        %ne3A_690 = arith.cmpi ne, %squeeze3A_689, %cond3A_601#0 : i32
        %convert_element_type3A_691 = arith.extui %ne3A_690 : i1 to i32
        %cond3A_692 = arith.constant 0 : i32
        %cond3A_693 = arith.cmpi ne, %convert_element_type3A_691, %cond3A_692 : i32
        %cond3A_694:2 = scf.if %cond3A_693 -> (i32, i32) {
          "tpu.region"() ({
            %run_scoped3A = tpu.sem_alloc : memref<!tpu.dma_semaphore, #tpu.memory_space<semaphore_mem>>
            %dma_start3A = arith.constant 0 : i32
            %dma_start3A_1628 = tpu.memref_slice %arg7[%add3A, %cond3A_601#1, %dma_start3A] : memref<32x64x8192xf32, #tpu.memory_space<hbm>> -> memref<1x1x8192xf32, #tpu.memory_space<hbm>>
            %dma_start3A_1629 = tpu.memref_squeeze %dma_start3A_1628 : memref<1x1x8192xf32, #tpu.memory_space<hbm>> -> memref<8192xf32, #tpu.memory_space<hbm>>
            %dma_start3A_1630 = arith.constant 0 : i32
            %dma_start3A_1631 = tpu.memref_slice %arg7[%add3A, %cond3A_601#1, %dma_start3A_1630] : memref<32x64x8192xf32, #tpu.memory_space<hbm>> -> memref<1x1x8192xf32, #tpu.memory_space<hbm>>
            %dma_start3A_1632 = tpu.memref_squeeze %dma_start3A_1631 : memref<1x1x8192xf32, #tpu.memory_space<hbm>> -> memref<8192xf32, #tpu.memory_space<hbm>>
            tpu.enqueue_dma source(%arg14 : memref<8192xf32, #tpu.memory_space<vmem>>) target(%dma_start3A_1632 : memref<8192xf32, #tpu.memory_space<hbm>>) target_semaphore(%run_scoped3A : memref<!tpu.dma_semaphore, #tpu.memory_space<semaphore_mem>>)
            %dma_wait3A = arith.constant 0 : i32
            %dma_wait3A_1633 = tpu.memref_slice %arg7[%add3A, %cond3A_601#1, %dma_wait3A] : memref<32x64x8192xf32, #tpu.memory_space<hbm>> -> memref<1x1x8192xf32, #tpu.memory_space<hbm>>
            %dma_wait3A_1634 = tpu.memref_squeeze %dma_wait3A_1633 : memref<1x1x8192xf32, #tpu.memory_space<hbm>> -> memref<8192xf32, #tpu.memory_space<hbm>>
            %dma_wait3A_1635 = arith.constant 0 : i32
            %dma_wait3A_1636 = tpu.memref_slice %arg7[%add3A, %cond3A_601#1, %dma_wait3A_1635] : memref<32x64x8192xf32, #tpu.memory_space<hbm>> -> memref<1x1x8192xf32, #tpu.memory_space<hbm>>
            %dma_wait3A_1637 = tpu.memref_squeeze %dma_wait3A_1636 : memref<1x1x8192xf32, #tpu.memory_space<hbm>> -> memref<8192xf32, #tpu.memory_space<hbm>>
            tpu.wait_dma2 semaphore(%run_scoped3A : memref<!tpu.dma_semaphore, #tpu.memory_space<semaphore_mem>>) src(%arg14 : memref<8192xf32, #tpu.memory_space<vmem>>) dst(%dma_wait3A_1637 : memref<8192xf32, #tpu.memory_space<hbm>>)
            tpu.yield
          }) : () -> ()
          %broadcast_in_dim3A_1618 = vector.broadcast %cond3A_601#1 : i32 to vector<16xi32>
          %broadcast_in_dim3A_1619 = vector.broadcast %cond3A_601#0 : i32 to vector<16xi32>
          tpu.vector_store_idx %arg15[%broadcast_in_dim3A_1618], %broadcast_in_dim3A_1619 masked %eq3A_9 : memref<64xi32, #tpu.memory_space<vmem>>[vector<16xi32>], vector<16xi32>, vector<16xi1>
          %scan3A_1620 = arith.constant 0 : i32
          %scan3A_1621 = arith.constant 0 : i32
          %scan3A_1622 = arith.constant 512 : i32
          %scan3A_1623 = arith.addi %scan3A_1621, %scan3A_1622 : i32
          %scan3A_1624 = arith.constant 8 : i32
          scf.for %scan3A_1628 = %scan3A_1621 to %scan3A_1623 step %scan3A_1624  : i32 {
            %mul3A_1629 = arith.constant 16 : i32
            %mul3A_1630 = arith.muli %scan3A_1628, %mul3A_1629 : i32
            %swap3A_1631 = arith.index_cast %mul3A_1630 : i32 to index
            %swap3A_1632 = tpu.vector_load %arg14[%swap3A_1631] {strides = array<i32>} : memref<8192xf32, #tpu.memory_space<vmem>>, vector<16xf32>,
            tpu.vector_store %arg14[%swap3A_1631], %broadcast_in_dim3A_3 {strides = array<i32>} : memref<8192xf32, #tpu.memory_space<vmem>>, vector<16xf32>,
            %scan3A_1633 = arith.constant 1 : i32
            %scan3A_1634 = arith.addi %scan3A_1628, %scan3A_1633 : i32
            %mul3A_1635 = arith.constant 16 : i32
            %mul3A_1636 = arith.muli %scan3A_1634, %mul3A_1635 : i32
            %swap3A_1637 = arith.index_cast %mul3A_1636 : i32 to index
            %swap3A_1638 = tpu.vector_load %arg14[%swap3A_1637] {strides = array<i32>} : memref<8192xf32, #tpu.memory_space<vmem>>, vector<16xf32>,
            tpu.vector_store %arg14[%swap3A_1637], %broadcast_in_dim3A_3 {strides = array<i32>} : memref<8192xf32, #tpu.memory_space<vmem>>, vector<16xf32>,
            %scan3A_1639 = arith.constant 2 : i32
            %scan3A_1640 = arith.addi %scan3A_1628, %scan3A_1639 : i32
            %mul3A_1641 = arith.constant 16 : i32
            %mul3A_1642 = arith.muli %scan3A_1640, %mul3A_1641 : i32
            %swap3A_1643 = arith.index_cast %mul3A_1642 : i32 to index
            %swap3A_1644 = tpu.vector_load %arg14[%swap3A_1643] {strides = array<i32>} : memref<8192xf32, #tpu.memory_space<vmem>>, vector<16xf32>,
            tpu.vector_store %arg14[%swap3A_1643], %broadcast_in_dim3A_3 {strides = array<i32>} : memref<8192xf32, #tpu.memory_space<vmem>>, vector<16xf32>,
            %scan3A_1645 = arith.constant 3 : i32
            %scan3A_1646 = arith.addi %scan3A_1628, %scan3A_1645 : i32
            %mul3A_1647 = arith.constant 16 : i32
            %mul3A_1648 = arith.muli %scan3A_1646, %mul3A_1647 : i32
            %swap3A_1649 = arith.index_cast %mul3A_1648 : i32 to index
            %swap3A_1650 = tpu.vector_load %arg14[%swap3A_1649] {strides = array<i32>} : memref<8192xf32, #tpu.memory_space<vmem>>, vector<16xf32>,
            tpu.vector_store %arg14[%swap3A_1649], %broadcast_in_dim3A_3 {strides = array<i32>} : memref<8192xf32, #tpu.memory_space<vmem>>, vector<16xf32>,
            %scan3A_1651 = arith.constant 4 : i32
            %scan3A_1652 = arith.addi %scan3A_1628, %scan3A_1651 : i32
            %mul3A_1653 = arith.constant 16 : i32
            %mul3A_1654 = arith.muli %scan3A_1652, %mul3A_1653 : i32
            %swap3A_1655 = arith.index_cast %mul3A_1654 : i32 to index
            %swap3A_1656 = tpu.vector_load %arg14[%swap3A_1655] {strides = array<i32>} : memref<8192xf32, #tpu.memory_space<vmem>>, vector<16xf32>,
            tpu.vector_store %arg14[%swap3A_1655], %broadcast_in_dim3A_3 {strides = array<i32>} : memref<8192xf32, #tpu.memory_space<vmem>>, vector<16xf32>,
            %scan3A_1657 = arith.constant 5 : i32
            %scan3A_1658 = arith.addi %scan3A_1628, %scan3A_1657 : i32
            %mul3A_1659 = arith.constant 16 : i32
            %mul3A_1660 = arith.muli %scan3A_1658, %mul3A_1659 : i32
            %swap3A_1661 = arith.index_cast %mul3A_1660 : i32 to index
            %swap3A_1662 = tpu.vector_load %arg14[%swap3A_1661] {strides = array<i32>} : memref<8192xf32, #tpu.memory_space<vmem>>, vector<16xf32>,
            tpu.vector_store %arg14[%swap3A_1661], %broadcast_in_dim3A_3 {strides = array<i32>} : memref<8192xf32, #tpu.memory_space<vmem>>, vector<16xf32>,
            %scan3A_1663 = arith.constant 6 : i32
            %scan3A_1664 = arith.addi %scan3A_1628, %scan3A_1663 : i32
            %mul3A_1665 = arith.constant 16 : i32
            %mul3A_1666 = arith.muli %scan3A_1664, %mul3A_1665 : i32
            %swap3A_1667 = arith.index_cast %mul3A_1666 : i32 to index
            %swap3A_1668 = tpu.vector_load %arg14[%swap3A_1667] {strides = array<i32>} : memref<8192xf32, #tpu.memory_space<vmem>>, vector<16xf32>,
            tpu.vector_store %arg14[%swap3A_1667], %broadcast_in_dim3A_3 {strides = array<i32>} : memref<8192xf32, #tpu.memory_space<vmem>>, vector<16xf32>,
            %scan3A_1669 = arith.constant 7 : i32
            %scan3A_1670 = arith.addi %scan3A_1628, %scan3A_1669 : i32
            %mul3A_1671 = arith.constant 16 : i32
            %mul3A_1672 = arith.muli %scan3A_1670, %mul3A_1671 : i32
            %swap3A_1673 = arith.index_cast %mul3A_1672 : i32 to index
            %swap3A_1674 = tpu.vector_load %arg14[%swap3A_1673] {strides = array<i32>} : memref<8192xf32, #tpu.memory_space<vmem>>, vector<16xf32>,
            tpu.vector_store %arg14[%swap3A_1673], %broadcast_in_dim3A_3 {strides = array<i32>} : memref<8192xf32, #tpu.memory_space<vmem>>, vector<16xf32>,
          }
          %scan3A_1625 = arith.constant 512 : i32
          %add3A_1626 = arith.constant 1 : i32
          %add3A_1627 = arith.addi %cond3A_601#1, %add3A_1626 : i32
          scf.yield %squeeze3A_689, %add3A_1627 : i32, i32
        } else {
          scf.yield %cond3A_601#0, %cond3A_601#1 : i32, i32
        }
        %slice3A_695 = vector.extract_strided_slice %get3A_128 {offsets = [6], sizes = [1], strides = [1]} : vector<16xf32> to vector<1xf32>
        %squeeze3A_696 = vector.extract %slice3A_695[0] : f32 from vector<1xf32>
        %slice3A_697 = vector.extract_strided_slice %get3A_130 {offsets = [6], sizes = [1], strides = [1]} : vector<16xf32> to vector<1xf32>
        %squeeze3A_698 = vector.extract %slice3A_697[0] : f32 from vector<1xf32>
        %slice3A_699 = vector.extract_strided_slice %get3A_132 {offsets = [6], sizes = [1], strides = [1]} : vector<16xf32> to vector<1xf32>
        %squeeze3A_700 = vector.extract %slice3A_699[0] : f32 from vector<1xf32>
        %mul3A_701 = vector.broadcast %squeeze3A_696 : f32 to vector<16xf32>
        %mul3A_702 = arith.mulf %mul3A_701, %mul3A_15 : vector<16xf32>
        %mul3A_703 = vector.broadcast %squeeze3A_698 : f32 to vector<16xf32>
        %mul3A_704 = arith.mulf %mul3A_703, %mul3A_20 : vector<16xf32>
        %mul3A_705 = vector.broadcast %squeeze3A_700 : f32 to vector<16xf32>
        %mul3A_706 = arith.mulf %mul3A_705, %mul3A_25 : vector<16xf32>
        %add3A_707 = arith.addf %mul3A_706, %broadcast_in_dim3A_11 : vector<16xf32>
        %add3A_708 = arith.addf %mul3A_704, %add3A_707 : vector<16xf32>
        %add3A_709 = arith.addf %mul3A_702, %add3A_708 : vector<16xf32>
        %max3A_710 = arith.constant 0.000000e+00 : f32
        %max3A_711 = vector.broadcast %max3A_710 : f32 to vector<16xf32>
        %max3A_712 = arith.maximumf %add3A_709, %max3A_711 : vector<16xf32>
        %min3A_713 = arith.constant 1.270000e+02 : f32
        %min3A_714 = vector.broadcast %min3A_713 : f32 to vector<16xf32>
        %min3A_715 = arith.minimumf %max3A_712, %min3A_714 : vector<16xf32>
        %convert_element_type3A_716 = arith.fptosi %min3A_715 : vector<16xf32> to vector<16xi32>
        %mul3A_717 = arith.constant 64 : i32
        %mul3A_718 = vector.broadcast %mul3A_717 : i32 to vector<16xi32>
        %mul3A_719 = arith.muli %convert_element_type3A_716, %mul3A_718 : vector<16xi32>
        %add3A_720 = arith.addi %mul3A_719, %add3A_73 : vector<16xi32>
        %mul3A_721 = vector.broadcast %squeeze3A_696 : f32 to vector<16xf32>
        %mul3A_722 = arith.mulf %mul3A_721, %mul3A_30 : vector<16xf32>
        %mul3A_723 = vector.broadcast %squeeze3A_698 : f32 to vector<16xf32>
        %mul3A_724 = arith.mulf %mul3A_723, %mul3A_35 : vector<16xf32>
        %mul3A_725 = vector.broadcast %squeeze3A_700 : f32 to vector<16xf32>
        %mul3A_726 = arith.mulf %mul3A_725, %mul3A_40 : vector<16xf32>
        %add3A_727 = arith.addf %mul3A_726, %broadcast_in_dim3A_11 : vector<16xf32>
        %add3A_728 = arith.addf %mul3A_724, %add3A_727 : vector<16xf32>
        %add3A_729 = arith.addf %mul3A_722, %add3A_728 : vector<16xf32>
        %max3A_730 = arith.constant 0.000000e+00 : f32
        %max3A_731 = vector.broadcast %max3A_730 : f32 to vector<16xf32>
        %max3A_732 = arith.maximumf %add3A_729, %max3A_731 : vector<16xf32>
        %min3A_733 = arith.constant 1.270000e+02 : f32
        %min3A_734 = vector.broadcast %min3A_733 : f32 to vector<16xf32>
        %min3A_735 = arith.minimumf %max3A_732, %min3A_734 : vector<16xf32>
        %convert_element_type3A_736 = arith.fptosi %min3A_735 : vector<16xf32> to vector<16xi32>
        %mul3A_737 = arith.constant 64 : i32
        %mul3A_738 = vector.broadcast %mul3A_737 : i32 to vector<16xi32>
        %mul3A_739 = arith.muli %convert_element_type3A_736, %mul3A_738 : vector<16xi32>
        %add3A_740 = arith.addi %mul3A_739, %add3A_76 : vector<16xi32>
        %mul3A_741 = vector.broadcast %squeeze3A_696 : f32 to vector<16xf32>
        %mul3A_742 = arith.mulf %mul3A_741, %mul3A_45 : vector<16xf32>
        %mul3A_743 = vector.broadcast %squeeze3A_698 : f32 to vector<16xf32>
        %mul3A_744 = arith.mulf %mul3A_743, %mul3A_50 : vector<16xf32>
        %mul3A_745 = vector.broadcast %squeeze3A_700 : f32 to vector<16xf32>
        %mul3A_746 = arith.mulf %mul3A_745, %mul3A_55 : vector<16xf32>
        %add3A_747 = arith.addf %mul3A_746, %broadcast_in_dim3A_11 : vector<16xf32>
        %add3A_748 = arith.addf %mul3A_744, %add3A_747 : vector<16xf32>
        %add3A_749 = arith.addf %mul3A_742, %add3A_748 : vector<16xf32>
        %max3A_750 = arith.constant 0.000000e+00 : f32
        %max3A_751 = vector.broadcast %max3A_750 : f32 to vector<16xf32>
        %max3A_752 = arith.maximumf %add3A_749, %max3A_751 : vector<16xf32>
        %min3A_753 = arith.constant 1.270000e+02 : f32
        %min3A_754 = vector.broadcast %min3A_753 : f32 to vector<16xf32>
        %min3A_755 = arith.minimumf %max3A_752, %min3A_754 : vector<16xf32>
        %convert_element_type3A_756 = arith.fptosi %min3A_755 : vector<16xf32> to vector<16xi32>
        %mul3A_757 = arith.constant 64 : i32
        %mul3A_758 = vector.broadcast %mul3A_757 : i32 to vector<16xi32>
        %mul3A_759 = arith.muli %convert_element_type3A_756, %mul3A_758 : vector<16xi32>
        %add3A_760 = arith.addi %mul3A_759, %add3A_79 : vector<16xi32>
        %mul3A_761 = vector.broadcast %squeeze3A_696 : f32 to vector<16xf32>
        %mul3A_762 = arith.mulf %mul3A_761, %mul3A_60 : vector<16xf32>
        %mul3A_763 = vector.broadcast %squeeze3A_698 : f32 to vector<16xf32>
        %mul3A_764 = arith.mulf %mul3A_763, %mul3A_65 : vector<16xf32>
        %mul3A_765 = vector.broadcast %squeeze3A_700 : f32 to vector<16xf32>
        %mul3A_766 = arith.mulf %mul3A_765, %mul3A_70 : vector<16xf32>
        %add3A_767 = arith.addf %mul3A_766, %broadcast_in_dim3A_11 : vector<16xf32>
        %add3A_768 = arith.addf %mul3A_764, %add3A_767 : vector<16xf32>
        %add3A_769 = arith.addf %mul3A_762, %add3A_768 : vector<16xf32>
        %max3A_770 = arith.constant 0.000000e+00 : f32
        %max3A_771 = vector.broadcast %max3A_770 : f32 to vector<16xf32>
        %max3A_772 = arith.maximumf %add3A_769, %max3A_771 : vector<16xf32>
        %min3A_773 = arith.constant 1.270000e+02 : f32
        %min3A_774 = vector.broadcast %min3A_773 : f32 to vector<16xf32>
        %min3A_775 = arith.minimumf %max3A_772, %min3A_774 : vector<16xf32>
        %convert_element_type3A_776 = arith.fptosi %min3A_775 : vector<16xf32> to vector<16xi32>
        %mul3A_777 = arith.constant 64 : i32
        %mul3A_778 = vector.broadcast %mul3A_777 : i32 to vector<16xi32>
        %mul3A_779 = arith.muli %convert_element_type3A_776, %mul3A_778 : vector<16xi32>
        %add3A_780 = arith.addi %mul3A_779, %add3A_82 : vector<16xi32>
        tpu.vector_store_idx %arg14[%add3A_720], %broadcast_in_dim3A_5 {add = true} : memref<8192xf32, #tpu.memory_space<vmem>>[vector<16xi32>], vector<16xf32>,
        tpu.vector_store_idx %arg14[%add3A_740], %broadcast_in_dim3A_5 {add = true} : memref<8192xf32, #tpu.memory_space<vmem>>[vector<16xi32>], vector<16xf32>,
        tpu.vector_store_idx %arg14[%add3A_760], %broadcast_in_dim3A_5 {add = true} : memref<8192xf32, #tpu.memory_space<vmem>>[vector<16xi32>], vector<16xf32>,
        tpu.vector_store_idx %arg14[%add3A_780], %broadcast_in_dim3A_5 {add = true} : memref<8192xf32, #tpu.memory_space<vmem>>[vector<16xi32>], vector<16xf32>,
        %slice3A_781 = vector.extract_strided_slice %get3A_118 {offsets = [7], sizes = [1], strides = [1]} : vector<16xi32> to vector<1xi32>
        %squeeze3A_782 = vector.extract %slice3A_781[0] : i32 from vector<1xi32>
        %ne3A_783 = arith.cmpi ne, %squeeze3A_782, %cond3A_694#0 : i32
        %convert_element_type3A_784 = arith.extui %ne3A_783 : i1 to i32
        %cond3A_785 = arith.constant 0 : i32
        %cond3A_786 = arith.cmpi ne, %convert_element_type3A_784, %cond3A_785 : i32
        %cond3A_787:2 = scf.if %cond3A_786 -> (i32, i32) {
          "tpu.region"() ({
            %run_scoped3A = tpu.sem_alloc : memref<!tpu.dma_semaphore, #tpu.memory_space<semaphore_mem>>
            %dma_start3A = arith.constant 0 : i32
            %dma_start3A_1628 = tpu.memref_slice %arg7[%add3A, %cond3A_694#1, %dma_start3A] : memref<32x64x8192xf32, #tpu.memory_space<hbm>> -> memref<1x1x8192xf32, #tpu.memory_space<hbm>>
            %dma_start3A_1629 = tpu.memref_squeeze %dma_start3A_1628 : memref<1x1x8192xf32, #tpu.memory_space<hbm>> -> memref<8192xf32, #tpu.memory_space<hbm>>
            %dma_start3A_1630 = arith.constant 0 : i32
            %dma_start3A_1631 = tpu.memref_slice %arg7[%add3A, %cond3A_694#1, %dma_start3A_1630] : memref<32x64x8192xf32, #tpu.memory_space<hbm>> -> memref<1x1x8192xf32, #tpu.memory_space<hbm>>
            %dma_start3A_1632 = tpu.memref_squeeze %dma_start3A_1631 : memref<1x1x8192xf32, #tpu.memory_space<hbm>> -> memref<8192xf32, #tpu.memory_space<hbm>>
            tpu.enqueue_dma source(%arg14 : memref<8192xf32, #tpu.memory_space<vmem>>) target(%dma_start3A_1632 : memref<8192xf32, #tpu.memory_space<hbm>>) target_semaphore(%run_scoped3A : memref<!tpu.dma_semaphore, #tpu.memory_space<semaphore_mem>>)
            %dma_wait3A = arith.constant 0 : i32
            %dma_wait3A_1633 = tpu.memref_slice %arg7[%add3A, %cond3A_694#1, %dma_wait3A] : memref<32x64x8192xf32, #tpu.memory_space<hbm>> -> memref<1x1x8192xf32, #tpu.memory_space<hbm>>
            %dma_wait3A_1634 = tpu.memref_squeeze %dma_wait3A_1633 : memref<1x1x8192xf32, #tpu.memory_space<hbm>> -> memref<8192xf32, #tpu.memory_space<hbm>>
            %dma_wait3A_1635 = arith.constant 0 : i32
            %dma_wait3A_1636 = tpu.memref_slice %arg7[%add3A, %cond3A_694#1, %dma_wait3A_1635] : memref<32x64x8192xf32, #tpu.memory_space<hbm>> -> memref<1x1x8192xf32, #tpu.memory_space<hbm>>
            %dma_wait3A_1637 = tpu.memref_squeeze %dma_wait3A_1636 : memref<1x1x8192xf32, #tpu.memory_space<hbm>> -> memref<8192xf32, #tpu.memory_space<hbm>>
            tpu.wait_dma2 semaphore(%run_scoped3A : memref<!tpu.dma_semaphore, #tpu.memory_space<semaphore_mem>>) src(%arg14 : memref<8192xf32, #tpu.memory_space<vmem>>) dst(%dma_wait3A_1637 : memref<8192xf32, #tpu.memory_space<hbm>>)
            tpu.yield
          }) : () -> ()
          %broadcast_in_dim3A_1618 = vector.broadcast %cond3A_694#1 : i32 to vector<16xi32>
          %broadcast_in_dim3A_1619 = vector.broadcast %cond3A_694#0 : i32 to vector<16xi32>
          tpu.vector_store_idx %arg15[%broadcast_in_dim3A_1618], %broadcast_in_dim3A_1619 masked %eq3A_9 : memref<64xi32, #tpu.memory_space<vmem>>[vector<16xi32>], vector<16xi32>, vector<16xi1>
          %scan3A_1620 = arith.constant 0 : i32
          %scan3A_1621 = arith.constant 0 : i32
          %scan3A_1622 = arith.constant 512 : i32
          %scan3A_1623 = arith.addi %scan3A_1621, %scan3A_1622 : i32
          %scan3A_1624 = arith.constant 8 : i32
          scf.for %scan3A_1628 = %scan3A_1621 to %scan3A_1623 step %scan3A_1624  : i32 {
            %mul3A_1629 = arith.constant 16 : i32
            %mul3A_1630 = arith.muli %scan3A_1628, %mul3A_1629 : i32
            %swap3A_1631 = arith.index_cast %mul3A_1630 : i32 to index
            %swap3A_1632 = tpu.vector_load %arg14[%swap3A_1631] {strides = array<i32>} : memref<8192xf32, #tpu.memory_space<vmem>>, vector<16xf32>,
            tpu.vector_store %arg14[%swap3A_1631], %broadcast_in_dim3A_3 {strides = array<i32>} : memref<8192xf32, #tpu.memory_space<vmem>>, vector<16xf32>,
            %scan3A_1633 = arith.constant 1 : i32
            %scan3A_1634 = arith.addi %scan3A_1628, %scan3A_1633 : i32
            %mul3A_1635 = arith.constant 16 : i32
            %mul3A_1636 = arith.muli %scan3A_1634, %mul3A_1635 : i32
            %swap3A_1637 = arith.index_cast %mul3A_1636 : i32 to index
            %swap3A_1638 = tpu.vector_load %arg14[%swap3A_1637] {strides = array<i32>} : memref<8192xf32, #tpu.memory_space<vmem>>, vector<16xf32>,
            tpu.vector_store %arg14[%swap3A_1637], %broadcast_in_dim3A_3 {strides = array<i32>} : memref<8192xf32, #tpu.memory_space<vmem>>, vector<16xf32>,
            %scan3A_1639 = arith.constant 2 : i32
            %scan3A_1640 = arith.addi %scan3A_1628, %scan3A_1639 : i32
            %mul3A_1641 = arith.constant 16 : i32
            %mul3A_1642 = arith.muli %scan3A_1640, %mul3A_1641 : i32
            %swap3A_1643 = arith.index_cast %mul3A_1642 : i32 to index
            %swap3A_1644 = tpu.vector_load %arg14[%swap3A_1643] {strides = array<i32>} : memref<8192xf32, #tpu.memory_space<vmem>>, vector<16xf32>,
            tpu.vector_store %arg14[%swap3A_1643], %broadcast_in_dim3A_3 {strides = array<i32>} : memref<8192xf32, #tpu.memory_space<vmem>>, vector<16xf32>,
            %scan3A_1645 = arith.constant 3 : i32
            %scan3A_1646 = arith.addi %scan3A_1628, %scan3A_1645 : i32
            %mul3A_1647 = arith.constant 16 : i32
            %mul3A_1648 = arith.muli %scan3A_1646, %mul3A_1647 : i32
            %swap3A_1649 = arith.index_cast %mul3A_1648 : i32 to index
            %swap3A_1650 = tpu.vector_load %arg14[%swap3A_1649] {strides = array<i32>} : memref<8192xf32, #tpu.memory_space<vmem>>, vector<16xf32>,
            tpu.vector_store %arg14[%swap3A_1649], %broadcast_in_dim3A_3 {strides = array<i32>} : memref<8192xf32, #tpu.memory_space<vmem>>, vector<16xf32>,
            %scan3A_1651 = arith.constant 4 : i32
            %scan3A_1652 = arith.addi %scan3A_1628, %scan3A_1651 : i32
            %mul3A_1653 = arith.constant 16 : i32
            %mul3A_1654 = arith.muli %scan3A_1652, %mul3A_1653 : i32
            %swap3A_1655 = arith.index_cast %mul3A_1654 : i32 to index
            %swap3A_1656 = tpu.vector_load %arg14[%swap3A_1655] {strides = array<i32>} : memref<8192xf32, #tpu.memory_space<vmem>>, vector<16xf32>,
            tpu.vector_store %arg14[%swap3A_1655], %broadcast_in_dim3A_3 {strides = array<i32>} : memref<8192xf32, #tpu.memory_space<vmem>>, vector<16xf32>,
            %scan3A_1657 = arith.constant 5 : i32
            %scan3A_1658 = arith.addi %scan3A_1628, %scan3A_1657 : i32
            %mul3A_1659 = arith.constant 16 : i32
            %mul3A_1660 = arith.muli %scan3A_1658, %mul3A_1659 : i32
            %swap3A_1661 = arith.index_cast %mul3A_1660 : i32 to index
            %swap3A_1662 = tpu.vector_load %arg14[%swap3A_1661] {strides = array<i32>} : memref<8192xf32, #tpu.memory_space<vmem>>, vector<16xf32>,
            tpu.vector_store %arg14[%swap3A_1661], %broadcast_in_dim3A_3 {strides = array<i32>} : memref<8192xf32, #tpu.memory_space<vmem>>, vector<16xf32>,
            %scan3A_1663 = arith.constant 6 : i32
            %scan3A_1664 = arith.addi %scan3A_1628, %scan3A_1663 : i32
            %mul3A_1665 = arith.constant 16 : i32
            %mul3A_1666 = arith.muli %scan3A_1664, %mul3A_1665 : i32
            %swap3A_1667 = arith.index_cast %mul3A_1666 : i32 to index
            %swap3A_1668 = tpu.vector_load %arg14[%swap3A_1667] {strides = array<i32>} : memref<8192xf32, #tpu.memory_space<vmem>>, vector<16xf32>,
            tpu.vector_store %arg14[%swap3A_1667], %broadcast_in_dim3A_3 {strides = array<i32>} : memref<8192xf32, #tpu.memory_space<vmem>>, vector<16xf32>,
            %scan3A_1669 = arith.constant 7 : i32
            %scan3A_1670 = arith.addi %scan3A_1628, %scan3A_1669 : i32
            %mul3A_1671 = arith.constant 16 : i32
            %mul3A_1672 = arith.muli %scan3A_1670, %mul3A_1671 : i32
            %swap3A_1673 = arith.index_cast %mul3A_1672 : i32 to index
            %swap3A_1674 = tpu.vector_load %arg14[%swap3A_1673] {strides = array<i32>} : memref<8192xf32, #tpu.memory_space<vmem>>, vector<16xf32>,
            tpu.vector_store %arg14[%swap3A_1673], %broadcast_in_dim3A_3 {strides = array<i32>} : memref<8192xf32, #tpu.memory_space<vmem>>, vector<16xf32>,
          }
          %scan3A_1625 = arith.constant 512 : i32
          %add3A_1626 = arith.constant 1 : i32
          %add3A_1627 = arith.addi %cond3A_694#1, %add3A_1626 : i32
          scf.yield %squeeze3A_782, %add3A_1627 : i32, i32
        } else {
          scf.yield %cond3A_694#0, %cond3A_694#1 : i32, i32
        }
        %slice3A_788 = vector.extract_strided_slice %get3A_128 {offsets = [7], sizes = [1], strides = [1]} : vector<16xf32> to vector<1xf32>
        %squeeze3A_789 = vector.extract %slice3A_788[0] : f32 from vector<1xf32>
        %slice3A_790 = vector.extract_strided_slice %get3A_130 {offsets = [7], sizes = [1], strides = [1]} : vector<16xf32> to vector<1xf32>
        %squeeze3A_791 = vector.extract %slice3A_790[0] : f32 from vector<1xf32>
        %slice3A_792 = vector.extract_strided_slice %get3A_132 {offsets = [7], sizes = [1], strides = [1]} : vector<16xf32> to vector<1xf32>
        %squeeze3A_793 = vector.extract %slice3A_792[0] : f32 from vector<1xf32>
        %mul3A_794 = vector.broadcast %squeeze3A_789 : f32 to vector<16xf32>
        %mul3A_795 = arith.mulf %mul3A_794, %mul3A_15 : vector<16xf32>
        %mul3A_796 = vector.broadcast %squeeze3A_791 : f32 to vector<16xf32>
        %mul3A_797 = arith.mulf %mul3A_796, %mul3A_20 : vector<16xf32>
        %mul3A_798 = vector.broadcast %squeeze3A_793 : f32 to vector<16xf32>
        %mul3A_799 = arith.mulf %mul3A_798, %mul3A_25 : vector<16xf32>
        %add3A_800 = arith.addf %mul3A_799, %broadcast_in_dim3A_11 : vector<16xf32>
        %add3A_801 = arith.addf %mul3A_797, %add3A_800 : vector<16xf32>
        %add3A_802 = arith.addf %mul3A_795, %add3A_801 : vector<16xf32>
        %max3A_803 = arith.constant 0.000000e+00 : f32
        %max3A_804 = vector.broadcast %max3A_803 : f32 to vector<16xf32>
        %max3A_805 = arith.maximumf %add3A_802, %max3A_804 : vector<16xf32>
        %min3A_806 = arith.constant 1.270000e+02 : f32
        %min3A_807 = vector.broadcast %min3A_806 : f32 to vector<16xf32>
        %min3A_808 = arith.minimumf %max3A_805, %min3A_807 : vector<16xf32>
        %convert_element_type3A_809 = arith.fptosi %min3A_808 : vector<16xf32> to vector<16xi32>
        %mul3A_810 = arith.constant 64 : i32
        %mul3A_811 = vector.broadcast %mul3A_810 : i32 to vector<16xi32>
        %mul3A_812 = arith.muli %convert_element_type3A_809, %mul3A_811 : vector<16xi32>
        %add3A_813 = arith.addi %mul3A_812, %add3A_73 : vector<16xi32>
        %mul3A_814 = vector.broadcast %squeeze3A_789 : f32 to vector<16xf32>
        %mul3A_815 = arith.mulf %mul3A_814, %mul3A_30 : vector<16xf32>
        %mul3A_816 = vector.broadcast %squeeze3A_791 : f32 to vector<16xf32>
        %mul3A_817 = arith.mulf %mul3A_816, %mul3A_35 : vector<16xf32>
        %mul3A_818 = vector.broadcast %squeeze3A_793 : f32 to vector<16xf32>
        %mul3A_819 = arith.mulf %mul3A_818, %mul3A_40 : vector<16xf32>
        %add3A_820 = arith.addf %mul3A_819, %broadcast_in_dim3A_11 : vector<16xf32>
        %add3A_821 = arith.addf %mul3A_817, %add3A_820 : vector<16xf32>
        %add3A_822 = arith.addf %mul3A_815, %add3A_821 : vector<16xf32>
        %max3A_823 = arith.constant 0.000000e+00 : f32
        %max3A_824 = vector.broadcast %max3A_823 : f32 to vector<16xf32>
        %max3A_825 = arith.maximumf %add3A_822, %max3A_824 : vector<16xf32>
        %min3A_826 = arith.constant 1.270000e+02 : f32
        %min3A_827 = vector.broadcast %min3A_826 : f32 to vector<16xf32>
        %min3A_828 = arith.minimumf %max3A_825, %min3A_827 : vector<16xf32>
        %convert_element_type3A_829 = arith.fptosi %min3A_828 : vector<16xf32> to vector<16xi32>
        %mul3A_830 = arith.constant 64 : i32
        %mul3A_831 = vector.broadcast %mul3A_830 : i32 to vector<16xi32>
        %mul3A_832 = arith.muli %convert_element_type3A_829, %mul3A_831 : vector<16xi32>
        %add3A_833 = arith.addi %mul3A_832, %add3A_76 : vector<16xi32>
        %mul3A_834 = vector.broadcast %squeeze3A_789 : f32 to vector<16xf32>
        %mul3A_835 = arith.mulf %mul3A_834, %mul3A_45 : vector<16xf32>
        %mul3A_836 = vector.broadcast %squeeze3A_791 : f32 to vector<16xf32>
        %mul3A_837 = arith.mulf %mul3A_836, %mul3A_50 : vector<16xf32>
        %mul3A_838 = vector.broadcast %squeeze3A_793 : f32 to vector<16xf32>
        %mul3A_839 = arith.mulf %mul3A_838, %mul3A_55 : vector<16xf32>
        %add3A_840 = arith.addf %mul3A_839, %broadcast_in_dim3A_11 : vector<16xf32>
        %add3A_841 = arith.addf %mul3A_837, %add3A_840 : vector<16xf32>
        %add3A_842 = arith.addf %mul3A_835, %add3A_841 : vector<16xf32>
        %max3A_843 = arith.constant 0.000000e+00 : f32
        %max3A_844 = vector.broadcast %max3A_843 : f32 to vector<16xf32>
        %max3A_845 = arith.maximumf %add3A_842, %max3A_844 : vector<16xf32>
        %min3A_846 = arith.constant 1.270000e+02 : f32
        %min3A_847 = vector.broadcast %min3A_846 : f32 to vector<16xf32>
        %min3A_848 = arith.minimumf %max3A_845, %min3A_847 : vector<16xf32>
        %convert_element_type3A_849 = arith.fptosi %min3A_848 : vector<16xf32> to vector<16xi32>
        %mul3A_850 = arith.constant 64 : i32
        %mul3A_851 = vector.broadcast %mul3A_850 : i32 to vector<16xi32>
        %mul3A_852 = arith.muli %convert_element_type3A_849, %mul3A_851 : vector<16xi32>
        %add3A_853 = arith.addi %mul3A_852, %add3A_79 : vector<16xi32>
        %mul3A_854 = vector.broadcast %squeeze3A_789 : f32 to vector<16xf32>
        %mul3A_855 = arith.mulf %mul3A_854, %mul3A_60 : vector<16xf32>
        %mul3A_856 = vector.broadcast %squeeze3A_791 : f32 to vector<16xf32>
        %mul3A_857 = arith.mulf %mul3A_856, %mul3A_65 : vector<16xf32>
        %mul3A_858 = vector.broadcast %squeeze3A_793 : f32 to vector<16xf32>
        %mul3A_859 = arith.mulf %mul3A_858, %mul3A_70 : vector<16xf32>
        %add3A_860 = arith.addf %mul3A_859, %broadcast_in_dim3A_11 : vector<16xf32>
        %add3A_861 = arith.addf %mul3A_857, %add3A_860 : vector<16xf32>
        %add3A_862 = arith.addf %mul3A_855, %add3A_861 : vector<16xf32>
        %max3A_863 = arith.constant 0.000000e+00 : f32
        %max3A_864 = vector.broadcast %max3A_863 : f32 to vector<16xf32>
        %max3A_865 = arith.maximumf %add3A_862, %max3A_864 : vector<16xf32>
        %min3A_866 = arith.constant 1.270000e+02 : f32
        %min3A_867 = vector.broadcast %min3A_866 : f32 to vector<16xf32>
        %min3A_868 = arith.minimumf %max3A_865, %min3A_867 : vector<16xf32>
        %convert_element_type3A_869 = arith.fptosi %min3A_868 : vector<16xf32> to vector<16xi32>
        %mul3A_870 = arith.constant 64 : i32
        %mul3A_871 = vector.broadcast %mul3A_870 : i32 to vector<16xi32>
        %mul3A_872 = arith.muli %convert_element_type3A_869, %mul3A_871 : vector<16xi32>
        %add3A_873 = arith.addi %mul3A_872, %add3A_82 : vector<16xi32>
        tpu.vector_store_idx %arg14[%add3A_813], %broadcast_in_dim3A_5 {add = true} : memref<8192xf32, #tpu.memory_space<vmem>>[vector<16xi32>], vector<16xf32>,
        tpu.vector_store_idx %arg14[%add3A_833], %broadcast_in_dim3A_5 {add = true} : memref<8192xf32, #tpu.memory_space<vmem>>[vector<16xi32>], vector<16xf32>,
        tpu.vector_store_idx %arg14[%add3A_853], %broadcast_in_dim3A_5 {add = true} : memref<8192xf32, #tpu.memory_space<vmem>>[vector<16xi32>], vector<16xf32>,
        tpu.vector_store_idx %arg14[%add3A_873], %broadcast_in_dim3A_5 {add = true} : memref<8192xf32, #tpu.memory_space<vmem>>[vector<16xi32>], vector<16xf32>,
        %slice3A_874 = vector.extract_strided_slice %get3A_118 {offsets = [8], sizes = [1], strides = [1]} : vector<16xi32> to vector<1xi32>
        %squeeze3A_875 = vector.extract %slice3A_874[0] : i32 from vector<1xi32>
        %ne3A_876 = arith.cmpi ne, %squeeze3A_875, %cond3A_787#0 : i32
        %convert_element_type3A_877 = arith.extui %ne3A_876 : i1 to i32
        %cond3A_878 = arith.constant 0 : i32
        %cond3A_879 = arith.cmpi ne, %convert_element_type3A_877, %cond3A_878 : i32
        %cond3A_880:2 = scf.if %cond3A_879 -> (i32, i32) {
          "tpu.region"() ({
            %run_scoped3A = tpu.sem_alloc : memref<!tpu.dma_semaphore, #tpu.memory_space<semaphore_mem>>
            %dma_start3A = arith.constant 0 : i32
            %dma_start3A_1628 = tpu.memref_slice %arg7[%add3A, %cond3A_787#1, %dma_start3A] : memref<32x64x8192xf32, #tpu.memory_space<hbm>> -> memref<1x1x8192xf32, #tpu.memory_space<hbm>>
            %dma_start3A_1629 = tpu.memref_squeeze %dma_start3A_1628 : memref<1x1x8192xf32, #tpu.memory_space<hbm>> -> memref<8192xf32, #tpu.memory_space<hbm>>
            %dma_start3A_1630 = arith.constant 0 : i32
            %dma_start3A_1631 = tpu.memref_slice %arg7[%add3A, %cond3A_787#1, %dma_start3A_1630] : memref<32x64x8192xf32, #tpu.memory_space<hbm>> -> memref<1x1x8192xf32, #tpu.memory_space<hbm>>
            %dma_start3A_1632 = tpu.memref_squeeze %dma_start3A_1631 : memref<1x1x8192xf32, #tpu.memory_space<hbm>> -> memref<8192xf32, #tpu.memory_space<hbm>>
            tpu.enqueue_dma source(%arg14 : memref<8192xf32, #tpu.memory_space<vmem>>) target(%dma_start3A_1632 : memref<8192xf32, #tpu.memory_space<hbm>>) target_semaphore(%run_scoped3A : memref<!tpu.dma_semaphore, #tpu.memory_space<semaphore_mem>>)
            %dma_wait3A = arith.constant 0 : i32
            %dma_wait3A_1633 = tpu.memref_slice %arg7[%add3A, %cond3A_787#1, %dma_wait3A] : memref<32x64x8192xf32, #tpu.memory_space<hbm>> -> memref<1x1x8192xf32, #tpu.memory_space<hbm>>
            %dma_wait3A_1634 = tpu.memref_squeeze %dma_wait3A_1633 : memref<1x1x8192xf32, #tpu.memory_space<hbm>> -> memref<8192xf32, #tpu.memory_space<hbm>>
            %dma_wait3A_1635 = arith.constant 0 : i32
            %dma_wait3A_1636 = tpu.memref_slice %arg7[%add3A, %cond3A_787#1, %dma_wait3A_1635] : memref<32x64x8192xf32, #tpu.memory_space<hbm>> -> memref<1x1x8192xf32, #tpu.memory_space<hbm>>
            %dma_wait3A_1637 = tpu.memref_squeeze %dma_wait3A_1636 : memref<1x1x8192xf32, #tpu.memory_space<hbm>> -> memref<8192xf32, #tpu.memory_space<hbm>>
            tpu.wait_dma2 semaphore(%run_scoped3A : memref<!tpu.dma_semaphore, #tpu.memory_space<semaphore_mem>>) src(%arg14 : memref<8192xf32, #tpu.memory_space<vmem>>) dst(%dma_wait3A_1637 : memref<8192xf32, #tpu.memory_space<hbm>>)
            tpu.yield
          }) : () -> ()
          %broadcast_in_dim3A_1618 = vector.broadcast %cond3A_787#1 : i32 to vector<16xi32>
          %broadcast_in_dim3A_1619 = vector.broadcast %cond3A_787#0 : i32 to vector<16xi32>
          tpu.vector_store_idx %arg15[%broadcast_in_dim3A_1618], %broadcast_in_dim3A_1619 masked %eq3A_9 : memref<64xi32, #tpu.memory_space<vmem>>[vector<16xi32>], vector<16xi32>, vector<16xi1>
          %scan3A_1620 = arith.constant 0 : i32
          %scan3A_1621 = arith.constant 0 : i32
          %scan3A_1622 = arith.constant 512 : i32
          %scan3A_1623 = arith.addi %scan3A_1621, %scan3A_1622 : i32
          %scan3A_1624 = arith.constant 8 : i32
          scf.for %scan3A_1628 = %scan3A_1621 to %scan3A_1623 step %scan3A_1624  : i32 {
            %mul3A_1629 = arith.constant 16 : i32
            %mul3A_1630 = arith.muli %scan3A_1628, %mul3A_1629 : i32
            %swap3A_1631 = arith.index_cast %mul3A_1630 : i32 to index
            %swap3A_1632 = tpu.vector_load %arg14[%swap3A_1631] {strides = array<i32>} : memref<8192xf32, #tpu.memory_space<vmem>>, vector<16xf32>,
            tpu.vector_store %arg14[%swap3A_1631], %broadcast_in_dim3A_3 {strides = array<i32>} : memref<8192xf32, #tpu.memory_space<vmem>>, vector<16xf32>,
            %scan3A_1633 = arith.constant 1 : i32
            %scan3A_1634 = arith.addi %scan3A_1628, %scan3A_1633 : i32
            %mul3A_1635 = arith.constant 16 : i32
            %mul3A_1636 = arith.muli %scan3A_1634, %mul3A_1635 : i32
            %swap3A_1637 = arith.index_cast %mul3A_1636 : i32 to index
            %swap3A_1638 = tpu.vector_load %arg14[%swap3A_1637] {strides = array<i32>} : memref<8192xf32, #tpu.memory_space<vmem>>, vector<16xf32>,
            tpu.vector_store %arg14[%swap3A_1637], %broadcast_in_dim3A_3 {strides = array<i32>} : memref<8192xf32, #tpu.memory_space<vmem>>, vector<16xf32>,
            %scan3A_1639 = arith.constant 2 : i32
            %scan3A_1640 = arith.addi %scan3A_1628, %scan3A_1639 : i32
            %mul3A_1641 = arith.constant 16 : i32
            %mul3A_1642 = arith.muli %scan3A_1640, %mul3A_1641 : i32
            %swap3A_1643 = arith.index_cast %mul3A_1642 : i32 to index
            %swap3A_1644 = tpu.vector_load %arg14[%swap3A_1643] {strides = array<i32>} : memref<8192xf32, #tpu.memory_space<vmem>>, vector<16xf32>,
            tpu.vector_store %arg14[%swap3A_1643], %broadcast_in_dim3A_3 {strides = array<i32>} : memref<8192xf32, #tpu.memory_space<vmem>>, vector<16xf32>,
            %scan3A_1645 = arith.constant 3 : i32
            %scan3A_1646 = arith.addi %scan3A_1628, %scan3A_1645 : i32
            %mul3A_1647 = arith.constant 16 : i32
            %mul3A_1648 = arith.muli %scan3A_1646, %mul3A_1647 : i32
            %swap3A_1649 = arith.index_cast %mul3A_1648 : i32 to index
            %swap3A_1650 = tpu.vector_load %arg14[%swap3A_1649] {strides = array<i32>} : memref<8192xf32, #tpu.memory_space<vmem>>, vector<16xf32>,
            tpu.vector_store %arg14[%swap3A_1649], %broadcast_in_dim3A_3 {strides = array<i32>} : memref<8192xf32, #tpu.memory_space<vmem>>, vector<16xf32>,
            %scan3A_1651 = arith.constant 4 : i32
            %scan3A_1652 = arith.addi %scan3A_1628, %scan3A_1651 : i32
            %mul3A_1653 = arith.constant 16 : i32
            %mul3A_1654 = arith.muli %scan3A_1652, %mul3A_1653 : i32
            %swap3A_1655 = arith.index_cast %mul3A_1654 : i32 to index
            %swap3A_1656 = tpu.vector_load %arg14[%swap3A_1655] {strides = array<i32>} : memref<8192xf32, #tpu.memory_space<vmem>>, vector<16xf32>,
            tpu.vector_store %arg14[%swap3A_1655], %broadcast_in_dim3A_3 {strides = array<i32>} : memref<8192xf32, #tpu.memory_space<vmem>>, vector<16xf32>,
            %scan3A_1657 = arith.constant 5 : i32
            %scan3A_1658 = arith.addi %scan3A_1628, %scan3A_1657 : i32
            %mul3A_1659 = arith.constant 16 : i32
            %mul3A_1660 = arith.muli %scan3A_1658, %mul3A_1659 : i32
            %swap3A_1661 = arith.index_cast %mul3A_1660 : i32 to index
            %swap3A_1662 = tpu.vector_load %arg14[%swap3A_1661] {strides = array<i32>} : memref<8192xf32, #tpu.memory_space<vmem>>, vector<16xf32>,
            tpu.vector_store %arg14[%swap3A_1661], %broadcast_in_dim3A_3 {strides = array<i32>} : memref<8192xf32, #tpu.memory_space<vmem>>, vector<16xf32>,
            %scan3A_1663 = arith.constant 6 : i32
            %scan3A_1664 = arith.addi %scan3A_1628, %scan3A_1663 : i32
            %mul3A_1665 = arith.constant 16 : i32
            %mul3A_1666 = arith.muli %scan3A_1664, %mul3A_1665 : i32
            %swap3A_1667 = arith.index_cast %mul3A_1666 : i32 to index
            %swap3A_1668 = tpu.vector_load %arg14[%swap3A_1667] {strides = array<i32>} : memref<8192xf32, #tpu.memory_space<vmem>>, vector<16xf32>,
            tpu.vector_store %arg14[%swap3A_1667], %broadcast_in_dim3A_3 {strides = array<i32>} : memref<8192xf32, #tpu.memory_space<vmem>>, vector<16xf32>,
            %scan3A_1669 = arith.constant 7 : i32
            %scan3A_1670 = arith.addi %scan3A_1628, %scan3A_1669 : i32
            %mul3A_1671 = arith.constant 16 : i32
            %mul3A_1672 = arith.muli %scan3A_1670, %mul3A_1671 : i32
            %swap3A_1673 = arith.index_cast %mul3A_1672 : i32 to index
            %swap3A_1674 = tpu.vector_load %arg14[%swap3A_1673] {strides = array<i32>} : memref<8192xf32, #tpu.memory_space<vmem>>, vector<16xf32>,
            tpu.vector_store %arg14[%swap3A_1673], %broadcast_in_dim3A_3 {strides = array<i32>} : memref<8192xf32, #tpu.memory_space<vmem>>, vector<16xf32>,
          }
          %scan3A_1625 = arith.constant 512 : i32
          %add3A_1626 = arith.constant 1 : i32
          %add3A_1627 = arith.addi %cond3A_787#1, %add3A_1626 : i32
          scf.yield %squeeze3A_875, %add3A_1627 : i32, i32
        } else {
          scf.yield %cond3A_787#0, %cond3A_787#1 : i32, i32
        }
        %slice3A_881 = vector.extract_strided_slice %get3A_128 {offsets = [8], sizes = [1], strides = [1]} : vector<16xf32> to vector<1xf32>
        %squeeze3A_882 = vector.extract %slice3A_881[0] : f32 from vector<1xf32>
        %slice3A_883 = vector.extract_strided_slice %get3A_130 {offsets = [8], sizes = [1], strides = [1]} : vector<16xf32> to vector<1xf32>
        %squeeze3A_884 = vector.extract %slice3A_883[0] : f32 from vector<1xf32>
        %slice3A_885 = vector.extract_strided_slice %get3A_132 {offsets = [8], sizes = [1], strides = [1]} : vector<16xf32> to vector<1xf32>
        %squeeze3A_886 = vector.extract %slice3A_885[0] : f32 from vector<1xf32>
        %mul3A_887 = vector.broadcast %squeeze3A_882 : f32 to vector<16xf32>
        %mul3A_888 = arith.mulf %mul3A_887, %mul3A_15 : vector<16xf32>
        %mul3A_889 = vector.broadcast %squeeze3A_884 : f32 to vector<16xf32>
        %mul3A_890 = arith.mulf %mul3A_889, %mul3A_20 : vector<16xf32>
        %mul3A_891 = vector.broadcast %squeeze3A_886 : f32 to vector<16xf32>
        %mul3A_892 = arith.mulf %mul3A_891, %mul3A_25 : vector<16xf32>
        %add3A_893 = arith.addf %mul3A_892, %broadcast_in_dim3A_11 : vector<16xf32>
        %add3A_894 = arith.addf %mul3A_890, %add3A_893 : vector<16xf32>
        %add3A_895 = arith.addf %mul3A_888, %add3A_894 : vector<16xf32>
        %max3A_896 = arith.constant 0.000000e+00 : f32
        %max3A_897 = vector.broadcast %max3A_896 : f32 to vector<16xf32>
        %max3A_898 = arith.maximumf %add3A_895, %max3A_897 : vector<16xf32>
        %min3A_899 = arith.constant 1.270000e+02 : f32
        %min3A_900 = vector.broadcast %min3A_899 : f32 to vector<16xf32>
        %min3A_901 = arith.minimumf %max3A_898, %min3A_900 : vector<16xf32>
        %convert_element_type3A_902 = arith.fptosi %min3A_901 : vector<16xf32> to vector<16xi32>
        %mul3A_903 = arith.constant 64 : i32
        %mul3A_904 = vector.broadcast %mul3A_903 : i32 to vector<16xi32>
        %mul3A_905 = arith.muli %convert_element_type3A_902, %mul3A_904 : vector<16xi32>
        %add3A_906 = arith.addi %mul3A_905, %add3A_73 : vector<16xi32>
        %mul3A_907 = vector.broadcast %squeeze3A_882 : f32 to vector<16xf32>
        %mul3A_908 = arith.mulf %mul3A_907, %mul3A_30 : vector<16xf32>
        %mul3A_909 = vector.broadcast %squeeze3A_884 : f32 to vector<16xf32>
        %mul3A_910 = arith.mulf %mul3A_909, %mul3A_35 : vector<16xf32>
        %mul3A_911 = vector.broadcast %squeeze3A_886 : f32 to vector<16xf32>
        %mul3A_912 = arith.mulf %mul3A_911, %mul3A_40 : vector<16xf32>
        %add3A_913 = arith.addf %mul3A_912, %broadcast_in_dim3A_11 : vector<16xf32>
        %add3A_914 = arith.addf %mul3A_910, %add3A_913 : vector<16xf32>
        %add3A_915 = arith.addf %mul3A_908, %add3A_914 : vector<16xf32>
        %max3A_916 = arith.constant 0.000000e+00 : f32
        %max3A_917 = vector.broadcast %max3A_916 : f32 to vector<16xf32>
        %max3A_918 = arith.maximumf %add3A_915, %max3A_917 : vector<16xf32>
        %min3A_919 = arith.constant 1.270000e+02 : f32
        %min3A_920 = vector.broadcast %min3A_919 : f32 to vector<16xf32>
        %min3A_921 = arith.minimumf %max3A_918, %min3A_920 : vector<16xf32>
        %convert_element_type3A_922 = arith.fptosi %min3A_921 : vector<16xf32> to vector<16xi32>
        %mul3A_923 = arith.constant 64 : i32
        %mul3A_924 = vector.broadcast %mul3A_923 : i32 to vector<16xi32>
        %mul3A_925 = arith.muli %convert_element_type3A_922, %mul3A_924 : vector<16xi32>
        %add3A_926 = arith.addi %mul3A_925, %add3A_76 : vector<16xi32>
        %mul3A_927 = vector.broadcast %squeeze3A_882 : f32 to vector<16xf32>
        %mul3A_928 = arith.mulf %mul3A_927, %mul3A_45 : vector<16xf32>
        %mul3A_929 = vector.broadcast %squeeze3A_884 : f32 to vector<16xf32>
        %mul3A_930 = arith.mulf %mul3A_929, %mul3A_50 : vector<16xf32>
        %mul3A_931 = vector.broadcast %squeeze3A_886 : f32 to vector<16xf32>
        %mul3A_932 = arith.mulf %mul3A_931, %mul3A_55 : vector<16xf32>
        %add3A_933 = arith.addf %mul3A_932, %broadcast_in_dim3A_11 : vector<16xf32>
        %add3A_934 = arith.addf %mul3A_930, %add3A_933 : vector<16xf32>
        %add3A_935 = arith.addf %mul3A_928, %add3A_934 : vector<16xf32>
        %max3A_936 = arith.constant 0.000000e+00 : f32
        %max3A_937 = vector.broadcast %max3A_936 : f32 to vector<16xf32>
        %max3A_938 = arith.maximumf %add3A_935, %max3A_937 : vector<16xf32>
        %min3A_939 = arith.constant 1.270000e+02 : f32
        %min3A_940 = vector.broadcast %min3A_939 : f32 to vector<16xf32>
        %min3A_941 = arith.minimumf %max3A_938, %min3A_940 : vector<16xf32>
        %convert_element_type3A_942 = arith.fptosi %min3A_941 : vector<16xf32> to vector<16xi32>
        %mul3A_943 = arith.constant 64 : i32
        %mul3A_944 = vector.broadcast %mul3A_943 : i32 to vector<16xi32>
        %mul3A_945 = arith.muli %convert_element_type3A_942, %mul3A_944 : vector<16xi32>
        %add3A_946 = arith.addi %mul3A_945, %add3A_79 : vector<16xi32>
        %mul3A_947 = vector.broadcast %squeeze3A_882 : f32 to vector<16xf32>
        %mul3A_948 = arith.mulf %mul3A_947, %mul3A_60 : vector<16xf32>
        %mul3A_949 = vector.broadcast %squeeze3A_884 : f32 to vector<16xf32>
        %mul3A_950 = arith.mulf %mul3A_949, %mul3A_65 : vector<16xf32>
        %mul3A_951 = vector.broadcast %squeeze3A_886 : f32 to vector<16xf32>
        %mul3A_952 = arith.mulf %mul3A_951, %mul3A_70 : vector<16xf32>
        %add3A_953 = arith.addf %mul3A_952, %broadcast_in_dim3A_11 : vector<16xf32>
        %add3A_954 = arith.addf %mul3A_950, %add3A_953 : vector<16xf32>
        %add3A_955 = arith.addf %mul3A_948, %add3A_954 : vector<16xf32>
        %max3A_956 = arith.constant 0.000000e+00 : f32
        %max3A_957 = vector.broadcast %max3A_956 : f32 to vector<16xf32>
        %max3A_958 = arith.maximumf %add3A_955, %max3A_957 : vector<16xf32>
        %min3A_959 = arith.constant 1.270000e+02 : f32
        %min3A_960 = vector.broadcast %min3A_959 : f32 to vector<16xf32>
        %min3A_961 = arith.minimumf %max3A_958, %min3A_960 : vector<16xf32>
        %convert_element_type3A_962 = arith.fptosi %min3A_961 : vector<16xf32> to vector<16xi32>
        %mul3A_963 = arith.constant 64 : i32
        %mul3A_964 = vector.broadcast %mul3A_963 : i32 to vector<16xi32>
        %mul3A_965 = arith.muli %convert_element_type3A_962, %mul3A_964 : vector<16xi32>
        %add3A_966 = arith.addi %mul3A_965, %add3A_82 : vector<16xi32>
        tpu.vector_store_idx %arg14[%add3A_906], %broadcast_in_dim3A_5 {add = true} : memref<8192xf32, #tpu.memory_space<vmem>>[vector<16xi32>], vector<16xf32>,
        tpu.vector_store_idx %arg14[%add3A_926], %broadcast_in_dim3A_5 {add = true} : memref<8192xf32, #tpu.memory_space<vmem>>[vector<16xi32>], vector<16xf32>,
        tpu.vector_store_idx %arg14[%add3A_946], %broadcast_in_dim3A_5 {add = true} : memref<8192xf32, #tpu.memory_space<vmem>>[vector<16xi32>], vector<16xf32>,
        tpu.vector_store_idx %arg14[%add3A_966], %broadcast_in_dim3A_5 {add = true} : memref<8192xf32, #tpu.memory_space<vmem>>[vector<16xi32>], vector<16xf32>,
        %slice3A_967 = vector.extract_strided_slice %get3A_118 {offsets = [9], sizes = [1], strides = [1]} : vector<16xi32> to vector<1xi32>
        %squeeze3A_968 = vector.extract %slice3A_967[0] : i32 from vector<1xi32>
        %ne3A_969 = arith.cmpi ne, %squeeze3A_968, %cond3A_880#0 : i32
        %convert_element_type3A_970 = arith.extui %ne3A_969 : i1 to i32
        %cond3A_971 = arith.constant 0 : i32
        %cond3A_972 = arith.cmpi ne, %convert_element_type3A_970, %cond3A_971 : i32
        %cond3A_973:2 = scf.if %cond3A_972 -> (i32, i32) {
          "tpu.region"() ({
            %run_scoped3A = tpu.sem_alloc : memref<!tpu.dma_semaphore, #tpu.memory_space<semaphore_mem>>
            %dma_start3A = arith.constant 0 : i32
            %dma_start3A_1628 = tpu.memref_slice %arg7[%add3A, %cond3A_880#1, %dma_start3A] : memref<32x64x8192xf32, #tpu.memory_space<hbm>> -> memref<1x1x8192xf32, #tpu.memory_space<hbm>>
            %dma_start3A_1629 = tpu.memref_squeeze %dma_start3A_1628 : memref<1x1x8192xf32, #tpu.memory_space<hbm>> -> memref<8192xf32, #tpu.memory_space<hbm>>
            %dma_start3A_1630 = arith.constant 0 : i32
            %dma_start3A_1631 = tpu.memref_slice %arg7[%add3A, %cond3A_880#1, %dma_start3A_1630] : memref<32x64x8192xf32, #tpu.memory_space<hbm>> -> memref<1x1x8192xf32, #tpu.memory_space<hbm>>
            %dma_start3A_1632 = tpu.memref_squeeze %dma_start3A_1631 : memref<1x1x8192xf32, #tpu.memory_space<hbm>> -> memref<8192xf32, #tpu.memory_space<hbm>>
            tpu.enqueue_dma source(%arg14 : memref<8192xf32, #tpu.memory_space<vmem>>) target(%dma_start3A_1632 : memref<8192xf32, #tpu.memory_space<hbm>>) target_semaphore(%run_scoped3A : memref<!tpu.dma_semaphore, #tpu.memory_space<semaphore_mem>>)
            %dma_wait3A = arith.constant 0 : i32
            %dma_wait3A_1633 = tpu.memref_slice %arg7[%add3A, %cond3A_880#1, %dma_wait3A] : memref<32x64x8192xf32, #tpu.memory_space<hbm>> -> memref<1x1x8192xf32, #tpu.memory_space<hbm>>
            %dma_wait3A_1634 = tpu.memref_squeeze %dma_wait3A_1633 : memref<1x1x8192xf32, #tpu.memory_space<hbm>> -> memref<8192xf32, #tpu.memory_space<hbm>>
            %dma_wait3A_1635 = arith.constant 0 : i32
            %dma_wait3A_1636 = tpu.memref_slice %arg7[%add3A, %cond3A_880#1, %dma_wait3A_1635] : memref<32x64x8192xf32, #tpu.memory_space<hbm>> -> memref<1x1x8192xf32, #tpu.memory_space<hbm>>
            %dma_wait3A_1637 = tpu.memref_squeeze %dma_wait3A_1636 : memref<1x1x8192xf32, #tpu.memory_space<hbm>> -> memref<8192xf32, #tpu.memory_space<hbm>>
            tpu.wait_dma2 semaphore(%run_scoped3A : memref<!tpu.dma_semaphore, #tpu.memory_space<semaphore_mem>>) src(%arg14 : memref<8192xf32, #tpu.memory_space<vmem>>) dst(%dma_wait3A_1637 : memref<8192xf32, #tpu.memory_space<hbm>>)
            tpu.yield
          }) : () -> ()
          %broadcast_in_dim3A_1618 = vector.broadcast %cond3A_880#1 : i32 to vector<16xi32>
          %broadcast_in_dim3A_1619 = vector.broadcast %cond3A_880#0 : i32 to vector<16xi32>
          tpu.vector_store_idx %arg15[%broadcast_in_dim3A_1618], %broadcast_in_dim3A_1619 masked %eq3A_9 : memref<64xi32, #tpu.memory_space<vmem>>[vector<16xi32>], vector<16xi32>, vector<16xi1>
          %scan3A_1620 = arith.constant 0 : i32
          %scan3A_1621 = arith.constant 0 : i32
          %scan3A_1622 = arith.constant 512 : i32
          %scan3A_1623 = arith.addi %scan3A_1621, %scan3A_1622 : i32
          %scan3A_1624 = arith.constant 8 : i32
          scf.for %scan3A_1628 = %scan3A_1621 to %scan3A_1623 step %scan3A_1624  : i32 {
            %mul3A_1629 = arith.constant 16 : i32
            %mul3A_1630 = arith.muli %scan3A_1628, %mul3A_1629 : i32
            %swap3A_1631 = arith.index_cast %mul3A_1630 : i32 to index
            %swap3A_1632 = tpu.vector_load %arg14[%swap3A_1631] {strides = array<i32>} : memref<8192xf32, #tpu.memory_space<vmem>>, vector<16xf32>,
            tpu.vector_store %arg14[%swap3A_1631], %broadcast_in_dim3A_3 {strides = array<i32>} : memref<8192xf32, #tpu.memory_space<vmem>>, vector<16xf32>,
            %scan3A_1633 = arith.constant 1 : i32
            %scan3A_1634 = arith.addi %scan3A_1628, %scan3A_1633 : i32
            %mul3A_1635 = arith.constant 16 : i32
            %mul3A_1636 = arith.muli %scan3A_1634, %mul3A_1635 : i32
            %swap3A_1637 = arith.index_cast %mul3A_1636 : i32 to index
            %swap3A_1638 = tpu.vector_load %arg14[%swap3A_1637] {strides = array<i32>} : memref<8192xf32, #tpu.memory_space<vmem>>, vector<16xf32>,
            tpu.vector_store %arg14[%swap3A_1637], %broadcast_in_dim3A_3 {strides = array<i32>} : memref<8192xf32, #tpu.memory_space<vmem>>, vector<16xf32>,
            %scan3A_1639 = arith.constant 2 : i32
            %scan3A_1640 = arith.addi %scan3A_1628, %scan3A_1639 : i32
            %mul3A_1641 = arith.constant 16 : i32
            %mul3A_1642 = arith.muli %scan3A_1640, %mul3A_1641 : i32
            %swap3A_1643 = arith.index_cast %mul3A_1642 : i32 to index
            %swap3A_1644 = tpu.vector_load %arg14[%swap3A_1643] {strides = array<i32>} : memref<8192xf32, #tpu.memory_space<vmem>>, vector<16xf32>,
            tpu.vector_store %arg14[%swap3A_1643], %broadcast_in_dim3A_3 {strides = array<i32>} : memref<8192xf32, #tpu.memory_space<vmem>>, vector<16xf32>,
            %scan3A_1645 = arith.constant 3 : i32
            %scan3A_1646 = arith.addi %scan3A_1628, %scan3A_1645 : i32
            %mul3A_1647 = arith.constant 16 : i32
            %mul3A_1648 = arith.muli %scan3A_1646, %mul3A_1647 : i32
            %swap3A_1649 = arith.index_cast %mul3A_1648 : i32 to index
            %swap3A_1650 = tpu.vector_load %arg14[%swap3A_1649] {strides = array<i32>} : memref<8192xf32, #tpu.memory_space<vmem>>, vector<16xf32>,
            tpu.vector_store %arg14[%swap3A_1649], %broadcast_in_dim3A_3 {strides = array<i32>} : memref<8192xf32, #tpu.memory_space<vmem>>, vector<16xf32>,
            %scan3A_1651 = arith.constant 4 : i32
            %scan3A_1652 = arith.addi %scan3A_1628, %scan3A_1651 : i32
            %mul3A_1653 = arith.constant 16 : i32
            %mul3A_1654 = arith.muli %scan3A_1652, %mul3A_1653 : i32
            %swap3A_1655 = arith.index_cast %mul3A_1654 : i32 to index
            %swap3A_1656 = tpu.vector_load %arg14[%swap3A_1655] {strides = array<i32>} : memref<8192xf32, #tpu.memory_space<vmem>>, vector<16xf32>,
            tpu.vector_store %arg14[%swap3A_1655], %broadcast_in_dim3A_3 {strides = array<i32>} : memref<8192xf32, #tpu.memory_space<vmem>>, vector<16xf32>,
            %scan3A_1657 = arith.constant 5 : i32
            %scan3A_1658 = arith.addi %scan3A_1628, %scan3A_1657 : i32
            %mul3A_1659 = arith.constant 16 : i32
            %mul3A_1660 = arith.muli %scan3A_1658, %mul3A_1659 : i32
            %swap3A_1661 = arith.index_cast %mul3A_1660 : i32 to index
            %swap3A_1662 = tpu.vector_load %arg14[%swap3A_1661] {strides = array<i32>} : memref<8192xf32, #tpu.memory_space<vmem>>, vector<16xf32>,
            tpu.vector_store %arg14[%swap3A_1661], %broadcast_in_dim3A_3 {strides = array<i32>} : memref<8192xf32, #tpu.memory_space<vmem>>, vector<16xf32>,
            %scan3A_1663 = arith.constant 6 : i32
            %scan3A_1664 = arith.addi %scan3A_1628, %scan3A_1663 : i32
            %mul3A_1665 = arith.constant 16 : i32
            %mul3A_1666 = arith.muli %scan3A_1664, %mul3A_1665 : i32
            %swap3A_1667 = arith.index_cast %mul3A_1666 : i32 to index
            %swap3A_1668 = tpu.vector_load %arg14[%swap3A_1667] {strides = array<i32>} : memref<8192xf32, #tpu.memory_space<vmem>>, vector<16xf32>,
            tpu.vector_store %arg14[%swap3A_1667], %broadcast_in_dim3A_3 {strides = array<i32>} : memref<8192xf32, #tpu.memory_space<vmem>>, vector<16xf32>,
            %scan3A_1669 = arith.constant 7 : i32
            %scan3A_1670 = arith.addi %scan3A_1628, %scan3A_1669 : i32
            %mul3A_1671 = arith.constant 16 : i32
            %mul3A_1672 = arith.muli %scan3A_1670, %mul3A_1671 : i32
            %swap3A_1673 = arith.index_cast %mul3A_1672 : i32 to index
            %swap3A_1674 = tpu.vector_load %arg14[%swap3A_1673] {strides = array<i32>} : memref<8192xf32, #tpu.memory_space<vmem>>, vector<16xf32>,
            tpu.vector_store %arg14[%swap3A_1673], %broadcast_in_dim3A_3 {strides = array<i32>} : memref<8192xf32, #tpu.memory_space<vmem>>, vector<16xf32>,
          }
          %scan3A_1625 = arith.constant 512 : i32
          %add3A_1626 = arith.constant 1 : i32
          %add3A_1627 = arith.addi %cond3A_880#1, %add3A_1626 : i32
          scf.yield %squeeze3A_968, %add3A_1627 : i32, i32
        } else {
          scf.yield %cond3A_880#0, %cond3A_880#1 : i32, i32
        }
        %slice3A_974 = vector.extract_strided_slice %get3A_128 {offsets = [9], sizes = [1], strides = [1]} : vector<16xf32> to vector<1xf32>
        %squeeze3A_975 = vector.extract %slice3A_974[0] : f32 from vector<1xf32>
        %slice3A_976 = vector.extract_strided_slice %get3A_130 {offsets = [9], sizes = [1], strides = [1]} : vector<16xf32> to vector<1xf32>
        %squeeze3A_977 = vector.extract %slice3A_976[0] : f32 from vector<1xf32>
        %slice3A_978 = vector.extract_strided_slice %get3A_132 {offsets = [9], sizes = [1], strides = [1]} : vector<16xf32> to vector<1xf32>
        %squeeze3A_979 = vector.extract %slice3A_978[0] : f32 from vector<1xf32>
        %mul3A_980 = vector.broadcast %squeeze3A_975 : f32 to vector<16xf32>
        %mul3A_981 = arith.mulf %mul3A_980, %mul3A_15 : vector<16xf32>
        %mul3A_982 = vector.broadcast %squeeze3A_977 : f32 to vector<16xf32>
        %mul3A_983 = arith.mulf %mul3A_982, %mul3A_20 : vector<16xf32>
        %mul3A_984 = vector.broadcast %squeeze3A_979 : f32 to vector<16xf32>
        %mul3A_985 = arith.mulf %mul3A_984, %mul3A_25 : vector<16xf32>
        %add3A_986 = arith.addf %mul3A_985, %broadcast_in_dim3A_11 : vector<16xf32>
        %add3A_987 = arith.addf %mul3A_983, %add3A_986 : vector<16xf32>
        %add3A_988 = arith.addf %mul3A_981, %add3A_987 : vector<16xf32>
        %max3A_989 = arith.constant 0.000000e+00 : f32
        %max3A_990 = vector.broadcast %max3A_989 : f32 to vector<16xf32>
        %max3A_991 = arith.maximumf %add3A_988, %max3A_990 : vector<16xf32>
        %min3A_992 = arith.constant 1.270000e+02 : f32
        %min3A_993 = vector.broadcast %min3A_992 : f32 to vector<16xf32>
        %min3A_994 = arith.minimumf %max3A_991, %min3A_993 : vector<16xf32>
        %convert_element_type3A_995 = arith.fptosi %min3A_994 : vector<16xf32> to vector<16xi32>
        %mul3A_996 = arith.constant 64 : i32
        %mul3A_997 = vector.broadcast %mul3A_996 : i32 to vector<16xi32>
        %mul3A_998 = arith.muli %convert_element_type3A_995, %mul3A_997 : vector<16xi32>
        %add3A_999 = arith.addi %mul3A_998, %add3A_73 : vector<16xi32>
        %mul3A_1000 = vector.broadcast %squeeze3A_975 : f32 to vector<16xf32>
        %mul3A_1001 = arith.mulf %mul3A_1000, %mul3A_30 : vector<16xf32>
        %mul3A_1002 = vector.broadcast %squeeze3A_977 : f32 to vector<16xf32>
        %mul3A_1003 = arith.mulf %mul3A_1002, %mul3A_35 : vector<16xf32>
        %mul3A_1004 = vector.broadcast %squeeze3A_979 : f32 to vector<16xf32>
        %mul3A_1005 = arith.mulf %mul3A_1004, %mul3A_40 : vector<16xf32>
        %add3A_1006 = arith.addf %mul3A_1005, %broadcast_in_dim3A_11 : vector<16xf32>
        %add3A_1007 = arith.addf %mul3A_1003, %add3A_1006 : vector<16xf32>
        %add3A_1008 = arith.addf %mul3A_1001, %add3A_1007 : vector<16xf32>
        %max3A_1009 = arith.constant 0.000000e+00 : f32
        %max3A_1010 = vector.broadcast %max3A_1009 : f32 to vector<16xf32>
        %max3A_1011 = arith.maximumf %add3A_1008, %max3A_1010 : vector<16xf32>
        %min3A_1012 = arith.constant 1.270000e+02 : f32
        %min3A_1013 = vector.broadcast %min3A_1012 : f32 to vector<16xf32>
        %min3A_1014 = arith.minimumf %max3A_1011, %min3A_1013 : vector<16xf32>
        %convert_element_type3A_1015 = arith.fptosi %min3A_1014 : vector<16xf32> to vector<16xi32>
        %mul3A_1016 = arith.constant 64 : i32
        %mul3A_1017 = vector.broadcast %mul3A_1016 : i32 to vector<16xi32>
        %mul3A_1018 = arith.muli %convert_element_type3A_1015, %mul3A_1017 : vector<16xi32>
        %add3A_1019 = arith.addi %mul3A_1018, %add3A_76 : vector<16xi32>
        %mul3A_1020 = vector.broadcast %squeeze3A_975 : f32 to vector<16xf32>
        %mul3A_1021 = arith.mulf %mul3A_1020, %mul3A_45 : vector<16xf32>
        %mul3A_1022 = vector.broadcast %squeeze3A_977 : f32 to vector<16xf32>
        %mul3A_1023 = arith.mulf %mul3A_1022, %mul3A_50 : vector<16xf32>
        %mul3A_1024 = vector.broadcast %squeeze3A_979 : f32 to vector<16xf32>
        %mul3A_1025 = arith.mulf %mul3A_1024, %mul3A_55 : vector<16xf32>
        %add3A_1026 = arith.addf %mul3A_1025, %broadcast_in_dim3A_11 : vector<16xf32>
        %add3A_1027 = arith.addf %mul3A_1023, %add3A_1026 : vector<16xf32>
        %add3A_1028 = arith.addf %mul3A_1021, %add3A_1027 : vector<16xf32>
        %max3A_1029 = arith.constant 0.000000e+00 : f32
        %max3A_1030 = vector.broadcast %max3A_1029 : f32 to vector<16xf32>
        %max3A_1031 = arith.maximumf %add3A_1028, %max3A_1030 : vector<16xf32>
        %min3A_1032 = arith.constant 1.270000e+02 : f32
        %min3A_1033 = vector.broadcast %min3A_1032 : f32 to vector<16xf32>
        %min3A_1034 = arith.minimumf %max3A_1031, %min3A_1033 : vector<16xf32>
        %convert_element_type3A_1035 = arith.fptosi %min3A_1034 : vector<16xf32> to vector<16xi32>
        %mul3A_1036 = arith.constant 64 : i32
        %mul3A_1037 = vector.broadcast %mul3A_1036 : i32 to vector<16xi32>
        %mul3A_1038 = arith.muli %convert_element_type3A_1035, %mul3A_1037 : vector<16xi32>
        %add3A_1039 = arith.addi %mul3A_1038, %add3A_79 : vector<16xi32>
        %mul3A_1040 = vector.broadcast %squeeze3A_975 : f32 to vector<16xf32>
        %mul3A_1041 = arith.mulf %mul3A_1040, %mul3A_60 : vector<16xf32>
        %mul3A_1042 = vector.broadcast %squeeze3A_977 : f32 to vector<16xf32>
        %mul3A_1043 = arith.mulf %mul3A_1042, %mul3A_65 : vector<16xf32>
        %mul3A_1044 = vector.broadcast %squeeze3A_979 : f32 to vector<16xf32>
        %mul3A_1045 = arith.mulf %mul3A_1044, %mul3A_70 : vector<16xf32>
        %add3A_1046 = arith.addf %mul3A_1045, %broadcast_in_dim3A_11 : vector<16xf32>
        %add3A_1047 = arith.addf %mul3A_1043, %add3A_1046 : vector<16xf32>
        %add3A_1048 = arith.addf %mul3A_1041, %add3A_1047 : vector<16xf32>
        %max3A_1049 = arith.constant 0.000000e+00 : f32
        %max3A_1050 = vector.broadcast %max3A_1049 : f32 to vector<16xf32>
        %max3A_1051 = arith.maximumf %add3A_1048, %max3A_1050 : vector<16xf32>
        %min3A_1052 = arith.constant 1.270000e+02 : f32
        %min3A_1053 = vector.broadcast %min3A_1052 : f32 to vector<16xf32>
        %min3A_1054 = arith.minimumf %max3A_1051, %min3A_1053 : vector<16xf32>
        %convert_element_type3A_1055 = arith.fptosi %min3A_1054 : vector<16xf32> to vector<16xi32>
        %mul3A_1056 = arith.constant 64 : i32
        %mul3A_1057 = vector.broadcast %mul3A_1056 : i32 to vector<16xi32>
        %mul3A_1058 = arith.muli %convert_element_type3A_1055, %mul3A_1057 : vector<16xi32>
        %add3A_1059 = arith.addi %mul3A_1058, %add3A_82 : vector<16xi32>
        tpu.vector_store_idx %arg14[%add3A_999], %broadcast_in_dim3A_5 {add = true} : memref<8192xf32, #tpu.memory_space<vmem>>[vector<16xi32>], vector<16xf32>,
        tpu.vector_store_idx %arg14[%add3A_1019], %broadcast_in_dim3A_5 {add = true} : memref<8192xf32, #tpu.memory_space<vmem>>[vector<16xi32>], vector<16xf32>,
        tpu.vector_store_idx %arg14[%add3A_1039], %broadcast_in_dim3A_5 {add = true} : memref<8192xf32, #tpu.memory_space<vmem>>[vector<16xi32>], vector<16xf32>,
        tpu.vector_store_idx %arg14[%add3A_1059], %broadcast_in_dim3A_5 {add = true} : memref<8192xf32, #tpu.memory_space<vmem>>[vector<16xi32>], vector<16xf32>,
        %slice3A_1060 = vector.extract_strided_slice %get3A_118 {offsets = [10], sizes = [1], strides = [1]} : vector<16xi32> to vector<1xi32>
        %squeeze3A_1061 = vector.extract %slice3A_1060[0] : i32 from vector<1xi32>
        %ne3A_1062 = arith.cmpi ne, %squeeze3A_1061, %cond3A_973#0 : i32
        %convert_element_type3A_1063 = arith.extui %ne3A_1062 : i1 to i32
        %cond3A_1064 = arith.constant 0 : i32
        %cond3A_1065 = arith.cmpi ne, %convert_element_type3A_1063, %cond3A_1064 : i32
        %cond3A_1066:2 = scf.if %cond3A_1065 -> (i32, i32) {
          "tpu.region"() ({
            %run_scoped3A = tpu.sem_alloc : memref<!tpu.dma_semaphore, #tpu.memory_space<semaphore_mem>>
            %dma_start3A = arith.constant 0 : i32
            %dma_start3A_1628 = tpu.memref_slice %arg7[%add3A, %cond3A_973#1, %dma_start3A] : memref<32x64x8192xf32, #tpu.memory_space<hbm>> -> memref<1x1x8192xf32, #tpu.memory_space<hbm>>
            %dma_start3A_1629 = tpu.memref_squeeze %dma_start3A_1628 : memref<1x1x8192xf32, #tpu.memory_space<hbm>> -> memref<8192xf32, #tpu.memory_space<hbm>>
            %dma_start3A_1630 = arith.constant 0 : i32
            %dma_start3A_1631 = tpu.memref_slice %arg7[%add3A, %cond3A_973#1, %dma_start3A_1630] : memref<32x64x8192xf32, #tpu.memory_space<hbm>> -> memref<1x1x8192xf32, #tpu.memory_space<hbm>>
            %dma_start3A_1632 = tpu.memref_squeeze %dma_start3A_1631 : memref<1x1x8192xf32, #tpu.memory_space<hbm>> -> memref<8192xf32, #tpu.memory_space<hbm>>
            tpu.enqueue_dma source(%arg14 : memref<8192xf32, #tpu.memory_space<vmem>>) target(%dma_start3A_1632 : memref<8192xf32, #tpu.memory_space<hbm>>) target_semaphore(%run_scoped3A : memref<!tpu.dma_semaphore, #tpu.memory_space<semaphore_mem>>)
            %dma_wait3A = arith.constant 0 : i32
            %dma_wait3A_1633 = tpu.memref_slice %arg7[%add3A, %cond3A_973#1, %dma_wait3A] : memref<32x64x8192xf32, #tpu.memory_space<hbm>> -> memref<1x1x8192xf32, #tpu.memory_space<hbm>>
            %dma_wait3A_1634 = tpu.memref_squeeze %dma_wait3A_1633 : memref<1x1x8192xf32, #tpu.memory_space<hbm>> -> memref<8192xf32, #tpu.memory_space<hbm>>
            %dma_wait3A_1635 = arith.constant 0 : i32
            %dma_wait3A_1636 = tpu.memref_slice %arg7[%add3A, %cond3A_973#1, %dma_wait3A_1635] : memref<32x64x8192xf32, #tpu.memory_space<hbm>> -> memref<1x1x8192xf32, #tpu.memory_space<hbm>>
            %dma_wait3A_1637 = tpu.memref_squeeze %dma_wait3A_1636 : memref<1x1x8192xf32, #tpu.memory_space<hbm>> -> memref<8192xf32, #tpu.memory_space<hbm>>
            tpu.wait_dma2 semaphore(%run_scoped3A : memref<!tpu.dma_semaphore, #tpu.memory_space<semaphore_mem>>) src(%arg14 : memref<8192xf32, #tpu.memory_space<vmem>>) dst(%dma_wait3A_1637 : memref<8192xf32, #tpu.memory_space<hbm>>)
            tpu.yield
          }) : () -> ()
          %broadcast_in_dim3A_1618 = vector.broadcast %cond3A_973#1 : i32 to vector<16xi32>
          %broadcast_in_dim3A_1619 = vector.broadcast %cond3A_973#0 : i32 to vector<16xi32>
          tpu.vector_store_idx %arg15[%broadcast_in_dim3A_1618], %broadcast_in_dim3A_1619 masked %eq3A_9 : memref<64xi32, #tpu.memory_space<vmem>>[vector<16xi32>], vector<16xi32>, vector<16xi1>
          %scan3A_1620 = arith.constant 0 : i32
          %scan3A_1621 = arith.constant 0 : i32
          %scan3A_1622 = arith.constant 512 : i32
          %scan3A_1623 = arith.addi %scan3A_1621, %scan3A_1622 : i32
          %scan3A_1624 = arith.constant 8 : i32
          scf.for %scan3A_1628 = %scan3A_1621 to %scan3A_1623 step %scan3A_1624  : i32 {
            %mul3A_1629 = arith.constant 16 : i32
            %mul3A_1630 = arith.muli %scan3A_1628, %mul3A_1629 : i32
            %swap3A_1631 = arith.index_cast %mul3A_1630 : i32 to index
            %swap3A_1632 = tpu.vector_load %arg14[%swap3A_1631] {strides = array<i32>} : memref<8192xf32, #tpu.memory_space<vmem>>, vector<16xf32>,
            tpu.vector_store %arg14[%swap3A_1631], %broadcast_in_dim3A_3 {strides = array<i32>} : memref<8192xf32, #tpu.memory_space<vmem>>, vector<16xf32>,
            %scan3A_1633 = arith.constant 1 : i32
            %scan3A_1634 = arith.addi %scan3A_1628, %scan3A_1633 : i32
            %mul3A_1635 = arith.constant 16 : i32
            %mul3A_1636 = arith.muli %scan3A_1634, %mul3A_1635 : i32
            %swap3A_1637 = arith.index_cast %mul3A_1636 : i32 to index
            %swap3A_1638 = tpu.vector_load %arg14[%swap3A_1637] {strides = array<i32>} : memref<8192xf32, #tpu.memory_space<vmem>>, vector<16xf32>,
            tpu.vector_store %arg14[%swap3A_1637], %broadcast_in_dim3A_3 {strides = array<i32>} : memref<8192xf32, #tpu.memory_space<vmem>>, vector<16xf32>,
            %scan3A_1639 = arith.constant 2 : i32
            %scan3A_1640 = arith.addi %scan3A_1628, %scan3A_1639 : i32
            %mul3A_1641 = arith.constant 16 : i32
            %mul3A_1642 = arith.muli %scan3A_1640, %mul3A_1641 : i32
            %swap3A_1643 = arith.index_cast %mul3A_1642 : i32 to index
            %swap3A_1644 = tpu.vector_load %arg14[%swap3A_1643] {strides = array<i32>} : memref<8192xf32, #tpu.memory_space<vmem>>, vector<16xf32>,
            tpu.vector_store %arg14[%swap3A_1643], %broadcast_in_dim3A_3 {strides = array<i32>} : memref<8192xf32, #tpu.memory_space<vmem>>, vector<16xf32>,
            %scan3A_1645 = arith.constant 3 : i32
            %scan3A_1646 = arith.addi %scan3A_1628, %scan3A_1645 : i32
            %mul3A_1647 = arith.constant 16 : i32
            %mul3A_1648 = arith.muli %scan3A_1646, %mul3A_1647 : i32
            %swap3A_1649 = arith.index_cast %mul3A_1648 : i32 to index
            %swap3A_1650 = tpu.vector_load %arg14[%swap3A_1649] {strides = array<i32>} : memref<8192xf32, #tpu.memory_space<vmem>>, vector<16xf32>,
            tpu.vector_store %arg14[%swap3A_1649], %broadcast_in_dim3A_3 {strides = array<i32>} : memref<8192xf32, #tpu.memory_space<vmem>>, vector<16xf32>,
            %scan3A_1651 = arith.constant 4 : i32
            %scan3A_1652 = arith.addi %scan3A_1628, %scan3A_1651 : i32
            %mul3A_1653 = arith.constant 16 : i32
            %mul3A_1654 = arith.muli %scan3A_1652, %mul3A_1653 : i32
            %swap3A_1655 = arith.index_cast %mul3A_1654 : i32 to index
            %swap3A_1656 = tpu.vector_load %arg14[%swap3A_1655] {strides = array<i32>} : memref<8192xf32, #tpu.memory_space<vmem>>, vector<16xf32>,
            tpu.vector_store %arg14[%swap3A_1655], %broadcast_in_dim3A_3 {strides = array<i32>} : memref<8192xf32, #tpu.memory_space<vmem>>, vector<16xf32>,
            %scan3A_1657 = arith.constant 5 : i32
            %scan3A_1658 = arith.addi %scan3A_1628, %scan3A_1657 : i32
            %mul3A_1659 = arith.constant 16 : i32
            %mul3A_1660 = arith.muli %scan3A_1658, %mul3A_1659 : i32
            %swap3A_1661 = arith.index_cast %mul3A_1660 : i32 to index
            %swap3A_1662 = tpu.vector_load %arg14[%swap3A_1661] {strides = array<i32>} : memref<8192xf32, #tpu.memory_space<vmem>>, vector<16xf32>,
            tpu.vector_store %arg14[%swap3A_1661], %broadcast_in_dim3A_3 {strides = array<i32>} : memref<8192xf32, #tpu.memory_space<vmem>>, vector<16xf32>,
            %scan3A_1663 = arith.constant 6 : i32
            %scan3A_1664 = arith.addi %scan3A_1628, %scan3A_1663 : i32
            %mul3A_1665 = arith.constant 16 : i32
            %mul3A_1666 = arith.muli %scan3A_1664, %mul3A_1665 : i32
            %swap3A_1667 = arith.index_cast %mul3A_1666 : i32 to index
            %swap3A_1668 = tpu.vector_load %arg14[%swap3A_1667] {strides = array<i32>} : memref<8192xf32, #tpu.memory_space<vmem>>, vector<16xf32>,
            tpu.vector_store %arg14[%swap3A_1667], %broadcast_in_dim3A_3 {strides = array<i32>} : memref<8192xf32, #tpu.memory_space<vmem>>, vector<16xf32>,
            %scan3A_1669 = arith.constant 7 : i32
            %scan3A_1670 = arith.addi %scan3A_1628, %scan3A_1669 : i32
            %mul3A_1671 = arith.constant 16 : i32
            %mul3A_1672 = arith.muli %scan3A_1670, %mul3A_1671 : i32
            %swap3A_1673 = arith.index_cast %mul3A_1672 : i32 to index
            %swap3A_1674 = tpu.vector_load %arg14[%swap3A_1673] {strides = array<i32>} : memref<8192xf32, #tpu.memory_space<vmem>>, vector<16xf32>,
            tpu.vector_store %arg14[%swap3A_1673], %broadcast_in_dim3A_3 {strides = array<i32>} : memref<8192xf32, #tpu.memory_space<vmem>>, vector<16xf32>,
          }
          %scan3A_1625 = arith.constant 512 : i32
          %add3A_1626 = arith.constant 1 : i32
          %add3A_1627 = arith.addi %cond3A_973#1, %add3A_1626 : i32
          scf.yield %squeeze3A_1061, %add3A_1627 : i32, i32
        } else {
          scf.yield %cond3A_973#0, %cond3A_973#1 : i32, i32
        }
        %slice3A_1067 = vector.extract_strided_slice %get3A_128 {offsets = [10], sizes = [1], strides = [1]} : vector<16xf32> to vector<1xf32>
        %squeeze3A_1068 = vector.extract %slice3A_1067[0] : f32 from vector<1xf32>
        %slice3A_1069 = vector.extract_strided_slice %get3A_130 {offsets = [10], sizes = [1], strides = [1]} : vector<16xf32> to vector<1xf32>
        %squeeze3A_1070 = vector.extract %slice3A_1069[0] : f32 from vector<1xf32>
        %slice3A_1071 = vector.extract_strided_slice %get3A_132 {offsets = [10], sizes = [1], strides = [1]} : vector<16xf32> to vector<1xf32>
        %squeeze3A_1072 = vector.extract %slice3A_1071[0] : f32 from vector<1xf32>
        %mul3A_1073 = vector.broadcast %squeeze3A_1068 : f32 to vector<16xf32>
        %mul3A_1074 = arith.mulf %mul3A_1073, %mul3A_15 : vector<16xf32>
        %mul3A_1075 = vector.broadcast %squeeze3A_1070 : f32 to vector<16xf32>
        %mul3A_1076 = arith.mulf %mul3A_1075, %mul3A_20 : vector<16xf32>
        %mul3A_1077 = vector.broadcast %squeeze3A_1072 : f32 to vector<16xf32>
        %mul3A_1078 = arith.mulf %mul3A_1077, %mul3A_25 : vector<16xf32>
        %add3A_1079 = arith.addf %mul3A_1078, %broadcast_in_dim3A_11 : vector<16xf32>
        %add3A_1080 = arith.addf %mul3A_1076, %add3A_1079 : vector<16xf32>
        %add3A_1081 = arith.addf %mul3A_1074, %add3A_1080 : vector<16xf32>
        %max3A_1082 = arith.constant 0.000000e+00 : f32
        %max3A_1083 = vector.broadcast %max3A_1082 : f32 to vector<16xf32>
        %max3A_1084 = arith.maximumf %add3A_1081, %max3A_1083 : vector<16xf32>
        %min3A_1085 = arith.constant 1.270000e+02 : f32
        %min3A_1086 = vector.broadcast %min3A_1085 : f32 to vector<16xf32>
        %min3A_1087 = arith.minimumf %max3A_1084, %min3A_1086 : vector<16xf32>
        %convert_element_type3A_1088 = arith.fptosi %min3A_1087 : vector<16xf32> to vector<16xi32>
        %mul3A_1089 = arith.constant 64 : i32
        %mul3A_1090 = vector.broadcast %mul3A_1089 : i32 to vector<16xi32>
        %mul3A_1091 = arith.muli %convert_element_type3A_1088, %mul3A_1090 : vector<16xi32>
        %add3A_1092 = arith.addi %mul3A_1091, %add3A_73 : vector<16xi32>
        %mul3A_1093 = vector.broadcast %squeeze3A_1068 : f32 to vector<16xf32>
        %mul3A_1094 = arith.mulf %mul3A_1093, %mul3A_30 : vector<16xf32>
        %mul3A_1095 = vector.broadcast %squeeze3A_1070 : f32 to vector<16xf32>
        %mul3A_1096 = arith.mulf %mul3A_1095, %mul3A_35 : vector<16xf32>
        %mul3A_1097 = vector.broadcast %squeeze3A_1072 : f32 to vector<16xf32>
        %mul3A_1098 = arith.mulf %mul3A_1097, %mul3A_40 : vector<16xf32>
        %add3A_1099 = arith.addf %mul3A_1098, %broadcast_in_dim3A_11 : vector<16xf32>
        %add3A_1100 = arith.addf %mul3A_1096, %add3A_1099 : vector<16xf32>
        %add3A_1101 = arith.addf %mul3A_1094, %add3A_1100 : vector<16xf32>
        %max3A_1102 = arith.constant 0.000000e+00 : f32
        %max3A_1103 = vector.broadcast %max3A_1102 : f32 to vector<16xf32>
        %max3A_1104 = arith.maximumf %add3A_1101, %max3A_1103 : vector<16xf32>
        %min3A_1105 = arith.constant 1.270000e+02 : f32
        %min3A_1106 = vector.broadcast %min3A_1105 : f32 to vector<16xf32>
        %min3A_1107 = arith.minimumf %max3A_1104, %min3A_1106 : vector<16xf32>
        %convert_element_type3A_1108 = arith.fptosi %min3A_1107 : vector<16xf32> to vector<16xi32>
        %mul3A_1109 = arith.constant 64 : i32
        %mul3A_1110 = vector.broadcast %mul3A_1109 : i32 to vector<16xi32>
        %mul3A_1111 = arith.muli %convert_element_type3A_1108, %mul3A_1110 : vector<16xi32>
        %add3A_1112 = arith.addi %mul3A_1111, %add3A_76 : vector<16xi32>
        %mul3A_1113 = vector.broadcast %squeeze3A_1068 : f32 to vector<16xf32>
        %mul3A_1114 = arith.mulf %mul3A_1113, %mul3A_45 : vector<16xf32>
        %mul3A_1115 = vector.broadcast %squeeze3A_1070 : f32 to vector<16xf32>
        %mul3A_1116 = arith.mulf %mul3A_1115, %mul3A_50 : vector<16xf32>
        %mul3A_1117 = vector.broadcast %squeeze3A_1072 : f32 to vector<16xf32>
        %mul3A_1118 = arith.mulf %mul3A_1117, %mul3A_55 : vector<16xf32>
        %add3A_1119 = arith.addf %mul3A_1118, %broadcast_in_dim3A_11 : vector<16xf32>
        %add3A_1120 = arith.addf %mul3A_1116, %add3A_1119 : vector<16xf32>
        %add3A_1121 = arith.addf %mul3A_1114, %add3A_1120 : vector<16xf32>
        %max3A_1122 = arith.constant 0.000000e+00 : f32
        %max3A_1123 = vector.broadcast %max3A_1122 : f32 to vector<16xf32>
        %max3A_1124 = arith.maximumf %add3A_1121, %max3A_1123 : vector<16xf32>
        %min3A_1125 = arith.constant 1.270000e+02 : f32
        %min3A_1126 = vector.broadcast %min3A_1125 : f32 to vector<16xf32>
        %min3A_1127 = arith.minimumf %max3A_1124, %min3A_1126 : vector<16xf32>
        %convert_element_type3A_1128 = arith.fptosi %min3A_1127 : vector<16xf32> to vector<16xi32>
        %mul3A_1129 = arith.constant 64 : i32
        %mul3A_1130 = vector.broadcast %mul3A_1129 : i32 to vector<16xi32>
        %mul3A_1131 = arith.muli %convert_element_type3A_1128, %mul3A_1130 : vector<16xi32>
        %add3A_1132 = arith.addi %mul3A_1131, %add3A_79 : vector<16xi32>
        %mul3A_1133 = vector.broadcast %squeeze3A_1068 : f32 to vector<16xf32>
        %mul3A_1134 = arith.mulf %mul3A_1133, %mul3A_60 : vector<16xf32>
        %mul3A_1135 = vector.broadcast %squeeze3A_1070 : f32 to vector<16xf32>
        %mul3A_1136 = arith.mulf %mul3A_1135, %mul3A_65 : vector<16xf32>
        %mul3A_1137 = vector.broadcast %squeeze3A_1072 : f32 to vector<16xf32>
        %mul3A_1138 = arith.mulf %mul3A_1137, %mul3A_70 : vector<16xf32>
        %add3A_1139 = arith.addf %mul3A_1138, %broadcast_in_dim3A_11 : vector<16xf32>
        %add3A_1140 = arith.addf %mul3A_1136, %add3A_1139 : vector<16xf32>
        %add3A_1141 = arith.addf %mul3A_1134, %add3A_1140 : vector<16xf32>
        %max3A_1142 = arith.constant 0.000000e+00 : f32
        %max3A_1143 = vector.broadcast %max3A_1142 : f32 to vector<16xf32>
        %max3A_1144 = arith.maximumf %add3A_1141, %max3A_1143 : vector<16xf32>
        %min3A_1145 = arith.constant 1.270000e+02 : f32
        %min3A_1146 = vector.broadcast %min3A_1145 : f32 to vector<16xf32>
        %min3A_1147 = arith.minimumf %max3A_1144, %min3A_1146 : vector<16xf32>
        %convert_element_type3A_1148 = arith.fptosi %min3A_1147 : vector<16xf32> to vector<16xi32>
        %mul3A_1149 = arith.constant 64 : i32
        %mul3A_1150 = vector.broadcast %mul3A_1149 : i32 to vector<16xi32>
        %mul3A_1151 = arith.muli %convert_element_type3A_1148, %mul3A_1150 : vector<16xi32>
        %add3A_1152 = arith.addi %mul3A_1151, %add3A_82 : vector<16xi32>
        tpu.vector_store_idx %arg14[%add3A_1092], %broadcast_in_dim3A_5 {add = true} : memref<8192xf32, #tpu.memory_space<vmem>>[vector<16xi32>], vector<16xf32>,
        tpu.vector_store_idx %arg14[%add3A_1112], %broadcast_in_dim3A_5 {add = true} : memref<8192xf32, #tpu.memory_space<vmem>>[vector<16xi32>], vector<16xf32>,
        tpu.vector_store_idx %arg14[%add3A_1132], %broadcast_in_dim3A_5 {add = true} : memref<8192xf32, #tpu.memory_space<vmem>>[vector<16xi32>], vector<16xf32>,
        tpu.vector_store_idx %arg14[%add3A_1152], %broadcast_in_dim3A_5 {add = true} : memref<8192xf32, #tpu.memory_space<vmem>>[vector<16xi32>], vector<16xf32>,
        %slice3A_1153 = vector.extract_strided_slice %get3A_118 {offsets = [11], sizes = [1], strides = [1]} : vector<16xi32> to vector<1xi32>
        %squeeze3A_1154 = vector.extract %slice3A_1153[0] : i32 from vector<1xi32>
        %ne3A_1155 = arith.cmpi ne, %squeeze3A_1154, %cond3A_1066#0 : i32
        %convert_element_type3A_1156 = arith.extui %ne3A_1155 : i1 to i32
        %cond3A_1157 = arith.constant 0 : i32
        %cond3A_1158 = arith.cmpi ne, %convert_element_type3A_1156, %cond3A_1157 : i32
        %cond3A_1159:2 = scf.if %cond3A_1158 -> (i32, i32) {
          "tpu.region"() ({
            %run_scoped3A = tpu.sem_alloc : memref<!tpu.dma_semaphore, #tpu.memory_space<semaphore_mem>>
            %dma_start3A = arith.constant 0 : i32
            %dma_start3A_1628 = tpu.memref_slice %arg7[%add3A, %cond3A_1066#1, %dma_start3A] : memref<32x64x8192xf32, #tpu.memory_space<hbm>> -> memref<1x1x8192xf32, #tpu.memory_space<hbm>>
            %dma_start3A_1629 = tpu.memref_squeeze %dma_start3A_1628 : memref<1x1x8192xf32, #tpu.memory_space<hbm>> -> memref<8192xf32, #tpu.memory_space<hbm>>
            %dma_start3A_1630 = arith.constant 0 : i32
            %dma_start3A_1631 = tpu.memref_slice %arg7[%add3A, %cond3A_1066#1, %dma_start3A_1630] : memref<32x64x8192xf32, #tpu.memory_space<hbm>> -> memref<1x1x8192xf32, #tpu.memory_space<hbm>>
            %dma_start3A_1632 = tpu.memref_squeeze %dma_start3A_1631 : memref<1x1x8192xf32, #tpu.memory_space<hbm>> -> memref<8192xf32, #tpu.memory_space<hbm>>
            tpu.enqueue_dma source(%arg14 : memref<8192xf32, #tpu.memory_space<vmem>>) target(%dma_start3A_1632 : memref<8192xf32, #tpu.memory_space<hbm>>) target_semaphore(%run_scoped3A : memref<!tpu.dma_semaphore, #tpu.memory_space<semaphore_mem>>)
            %dma_wait3A = arith.constant 0 : i32
            %dma_wait3A_1633 = tpu.memref_slice %arg7[%add3A, %cond3A_1066#1, %dma_wait3A] : memref<32x64x8192xf32, #tpu.memory_space<hbm>> -> memref<1x1x8192xf32, #tpu.memory_space<hbm>>
            %dma_wait3A_1634 = tpu.memref_squeeze %dma_wait3A_1633 : memref<1x1x8192xf32, #tpu.memory_space<hbm>> -> memref<8192xf32, #tpu.memory_space<hbm>>
            %dma_wait3A_1635 = arith.constant 0 : i32
            %dma_wait3A_1636 = tpu.memref_slice %arg7[%add3A, %cond3A_1066#1, %dma_wait3A_1635] : memref<32x64x8192xf32, #tpu.memory_space<hbm>> -> memref<1x1x8192xf32, #tpu.memory_space<hbm>>
            %dma_wait3A_1637 = tpu.memref_squeeze %dma_wait3A_1636 : memref<1x1x8192xf32, #tpu.memory_space<hbm>> -> memref<8192xf32, #tpu.memory_space<hbm>>
            tpu.wait_dma2 semaphore(%run_scoped3A : memref<!tpu.dma_semaphore, #tpu.memory_space<semaphore_mem>>) src(%arg14 : memref<8192xf32, #tpu.memory_space<vmem>>) dst(%dma_wait3A_1637 : memref<8192xf32, #tpu.memory_space<hbm>>)
            tpu.yield
          }) : () -> ()
          %broadcast_in_dim3A_1618 = vector.broadcast %cond3A_1066#1 : i32 to vector<16xi32>
          %broadcast_in_dim3A_1619 = vector.broadcast %cond3A_1066#0 : i32 to vector<16xi32>
          tpu.vector_store_idx %arg15[%broadcast_in_dim3A_1618], %broadcast_in_dim3A_1619 masked %eq3A_9 : memref<64xi32, #tpu.memory_space<vmem>>[vector<16xi32>], vector<16xi32>, vector<16xi1>
          %scan3A_1620 = arith.constant 0 : i32
          %scan3A_1621 = arith.constant 0 : i32
          %scan3A_1622 = arith.constant 512 : i32
          %scan3A_1623 = arith.addi %scan3A_1621, %scan3A_1622 : i32
          %scan3A_1624 = arith.constant 8 : i32
          scf.for %scan3A_1628 = %scan3A_1621 to %scan3A_1623 step %scan3A_1624  : i32 {
            %mul3A_1629 = arith.constant 16 : i32
            %mul3A_1630 = arith.muli %scan3A_1628, %mul3A_1629 : i32
            %swap3A_1631 = arith.index_cast %mul3A_1630 : i32 to index
            %swap3A_1632 = tpu.vector_load %arg14[%swap3A_1631] {strides = array<i32>} : memref<8192xf32, #tpu.memory_space<vmem>>, vector<16xf32>,
            tpu.vector_store %arg14[%swap3A_1631], %broadcast_in_dim3A_3 {strides = array<i32>} : memref<8192xf32, #tpu.memory_space<vmem>>, vector<16xf32>,
            %scan3A_1633 = arith.constant 1 : i32
            %scan3A_1634 = arith.addi %scan3A_1628, %scan3A_1633 : i32
            %mul3A_1635 = arith.constant 16 : i32
            %mul3A_1636 = arith.muli %scan3A_1634, %mul3A_1635 : i32
            %swap3A_1637 = arith.index_cast %mul3A_1636 : i32 to index
            %swap3A_1638 = tpu.vector_load %arg14[%swap3A_1637] {strides = array<i32>} : memref<8192xf32, #tpu.memory_space<vmem>>, vector<16xf32>,
            tpu.vector_store %arg14[%swap3A_1637], %broadcast_in_dim3A_3 {strides = array<i32>} : memref<8192xf32, #tpu.memory_space<vmem>>, vector<16xf32>,
            %scan3A_1639 = arith.constant 2 : i32
            %scan3A_1640 = arith.addi %scan3A_1628, %scan3A_1639 : i32
            %mul3A_1641 = arith.constant 16 : i32
            %mul3A_1642 = arith.muli %scan3A_1640, %mul3A_1641 : i32
            %swap3A_1643 = arith.index_cast %mul3A_1642 : i32 to index
            %swap3A_1644 = tpu.vector_load %arg14[%swap3A_1643] {strides = array<i32>} : memref<8192xf32, #tpu.memory_space<vmem>>, vector<16xf32>,
            tpu.vector_store %arg14[%swap3A_1643], %broadcast_in_dim3A_3 {strides = array<i32>} : memref<8192xf32, #tpu.memory_space<vmem>>, vector<16xf32>,
            %scan3A_1645 = arith.constant 3 : i32
            %scan3A_1646 = arith.addi %scan3A_1628, %scan3A_1645 : i32
            %mul3A_1647 = arith.constant 16 : i32
            %mul3A_1648 = arith.muli %scan3A_1646, %mul3A_1647 : i32
            %swap3A_1649 = arith.index_cast %mul3A_1648 : i32 to index
            %swap3A_1650 = tpu.vector_load %arg14[%swap3A_1649] {strides = array<i32>} : memref<8192xf32, #tpu.memory_space<vmem>>, vector<16xf32>,
            tpu.vector_store %arg14[%swap3A_1649], %broadcast_in_dim3A_3 {strides = array<i32>} : memref<8192xf32, #tpu.memory_space<vmem>>, vector<16xf32>,
            %scan3A_1651 = arith.constant 4 : i32
            %scan3A_1652 = arith.addi %scan3A_1628, %scan3A_1651 : i32
            %mul3A_1653 = arith.constant 16 : i32
            %mul3A_1654 = arith.muli %scan3A_1652, %mul3A_1653 : i32
            %swap3A_1655 = arith.index_cast %mul3A_1654 : i32 to index
            %swap3A_1656 = tpu.vector_load %arg14[%swap3A_1655] {strides = array<i32>} : memref<8192xf32, #tpu.memory_space<vmem>>, vector<16xf32>,
            tpu.vector_store %arg14[%swap3A_1655], %broadcast_in_dim3A_3 {strides = array<i32>} : memref<8192xf32, #tpu.memory_space<vmem>>, vector<16xf32>,
            %scan3A_1657 = arith.constant 5 : i32
            %scan3A_1658 = arith.addi %scan3A_1628, %scan3A_1657 : i32
            %mul3A_1659 = arith.constant 16 : i32
            %mul3A_1660 = arith.muli %scan3A_1658, %mul3A_1659 : i32
            %swap3A_1661 = arith.index_cast %mul3A_1660 : i32 to index
            %swap3A_1662 = tpu.vector_load %arg14[%swap3A_1661] {strides = array<i32>} : memref<8192xf32, #tpu.memory_space<vmem>>, vector<16xf32>,
            tpu.vector_store %arg14[%swap3A_1661], %broadcast_in_dim3A_3 {strides = array<i32>} : memref<8192xf32, #tpu.memory_space<vmem>>, vector<16xf32>,
            %scan3A_1663 = arith.constant 6 : i32
            %scan3A_1664 = arith.addi %scan3A_1628, %scan3A_1663 : i32
            %mul3A_1665 = arith.constant 16 : i32
            %mul3A_1666 = arith.muli %scan3A_1664, %mul3A_1665 : i32
            %swap3A_1667 = arith.index_cast %mul3A_1666 : i32 to index
            %swap3A_1668 = tpu.vector_load %arg14[%swap3A_1667] {strides = array<i32>} : memref<8192xf32, #tpu.memory_space<vmem>>, vector<16xf32>,
            tpu.vector_store %arg14[%swap3A_1667], %broadcast_in_dim3A_3 {strides = array<i32>} : memref<8192xf32, #tpu.memory_space<vmem>>, vector<16xf32>,
            %scan3A_1669 = arith.constant 7 : i32
            %scan3A_1670 = arith.addi %scan3A_1628, %scan3A_1669 : i32
            %mul3A_1671 = arith.constant 16 : i32
            %mul3A_1672 = arith.muli %scan3A_1670, %mul3A_1671 : i32
            %swap3A_1673 = arith.index_cast %mul3A_1672 : i32 to index
            %swap3A_1674 = tpu.vector_load %arg14[%swap3A_1673] {strides = array<i32>} : memref<8192xf32, #tpu.memory_space<vmem>>, vector<16xf32>,
            tpu.vector_store %arg14[%swap3A_1673], %broadcast_in_dim3A_3 {strides = array<i32>} : memref<8192xf32, #tpu.memory_space<vmem>>, vector<16xf32>,
          }
          %scan3A_1625 = arith.constant 512 : i32
          %add3A_1626 = arith.constant 1 : i32
          %add3A_1627 = arith.addi %cond3A_1066#1, %add3A_1626 : i32
          scf.yield %squeeze3A_1154, %add3A_1627 : i32, i32
        } else {
          scf.yield %cond3A_1066#0, %cond3A_1066#1 : i32, i32
        }
        %slice3A_1160 = vector.extract_strided_slice %get3A_128 {offsets = [11], sizes = [1], strides = [1]} : vector<16xf32> to vector<1xf32>
        %squeeze3A_1161 = vector.extract %slice3A_1160[0] : f32 from vector<1xf32>
        %slice3A_1162 = vector.extract_strided_slice %get3A_130 {offsets = [11], sizes = [1], strides = [1]} : vector<16xf32> to vector<1xf32>
        %squeeze3A_1163 = vector.extract %slice3A_1162[0] : f32 from vector<1xf32>
        %slice3A_1164 = vector.extract_strided_slice %get3A_132 {offsets = [11], sizes = [1], strides = [1]} : vector<16xf32> to vector<1xf32>
        %squeeze3A_1165 = vector.extract %slice3A_1164[0] : f32 from vector<1xf32>
        %mul3A_1166 = vector.broadcast %squeeze3A_1161 : f32 to vector<16xf32>
        %mul3A_1167 = arith.mulf %mul3A_1166, %mul3A_15 : vector<16xf32>
        %mul3A_1168 = vector.broadcast %squeeze3A_1163 : f32 to vector<16xf32>
        %mul3A_1169 = arith.mulf %mul3A_1168, %mul3A_20 : vector<16xf32>
        %mul3A_1170 = vector.broadcast %squeeze3A_1165 : f32 to vector<16xf32>
        %mul3A_1171 = arith.mulf %mul3A_1170, %mul3A_25 : vector<16xf32>
        %add3A_1172 = arith.addf %mul3A_1171, %broadcast_in_dim3A_11 : vector<16xf32>
        %add3A_1173 = arith.addf %mul3A_1169, %add3A_1172 : vector<16xf32>
        %add3A_1174 = arith.addf %mul3A_1167, %add3A_1173 : vector<16xf32>
        %max3A_1175 = arith.constant 0.000000e+00 : f32
        %max3A_1176 = vector.broadcast %max3A_1175 : f32 to vector<16xf32>
        %max3A_1177 = arith.maximumf %add3A_1174, %max3A_1176 : vector<16xf32>
        %min3A_1178 = arith.constant 1.270000e+02 : f32
        %min3A_1179 = vector.broadcast %min3A_1178 : f32 to vector<16xf32>
        %min3A_1180 = arith.minimumf %max3A_1177, %min3A_1179 : vector<16xf32>
        %convert_element_type3A_1181 = arith.fptosi %min3A_1180 : vector<16xf32> to vector<16xi32>
        %mul3A_1182 = arith.constant 64 : i32
        %mul3A_1183 = vector.broadcast %mul3A_1182 : i32 to vector<16xi32>
        %mul3A_1184 = arith.muli %convert_element_type3A_1181, %mul3A_1183 : vector<16xi32>
        %add3A_1185 = arith.addi %mul3A_1184, %add3A_73 : vector<16xi32>
        %mul3A_1186 = vector.broadcast %squeeze3A_1161 : f32 to vector<16xf32>
        %mul3A_1187 = arith.mulf %mul3A_1186, %mul3A_30 : vector<16xf32>
        %mul3A_1188 = vector.broadcast %squeeze3A_1163 : f32 to vector<16xf32>
        %mul3A_1189 = arith.mulf %mul3A_1188, %mul3A_35 : vector<16xf32>
        %mul3A_1190 = vector.broadcast %squeeze3A_1165 : f32 to vector<16xf32>
        %mul3A_1191 = arith.mulf %mul3A_1190, %mul3A_40 : vector<16xf32>
        %add3A_1192 = arith.addf %mul3A_1191, %broadcast_in_dim3A_11 : vector<16xf32>
        %add3A_1193 = arith.addf %mul3A_1189, %add3A_1192 : vector<16xf32>
        %add3A_1194 = arith.addf %mul3A_1187, %add3A_1193 : vector<16xf32>
        %max3A_1195 = arith.constant 0.000000e+00 : f32
        %max3A_1196 = vector.broadcast %max3A_1195 : f32 to vector<16xf32>
        %max3A_1197 = arith.maximumf %add3A_1194, %max3A_1196 : vector<16xf32>
        %min3A_1198 = arith.constant 1.270000e+02 : f32
        %min3A_1199 = vector.broadcast %min3A_1198 : f32 to vector<16xf32>
        %min3A_1200 = arith.minimumf %max3A_1197, %min3A_1199 : vector<16xf32>
        %convert_element_type3A_1201 = arith.fptosi %min3A_1200 : vector<16xf32> to vector<16xi32>
        %mul3A_1202 = arith.constant 64 : i32
        %mul3A_1203 = vector.broadcast %mul3A_1202 : i32 to vector<16xi32>
        %mul3A_1204 = arith.muli %convert_element_type3A_1201, %mul3A_1203 : vector<16xi32>
        %add3A_1205 = arith.addi %mul3A_1204, %add3A_76 : vector<16xi32>
        %mul3A_1206 = vector.broadcast %squeeze3A_1161 : f32 to vector<16xf32>
        %mul3A_1207 = arith.mulf %mul3A_1206, %mul3A_45 : vector<16xf32>
        %mul3A_1208 = vector.broadcast %squeeze3A_1163 : f32 to vector<16xf32>
        %mul3A_1209 = arith.mulf %mul3A_1208, %mul3A_50 : vector<16xf32>
        %mul3A_1210 = vector.broadcast %squeeze3A_1165 : f32 to vector<16xf32>
        %mul3A_1211 = arith.mulf %mul3A_1210, %mul3A_55 : vector<16xf32>
        %add3A_1212 = arith.addf %mul3A_1211, %broadcast_in_dim3A_11 : vector<16xf32>
        %add3A_1213 = arith.addf %mul3A_1209, %add3A_1212 : vector<16xf32>
        %add3A_1214 = arith.addf %mul3A_1207, %add3A_1213 : vector<16xf32>
        %max3A_1215 = arith.constant 0.000000e+00 : f32
        %max3A_1216 = vector.broadcast %max3A_1215 : f32 to vector<16xf32>
        %max3A_1217 = arith.maximumf %add3A_1214, %max3A_1216 : vector<16xf32>
        %min3A_1218 = arith.constant 1.270000e+02 : f32
        %min3A_1219 = vector.broadcast %min3A_1218 : f32 to vector<16xf32>
        %min3A_1220 = arith.minimumf %max3A_1217, %min3A_1219 : vector<16xf32>
        %convert_element_type3A_1221 = arith.fptosi %min3A_1220 : vector<16xf32> to vector<16xi32>
        %mul3A_1222 = arith.constant 64 : i32
        %mul3A_1223 = vector.broadcast %mul3A_1222 : i32 to vector<16xi32>
        %mul3A_1224 = arith.muli %convert_element_type3A_1221, %mul3A_1223 : vector<16xi32>
        %add3A_1225 = arith.addi %mul3A_1224, %add3A_79 : vector<16xi32>
        %mul3A_1226 = vector.broadcast %squeeze3A_1161 : f32 to vector<16xf32>
        %mul3A_1227 = arith.mulf %mul3A_1226, %mul3A_60 : vector<16xf32>
        %mul3A_1228 = vector.broadcast %squeeze3A_1163 : f32 to vector<16xf32>
        %mul3A_1229 = arith.mulf %mul3A_1228, %mul3A_65 : vector<16xf32>
        %mul3A_1230 = vector.broadcast %squeeze3A_1165 : f32 to vector<16xf32>
        %mul3A_1231 = arith.mulf %mul3A_1230, %mul3A_70 : vector<16xf32>
        %add3A_1232 = arith.addf %mul3A_1231, %broadcast_in_dim3A_11 : vector<16xf32>
        %add3A_1233 = arith.addf %mul3A_1229, %add3A_1232 : vector<16xf32>
        %add3A_1234 = arith.addf %mul3A_1227, %add3A_1233 : vector<16xf32>
        %max3A_1235 = arith.constant 0.000000e+00 : f32
        %max3A_1236 = vector.broadcast %max3A_1235 : f32 to vector<16xf32>
        %max3A_1237 = arith.maximumf %add3A_1234, %max3A_1236 : vector<16xf32>
        %min3A_1238 = arith.constant 1.270000e+02 : f32
        %min3A_1239 = vector.broadcast %min3A_1238 : f32 to vector<16xf32>
        %min3A_1240 = arith.minimumf %max3A_1237, %min3A_1239 : vector<16xf32>
        %convert_element_type3A_1241 = arith.fptosi %min3A_1240 : vector<16xf32> to vector<16xi32>
        %mul3A_1242 = arith.constant 64 : i32
        %mul3A_1243 = vector.broadcast %mul3A_1242 : i32 to vector<16xi32>
        %mul3A_1244 = arith.muli %convert_element_type3A_1241, %mul3A_1243 : vector<16xi32>
        %add3A_1245 = arith.addi %mul3A_1244, %add3A_82 : vector<16xi32>
        tpu.vector_store_idx %arg14[%add3A_1185], %broadcast_in_dim3A_5 {add = true} : memref<8192xf32, #tpu.memory_space<vmem>>[vector<16xi32>], vector<16xf32>,
        tpu.vector_store_idx %arg14[%add3A_1205], %broadcast_in_dim3A_5 {add = true} : memref<8192xf32, #tpu.memory_space<vmem>>[vector<16xi32>], vector<16xf32>,
        tpu.vector_store_idx %arg14[%add3A_1225], %broadcast_in_dim3A_5 {add = true} : memref<8192xf32, #tpu.memory_space<vmem>>[vector<16xi32>], vector<16xf32>,
        tpu.vector_store_idx %arg14[%add3A_1245], %broadcast_in_dim3A_5 {add = true} : memref<8192xf32, #tpu.memory_space<vmem>>[vector<16xi32>], vector<16xf32>,
        %slice3A_1246 = vector.extract_strided_slice %get3A_118 {offsets = [12], sizes = [1], strides = [1]} : vector<16xi32> to vector<1xi32>
        %squeeze3A_1247 = vector.extract %slice3A_1246[0] : i32 from vector<1xi32>
        %ne3A_1248 = arith.cmpi ne, %squeeze3A_1247, %cond3A_1159#0 : i32
        %convert_element_type3A_1249 = arith.extui %ne3A_1248 : i1 to i32
        %cond3A_1250 = arith.constant 0 : i32
        %cond3A_1251 = arith.cmpi ne, %convert_element_type3A_1249, %cond3A_1250 : i32
        %cond3A_1252:2 = scf.if %cond3A_1251 -> (i32, i32) {
          "tpu.region"() ({
            %run_scoped3A = tpu.sem_alloc : memref<!tpu.dma_semaphore, #tpu.memory_space<semaphore_mem>>
            %dma_start3A = arith.constant 0 : i32
            %dma_start3A_1628 = tpu.memref_slice %arg7[%add3A, %cond3A_1159#1, %dma_start3A] : memref<32x64x8192xf32, #tpu.memory_space<hbm>> -> memref<1x1x8192xf32, #tpu.memory_space<hbm>>
            %dma_start3A_1629 = tpu.memref_squeeze %dma_start3A_1628 : memref<1x1x8192xf32, #tpu.memory_space<hbm>> -> memref<8192xf32, #tpu.memory_space<hbm>>
            %dma_start3A_1630 = arith.constant 0 : i32
            %dma_start3A_1631 = tpu.memref_slice %arg7[%add3A, %cond3A_1159#1, %dma_start3A_1630] : memref<32x64x8192xf32, #tpu.memory_space<hbm>> -> memref<1x1x8192xf32, #tpu.memory_space<hbm>>
            %dma_start3A_1632 = tpu.memref_squeeze %dma_start3A_1631 : memref<1x1x8192xf32, #tpu.memory_space<hbm>> -> memref<8192xf32, #tpu.memory_space<hbm>>
            tpu.enqueue_dma source(%arg14 : memref<8192xf32, #tpu.memory_space<vmem>>) target(%dma_start3A_1632 : memref<8192xf32, #tpu.memory_space<hbm>>) target_semaphore(%run_scoped3A : memref<!tpu.dma_semaphore, #tpu.memory_space<semaphore_mem>>)
            %dma_wait3A = arith.constant 0 : i32
            %dma_wait3A_1633 = tpu.memref_slice %arg7[%add3A, %cond3A_1159#1, %dma_wait3A] : memref<32x64x8192xf32, #tpu.memory_space<hbm>> -> memref<1x1x8192xf32, #tpu.memory_space<hbm>>
            %dma_wait3A_1634 = tpu.memref_squeeze %dma_wait3A_1633 : memref<1x1x8192xf32, #tpu.memory_space<hbm>> -> memref<8192xf32, #tpu.memory_space<hbm>>
            %dma_wait3A_1635 = arith.constant 0 : i32
            %dma_wait3A_1636 = tpu.memref_slice %arg7[%add3A, %cond3A_1159#1, %dma_wait3A_1635] : memref<32x64x8192xf32, #tpu.memory_space<hbm>> -> memref<1x1x8192xf32, #tpu.memory_space<hbm>>
            %dma_wait3A_1637 = tpu.memref_squeeze %dma_wait3A_1636 : memref<1x1x8192xf32, #tpu.memory_space<hbm>> -> memref<8192xf32, #tpu.memory_space<hbm>>
            tpu.wait_dma2 semaphore(%run_scoped3A : memref<!tpu.dma_semaphore, #tpu.memory_space<semaphore_mem>>) src(%arg14 : memref<8192xf32, #tpu.memory_space<vmem>>) dst(%dma_wait3A_1637 : memref<8192xf32, #tpu.memory_space<hbm>>)
            tpu.yield
          }) : () -> ()
          %broadcast_in_dim3A_1618 = vector.broadcast %cond3A_1159#1 : i32 to vector<16xi32>
          %broadcast_in_dim3A_1619 = vector.broadcast %cond3A_1159#0 : i32 to vector<16xi32>
          tpu.vector_store_idx %arg15[%broadcast_in_dim3A_1618], %broadcast_in_dim3A_1619 masked %eq3A_9 : memref<64xi32, #tpu.memory_space<vmem>>[vector<16xi32>], vector<16xi32>, vector<16xi1>
          %scan3A_1620 = arith.constant 0 : i32
          %scan3A_1621 = arith.constant 0 : i32
          %scan3A_1622 = arith.constant 512 : i32
          %scan3A_1623 = arith.addi %scan3A_1621, %scan3A_1622 : i32
          %scan3A_1624 = arith.constant 8 : i32
          scf.for %scan3A_1628 = %scan3A_1621 to %scan3A_1623 step %scan3A_1624  : i32 {
            %mul3A_1629 = arith.constant 16 : i32
            %mul3A_1630 = arith.muli %scan3A_1628, %mul3A_1629 : i32
            %swap3A_1631 = arith.index_cast %mul3A_1630 : i32 to index
            %swap3A_1632 = tpu.vector_load %arg14[%swap3A_1631] {strides = array<i32>} : memref<8192xf32, #tpu.memory_space<vmem>>, vector<16xf32>,
            tpu.vector_store %arg14[%swap3A_1631], %broadcast_in_dim3A_3 {strides = array<i32>} : memref<8192xf32, #tpu.memory_space<vmem>>, vector<16xf32>,
            %scan3A_1633 = arith.constant 1 : i32
            %scan3A_1634 = arith.addi %scan3A_1628, %scan3A_1633 : i32
            %mul3A_1635 = arith.constant 16 : i32
            %mul3A_1636 = arith.muli %scan3A_1634, %mul3A_1635 : i32
            %swap3A_1637 = arith.index_cast %mul3A_1636 : i32 to index
            %swap3A_1638 = tpu.vector_load %arg14[%swap3A_1637] {strides = array<i32>} : memref<8192xf32, #tpu.memory_space<vmem>>, vector<16xf32>,
            tpu.vector_store %arg14[%swap3A_1637], %broadcast_in_dim3A_3 {strides = array<i32>} : memref<8192xf32, #tpu.memory_space<vmem>>, vector<16xf32>,
            %scan3A_1639 = arith.constant 2 : i32
            %scan3A_1640 = arith.addi %scan3A_1628, %scan3A_1639 : i32
            %mul3A_1641 = arith.constant 16 : i32
            %mul3A_1642 = arith.muli %scan3A_1640, %mul3A_1641 : i32
            %swap3A_1643 = arith.index_cast %mul3A_1642 : i32 to index
            %swap3A_1644 = tpu.vector_load %arg14[%swap3A_1643] {strides = array<i32>} : memref<8192xf32, #tpu.memory_space<vmem>>, vector<16xf32>,
            tpu.vector_store %arg14[%swap3A_1643], %broadcast_in_dim3A_3 {strides = array<i32>} : memref<8192xf32, #tpu.memory_space<vmem>>, vector<16xf32>,
            %scan3A_1645 = arith.constant 3 : i32
            %scan3A_1646 = arith.addi %scan3A_1628, %scan3A_1645 : i32
            %mul3A_1647 = arith.constant 16 : i32
            %mul3A_1648 = arith.muli %scan3A_1646, %mul3A_1647 : i32
            %swap3A_1649 = arith.index_cast %mul3A_1648 : i32 to index
            %swap3A_1650 = tpu.vector_load %arg14[%swap3A_1649] {strides = array<i32>} : memref<8192xf32, #tpu.memory_space<vmem>>, vector<16xf32>,
            tpu.vector_store %arg14[%swap3A_1649], %broadcast_in_dim3A_3 {strides = array<i32>} : memref<8192xf32, #tpu.memory_space<vmem>>, vector<16xf32>,
            %scan3A_1651 = arith.constant 4 : i32
            %scan3A_1652 = arith.addi %scan3A_1628, %scan3A_1651 : i32
            %mul3A_1653 = arith.constant 16 : i32
            %mul3A_1654 = arith.muli %scan3A_1652, %mul3A_1653 : i32
            %swap3A_1655 = arith.index_cast %mul3A_1654 : i32 to index
            %swap3A_1656 = tpu.vector_load %arg14[%swap3A_1655] {strides = array<i32>} : memref<8192xf32, #tpu.memory_space<vmem>>, vector<16xf32>,
            tpu.vector_store %arg14[%swap3A_1655], %broadcast_in_dim3A_3 {strides = array<i32>} : memref<8192xf32, #tpu.memory_space<vmem>>, vector<16xf32>,
            %scan3A_1657 = arith.constant 5 : i32
            %scan3A_1658 = arith.addi %scan3A_1628, %scan3A_1657 : i32
            %mul3A_1659 = arith.constant 16 : i32
            %mul3A_1660 = arith.muli %scan3A_1658, %mul3A_1659 : i32
            %swap3A_1661 = arith.index_cast %mul3A_1660 : i32 to index
            %swap3A_1662 = tpu.vector_load %arg14[%swap3A_1661] {strides = array<i32>} : memref<8192xf32, #tpu.memory_space<vmem>>, vector<16xf32>,
            tpu.vector_store %arg14[%swap3A_1661], %broadcast_in_dim3A_3 {strides = array<i32>} : memref<8192xf32, #tpu.memory_space<vmem>>, vector<16xf32>,
            %scan3A_1663 = arith.constant 6 : i32
            %scan3A_1664 = arith.addi %scan3A_1628, %scan3A_1663 : i32
            %mul3A_1665 = arith.constant 16 : i32
            %mul3A_1666 = arith.muli %scan3A_1664, %mul3A_1665 : i32
            %swap3A_1667 = arith.index_cast %mul3A_1666 : i32 to index
            %swap3A_1668 = tpu.vector_load %arg14[%swap3A_1667] {strides = array<i32>} : memref<8192xf32, #tpu.memory_space<vmem>>, vector<16xf32>,
            tpu.vector_store %arg14[%swap3A_1667], %broadcast_in_dim3A_3 {strides = array<i32>} : memref<8192xf32, #tpu.memory_space<vmem>>, vector<16xf32>,
            %scan3A_1669 = arith.constant 7 : i32
            %scan3A_1670 = arith.addi %scan3A_1628, %scan3A_1669 : i32
            %mul3A_1671 = arith.constant 16 : i32
            %mul3A_1672 = arith.muli %scan3A_1670, %mul3A_1671 : i32
            %swap3A_1673 = arith.index_cast %mul3A_1672 : i32 to index
            %swap3A_1674 = tpu.vector_load %arg14[%swap3A_1673] {strides = array<i32>} : memref<8192xf32, #tpu.memory_space<vmem>>, vector<16xf32>,
            tpu.vector_store %arg14[%swap3A_1673], %broadcast_in_dim3A_3 {strides = array<i32>} : memref<8192xf32, #tpu.memory_space<vmem>>, vector<16xf32>,
          }
          %scan3A_1625 = arith.constant 512 : i32
          %add3A_1626 = arith.constant 1 : i32
          %add3A_1627 = arith.addi %cond3A_1159#1, %add3A_1626 : i32
          scf.yield %squeeze3A_1247, %add3A_1627 : i32, i32
        } else {
          scf.yield %cond3A_1159#0, %cond3A_1159#1 : i32, i32
        }
        %slice3A_1253 = vector.extract_strided_slice %get3A_128 {offsets = [12], sizes = [1], strides = [1]} : vector<16xf32> to vector<1xf32>
        %squeeze3A_1254 = vector.extract %slice3A_1253[0] : f32 from vector<1xf32>
        %slice3A_1255 = vector.extract_strided_slice %get3A_130 {offsets = [12], sizes = [1], strides = [1]} : vector<16xf32> to vector<1xf32>
        %squeeze3A_1256 = vector.extract %slice3A_1255[0] : f32 from vector<1xf32>
        %slice3A_1257 = vector.extract_strided_slice %get3A_132 {offsets = [12], sizes = [1], strides = [1]} : vector<16xf32> to vector<1xf32>
        %squeeze3A_1258 = vector.extract %slice3A_1257[0] : f32 from vector<1xf32>
        %mul3A_1259 = vector.broadcast %squeeze3A_1254 : f32 to vector<16xf32>
        %mul3A_1260 = arith.mulf %mul3A_1259, %mul3A_15 : vector<16xf32>
        %mul3A_1261 = vector.broadcast %squeeze3A_1256 : f32 to vector<16xf32>
        %mul3A_1262 = arith.mulf %mul3A_1261, %mul3A_20 : vector<16xf32>
        %mul3A_1263 = vector.broadcast %squeeze3A_1258 : f32 to vector<16xf32>
        %mul3A_1264 = arith.mulf %mul3A_1263, %mul3A_25 : vector<16xf32>
        %add3A_1265 = arith.addf %mul3A_1264, %broadcast_in_dim3A_11 : vector<16xf32>
        %add3A_1266 = arith.addf %mul3A_1262, %add3A_1265 : vector<16xf32>
        %add3A_1267 = arith.addf %mul3A_1260, %add3A_1266 : vector<16xf32>
        %max3A_1268 = arith.constant 0.000000e+00 : f32
        %max3A_1269 = vector.broadcast %max3A_1268 : f32 to vector<16xf32>
        %max3A_1270 = arith.maximumf %add3A_1267, %max3A_1269 : vector<16xf32>
        %min3A_1271 = arith.constant 1.270000e+02 : f32
        %min3A_1272 = vector.broadcast %min3A_1271 : f32 to vector<16xf32>
        %min3A_1273 = arith.minimumf %max3A_1270, %min3A_1272 : vector<16xf32>
        %convert_element_type3A_1274 = arith.fptosi %min3A_1273 : vector<16xf32> to vector<16xi32>
        %mul3A_1275 = arith.constant 64 : i32
        %mul3A_1276 = vector.broadcast %mul3A_1275 : i32 to vector<16xi32>
        %mul3A_1277 = arith.muli %convert_element_type3A_1274, %mul3A_1276 : vector<16xi32>
        %add3A_1278 = arith.addi %mul3A_1277, %add3A_73 : vector<16xi32>
        %mul3A_1279 = vector.broadcast %squeeze3A_1254 : f32 to vector<16xf32>
        %mul3A_1280 = arith.mulf %mul3A_1279, %mul3A_30 : vector<16xf32>
        %mul3A_1281 = vector.broadcast %squeeze3A_1256 : f32 to vector<16xf32>
        %mul3A_1282 = arith.mulf %mul3A_1281, %mul3A_35 : vector<16xf32>
        %mul3A_1283 = vector.broadcast %squeeze3A_1258 : f32 to vector<16xf32>
        %mul3A_1284 = arith.mulf %mul3A_1283, %mul3A_40 : vector<16xf32>
        %add3A_1285 = arith.addf %mul3A_1284, %broadcast_in_dim3A_11 : vector<16xf32>
        %add3A_1286 = arith.addf %mul3A_1282, %add3A_1285 : vector<16xf32>
        %add3A_1287 = arith.addf %mul3A_1280, %add3A_1286 : vector<16xf32>
        %max3A_1288 = arith.constant 0.000000e+00 : f32
        %max3A_1289 = vector.broadcast %max3A_1288 : f32 to vector<16xf32>
        %max3A_1290 = arith.maximumf %add3A_1287, %max3A_1289 : vector<16xf32>
        %min3A_1291 = arith.constant 1.270000e+02 : f32
        %min3A_1292 = vector.broadcast %min3A_1291 : f32 to vector<16xf32>
        %min3A_1293 = arith.minimumf %max3A_1290, %min3A_1292 : vector<16xf32>
        %convert_element_type3A_1294 = arith.fptosi %min3A_1293 : vector<16xf32> to vector<16xi32>
        %mul3A_1295 = arith.constant 64 : i32
        %mul3A_1296 = vector.broadcast %mul3A_1295 : i32 to vector<16xi32>
        %mul3A_1297 = arith.muli %convert_element_type3A_1294, %mul3A_1296 : vector<16xi32>
        %add3A_1298 = arith.addi %mul3A_1297, %add3A_76 : vector<16xi32>
        %mul3A_1299 = vector.broadcast %squeeze3A_1254 : f32 to vector<16xf32>
        %mul3A_1300 = arith.mulf %mul3A_1299, %mul3A_45 : vector<16xf32>
        %mul3A_1301 = vector.broadcast %squeeze3A_1256 : f32 to vector<16xf32>
        %mul3A_1302 = arith.mulf %mul3A_1301, %mul3A_50 : vector<16xf32>
        %mul3A_1303 = vector.broadcast %squeeze3A_1258 : f32 to vector<16xf32>
        %mul3A_1304 = arith.mulf %mul3A_1303, %mul3A_55 : vector<16xf32>
        %add3A_1305 = arith.addf %mul3A_1304, %broadcast_in_dim3A_11 : vector<16xf32>
        %add3A_1306 = arith.addf %mul3A_1302, %add3A_1305 : vector<16xf32>
        %add3A_1307 = arith.addf %mul3A_1300, %add3A_1306 : vector<16xf32>
        %max3A_1308 = arith.constant 0.000000e+00 : f32
        %max3A_1309 = vector.broadcast %max3A_1308 : f32 to vector<16xf32>
        %max3A_1310 = arith.maximumf %add3A_1307, %max3A_1309 : vector<16xf32>
        %min3A_1311 = arith.constant 1.270000e+02 : f32
        %min3A_1312 = vector.broadcast %min3A_1311 : f32 to vector<16xf32>
        %min3A_1313 = arith.minimumf %max3A_1310, %min3A_1312 : vector<16xf32>
        %convert_element_type3A_1314 = arith.fptosi %min3A_1313 : vector<16xf32> to vector<16xi32>
        %mul3A_1315 = arith.constant 64 : i32
        %mul3A_1316 = vector.broadcast %mul3A_1315 : i32 to vector<16xi32>
        %mul3A_1317 = arith.muli %convert_element_type3A_1314, %mul3A_1316 : vector<16xi32>
        %add3A_1318 = arith.addi %mul3A_1317, %add3A_79 : vector<16xi32>
        %mul3A_1319 = vector.broadcast %squeeze3A_1254 : f32 to vector<16xf32>
        %mul3A_1320 = arith.mulf %mul3A_1319, %mul3A_60 : vector<16xf32>
        %mul3A_1321 = vector.broadcast %squeeze3A_1256 : f32 to vector<16xf32>
        %mul3A_1322 = arith.mulf %mul3A_1321, %mul3A_65 : vector<16xf32>
        %mul3A_1323 = vector.broadcast %squeeze3A_1258 : f32 to vector<16xf32>
        %mul3A_1324 = arith.mulf %mul3A_1323, %mul3A_70 : vector<16xf32>
        %add3A_1325 = arith.addf %mul3A_1324, %broadcast_in_dim3A_11 : vector<16xf32>
        %add3A_1326 = arith.addf %mul3A_1322, %add3A_1325 : vector<16xf32>
        %add3A_1327 = arith.addf %mul3A_1320, %add3A_1326 : vector<16xf32>
        %max3A_1328 = arith.constant 0.000000e+00 : f32
        %max3A_1329 = vector.broadcast %max3A_1328 : f32 to vector<16xf32>
        %max3A_1330 = arith.maximumf %add3A_1327, %max3A_1329 : vector<16xf32>
        %min3A_1331 = arith.constant 1.270000e+02 : f32
        %min3A_1332 = vector.broadcast %min3A_1331 : f32 to vector<16xf32>
        %min3A_1333 = arith.minimumf %max3A_1330, %min3A_1332 : vector<16xf32>
        %convert_element_type3A_1334 = arith.fptosi %min3A_1333 : vector<16xf32> to vector<16xi32>
        %mul3A_1335 = arith.constant 64 : i32
        %mul3A_1336 = vector.broadcast %mul3A_1335 : i32 to vector<16xi32>
        %mul3A_1337 = arith.muli %convert_element_type3A_1334, %mul3A_1336 : vector<16xi32>
        %add3A_1338 = arith.addi %mul3A_1337, %add3A_82 : vector<16xi32>
        tpu.vector_store_idx %arg14[%add3A_1278], %broadcast_in_dim3A_5 {add = true} : memref<8192xf32, #tpu.memory_space<vmem>>[vector<16xi32>], vector<16xf32>,
        tpu.vector_store_idx %arg14[%add3A_1298], %broadcast_in_dim3A_5 {add = true} : memref<8192xf32, #tpu.memory_space<vmem>>[vector<16xi32>], vector<16xf32>,
        tpu.vector_store_idx %arg14[%add3A_1318], %broadcast_in_dim3A_5 {add = true} : memref<8192xf32, #tpu.memory_space<vmem>>[vector<16xi32>], vector<16xf32>,
        tpu.vector_store_idx %arg14[%add3A_1338], %broadcast_in_dim3A_5 {add = true} : memref<8192xf32, #tpu.memory_space<vmem>>[vector<16xi32>], vector<16xf32>,
        %slice3A_1339 = vector.extract_strided_slice %get3A_118 {offsets = [13], sizes = [1], strides = [1]} : vector<16xi32> to vector<1xi32>
        %squeeze3A_1340 = vector.extract %slice3A_1339[0] : i32 from vector<1xi32>
        %ne3A_1341 = arith.cmpi ne, %squeeze3A_1340, %cond3A_1252#0 : i32
        %convert_element_type3A_1342 = arith.extui %ne3A_1341 : i1 to i32
        %cond3A_1343 = arith.constant 0 : i32
        %cond3A_1344 = arith.cmpi ne, %convert_element_type3A_1342, %cond3A_1343 : i32
        %cond3A_1345:2 = scf.if %cond3A_1344 -> (i32, i32) {
          "tpu.region"() ({
            %run_scoped3A = tpu.sem_alloc : memref<!tpu.dma_semaphore, #tpu.memory_space<semaphore_mem>>
            %dma_start3A = arith.constant 0 : i32
            %dma_start3A_1628 = tpu.memref_slice %arg7[%add3A, %cond3A_1252#1, %dma_start3A] : memref<32x64x8192xf32, #tpu.memory_space<hbm>> -> memref<1x1x8192xf32, #tpu.memory_space<hbm>>
            %dma_start3A_1629 = tpu.memref_squeeze %dma_start3A_1628 : memref<1x1x8192xf32, #tpu.memory_space<hbm>> -> memref<8192xf32, #tpu.memory_space<hbm>>
            %dma_start3A_1630 = arith.constant 0 : i32
            %dma_start3A_1631 = tpu.memref_slice %arg7[%add3A, %cond3A_1252#1, %dma_start3A_1630] : memref<32x64x8192xf32, #tpu.memory_space<hbm>> -> memref<1x1x8192xf32, #tpu.memory_space<hbm>>
            %dma_start3A_1632 = tpu.memref_squeeze %dma_start3A_1631 : memref<1x1x8192xf32, #tpu.memory_space<hbm>> -> memref<8192xf32, #tpu.memory_space<hbm>>
            tpu.enqueue_dma source(%arg14 : memref<8192xf32, #tpu.memory_space<vmem>>) target(%dma_start3A_1632 : memref<8192xf32, #tpu.memory_space<hbm>>) target_semaphore(%run_scoped3A : memref<!tpu.dma_semaphore, #tpu.memory_space<semaphore_mem>>)
            %dma_wait3A = arith.constant 0 : i32
            %dma_wait3A_1633 = tpu.memref_slice %arg7[%add3A, %cond3A_1252#1, %dma_wait3A] : memref<32x64x8192xf32, #tpu.memory_space<hbm>> -> memref<1x1x8192xf32, #tpu.memory_space<hbm>>
            %dma_wait3A_1634 = tpu.memref_squeeze %dma_wait3A_1633 : memref<1x1x8192xf32, #tpu.memory_space<hbm>> -> memref<8192xf32, #tpu.memory_space<hbm>>
            %dma_wait3A_1635 = arith.constant 0 : i32
            %dma_wait3A_1636 = tpu.memref_slice %arg7[%add3A, %cond3A_1252#1, %dma_wait3A_1635] : memref<32x64x8192xf32, #tpu.memory_space<hbm>> -> memref<1x1x8192xf32, #tpu.memory_space<hbm>>
            %dma_wait3A_1637 = tpu.memref_squeeze %dma_wait3A_1636 : memref<1x1x8192xf32, #tpu.memory_space<hbm>> -> memref<8192xf32, #tpu.memory_space<hbm>>
            tpu.wait_dma2 semaphore(%run_scoped3A : memref<!tpu.dma_semaphore, #tpu.memory_space<semaphore_mem>>) src(%arg14 : memref<8192xf32, #tpu.memory_space<vmem>>) dst(%dma_wait3A_1637 : memref<8192xf32, #tpu.memory_space<hbm>>)
            tpu.yield
          }) : () -> ()
          %broadcast_in_dim3A_1618 = vector.broadcast %cond3A_1252#1 : i32 to vector<16xi32>
          %broadcast_in_dim3A_1619 = vector.broadcast %cond3A_1252#0 : i32 to vector<16xi32>
          tpu.vector_store_idx %arg15[%broadcast_in_dim3A_1618], %broadcast_in_dim3A_1619 masked %eq3A_9 : memref<64xi32, #tpu.memory_space<vmem>>[vector<16xi32>], vector<16xi32>, vector<16xi1>
          %scan3A_1620 = arith.constant 0 : i32
          %scan3A_1621 = arith.constant 0 : i32
          %scan3A_1622 = arith.constant 512 : i32
          %scan3A_1623 = arith.addi %scan3A_1621, %scan3A_1622 : i32
          %scan3A_1624 = arith.constant 8 : i32
          scf.for %scan3A_1628 = %scan3A_1621 to %scan3A_1623 step %scan3A_1624  : i32 {
            %mul3A_1629 = arith.constant 16 : i32
            %mul3A_1630 = arith.muli %scan3A_1628, %mul3A_1629 : i32
            %swap3A_1631 = arith.index_cast %mul3A_1630 : i32 to index
            %swap3A_1632 = tpu.vector_load %arg14[%swap3A_1631] {strides = array<i32>} : memref<8192xf32, #tpu.memory_space<vmem>>, vector<16xf32>,
            tpu.vector_store %arg14[%swap3A_1631], %broadcast_in_dim3A_3 {strides = array<i32>} : memref<8192xf32, #tpu.memory_space<vmem>>, vector<16xf32>,
            %scan3A_1633 = arith.constant 1 : i32
            %scan3A_1634 = arith.addi %scan3A_1628, %scan3A_1633 : i32
            %mul3A_1635 = arith.constant 16 : i32
            %mul3A_1636 = arith.muli %scan3A_1634, %mul3A_1635 : i32
            %swap3A_1637 = arith.index_cast %mul3A_1636 : i32 to index
            %swap3A_1638 = tpu.vector_load %arg14[%swap3A_1637] {strides = array<i32>} : memref<8192xf32, #tpu.memory_space<vmem>>, vector<16xf32>,
            tpu.vector_store %arg14[%swap3A_1637], %broadcast_in_dim3A_3 {strides = array<i32>} : memref<8192xf32, #tpu.memory_space<vmem>>, vector<16xf32>,
            %scan3A_1639 = arith.constant 2 : i32
            %scan3A_1640 = arith.addi %scan3A_1628, %scan3A_1639 : i32
            %mul3A_1641 = arith.constant 16 : i32
            %mul3A_1642 = arith.muli %scan3A_1640, %mul3A_1641 : i32
            %swap3A_1643 = arith.index_cast %mul3A_1642 : i32 to index
            %swap3A_1644 = tpu.vector_load %arg14[%swap3A_1643] {strides = array<i32>} : memref<8192xf32, #tpu.memory_space<vmem>>, vector<16xf32>,
            tpu.vector_store %arg14[%swap3A_1643], %broadcast_in_dim3A_3 {strides = array<i32>} : memref<8192xf32, #tpu.memory_space<vmem>>, vector<16xf32>,
            %scan3A_1645 = arith.constant 3 : i32
            %scan3A_1646 = arith.addi %scan3A_1628, %scan3A_1645 : i32
            %mul3A_1647 = arith.constant 16 : i32
            %mul3A_1648 = arith.muli %scan3A_1646, %mul3A_1647 : i32
            %swap3A_1649 = arith.index_cast %mul3A_1648 : i32 to index
            %swap3A_1650 = tpu.vector_load %arg14[%swap3A_1649] {strides = array<i32>} : memref<8192xf32, #tpu.memory_space<vmem>>, vector<16xf32>,
            tpu.vector_store %arg14[%swap3A_1649], %broadcast_in_dim3A_3 {strides = array<i32>} : memref<8192xf32, #tpu.memory_space<vmem>>, vector<16xf32>,
            %scan3A_1651 = arith.constant 4 : i32
            %scan3A_1652 = arith.addi %scan3A_1628, %scan3A_1651 : i32
            %mul3A_1653 = arith.constant 16 : i32
            %mul3A_1654 = arith.muli %scan3A_1652, %mul3A_1653 : i32
            %swap3A_1655 = arith.index_cast %mul3A_1654 : i32 to index
            %swap3A_1656 = tpu.vector_load %arg14[%swap3A_1655] {strides = array<i32>} : memref<8192xf32, #tpu.memory_space<vmem>>, vector<16xf32>,
            tpu.vector_store %arg14[%swap3A_1655], %broadcast_in_dim3A_3 {strides = array<i32>} : memref<8192xf32, #tpu.memory_space<vmem>>, vector<16xf32>,
            %scan3A_1657 = arith.constant 5 : i32
            %scan3A_1658 = arith.addi %scan3A_1628, %scan3A_1657 : i32
            %mul3A_1659 = arith.constant 16 : i32
            %mul3A_1660 = arith.muli %scan3A_1658, %mul3A_1659 : i32
            %swap3A_1661 = arith.index_cast %mul3A_1660 : i32 to index
            %swap3A_1662 = tpu.vector_load %arg14[%swap3A_1661] {strides = array<i32>} : memref<8192xf32, #tpu.memory_space<vmem>>, vector<16xf32>,
            tpu.vector_store %arg14[%swap3A_1661], %broadcast_in_dim3A_3 {strides = array<i32>} : memref<8192xf32, #tpu.memory_space<vmem>>, vector<16xf32>,
            %scan3A_1663 = arith.constant 6 : i32
            %scan3A_1664 = arith.addi %scan3A_1628, %scan3A_1663 : i32
            %mul3A_1665 = arith.constant 16 : i32
            %mul3A_1666 = arith.muli %scan3A_1664, %mul3A_1665 : i32
            %swap3A_1667 = arith.index_cast %mul3A_1666 : i32 to index
            %swap3A_1668 = tpu.vector_load %arg14[%swap3A_1667] {strides = array<i32>} : memref<8192xf32, #tpu.memory_space<vmem>>, vector<16xf32>,
            tpu.vector_store %arg14[%swap3A_1667], %broadcast_in_dim3A_3 {strides = array<i32>} : memref<8192xf32, #tpu.memory_space<vmem>>, vector<16xf32>,
            %scan3A_1669 = arith.constant 7 : i32
            %scan3A_1670 = arith.addi %scan3A_1628, %scan3A_1669 : i32
            %mul3A_1671 = arith.constant 16 : i32
            %mul3A_1672 = arith.muli %scan3A_1670, %mul3A_1671 : i32
            %swap3A_1673 = arith.index_cast %mul3A_1672 : i32 to index
            %swap3A_1674 = tpu.vector_load %arg14[%swap3A_1673] {strides = array<i32>} : memref<8192xf32, #tpu.memory_space<vmem>>, vector<16xf32>,
            tpu.vector_store %arg14[%swap3A_1673], %broadcast_in_dim3A_3 {strides = array<i32>} : memref<8192xf32, #tpu.memory_space<vmem>>, vector<16xf32>,
          }
          %scan3A_1625 = arith.constant 512 : i32
          %add3A_1626 = arith.constant 1 : i32
          %add3A_1627 = arith.addi %cond3A_1252#1, %add3A_1626 : i32
          scf.yield %squeeze3A_1340, %add3A_1627 : i32, i32
        } else {
          scf.yield %cond3A_1252#0, %cond3A_1252#1 : i32, i32
        }
        %slice3A_1346 = vector.extract_strided_slice %get3A_128 {offsets = [13], sizes = [1], strides = [1]} : vector<16xf32> to vector<1xf32>
        %squeeze3A_1347 = vector.extract %slice3A_1346[0] : f32 from vector<1xf32>
        %slice3A_1348 = vector.extract_strided_slice %get3A_130 {offsets = [13], sizes = [1], strides = [1]} : vector<16xf32> to vector<1xf32>
        %squeeze3A_1349 = vector.extract %slice3A_1348[0] : f32 from vector<1xf32>
        %slice3A_1350 = vector.extract_strided_slice %get3A_132 {offsets = [13], sizes = [1], strides = [1]} : vector<16xf32> to vector<1xf32>
        %squeeze3A_1351 = vector.extract %slice3A_1350[0] : f32 from vector<1xf32>
        %mul3A_1352 = vector.broadcast %squeeze3A_1347 : f32 to vector<16xf32>
        %mul3A_1353 = arith.mulf %mul3A_1352, %mul3A_15 : vector<16xf32>
        %mul3A_1354 = vector.broadcast %squeeze3A_1349 : f32 to vector<16xf32>
        %mul3A_1355 = arith.mulf %mul3A_1354, %mul3A_20 : vector<16xf32>
        %mul3A_1356 = vector.broadcast %squeeze3A_1351 : f32 to vector<16xf32>
        %mul3A_1357 = arith.mulf %mul3A_1356, %mul3A_25 : vector<16xf32>
        %add3A_1358 = arith.addf %mul3A_1357, %broadcast_in_dim3A_11 : vector<16xf32>
        %add3A_1359 = arith.addf %mul3A_1355, %add3A_1358 : vector<16xf32>
        %add3A_1360 = arith.addf %mul3A_1353, %add3A_1359 : vector<16xf32>
        %max3A_1361 = arith.constant 0.000000e+00 : f32
        %max3A_1362 = vector.broadcast %max3A_1361 : f32 to vector<16xf32>
        %max3A_1363 = arith.maximumf %add3A_1360, %max3A_1362 : vector<16xf32>
        %min3A_1364 = arith.constant 1.270000e+02 : f32
        %min3A_1365 = vector.broadcast %min3A_1364 : f32 to vector<16xf32>
        %min3A_1366 = arith.minimumf %max3A_1363, %min3A_1365 : vector<16xf32>
        %convert_element_type3A_1367 = arith.fptosi %min3A_1366 : vector<16xf32> to vector<16xi32>
        %mul3A_1368 = arith.constant 64 : i32
        %mul3A_1369 = vector.broadcast %mul3A_1368 : i32 to vector<16xi32>
        %mul3A_1370 = arith.muli %convert_element_type3A_1367, %mul3A_1369 : vector<16xi32>
        %add3A_1371 = arith.addi %mul3A_1370, %add3A_73 : vector<16xi32>
        %mul3A_1372 = vector.broadcast %squeeze3A_1347 : f32 to vector<16xf32>
        %mul3A_1373 = arith.mulf %mul3A_1372, %mul3A_30 : vector<16xf32>
        %mul3A_1374 = vector.broadcast %squeeze3A_1349 : f32 to vector<16xf32>
        %mul3A_1375 = arith.mulf %mul3A_1374, %mul3A_35 : vector<16xf32>
        %mul3A_1376 = vector.broadcast %squeeze3A_1351 : f32 to vector<16xf32>
        %mul3A_1377 = arith.mulf %mul3A_1376, %mul3A_40 : vector<16xf32>
        %add3A_1378 = arith.addf %mul3A_1377, %broadcast_in_dim3A_11 : vector<16xf32>
        %add3A_1379 = arith.addf %mul3A_1375, %add3A_1378 : vector<16xf32>
        %add3A_1380 = arith.addf %mul3A_1373, %add3A_1379 : vector<16xf32>
        %max3A_1381 = arith.constant 0.000000e+00 : f32
        %max3A_1382 = vector.broadcast %max3A_1381 : f32 to vector<16xf32>
        %max3A_1383 = arith.maximumf %add3A_1380, %max3A_1382 : vector<16xf32>
        %min3A_1384 = arith.constant 1.270000e+02 : f32
        %min3A_1385 = vector.broadcast %min3A_1384 : f32 to vector<16xf32>
        %min3A_1386 = arith.minimumf %max3A_1383, %min3A_1385 : vector<16xf32>
        %convert_element_type3A_1387 = arith.fptosi %min3A_1386 : vector<16xf32> to vector<16xi32>
        %mul3A_1388 = arith.constant 64 : i32
        %mul3A_1389 = vector.broadcast %mul3A_1388 : i32 to vector<16xi32>
        %mul3A_1390 = arith.muli %convert_element_type3A_1387, %mul3A_1389 : vector<16xi32>
        %add3A_1391 = arith.addi %mul3A_1390, %add3A_76 : vector<16xi32>
        %mul3A_1392 = vector.broadcast %squeeze3A_1347 : f32 to vector<16xf32>
        %mul3A_1393 = arith.mulf %mul3A_1392, %mul3A_45 : vector<16xf32>
        %mul3A_1394 = vector.broadcast %squeeze3A_1349 : f32 to vector<16xf32>
        %mul3A_1395 = arith.mulf %mul3A_1394, %mul3A_50 : vector<16xf32>
        %mul3A_1396 = vector.broadcast %squeeze3A_1351 : f32 to vector<16xf32>
        %mul3A_1397 = arith.mulf %mul3A_1396, %mul3A_55 : vector<16xf32>
        %add3A_1398 = arith.addf %mul3A_1397, %broadcast_in_dim3A_11 : vector<16xf32>
        %add3A_1399 = arith.addf %mul3A_1395, %add3A_1398 : vector<16xf32>
        %add3A_1400 = arith.addf %mul3A_1393, %add3A_1399 : vector<16xf32>
        %max3A_1401 = arith.constant 0.000000e+00 : f32
        %max3A_1402 = vector.broadcast %max3A_1401 : f32 to vector<16xf32>
        %max3A_1403 = arith.maximumf %add3A_1400, %max3A_1402 : vector<16xf32>
        %min3A_1404 = arith.constant 1.270000e+02 : f32
        %min3A_1405 = vector.broadcast %min3A_1404 : f32 to vector<16xf32>
        %min3A_1406 = arith.minimumf %max3A_1403, %min3A_1405 : vector<16xf32>
        %convert_element_type3A_1407 = arith.fptosi %min3A_1406 : vector<16xf32> to vector<16xi32>
        %mul3A_1408 = arith.constant 64 : i32
        %mul3A_1409 = vector.broadcast %mul3A_1408 : i32 to vector<16xi32>
        %mul3A_1410 = arith.muli %convert_element_type3A_1407, %mul3A_1409 : vector<16xi32>
        %add3A_1411 = arith.addi %mul3A_1410, %add3A_79 : vector<16xi32>
        %mul3A_1412 = vector.broadcast %squeeze3A_1347 : f32 to vector<16xf32>
        %mul3A_1413 = arith.mulf %mul3A_1412, %mul3A_60 : vector<16xf32>
        %mul3A_1414 = vector.broadcast %squeeze3A_1349 : f32 to vector<16xf32>
        %mul3A_1415 = arith.mulf %mul3A_1414, %mul3A_65 : vector<16xf32>
        %mul3A_1416 = vector.broadcast %squeeze3A_1351 : f32 to vector<16xf32>
        %mul3A_1417 = arith.mulf %mul3A_1416, %mul3A_70 : vector<16xf32>
        %add3A_1418 = arith.addf %mul3A_1417, %broadcast_in_dim3A_11 : vector<16xf32>
        %add3A_1419 = arith.addf %mul3A_1415, %add3A_1418 : vector<16xf32>
        %add3A_1420 = arith.addf %mul3A_1413, %add3A_1419 : vector<16xf32>
        %max3A_1421 = arith.constant 0.000000e+00 : f32
        %max3A_1422 = vector.broadcast %max3A_1421 : f32 to vector<16xf32>
        %max3A_1423 = arith.maximumf %add3A_1420, %max3A_1422 : vector<16xf32>
        %min3A_1424 = arith.constant 1.270000e+02 : f32
        %min3A_1425 = vector.broadcast %min3A_1424 : f32 to vector<16xf32>
        %min3A_1426 = arith.minimumf %max3A_1423, %min3A_1425 : vector<16xf32>
        %convert_element_type3A_1427 = arith.fptosi %min3A_1426 : vector<16xf32> to vector<16xi32>
        %mul3A_1428 = arith.constant 64 : i32
        %mul3A_1429 = vector.broadcast %mul3A_1428 : i32 to vector<16xi32>
        %mul3A_1430 = arith.muli %convert_element_type3A_1427, %mul3A_1429 : vector<16xi32>
        %add3A_1431 = arith.addi %mul3A_1430, %add3A_82 : vector<16xi32>
        tpu.vector_store_idx %arg14[%add3A_1371], %broadcast_in_dim3A_5 {add = true} : memref<8192xf32, #tpu.memory_space<vmem>>[vector<16xi32>], vector<16xf32>,
        tpu.vector_store_idx %arg14[%add3A_1391], %broadcast_in_dim3A_5 {add = true} : memref<8192xf32, #tpu.memory_space<vmem>>[vector<16xi32>], vector<16xf32>,
        tpu.vector_store_idx %arg14[%add3A_1411], %broadcast_in_dim3A_5 {add = true} : memref<8192xf32, #tpu.memory_space<vmem>>[vector<16xi32>], vector<16xf32>,
        tpu.vector_store_idx %arg14[%add3A_1431], %broadcast_in_dim3A_5 {add = true} : memref<8192xf32, #tpu.memory_space<vmem>>[vector<16xi32>], vector<16xf32>,
        %slice3A_1432 = vector.extract_strided_slice %get3A_118 {offsets = [14], sizes = [1], strides = [1]} : vector<16xi32> to vector<1xi32>
        %squeeze3A_1433 = vector.extract %slice3A_1432[0] : i32 from vector<1xi32>
        %ne3A_1434 = arith.cmpi ne, %squeeze3A_1433, %cond3A_1345#0 : i32
        %convert_element_type3A_1435 = arith.extui %ne3A_1434 : i1 to i32
        %cond3A_1436 = arith.constant 0 : i32
        %cond3A_1437 = arith.cmpi ne, %convert_element_type3A_1435, %cond3A_1436 : i32
        %cond3A_1438:2 = scf.if %cond3A_1437 -> (i32, i32) {
          "tpu.region"() ({
            %run_scoped3A = tpu.sem_alloc : memref<!tpu.dma_semaphore, #tpu.memory_space<semaphore_mem>>
            %dma_start3A = arith.constant 0 : i32
            %dma_start3A_1628 = tpu.memref_slice %arg7[%add3A, %cond3A_1345#1, %dma_start3A] : memref<32x64x8192xf32, #tpu.memory_space<hbm>> -> memref<1x1x8192xf32, #tpu.memory_space<hbm>>
            %dma_start3A_1629 = tpu.memref_squeeze %dma_start3A_1628 : memref<1x1x8192xf32, #tpu.memory_space<hbm>> -> memref<8192xf32, #tpu.memory_space<hbm>>
            %dma_start3A_1630 = arith.constant 0 : i32
            %dma_start3A_1631 = tpu.memref_slice %arg7[%add3A, %cond3A_1345#1, %dma_start3A_1630] : memref<32x64x8192xf32, #tpu.memory_space<hbm>> -> memref<1x1x8192xf32, #tpu.memory_space<hbm>>
            %dma_start3A_1632 = tpu.memref_squeeze %dma_start3A_1631 : memref<1x1x8192xf32, #tpu.memory_space<hbm>> -> memref<8192xf32, #tpu.memory_space<hbm>>
            tpu.enqueue_dma source(%arg14 : memref<8192xf32, #tpu.memory_space<vmem>>) target(%dma_start3A_1632 : memref<8192xf32, #tpu.memory_space<hbm>>) target_semaphore(%run_scoped3A : memref<!tpu.dma_semaphore, #tpu.memory_space<semaphore_mem>>)
            %dma_wait3A = arith.constant 0 : i32
            %dma_wait3A_1633 = tpu.memref_slice %arg7[%add3A, %cond3A_1345#1, %dma_wait3A] : memref<32x64x8192xf32, #tpu.memory_space<hbm>> -> memref<1x1x8192xf32, #tpu.memory_space<hbm>>
            %dma_wait3A_1634 = tpu.memref_squeeze %dma_wait3A_1633 : memref<1x1x8192xf32, #tpu.memory_space<hbm>> -> memref<8192xf32, #tpu.memory_space<hbm>>
            %dma_wait3A_1635 = arith.constant 0 : i32
            %dma_wait3A_1636 = tpu.memref_slice %arg7[%add3A, %cond3A_1345#1, %dma_wait3A_1635] : memref<32x64x8192xf32, #tpu.memory_space<hbm>> -> memref<1x1x8192xf32, #tpu.memory_space<hbm>>
            %dma_wait3A_1637 = tpu.memref_squeeze %dma_wait3A_1636 : memref<1x1x8192xf32, #tpu.memory_space<hbm>> -> memref<8192xf32, #tpu.memory_space<hbm>>
            tpu.wait_dma2 semaphore(%run_scoped3A : memref<!tpu.dma_semaphore, #tpu.memory_space<semaphore_mem>>) src(%arg14 : memref<8192xf32, #tpu.memory_space<vmem>>) dst(%dma_wait3A_1637 : memref<8192xf32, #tpu.memory_space<hbm>>)
            tpu.yield
          }) : () -> ()
          %broadcast_in_dim3A_1618 = vector.broadcast %cond3A_1345#1 : i32 to vector<16xi32>
          %broadcast_in_dim3A_1619 = vector.broadcast %cond3A_1345#0 : i32 to vector<16xi32>
          tpu.vector_store_idx %arg15[%broadcast_in_dim3A_1618], %broadcast_in_dim3A_1619 masked %eq3A_9 : memref<64xi32, #tpu.memory_space<vmem>>[vector<16xi32>], vector<16xi32>, vector<16xi1>
          %scan3A_1620 = arith.constant 0 : i32
          %scan3A_1621 = arith.constant 0 : i32
          %scan3A_1622 = arith.constant 512 : i32
          %scan3A_1623 = arith.addi %scan3A_1621, %scan3A_1622 : i32
          %scan3A_1624 = arith.constant 8 : i32
          scf.for %scan3A_1628 = %scan3A_1621 to %scan3A_1623 step %scan3A_1624  : i32 {
            %mul3A_1629 = arith.constant 16 : i32
            %mul3A_1630 = arith.muli %scan3A_1628, %mul3A_1629 : i32
            %swap3A_1631 = arith.index_cast %mul3A_1630 : i32 to index
            %swap3A_1632 = tpu.vector_load %arg14[%swap3A_1631] {strides = array<i32>} : memref<8192xf32, #tpu.memory_space<vmem>>, vector<16xf32>,
            tpu.vector_store %arg14[%swap3A_1631], %broadcast_in_dim3A_3 {strides = array<i32>} : memref<8192xf32, #tpu.memory_space<vmem>>, vector<16xf32>,
            %scan3A_1633 = arith.constant 1 : i32
            %scan3A_1634 = arith.addi %scan3A_1628, %scan3A_1633 : i32
            %mul3A_1635 = arith.constant 16 : i32
            %mul3A_1636 = arith.muli %scan3A_1634, %mul3A_1635 : i32
            %swap3A_1637 = arith.index_cast %mul3A_1636 : i32 to index
            %swap3A_1638 = tpu.vector_load %arg14[%swap3A_1637] {strides = array<i32>} : memref<8192xf32, #tpu.memory_space<vmem>>, vector<16xf32>,
            tpu.vector_store %arg14[%swap3A_1637], %broadcast_in_dim3A_3 {strides = array<i32>} : memref<8192xf32, #tpu.memory_space<vmem>>, vector<16xf32>,
            %scan3A_1639 = arith.constant 2 : i32
            %scan3A_1640 = arith.addi %scan3A_1628, %scan3A_1639 : i32
            %mul3A_1641 = arith.constant 16 : i32
            %mul3A_1642 = arith.muli %scan3A_1640, %mul3A_1641 : i32
            %swap3A_1643 = arith.index_cast %mul3A_1642 : i32 to index
            %swap3A_1644 = tpu.vector_load %arg14[%swap3A_1643] {strides = array<i32>} : memref<8192xf32, #tpu.memory_space<vmem>>, vector<16xf32>,
            tpu.vector_store %arg14[%swap3A_1643], %broadcast_in_dim3A_3 {strides = array<i32>} : memref<8192xf32, #tpu.memory_space<vmem>>, vector<16xf32>,
            %scan3A_1645 = arith.constant 3 : i32
            %scan3A_1646 = arith.addi %scan3A_1628, %scan3A_1645 : i32
            %mul3A_1647 = arith.constant 16 : i32
            %mul3A_1648 = arith.muli %scan3A_1646, %mul3A_1647 : i32
            %swap3A_1649 = arith.index_cast %mul3A_1648 : i32 to index
            %swap3A_1650 = tpu.vector_load %arg14[%swap3A_1649] {strides = array<i32>} : memref<8192xf32, #tpu.memory_space<vmem>>, vector<16xf32>,
            tpu.vector_store %arg14[%swap3A_1649], %broadcast_in_dim3A_3 {strides = array<i32>} : memref<8192xf32, #tpu.memory_space<vmem>>, vector<16xf32>,
            %scan3A_1651 = arith.constant 4 : i32
            %scan3A_1652 = arith.addi %scan3A_1628, %scan3A_1651 : i32
            %mul3A_1653 = arith.constant 16 : i32
            %mul3A_1654 = arith.muli %scan3A_1652, %mul3A_1653 : i32
            %swap3A_1655 = arith.index_cast %mul3A_1654 : i32 to index
            %swap3A_1656 = tpu.vector_load %arg14[%swap3A_1655] {strides = array<i32>} : memref<8192xf32, #tpu.memory_space<vmem>>, vector<16xf32>,
            tpu.vector_store %arg14[%swap3A_1655], %broadcast_in_dim3A_3 {strides = array<i32>} : memref<8192xf32, #tpu.memory_space<vmem>>, vector<16xf32>,
            %scan3A_1657 = arith.constant 5 : i32
            %scan3A_1658 = arith.addi %scan3A_1628, %scan3A_1657 : i32
            %mul3A_1659 = arith.constant 16 : i32
            %mul3A_1660 = arith.muli %scan3A_1658, %mul3A_1659 : i32
            %swap3A_1661 = arith.index_cast %mul3A_1660 : i32 to index
            %swap3A_1662 = tpu.vector_load %arg14[%swap3A_1661] {strides = array<i32>} : memref<8192xf32, #tpu.memory_space<vmem>>, vector<16xf32>,
            tpu.vector_store %arg14[%swap3A_1661], %broadcast_in_dim3A_3 {strides = array<i32>} : memref<8192xf32, #tpu.memory_space<vmem>>, vector<16xf32>,
            %scan3A_1663 = arith.constant 6 : i32
            %scan3A_1664 = arith.addi %scan3A_1628, %scan3A_1663 : i32
            %mul3A_1665 = arith.constant 16 : i32
            %mul3A_1666 = arith.muli %scan3A_1664, %mul3A_1665 : i32
            %swap3A_1667 = arith.index_cast %mul3A_1666 : i32 to index
            %swap3A_1668 = tpu.vector_load %arg14[%swap3A_1667] {strides = array<i32>} : memref<8192xf32, #tpu.memory_space<vmem>>, vector<16xf32>,
            tpu.vector_store %arg14[%swap3A_1667], %broadcast_in_dim3A_3 {strides = array<i32>} : memref<8192xf32, #tpu.memory_space<vmem>>, vector<16xf32>,
            %scan3A_1669 = arith.constant 7 : i32
            %scan3A_1670 = arith.addi %scan3A_1628, %scan3A_1669 : i32
            %mul3A_1671 = arith.constant 16 : i32
            %mul3A_1672 = arith.muli %scan3A_1670, %mul3A_1671 : i32
            %swap3A_1673 = arith.index_cast %mul3A_1672 : i32 to index
            %swap3A_1674 = tpu.vector_load %arg14[%swap3A_1673] {strides = array<i32>} : memref<8192xf32, #tpu.memory_space<vmem>>, vector<16xf32>,
            tpu.vector_store %arg14[%swap3A_1673], %broadcast_in_dim3A_3 {strides = array<i32>} : memref<8192xf32, #tpu.memory_space<vmem>>, vector<16xf32>,
          }
          %scan3A_1625 = arith.constant 512 : i32
          %add3A_1626 = arith.constant 1 : i32
          %add3A_1627 = arith.addi %cond3A_1345#1, %add3A_1626 : i32
          scf.yield %squeeze3A_1433, %add3A_1627 : i32, i32
        } else {
          scf.yield %cond3A_1345#0, %cond3A_1345#1 : i32, i32
        }
        %slice3A_1439 = vector.extract_strided_slice %get3A_128 {offsets = [14], sizes = [1], strides = [1]} : vector<16xf32> to vector<1xf32>
        %squeeze3A_1440 = vector.extract %slice3A_1439[0] : f32 from vector<1xf32>
        %slice3A_1441 = vector.extract_strided_slice %get3A_130 {offsets = [14], sizes = [1], strides = [1]} : vector<16xf32> to vector<1xf32>
        %squeeze3A_1442 = vector.extract %slice3A_1441[0] : f32 from vector<1xf32>
        %slice3A_1443 = vector.extract_strided_slice %get3A_132 {offsets = [14], sizes = [1], strides = [1]} : vector<16xf32> to vector<1xf32>
        %squeeze3A_1444 = vector.extract %slice3A_1443[0] : f32 from vector<1xf32>
        %mul3A_1445 = vector.broadcast %squeeze3A_1440 : f32 to vector<16xf32>
        %mul3A_1446 = arith.mulf %mul3A_1445, %mul3A_15 : vector<16xf32>
        %mul3A_1447 = vector.broadcast %squeeze3A_1442 : f32 to vector<16xf32>
        %mul3A_1448 = arith.mulf %mul3A_1447, %mul3A_20 : vector<16xf32>
        %mul3A_1449 = vector.broadcast %squeeze3A_1444 : f32 to vector<16xf32>
        %mul3A_1450 = arith.mulf %mul3A_1449, %mul3A_25 : vector<16xf32>
        %add3A_1451 = arith.addf %mul3A_1450, %broadcast_in_dim3A_11 : vector<16xf32>
        %add3A_1452 = arith.addf %mul3A_1448, %add3A_1451 : vector<16xf32>
        %add3A_1453 = arith.addf %mul3A_1446, %add3A_1452 : vector<16xf32>
        %max3A_1454 = arith.constant 0.000000e+00 : f32
        %max3A_1455 = vector.broadcast %max3A_1454 : f32 to vector<16xf32>
        %max3A_1456 = arith.maximumf %add3A_1453, %max3A_1455 : vector<16xf32>
        %min3A_1457 = arith.constant 1.270000e+02 : f32
        %min3A_1458 = vector.broadcast %min3A_1457 : f32 to vector<16xf32>
        %min3A_1459 = arith.minimumf %max3A_1456, %min3A_1458 : vector<16xf32>
        %convert_element_type3A_1460 = arith.fptosi %min3A_1459 : vector<16xf32> to vector<16xi32>
        %mul3A_1461 = arith.constant 64 : i32
        %mul3A_1462 = vector.broadcast %mul3A_1461 : i32 to vector<16xi32>
        %mul3A_1463 = arith.muli %convert_element_type3A_1460, %mul3A_1462 : vector<16xi32>
        %add3A_1464 = arith.addi %mul3A_1463, %add3A_73 : vector<16xi32>
        %mul3A_1465 = vector.broadcast %squeeze3A_1440 : f32 to vector<16xf32>
        %mul3A_1466 = arith.mulf %mul3A_1465, %mul3A_30 : vector<16xf32>
        %mul3A_1467 = vector.broadcast %squeeze3A_1442 : f32 to vector<16xf32>
        %mul3A_1468 = arith.mulf %mul3A_1467, %mul3A_35 : vector<16xf32>
        %mul3A_1469 = vector.broadcast %squeeze3A_1444 : f32 to vector<16xf32>
        %mul3A_1470 = arith.mulf %mul3A_1469, %mul3A_40 : vector<16xf32>
        %add3A_1471 = arith.addf %mul3A_1470, %broadcast_in_dim3A_11 : vector<16xf32>
        %add3A_1472 = arith.addf %mul3A_1468, %add3A_1471 : vector<16xf32>
        %add3A_1473 = arith.addf %mul3A_1466, %add3A_1472 : vector<16xf32>
        %max3A_1474 = arith.constant 0.000000e+00 : f32
        %max3A_1475 = vector.broadcast %max3A_1474 : f32 to vector<16xf32>
        %max3A_1476 = arith.maximumf %add3A_1473, %max3A_1475 : vector<16xf32>
        %min3A_1477 = arith.constant 1.270000e+02 : f32
        %min3A_1478 = vector.broadcast %min3A_1477 : f32 to vector<16xf32>
        %min3A_1479 = arith.minimumf %max3A_1476, %min3A_1478 : vector<16xf32>
        %convert_element_type3A_1480 = arith.fptosi %min3A_1479 : vector<16xf32> to vector<16xi32>
        %mul3A_1481 = arith.constant 64 : i32
        %mul3A_1482 = vector.broadcast %mul3A_1481 : i32 to vector<16xi32>
        %mul3A_1483 = arith.muli %convert_element_type3A_1480, %mul3A_1482 : vector<16xi32>
        %add3A_1484 = arith.addi %mul3A_1483, %add3A_76 : vector<16xi32>
        %mul3A_1485 = vector.broadcast %squeeze3A_1440 : f32 to vector<16xf32>
        %mul3A_1486 = arith.mulf %mul3A_1485, %mul3A_45 : vector<16xf32>
        %mul3A_1487 = vector.broadcast %squeeze3A_1442 : f32 to vector<16xf32>
        %mul3A_1488 = arith.mulf %mul3A_1487, %mul3A_50 : vector<16xf32>
        %mul3A_1489 = vector.broadcast %squeeze3A_1444 : f32 to vector<16xf32>
        %mul3A_1490 = arith.mulf %mul3A_1489, %mul3A_55 : vector<16xf32>
        %add3A_1491 = arith.addf %mul3A_1490, %broadcast_in_dim3A_11 : vector<16xf32>
        %add3A_1492 = arith.addf %mul3A_1488, %add3A_1491 : vector<16xf32>
        %add3A_1493 = arith.addf %mul3A_1486, %add3A_1492 : vector<16xf32>
        %max3A_1494 = arith.constant 0.000000e+00 : f32
        %max3A_1495 = vector.broadcast %max3A_1494 : f32 to vector<16xf32>
        %max3A_1496 = arith.maximumf %add3A_1493, %max3A_1495 : vector<16xf32>
        %min3A_1497 = arith.constant 1.270000e+02 : f32
        %min3A_1498 = vector.broadcast %min3A_1497 : f32 to vector<16xf32>
        %min3A_1499 = arith.minimumf %max3A_1496, %min3A_1498 : vector<16xf32>
        %convert_element_type3A_1500 = arith.fptosi %min3A_1499 : vector<16xf32> to vector<16xi32>
        %mul3A_1501 = arith.constant 64 : i32
        %mul3A_1502 = vector.broadcast %mul3A_1501 : i32 to vector<16xi32>
        %mul3A_1503 = arith.muli %convert_element_type3A_1500, %mul3A_1502 : vector<16xi32>
        %add3A_1504 = arith.addi %mul3A_1503, %add3A_79 : vector<16xi32>
        %mul3A_1505 = vector.broadcast %squeeze3A_1440 : f32 to vector<16xf32>
        %mul3A_1506 = arith.mulf %mul3A_1505, %mul3A_60 : vector<16xf32>
        %mul3A_1507 = vector.broadcast %squeeze3A_1442 : f32 to vector<16xf32>
        %mul3A_1508 = arith.mulf %mul3A_1507, %mul3A_65 : vector<16xf32>
        %mul3A_1509 = vector.broadcast %squeeze3A_1444 : f32 to vector<16xf32>
        %mul3A_1510 = arith.mulf %mul3A_1509, %mul3A_70 : vector<16xf32>
        %add3A_1511 = arith.addf %mul3A_1510, %broadcast_in_dim3A_11 : vector<16xf32>
        %add3A_1512 = arith.addf %mul3A_1508, %add3A_1511 : vector<16xf32>
        %add3A_1513 = arith.addf %mul3A_1506, %add3A_1512 : vector<16xf32>
        %max3A_1514 = arith.constant 0.000000e+00 : f32
        %max3A_1515 = vector.broadcast %max3A_1514 : f32 to vector<16xf32>
        %max3A_1516 = arith.maximumf %add3A_1513, %max3A_1515 : vector<16xf32>
        %min3A_1517 = arith.constant 1.270000e+02 : f32
        %min3A_1518 = vector.broadcast %min3A_1517 : f32 to vector<16xf32>
        %min3A_1519 = arith.minimumf %max3A_1516, %min3A_1518 : vector<16xf32>
        %convert_element_type3A_1520 = arith.fptosi %min3A_1519 : vector<16xf32> to vector<16xi32>
        %mul3A_1521 = arith.constant 64 : i32
        %mul3A_1522 = vector.broadcast %mul3A_1521 : i32 to vector<16xi32>
        %mul3A_1523 = arith.muli %convert_element_type3A_1520, %mul3A_1522 : vector<16xi32>
        %add3A_1524 = arith.addi %mul3A_1523, %add3A_82 : vector<16xi32>
        tpu.vector_store_idx %arg14[%add3A_1464], %broadcast_in_dim3A_5 {add = true} : memref<8192xf32, #tpu.memory_space<vmem>>[vector<16xi32>], vector<16xf32>,
        tpu.vector_store_idx %arg14[%add3A_1484], %broadcast_in_dim3A_5 {add = true} : memref<8192xf32, #tpu.memory_space<vmem>>[vector<16xi32>], vector<16xf32>,
        tpu.vector_store_idx %arg14[%add3A_1504], %broadcast_in_dim3A_5 {add = true} : memref<8192xf32, #tpu.memory_space<vmem>>[vector<16xi32>], vector<16xf32>,
        tpu.vector_store_idx %arg14[%add3A_1524], %broadcast_in_dim3A_5 {add = true} : memref<8192xf32, #tpu.memory_space<vmem>>[vector<16xi32>], vector<16xf32>,
        %slice3A_1525 = vector.extract_strided_slice %get3A_118 {offsets = [15], sizes = [1], strides = [1]} : vector<16xi32> to vector<1xi32>
        %squeeze3A_1526 = vector.extract %slice3A_1525[0] : i32 from vector<1xi32>
        %ne3A_1527 = arith.cmpi ne, %squeeze3A_1526, %cond3A_1438#0 : i32
        %convert_element_type3A_1528 = arith.extui %ne3A_1527 : i1 to i32
        %cond3A_1529 = arith.constant 0 : i32
        %cond3A_1530 = arith.cmpi ne, %convert_element_type3A_1528, %cond3A_1529 : i32
        %cond3A_1531:2 = scf.if %cond3A_1530 -> (i32, i32) {
          "tpu.region"() ({
            %run_scoped3A = tpu.sem_alloc : memref<!tpu.dma_semaphore, #tpu.memory_space<semaphore_mem>>
            %dma_start3A = arith.constant 0 : i32
            %dma_start3A_1628 = tpu.memref_slice %arg7[%add3A, %cond3A_1438#1, %dma_start3A] : memref<32x64x8192xf32, #tpu.memory_space<hbm>> -> memref<1x1x8192xf32, #tpu.memory_space<hbm>>
            %dma_start3A_1629 = tpu.memref_squeeze %dma_start3A_1628 : memref<1x1x8192xf32, #tpu.memory_space<hbm>> -> memref<8192xf32, #tpu.memory_space<hbm>>
            %dma_start3A_1630 = arith.constant 0 : i32
            %dma_start3A_1631 = tpu.memref_slice %arg7[%add3A, %cond3A_1438#1, %dma_start3A_1630] : memref<32x64x8192xf32, #tpu.memory_space<hbm>> -> memref<1x1x8192xf32, #tpu.memory_space<hbm>>
            %dma_start3A_1632 = tpu.memref_squeeze %dma_start3A_1631 : memref<1x1x8192xf32, #tpu.memory_space<hbm>> -> memref<8192xf32, #tpu.memory_space<hbm>>
            tpu.enqueue_dma source(%arg14 : memref<8192xf32, #tpu.memory_space<vmem>>) target(%dma_start3A_1632 : memref<8192xf32, #tpu.memory_space<hbm>>) target_semaphore(%run_scoped3A : memref<!tpu.dma_semaphore, #tpu.memory_space<semaphore_mem>>)
            %dma_wait3A = arith.constant 0 : i32
            %dma_wait3A_1633 = tpu.memref_slice %arg7[%add3A, %cond3A_1438#1, %dma_wait3A] : memref<32x64x8192xf32, #tpu.memory_space<hbm>> -> memref<1x1x8192xf32, #tpu.memory_space<hbm>>
            %dma_wait3A_1634 = tpu.memref_squeeze %dma_wait3A_1633 : memref<1x1x8192xf32, #tpu.memory_space<hbm>> -> memref<8192xf32, #tpu.memory_space<hbm>>
            %dma_wait3A_1635 = arith.constant 0 : i32
            %dma_wait3A_1636 = tpu.memref_slice %arg7[%add3A, %cond3A_1438#1, %dma_wait3A_1635] : memref<32x64x8192xf32, #tpu.memory_space<hbm>> -> memref<1x1x8192xf32, #tpu.memory_space<hbm>>
            %dma_wait3A_1637 = tpu.memref_squeeze %dma_wait3A_1636 : memref<1x1x8192xf32, #tpu.memory_space<hbm>> -> memref<8192xf32, #tpu.memory_space<hbm>>
            tpu.wait_dma2 semaphore(%run_scoped3A : memref<!tpu.dma_semaphore, #tpu.memory_space<semaphore_mem>>) src(%arg14 : memref<8192xf32, #tpu.memory_space<vmem>>) dst(%dma_wait3A_1637 : memref<8192xf32, #tpu.memory_space<hbm>>)
            tpu.yield
          }) : () -> ()
          %broadcast_in_dim3A_1618 = vector.broadcast %cond3A_1438#1 : i32 to vector<16xi32>
          %broadcast_in_dim3A_1619 = vector.broadcast %cond3A_1438#0 : i32 to vector<16xi32>
          tpu.vector_store_idx %arg15[%broadcast_in_dim3A_1618], %broadcast_in_dim3A_1619 masked %eq3A_9 : memref<64xi32, #tpu.memory_space<vmem>>[vector<16xi32>], vector<16xi32>, vector<16xi1>
          %scan3A_1620 = arith.constant 0 : i32
          %scan3A_1621 = arith.constant 0 : i32
          %scan3A_1622 = arith.constant 512 : i32
          %scan3A_1623 = arith.addi %scan3A_1621, %scan3A_1622 : i32
          %scan3A_1624 = arith.constant 8 : i32
          scf.for %scan3A_1628 = %scan3A_1621 to %scan3A_1623 step %scan3A_1624  : i32 {
            %mul3A_1629 = arith.constant 16 : i32
            %mul3A_1630 = arith.muli %scan3A_1628, %mul3A_1629 : i32
            %swap3A_1631 = arith.index_cast %mul3A_1630 : i32 to index
            %swap3A_1632 = tpu.vector_load %arg14[%swap3A_1631] {strides = array<i32>} : memref<8192xf32, #tpu.memory_space<vmem>>, vector<16xf32>,
            tpu.vector_store %arg14[%swap3A_1631], %broadcast_in_dim3A_3 {strides = array<i32>} : memref<8192xf32, #tpu.memory_space<vmem>>, vector<16xf32>,
            %scan3A_1633 = arith.constant 1 : i32
            %scan3A_1634 = arith.addi %scan3A_1628, %scan3A_1633 : i32
            %mul3A_1635 = arith.constant 16 : i32
            %mul3A_1636 = arith.muli %scan3A_1634, %mul3A_1635 : i32
            %swap3A_1637 = arith.index_cast %mul3A_1636 : i32 to index
            %swap3A_1638 = tpu.vector_load %arg14[%swap3A_1637] {strides = array<i32>} : memref<8192xf32, #tpu.memory_space<vmem>>, vector<16xf32>,
            tpu.vector_store %arg14[%swap3A_1637], %broadcast_in_dim3A_3 {strides = array<i32>} : memref<8192xf32, #tpu.memory_space<vmem>>, vector<16xf32>,
            %scan3A_1639 = arith.constant 2 : i32
            %scan3A_1640 = arith.addi %scan3A_1628, %scan3A_1639 : i32
            %mul3A_1641 = arith.constant 16 : i32
            %mul3A_1642 = arith.muli %scan3A_1640, %mul3A_1641 : i32
            %swap3A_1643 = arith.index_cast %mul3A_1642 : i32 to index
            %swap3A_1644 = tpu.vector_load %arg14[%swap3A_1643] {strides = array<i32>} : memref<8192xf32, #tpu.memory_space<vmem>>, vector<16xf32>,
            tpu.vector_store %arg14[%swap3A_1643], %broadcast_in_dim3A_3 {strides = array<i32>} : memref<8192xf32, #tpu.memory_space<vmem>>, vector<16xf32>,
            %scan3A_1645 = arith.constant 3 : i32
            %scan3A_1646 = arith.addi %scan3A_1628, %scan3A_1645 : i32
            %mul3A_1647 = arith.constant 16 : i32
            %mul3A_1648 = arith.muli %scan3A_1646, %mul3A_1647 : i32
            %swap3A_1649 = arith.index_cast %mul3A_1648 : i32 to index
            %swap3A_1650 = tpu.vector_load %arg14[%swap3A_1649] {strides = array<i32>} : memref<8192xf32, #tpu.memory_space<vmem>>, vector<16xf32>,
            tpu.vector_store %arg14[%swap3A_1649], %broadcast_in_dim3A_3 {strides = array<i32>} : memref<8192xf32, #tpu.memory_space<vmem>>, vector<16xf32>,
            %scan3A_1651 = arith.constant 4 : i32
            %scan3A_1652 = arith.addi %scan3A_1628, %scan3A_1651 : i32
            %mul3A_1653 = arith.constant 16 : i32
            %mul3A_1654 = arith.muli %scan3A_1652, %mul3A_1653 : i32
            %swap3A_1655 = arith.index_cast %mul3A_1654 : i32 to index
            %swap3A_1656 = tpu.vector_load %arg14[%swap3A_1655] {strides = array<i32>} : memref<8192xf32, #tpu.memory_space<vmem>>, vector<16xf32>,
            tpu.vector_store %arg14[%swap3A_1655], %broadcast_in_dim3A_3 {strides = array<i32>} : memref<8192xf32, #tpu.memory_space<vmem>>, vector<16xf32>,
            %scan3A_1657 = arith.constant 5 : i32
            %scan3A_1658 = arith.addi %scan3A_1628, %scan3A_1657 : i32
            %mul3A_1659 = arith.constant 16 : i32
            %mul3A_1660 = arith.muli %scan3A_1658, %mul3A_1659 : i32
            %swap3A_1661 = arith.index_cast %mul3A_1660 : i32 to index
            %swap3A_1662 = tpu.vector_load %arg14[%swap3A_1661] {strides = array<i32>} : memref<8192xf32, #tpu.memory_space<vmem>>, vector<16xf32>,
            tpu.vector_store %arg14[%swap3A_1661], %broadcast_in_dim3A_3 {strides = array<i32>} : memref<8192xf32, #tpu.memory_space<vmem>>, vector<16xf32>,
            %scan3A_1663 = arith.constant 6 : i32
            %scan3A_1664 = arith.addi %scan3A_1628, %scan3A_1663 : i32
            %mul3A_1665 = arith.constant 16 : i32
            %mul3A_1666 = arith.muli %scan3A_1664, %mul3A_1665 : i32
            %swap3A_1667 = arith.index_cast %mul3A_1666 : i32 to index
            %swap3A_1668 = tpu.vector_load %arg14[%swap3A_1667] {strides = array<i32>} : memref<8192xf32, #tpu.memory_space<vmem>>, vector<16xf32>,
            tpu.vector_store %arg14[%swap3A_1667], %broadcast_in_dim3A_3 {strides = array<i32>} : memref<8192xf32, #tpu.memory_space<vmem>>, vector<16xf32>,
            %scan3A_1669 = arith.constant 7 : i32
            %scan3A_1670 = arith.addi %scan3A_1628, %scan3A_1669 : i32
            %mul3A_1671 = arith.constant 16 : i32
            %mul3A_1672 = arith.muli %scan3A_1670, %mul3A_1671 : i32
            %swap3A_1673 = arith.index_cast %mul3A_1672 : i32 to index
            %swap3A_1674 = tpu.vector_load %arg14[%swap3A_1673] {strides = array<i32>} : memref<8192xf32, #tpu.memory_space<vmem>>, vector<16xf32>,
            tpu.vector_store %arg14[%swap3A_1673], %broadcast_in_dim3A_3 {strides = array<i32>} : memref<8192xf32, #tpu.memory_space<vmem>>, vector<16xf32>,
          }
          %scan3A_1625 = arith.constant 512 : i32
          %add3A_1626 = arith.constant 1 : i32
          %add3A_1627 = arith.addi %cond3A_1438#1, %add3A_1626 : i32
          scf.yield %squeeze3A_1526, %add3A_1627 : i32, i32
        } else {
          scf.yield %cond3A_1438#0, %cond3A_1438#1 : i32, i32
        }
        %slice3A_1532 = vector.extract_strided_slice %get3A_128 {offsets = [15], sizes = [1], strides = [1]} : vector<16xf32> to vector<1xf32>
        %squeeze3A_1533 = vector.extract %slice3A_1532[0] : f32 from vector<1xf32>
        %slice3A_1534 = vector.extract_strided_slice %get3A_130 {offsets = [15], sizes = [1], strides = [1]} : vector<16xf32> to vector<1xf32>
        %squeeze3A_1535 = vector.extract %slice3A_1534[0] : f32 from vector<1xf32>
        %slice3A_1536 = vector.extract_strided_slice %get3A_132 {offsets = [15], sizes = [1], strides = [1]} : vector<16xf32> to vector<1xf32>
        %squeeze3A_1537 = vector.extract %slice3A_1536[0] : f32 from vector<1xf32>
        %mul3A_1538 = vector.broadcast %squeeze3A_1533 : f32 to vector<16xf32>
        %mul3A_1539 = arith.mulf %mul3A_1538, %mul3A_15 : vector<16xf32>
        %mul3A_1540 = vector.broadcast %squeeze3A_1535 : f32 to vector<16xf32>
        %mul3A_1541 = arith.mulf %mul3A_1540, %mul3A_20 : vector<16xf32>
        %mul3A_1542 = vector.broadcast %squeeze3A_1537 : f32 to vector<16xf32>
        %mul3A_1543 = arith.mulf %mul3A_1542, %mul3A_25 : vector<16xf32>
        %add3A_1544 = arith.addf %mul3A_1543, %broadcast_in_dim3A_11 : vector<16xf32>
        %add3A_1545 = arith.addf %mul3A_1541, %add3A_1544 : vector<16xf32>
        %add3A_1546 = arith.addf %mul3A_1539, %add3A_1545 : vector<16xf32>
        %max3A_1547 = arith.constant 0.000000e+00 : f32
        %max3A_1548 = vector.broadcast %max3A_1547 : f32 to vector<16xf32>
        %max3A_1549 = arith.maximumf %add3A_1546, %max3A_1548 : vector<16xf32>
        %min3A_1550 = arith.constant 1.270000e+02 : f32
        %min3A_1551 = vector.broadcast %min3A_1550 : f32 to vector<16xf32>
        %min3A_1552 = arith.minimumf %max3A_1549, %min3A_1551 : vector<16xf32>
        %convert_element_type3A_1553 = arith.fptosi %min3A_1552 : vector<16xf32> to vector<16xi32>
        %mul3A_1554 = arith.constant 64 : i32
        %mul3A_1555 = vector.broadcast %mul3A_1554 : i32 to vector<16xi32>
        %mul3A_1556 = arith.muli %convert_element_type3A_1553, %mul3A_1555 : vector<16xi32>
        %add3A_1557 = arith.addi %mul3A_1556, %add3A_73 : vector<16xi32>
        %mul3A_1558 = vector.broadcast %squeeze3A_1533 : f32 to vector<16xf32>
        %mul3A_1559 = arith.mulf %mul3A_1558, %mul3A_30 : vector<16xf32>
        %mul3A_1560 = vector.broadcast %squeeze3A_1535 : f32 to vector<16xf32>
        %mul3A_1561 = arith.mulf %mul3A_1560, %mul3A_35 : vector<16xf32>
        %mul3A_1562 = vector.broadcast %squeeze3A_1537 : f32 to vector<16xf32>
        %mul3A_1563 = arith.mulf %mul3A_1562, %mul3A_40 : vector<16xf32>
        %add3A_1564 = arith.addf %mul3A_1563, %broadcast_in_dim3A_11 : vector<16xf32>
        %add3A_1565 = arith.addf %mul3A_1561, %add3A_1564 : vector<16xf32>
        %add3A_1566 = arith.addf %mul3A_1559, %add3A_1565 : vector<16xf32>
        %max3A_1567 = arith.constant 0.000000e+00 : f32
        %max3A_1568 = vector.broadcast %max3A_1567 : f32 to vector<16xf32>
        %max3A_1569 = arith.maximumf %add3A_1566, %max3A_1568 : vector<16xf32>
        %min3A_1570 = arith.constant 1.270000e+02 : f32
        %min3A_1571 = vector.broadcast %min3A_1570 : f32 to vector<16xf32>
        %min3A_1572 = arith.minimumf %max3A_1569, %min3A_1571 : vector<16xf32>
        %convert_element_type3A_1573 = arith.fptosi %min3A_1572 : vector<16xf32> to vector<16xi32>
        %mul3A_1574 = arith.constant 64 : i32
        %mul3A_1575 = vector.broadcast %mul3A_1574 : i32 to vector<16xi32>
        %mul3A_1576 = arith.muli %convert_element_type3A_1573, %mul3A_1575 : vector<16xi32>
        %add3A_1577 = arith.addi %mul3A_1576, %add3A_76 : vector<16xi32>
        %mul3A_1578 = vector.broadcast %squeeze3A_1533 : f32 to vector<16xf32>
        %mul3A_1579 = arith.mulf %mul3A_1578, %mul3A_45 : vector<16xf32>
        %mul3A_1580 = vector.broadcast %squeeze3A_1535 : f32 to vector<16xf32>
        %mul3A_1581 = arith.mulf %mul3A_1580, %mul3A_50 : vector<16xf32>
        %mul3A_1582 = vector.broadcast %squeeze3A_1537 : f32 to vector<16xf32>
        %mul3A_1583 = arith.mulf %mul3A_1582, %mul3A_55 : vector<16xf32>
        %add3A_1584 = arith.addf %mul3A_1583, %broadcast_in_dim3A_11 : vector<16xf32>
        %add3A_1585 = arith.addf %mul3A_1581, %add3A_1584 : vector<16xf32>
        %add3A_1586 = arith.addf %mul3A_1579, %add3A_1585 : vector<16xf32>
        %max3A_1587 = arith.constant 0.000000e+00 : f32
        %max3A_1588 = vector.broadcast %max3A_1587 : f32 to vector<16xf32>
        %max3A_1589 = arith.maximumf %add3A_1586, %max3A_1588 : vector<16xf32>
        %min3A_1590 = arith.constant 1.270000e+02 : f32
        %min3A_1591 = vector.broadcast %min3A_1590 : f32 to vector<16xf32>
        %min3A_1592 = arith.minimumf %max3A_1589, %min3A_1591 : vector<16xf32>
        %convert_element_type3A_1593 = arith.fptosi %min3A_1592 : vector<16xf32> to vector<16xi32>
        %mul3A_1594 = arith.constant 64 : i32
        %mul3A_1595 = vector.broadcast %mul3A_1594 : i32 to vector<16xi32>
        %mul3A_1596 = arith.muli %convert_element_type3A_1593, %mul3A_1595 : vector<16xi32>
        %add3A_1597 = arith.addi %mul3A_1596, %add3A_79 : vector<16xi32>
        %mul3A_1598 = vector.broadcast %squeeze3A_1533 : f32 to vector<16xf32>
        %mul3A_1599 = arith.mulf %mul3A_1598, %mul3A_60 : vector<16xf32>
        %mul3A_1600 = vector.broadcast %squeeze3A_1535 : f32 to vector<16xf32>
        %mul3A_1601 = arith.mulf %mul3A_1600, %mul3A_65 : vector<16xf32>
        %mul3A_1602 = vector.broadcast %squeeze3A_1537 : f32 to vector<16xf32>
        %mul3A_1603 = arith.mulf %mul3A_1602, %mul3A_70 : vector<16xf32>
        %add3A_1604 = arith.addf %mul3A_1603, %broadcast_in_dim3A_11 : vector<16xf32>
        %add3A_1605 = arith.addf %mul3A_1601, %add3A_1604 : vector<16xf32>
        %add3A_1606 = arith.addf %mul3A_1599, %add3A_1605 : vector<16xf32>
        %max3A_1607 = arith.constant 0.000000e+00 : f32
        %max3A_1608 = vector.broadcast %max3A_1607 : f32 to vector<16xf32>
        %max3A_1609 = arith.maximumf %add3A_1606, %max3A_1608 : vector<16xf32>
        %min3A_1610 = arith.constant 1.270000e+02 : f32
        %min3A_1611 = vector.broadcast %min3A_1610 : f32 to vector<16xf32>
        %min3A_1612 = arith.minimumf %max3A_1609, %min3A_1611 : vector<16xf32>
        %convert_element_type3A_1613 = arith.fptosi %min3A_1612 : vector<16xf32> to vector<16xi32>
        %mul3A_1614 = arith.constant 64 : i32
        %mul3A_1615 = vector.broadcast %mul3A_1614 : i32 to vector<16xi32>
        %mul3A_1616 = arith.muli %convert_element_type3A_1613, %mul3A_1615 : vector<16xi32>
        %add3A_1617 = arith.addi %mul3A_1616, %add3A_82 : vector<16xi32>
        tpu.vector_store_idx %arg14[%add3A_1557], %broadcast_in_dim3A_5 {add = true} : memref<8192xf32, #tpu.memory_space<vmem>>[vector<16xi32>], vector<16xf32>,
        tpu.vector_store_idx %arg14[%add3A_1577], %broadcast_in_dim3A_5 {add = true} : memref<8192xf32, #tpu.memory_space<vmem>>[vector<16xi32>], vector<16xf32>,
        tpu.vector_store_idx %arg14[%add3A_1597], %broadcast_in_dim3A_5 {add = true} : memref<8192xf32, #tpu.memory_space<vmem>>[vector<16xi32>], vector<16xf32>,
        tpu.vector_store_idx %arg14[%add3A_1617], %broadcast_in_dim3A_5 {add = true} : memref<8192xf32, #tpu.memory_space<vmem>>[vector<16xi32>], vector<16xf32>,
        scf.yield %cond3A_1531#0, %cond3A_1531#1 : i32, i32
      }
      scf.yield %cond3A_126#0, %cond3A_126#1 : i32, i32
    }
    %scan3A_103 = arith.constant 1024 : i32
    "tpu.region"() ({
      %run_scoped3A = tpu.sem_alloc : memref<!tpu.dma_semaphore, #tpu.memory_space<semaphore_mem>>
      %dma_start3A = arith.constant 0 : i32
      %dma_start3A_112 = tpu.memref_slice %arg7[%add3A, %scan3A_102#1, %dma_start3A] : memref<32x64x8192xf32, #tpu.memory_space<hbm>> -> memref<1x1x8192xf32, #tpu.memory_space<hbm>>
      %dma_start3A_113 = tpu.memref_squeeze %dma_start3A_112 : memref<1x1x8192xf32, #tpu.memory_space<hbm>> -> memref<8192xf32, #tpu.memory_space<hbm>>
      %dma_start3A_114 = arith.constant 0 : i32
      %dma_start3A_115 = tpu.memref_slice %arg7[%add3A, %scan3A_102#1, %dma_start3A_114] : memref<32x64x8192xf32, #tpu.memory_space<hbm>> -> memref<1x1x8192xf32, #tpu.memory_space<hbm>>
      %dma_start3A_116 = tpu.memref_squeeze %dma_start3A_115 : memref<1x1x8192xf32, #tpu.memory_space<hbm>> -> memref<8192xf32, #tpu.memory_space<hbm>>
      tpu.enqueue_dma source(%arg14 : memref<8192xf32, #tpu.memory_space<vmem>>) target(%dma_start3A_116 : memref<8192xf32, #tpu.memory_space<hbm>>) target_semaphore(%run_scoped3A : memref<!tpu.dma_semaphore, #tpu.memory_space<semaphore_mem>>)
      %dma_wait3A = arith.constant 0 : i32
      %dma_wait3A_117 = tpu.memref_slice %arg7[%add3A, %scan3A_102#1, %dma_wait3A] : memref<32x64x8192xf32, #tpu.memory_space<hbm>> -> memref<1x1x8192xf32, #tpu.memory_space<hbm>>
      %dma_wait3A_118 = tpu.memref_squeeze %dma_wait3A_117 : memref<1x1x8192xf32, #tpu.memory_space<hbm>> -> memref<8192xf32, #tpu.memory_space<hbm>>
      %dma_wait3A_119 = arith.constant 0 : i32
      %dma_wait3A_120 = tpu.memref_slice %arg7[%add3A, %scan3A_102#1, %dma_wait3A_119] : memref<32x64x8192xf32, #tpu.memory_space<hbm>> -> memref<1x1x8192xf32, #tpu.memory_space<hbm>>
      %dma_wait3A_121 = tpu.memref_squeeze %dma_wait3A_120 : memref<1x1x8192xf32, #tpu.memory_space<hbm>> -> memref<8192xf32, #tpu.memory_space<hbm>>
      tpu.wait_dma2 semaphore(%run_scoped3A : memref<!tpu.dma_semaphore, #tpu.memory_space<semaphore_mem>>) src(%arg14 : memref<8192xf32, #tpu.memory_space<vmem>>) dst(%dma_wait3A_121 : memref<8192xf32, #tpu.memory_space<hbm>>)
      tpu.yield
    }) : () -> ()
    %broadcast_in_dim3A_104 = vector.broadcast %scan3A_102#1 : i32 to vector<16xi32>
    %broadcast_in_dim3A_105 = vector.broadcast %scan3A_102#0 : i32 to vector<16xi32>
    tpu.vector_store_idx %arg15[%broadcast_in_dim3A_104], %broadcast_in_dim3A_105 masked %eq3A_9 : memref<64xi32, #tpu.memory_space<vmem>>[vector<16xi32>], vector<16xi32>, vector<16xi1>
    %scan3A_106 = arith.constant 0 : i32
    %scan3A_107 = arith.constant 0 : i32
    %scan3A_108 = arith.constant 512 : i32
    %scan3A_109 = arith.addi %scan3A_107, %scan3A_108 : i32
    %scan3A_110 = arith.constant 8 : i32
    scf.for %scan3A_112 = %scan3A_107 to %scan3A_109 step %scan3A_110  : i32 {
      %mul3A_113 = arith.constant 16 : i32
      %mul3A_114 = arith.muli %scan3A_112, %mul3A_113 : i32
      %swap3A_115 = arith.index_cast %mul3A_114 : i32 to index
      %swap3A_116 = tpu.vector_load %arg14[%swap3A_115] {strides = array<i32>} : memref<8192xf32, #tpu.memory_space<vmem>>, vector<16xf32>,
      tpu.vector_store %arg14[%swap3A_115], %broadcast_in_dim3A_3 {strides = array<i32>} : memref<8192xf32, #tpu.memory_space<vmem>>, vector<16xf32>,
      %scan3A_117 = arith.constant 1 : i32
      %scan3A_118 = arith.addi %scan3A_112, %scan3A_117 : i32
      %mul3A_119 = arith.constant 16 : i32
      %mul3A_120 = arith.muli %scan3A_118, %mul3A_119 : i32
      %swap3A_121 = arith.index_cast %mul3A_120 : i32 to index
      %swap3A_122 = tpu.vector_load %arg14[%swap3A_121] {strides = array<i32>} : memref<8192xf32, #tpu.memory_space<vmem>>, vector<16xf32>,
      tpu.vector_store %arg14[%swap3A_121], %broadcast_in_dim3A_3 {strides = array<i32>} : memref<8192xf32, #tpu.memory_space<vmem>>, vector<16xf32>,
      %scan3A_123 = arith.constant 2 : i32
      %scan3A_124 = arith.addi %scan3A_112, %scan3A_123 : i32
      %mul3A_125 = arith.constant 16 : i32
      %mul3A_126 = arith.muli %scan3A_124, %mul3A_125 : i32
      %swap3A_127 = arith.index_cast %mul3A_126 : i32 to index
      %swap3A_128 = tpu.vector_load %arg14[%swap3A_127] {strides = array<i32>} : memref<8192xf32, #tpu.memory_space<vmem>>, vector<16xf32>,
      tpu.vector_store %arg14[%swap3A_127], %broadcast_in_dim3A_3 {strides = array<i32>} : memref<8192xf32, #tpu.memory_space<vmem>>, vector<16xf32>,
      %scan3A_129 = arith.constant 3 : i32
      %scan3A_130 = arith.addi %scan3A_112, %scan3A_129 : i32
      %mul3A_131 = arith.constant 16 : i32
      %mul3A_132 = arith.muli %scan3A_130, %mul3A_131 : i32
      %swap3A_133 = arith.index_cast %mul3A_132 : i32 to index
      %swap3A_134 = tpu.vector_load %arg14[%swap3A_133] {strides = array<i32>} : memref<8192xf32, #tpu.memory_space<vmem>>, vector<16xf32>,
      tpu.vector_store %arg14[%swap3A_133], %broadcast_in_dim3A_3 {strides = array<i32>} : memref<8192xf32, #tpu.memory_space<vmem>>, vector<16xf32>,
      %scan3A_135 = arith.constant 4 : i32
      %scan3A_136 = arith.addi %scan3A_112, %scan3A_135 : i32
      %mul3A_137 = arith.constant 16 : i32
      %mul3A_138 = arith.muli %scan3A_136, %mul3A_137 : i32
      %swap3A_139 = arith.index_cast %mul3A_138 : i32 to index
      %swap3A_140 = tpu.vector_load %arg14[%swap3A_139] {strides = array<i32>} : memref<8192xf32, #tpu.memory_space<vmem>>, vector<16xf32>,
      tpu.vector_store %arg14[%swap3A_139], %broadcast_in_dim3A_3 {strides = array<i32>} : memref<8192xf32, #tpu.memory_space<vmem>>, vector<16xf32>,
      %scan3A_141 = arith.constant 5 : i32
      %scan3A_142 = arith.addi %scan3A_112, %scan3A_141 : i32
      %mul3A_143 = arith.constant 16 : i32
      %mul3A_144 = arith.muli %scan3A_142, %mul3A_143 : i32
      %swap3A_145 = arith.index_cast %mul3A_144 : i32 to index
      %swap3A_146 = tpu.vector_load %arg14[%swap3A_145] {strides = array<i32>} : memref<8192xf32, #tpu.memory_space<vmem>>, vector<16xf32>,
      tpu.vector_store %arg14[%swap3A_145], %broadcast_in_dim3A_3 {strides = array<i32>} : memref<8192xf32, #tpu.memory_space<vmem>>, vector<16xf32>,
      %scan3A_147 = arith.constant 6 : i32
      %scan3A_148 = arith.addi %scan3A_112, %scan3A_147 : i32
      %mul3A_149 = arith.constant 16 : i32
      %mul3A_150 = arith.muli %scan3A_148, %mul3A_149 : i32
      %swap3A_151 = arith.index_cast %mul3A_150 : i32 to index
      %swap3A_152 = tpu.vector_load %arg14[%swap3A_151] {strides = array<i32>} : memref<8192xf32, #tpu.memory_space<vmem>>, vector<16xf32>,
      tpu.vector_store %arg14[%swap3A_151], %broadcast_in_dim3A_3 {strides = array<i32>} : memref<8192xf32, #tpu.memory_space<vmem>>, vector<16xf32>,
      %scan3A_153 = arith.constant 7 : i32
      %scan3A_154 = arith.addi %scan3A_112, %scan3A_153 : i32
      %mul3A_155 = arith.constant 16 : i32
      %mul3A_156 = arith.muli %scan3A_154, %mul3A_155 : i32
      %swap3A_157 = arith.index_cast %mul3A_156 : i32 to index
      %swap3A_158 = tpu.vector_load %arg14[%swap3A_157] {strides = array<i32>} : memref<8192xf32, #tpu.memory_space<vmem>>, vector<16xf32>,
      tpu.vector_store %arg14[%swap3A_157], %broadcast_in_dim3A_3 {strides = array<i32>} : memref<8192xf32, #tpu.memory_space<vmem>>, vector<16xf32>,
    }
    %scan3A_111 = arith.constant 512 : i32
    "tpu.region"() ({
      %run_scoped3A = tpu.sem_alloc : memref<!tpu.dma_semaphore, #tpu.memory_space<semaphore_mem>>
      %dma_start3A = arith.constant 0 : i32
      %dma_start3A_112 = tpu.memref_slice %arg8[%add3A, %dma_start3A] : memref<32x64xi32, #tpu.memory_space<hbm>> -> memref<1x64xi32, #tpu.memory_space<hbm>>
      %dma_start3A_113 = tpu.memref_squeeze %dma_start3A_112 : memref<1x64xi32, #tpu.memory_space<hbm>> -> memref<64xi32, #tpu.memory_space<hbm>>
      %dma_start3A_114 = arith.constant 0 : i32
      %dma_start3A_115 = tpu.memref_slice %arg8[%add3A, %dma_start3A_114] : memref<32x64xi32, #tpu.memory_space<hbm>> -> memref<1x64xi32, #tpu.memory_space<hbm>>
      %dma_start3A_116 = tpu.memref_squeeze %dma_start3A_115 : memref<1x64xi32, #tpu.memory_space<hbm>> -> memref<64xi32, #tpu.memory_space<hbm>>
      tpu.enqueue_dma source(%arg15 : memref<64xi32, #tpu.memory_space<vmem>>) target(%dma_start3A_116 : memref<64xi32, #tpu.memory_space<hbm>>) target_semaphore(%run_scoped3A : memref<!tpu.dma_semaphore, #tpu.memory_space<semaphore_mem>>)
      %dma_wait3A = arith.constant 0 : i32
      %dma_wait3A_117 = tpu.memref_slice %arg8[%add3A, %dma_wait3A] : memref<32x64xi32, #tpu.memory_space<hbm>> -> memref<1x64xi32, #tpu.memory_space<hbm>>
      %dma_wait3A_118 = tpu.memref_squeeze %dma_wait3A_117 : memref<1x64xi32, #tpu.memory_space<hbm>> -> memref<64xi32, #tpu.memory_space<hbm>>
      %dma_wait3A_119 = arith.constant 0 : i32
      %dma_wait3A_120 = tpu.memref_slice %arg8[%add3A, %dma_wait3A_119] : memref<32x64xi32, #tpu.memory_space<hbm>> -> memref<1x64xi32, #tpu.memory_space<hbm>>
      %dma_wait3A_121 = tpu.memref_squeeze %dma_wait3A_120 : memref<1x64xi32, #tpu.memory_space<hbm>> -> memref<64xi32, #tpu.memory_space<hbm>>
      tpu.wait_dma2 semaphore(%run_scoped3A : memref<!tpu.dma_semaphore, #tpu.memory_space<semaphore_mem>>) src(%arg15 : memref<64xi32, #tpu.memory_space<vmem>>) dst(%dma_wait3A_121 : memref<64xi32, #tpu.memory_space<hbm>>)
      tpu.yield
    }) : () -> ()
    return
  }
}

module attributes {stable_mosaic.version = 14 : i64} {
  func.func @body(%arg0: i32, %arg1: memref<1x1x128xi32, #tpu.memory_space<vmem>>, %arg2: memref<128x128xi32, #tpu.memory_space<vmem>>, %arg3: memref<128x8192xf32, #tpu.memory_space<vmem>>, %arg4: memref<64x8192xf32, #tpu.memory_space<vmem>>, %arg5: memref<64x8192xf32, #tpu.memory_space<vmem>>) attributes {dimension_semantics = [#tpu.dimension_semantics<arbitrary>], iteration_bounds = array<i64: 16>, scalar_prefetch = 0 : i64, scratch_operands = 1 : i64, tpu.core_type = #tpu.core_type<tc>, window_params = [{transform_indices = @transform_0, window_bounds = array<i64: 1, 1, 128>}, {transform_indices = @transform_1, window_bounds = array<i64: 128, 128>}, {transform_indices = @transform_2, window_bounds = array<i64: 128, 8192>}, {pipeline_mode = #tpu.pipeline_mode<synchronous>, transform_indices = @transform_3, window_bounds = array<i64: 64, 8192>}]} {
    %get3A = arith.constant 0 : index
    %get3A_0 = arith.constant 0 : index
    %get3A_1 = arith.constant 0 : index
    %get3A_2 = vector.load %arg1[%get3A, %get3A_0, %get3A_1] : memref<1x1x128xi32, #tpu.memory_space<vmem>>, vector<1x1x128xi32>
    %get3A_3 = vector.shape_cast %get3A_2 : vector<1x1x128xi32> to vector<1x128xi32>
    %get3A_4 = arith.constant 0 : index
    %get3A_5 = arith.constant 0 : index
    %get3A_6 = vector.load %arg2[%get3A_4, %get3A_5] : memref<128x128xi32, #tpu.memory_space<vmem>>, vector<128x128xi32>
    %slice3A = vector.extract_strided_slice %get3A_6 {offsets = [0, 0], sizes = [128, 1], strides = [1, 1]} : vector<128x128xi32> to vector<128x1xi32>
    %ge3A = arith.constant 0 : i32
    %ge3A_7 = vector.broadcast %ge3A : i32 to vector<128x1xi32>
    %ge3A_8 = arith.cmpi sge, %slice3A, %ge3A_7 : vector<128x1xi32>
    %get3A_9 = arith.constant 0 : index
    %get3A_10 = arith.constant 0 : index
    %get3A_11 = vector.load %arg3[%get3A_9, %get3A_10] : memref<128x8192xf32, #tpu.memory_space<vmem>>, vector<128x8192xf32>
    %jit3A = arith.constant 0.000000e+00 : f32
    %broadcast_in_dim3A = vector.shape_cast %ge3A_8 : vector<128x1xi1> to vector<128x1xi1>
    %broadcast_in_dim3A_12 = vector.broadcast %broadcast_in_dim3A : vector<128x1xi1> to vector<128x8192xi1>
    %broadcast_in_dim3A_13 = vector.broadcast %jit3A : f32 to vector<128x8192xf32>
    %select_n3A = arith.select %broadcast_in_dim3A_12, %get3A_11, %broadcast_in_dim3A_13 : vector<128x8192xi1>, vector<128x8192xf32>
    %iota3A = tpu.iota {dimensions = array<i32: 0>} : vector<64x128xi32>
    %broadcast_in_dim3A_14 = vector.shape_cast %get3A_3 : vector<1x128xi32> to vector<1x128xi32>
    %broadcast_in_dim3A_15 = vector.broadcast %broadcast_in_dim3A_14 : vector<1x128xi32> to vector<64x128xi32>
    %eq3A = arith.cmpi eq, %broadcast_in_dim3A_15, %iota3A : vector<64x128xi32>
    %convert_element_type3A = arith.extui %eq3A : vector<64x128xi1> to vector<64x128xi32>
    %convert_element_type3A_16 = arith.sitofp %convert_element_type3A : vector<64x128xi32> to vector<64x128xf32>
    %dot_general3A = arith.constant dense<0.000000e+00> : vector<64x8192xf32>
    %dot_general3A_17 = tpu.matmul %convert_element_type3A_16, %select_n3A, %dot_general3A {dimension_numbers = #tpu.dot_dimension_numbers<[1], [0], [0], [1], [0, 0, 1, 1], [], []>, precision = #tpu.contract_precision<fp32>, transpose_lhs_hint = false} : vector<64x128xf32>, vector<128x8192xf32>, vector<64x8192xf32> -> vector<64x8192xf32>
    %eq3A_18 = arith.constant 0 : i32
    %eq3A_19 = arith.cmpi eq, %arg0, %eq3A_18 : i32
    %convert_element_type3A_20 = arith.extui %eq3A_19 : i1 to i32
    %cond3A = arith.constant 0 : i32
    %cond3A_21 = arith.cmpi ne, %convert_element_type3A_20, %cond3A : i32
    scf.if %cond3A_21 {
      %swap3A = arith.constant 0 : index
      %swap3A_31 = arith.constant 0 : index
      %swap3A_32 = vector.load %arg5[%swap3A, %swap3A_31] : memref<64x8192xf32, #tpu.memory_space<vmem>>, vector<64x8192xf32>
      tpu.vector_store %arg5[%swap3A, %swap3A_31], %dot_general3A_17 {strides = array<i32>} : memref<64x8192xf32, #tpu.memory_space<vmem>>, vector<64x8192xf32>,
    } else {
    }
    %gt3A = arith.constant 0 : i32
    %gt3A_22 = arith.cmpi sgt, %arg0, %gt3A : i32
    %convert_element_type3A_23 = arith.extui %gt3A_22 : i1 to i32
    %cond3A_24 = arith.constant 0 : i32
    %cond3A_25 = arith.cmpi ne, %convert_element_type3A_23, %cond3A_24 : i32
    scf.if %cond3A_25 {
      %get3A_31 = arith.constant 0 : index
      %get3A_32 = arith.constant 0 : index
      %get3A_33 = vector.load %arg5[%get3A_31, %get3A_32] : memref<64x8192xf32, #tpu.memory_space<vmem>>, vector<64x8192xf32>
      %add3A = arith.addf %get3A_33, %dot_general3A_17 : vector<64x8192xf32>
      %swap3A = arith.constant 0 : index
      %swap3A_34 = arith.constant 0 : index
      %swap3A_35 = vector.load %arg5[%swap3A, %swap3A_34] : memref<64x8192xf32, #tpu.memory_space<vmem>>, vector<64x8192xf32>
      tpu.vector_store %arg5[%swap3A, %swap3A_34], %add3A {strides = array<i32>} : memref<64x8192xf32, #tpu.memory_space<vmem>>, vector<64x8192xf32>,
    } else {
    }
    %eq3A_26 = arith.constant 15 : i32
    %eq3A_27 = arith.cmpi eq, %arg0, %eq3A_26 : i32
    %convert_element_type3A_28 = arith.extui %eq3A_27 : i1 to i32
    %cond3A_29 = arith.constant 0 : i32
    %cond3A_30 = arith.cmpi ne, %convert_element_type3A_28, %cond3A_29 : i32
    scf.if %cond3A_30 {
      %get3A_31 = arith.constant 0 : index
      %get3A_32 = arith.constant 0 : index
      %get3A_33 = vector.load %arg5[%get3A_31, %get3A_32] : memref<64x8192xf32, #tpu.memory_space<vmem>>, vector<64x8192xf32>
      %broadcast_in_dim3A_34 = arith.constant 0.000000e+00 : f32
      %broadcast_in_dim3A_35 = vector.broadcast %broadcast_in_dim3A_34 : f32 to vector<64x64xf32>
      %slice3A_36 = vector.extract_strided_slice %get3A_33 {offsets = [0, 0], sizes = [64, 8128], strides = [1, 1]} : vector<64x8192xf32> to vector<64x8128xf32>
      %concatenate3A = tpu.concatenate %broadcast_in_dim3A_35, %slice3A_36 in 1 : vector<64x64xf32>, vector<64x8128xf32> -> vector<64x8192xf32>
      %add3A = arith.addf %get3A_33, %concatenate3A : vector<64x8192xf32>
      %broadcast_in_dim3A_37 = arith.constant 0.000000e+00 : f32
      %broadcast_in_dim3A_38 = vector.broadcast %broadcast_in_dim3A_37 : f32 to vector<64x128xf32>
      %slice3A_39 = vector.extract_strided_slice %add3A {offsets = [0, 0], sizes = [64, 8064], strides = [1, 1]} : vector<64x8192xf32> to vector<64x8064xf32>
      %concatenate3A_40 = tpu.concatenate %broadcast_in_dim3A_38, %slice3A_39 in 1 : vector<64x128xf32>, vector<64x8064xf32> -> vector<64x8192xf32>
      %add3A_41 = arith.addf %add3A, %concatenate3A_40 : vector<64x8192xf32>
      %broadcast_in_dim3A_42 = arith.constant 0.000000e+00 : f32
      %broadcast_in_dim3A_43 = vector.broadcast %broadcast_in_dim3A_42 : f32 to vector<64x256xf32>
      %slice3A_44 = vector.extract_strided_slice %add3A_41 {offsets = [0, 0], sizes = [64, 7936], strides = [1, 1]} : vector<64x8192xf32> to vector<64x7936xf32>
      %concatenate3A_45 = tpu.concatenate %broadcast_in_dim3A_43, %slice3A_44 in 1 : vector<64x256xf32>, vector<64x7936xf32> -> vector<64x8192xf32>
      %add3A_46 = arith.addf %add3A_41, %concatenate3A_45 : vector<64x8192xf32>
      %broadcast_in_dim3A_47 = arith.constant 0.000000e+00 : f32
      %broadcast_in_dim3A_48 = vector.broadcast %broadcast_in_dim3A_47 : f32 to vector<64x512xf32>
      %slice3A_49 = vector.extract_strided_slice %add3A_46 {offsets = [0, 0], sizes = [64, 7680], strides = [1, 1]} : vector<64x8192xf32> to vector<64x7680xf32>
      %concatenate3A_50 = tpu.concatenate %broadcast_in_dim3A_48, %slice3A_49 in 1 : vector<64x512xf32>, vector<64x7680xf32> -> vector<64x8192xf32>
      %add3A_51 = arith.addf %add3A_46, %concatenate3A_50 : vector<64x8192xf32>
      %broadcast_in_dim3A_52 = arith.constant 0.000000e+00 : f32
      %broadcast_in_dim3A_53 = vector.broadcast %broadcast_in_dim3A_52 : f32 to vector<64x1024xf32>
      %slice3A_54 = vector.extract_strided_slice %add3A_51 {offsets = [0, 0], sizes = [64, 7168], strides = [1, 1]} : vector<64x8192xf32> to vector<64x7168xf32>
      %concatenate3A_55 = tpu.concatenate %broadcast_in_dim3A_53, %slice3A_54 in 1 : vector<64x1024xf32>, vector<64x7168xf32> -> vector<64x8192xf32>
      %add3A_56 = arith.addf %add3A_51, %concatenate3A_55 : vector<64x8192xf32>
      %broadcast_in_dim3A_57 = arith.constant 0.000000e+00 : f32
      %broadcast_in_dim3A_58 = vector.broadcast %broadcast_in_dim3A_57 : f32 to vector<64x2048xf32>
      %slice3A_59 = vector.extract_strided_slice %add3A_56 {offsets = [0, 0], sizes = [64, 6144], strides = [1, 1]} : vector<64x8192xf32> to vector<64x6144xf32>
      %concatenate3A_60 = tpu.concatenate %broadcast_in_dim3A_58, %slice3A_59 in 1 : vector<64x2048xf32>, vector<64x6144xf32> -> vector<64x8192xf32>
      %add3A_61 = arith.addf %add3A_56, %concatenate3A_60 : vector<64x8192xf32>
      %broadcast_in_dim3A_62 = arith.constant 0.000000e+00 : f32
      %broadcast_in_dim3A_63 = vector.broadcast %broadcast_in_dim3A_62 : f32 to vector<64x4096xf32>
      %slice3A_64 = vector.extract_strided_slice %add3A_61 {offsets = [0, 0], sizes = [64, 4096], strides = [1, 1]} : vector<64x8192xf32> to vector<64x4096xf32>
      %concatenate3A_65 = tpu.concatenate %broadcast_in_dim3A_63, %slice3A_64 in 1 : vector<64x4096xf32>, vector<64x4096xf32> -> vector<64x8192xf32>
      %add3A_66 = arith.addf %add3A_61, %concatenate3A_65 : vector<64x8192xf32>
      %swap3A = arith.constant 0 : index
      %swap3A_67 = arith.constant 0 : index
      %swap3A_68 = vector.load %arg4[%swap3A, %swap3A_67] : memref<64x8192xf32, #tpu.memory_space<vmem>>, vector<64x8192xf32>
      tpu.vector_store %arg4[%swap3A, %swap3A_67], %add3A_66 {strides = array<i32>} : memref<64x8192xf32, #tpu.memory_space<vmem>>, vector<64x8192xf32>,
    } else {
    }
    return
  }
  func.func @transform_0(%arg0: i32) -> (i32, i32, i32) {
    %c0_i32 = arith.constant 0 : i32
    %c0_i32_0 = arith.constant 0 : i32
    %c0_i32_1 = arith.constant 0 : i32
    return %arg0, %c0_i32, %c0_i32_0 : i32, i32, i32
  }
  func.func @transform_1(%arg0: i32) -> (i32, i32) {
    %c0_i32 = arith.constant 0 : i32
    %c0_i32_0 = arith.constant 0 : i32
    return %arg0, %c0_i32 : i32, i32
  }
  func.func @transform_2(%arg0: i32) -> (i32, i32) {
    %c0_i32 = arith.constant 0 : i32
    %c0_i32_0 = arith.constant 0 : i32
    return %arg0, %c0_i32 : i32, i32
  }
  func.func @transform_3(%arg0: i32) -> (i32, i32) {
    %c0_i32 = arith.constant 0 : i32
    %c0_i32_0 = arith.constant 0 : i32
    %c0_i32_1 = arith.constant 0 : i32
    return %c0_i32, %c0_i32_0 : i32, i32
  }
}

</mosaic_0001>

<sc_bundles>
// kernel: kernel.4.cloned.1.call-start
scs
__scs_entry_jumppad:
0x0: {  	(pc) =	sbr.rel $0x88, $3  }
0x1: {  	(tag) =	ssettag $0x0;
	lr =	simm.s32 $0x1  }
0x2: {  	[smem:$0x3F9E] =	sst lr;
	_ =	strace $0xD0000000  }
0x3: {  	_ = 	snop  }
0x4: {  	_ = 	snop  }
0x5: {  	_ = 	snop  }
0x6: {  	_ = 	snop  }
0x7: {  	_ = 	snop  }
__scs_overlays_trampoline_lowered:
0x8: {  	[smem:$0x3FAD] =	sst s0  }
0x9: {  	[smem:$0x3FAE] =	sst s1  }
0xa: {  	[smem:$0x3FAF] =	sst s2  }
0xb: {  	[smem:$0x3FB0] =	sst s3  }
0xc: {  	[smem:$0x3FB1] =	sst s4  }
0xd: {  	[smem:$0x3FB2] =	sst s5  }
0xe: {  	[smem:$0x3FB3] =	sst s6  }
0xf: {  	[smem:$0x3FB4] =	sst s7  }
0x10: {  	[smem:$0x3FB5] =	sst s8  }
0x11: {  	[smem:$0x3FB6] =	sst s9;
	s0 =	simm.s32 @!p0 $0x0  }
0x12: {  	s1 =	sld [smem:$0x3F9C];
	s0 =	simm.s32 @p0 $0x1  }
0x13: {  	[smem:$0x3FB7] =	sst s0;
	s0 =	simm.s32 @!p1 $0x0  }
0x14: {  	s2 =	sld [smem:$0x3F9B];
	s0 =	simm.s32 @p1 $0x1  }
0x15: {  	[smem:$0x3FB8] =	sst s0;
	s0 =	simm.s32 @!p2 $0x0  }
0x16: {  	s3 =	sld [smem:$0x3FDB];
	s0 =	simm.s32 @p2 $0x1  }
0x17: {  	s4 =	simm.s32 $0x1BF5;
	[smem:$0x3FBA] =	sst s0  }
0x18: {  	s0 =	sld [smem:$0x3F9D];
	_ =	swait.ge [sflag:s4], $0x0  }
0x19: {  	s7 =	sld [smem:$0x3F9E]  }
0x1a: {  	s8 =	sadd.s32 $0xFFFFE003, lr  }
0x1b: {  	s9 =	sadd.s32 $0xFFFFFEF7, lr;
	s5 =	simm.s32 $0xFFFFFFFF;
	p2 =	slt.u32 s8, $0xFFFFF086  }
0x1c: {  	p1 =	slt.u32 s9, $0xF7A;
	s5 =	simm.s32 @!p2 $0x0  }
0x1d: {  	s5 =	simm.s32 @p1 $0x1;
	p0 =	seq.s32 s7, s2  }
0x1e: {  	s7 =	smul.u32 @!p0 $0xF7A, s2;
	p2 =	seq.s32 @!p0 s5, $0x0  }
0x1f: {  	s9 =	smul.u32 $0xF7A, s1;
	s8 =	simm.s32 @!p0 $0x1BF5;
	p2 =	por !p2, p0  }
0x20: {  	[sflag:s8] =	ssyncset.s32 @!p0 $0xFFFFF086;
	s6 =	sadd.s32 @!p0 s3, s7;
	s7 =	simm.s32 @!p0 $0x108  }
0x21: {  	s3 =	sadd.s32 s3, s9;
	s6 =	sadd.s32 @!p0 $0x88, s6;
	s7 =	simm.s32 @p2 $0x1082  }
0x22: {  	[simem:s7], [sflag:s8] =	dma.local @!p0 [hbm:s6], $0xF7A  }
0x23: {  	s9 =	sor.u32 $0xD0000000, s2;
	s6 =	simm.s32 $0x108;
	_ =	swait.ge @!p0 [sflag:s8], $0x0  }
0x24: {  	s3 =	sadd.s32 $0x88, s3;
	s6 =	simm.s32 @!p1 $0x1082;
	[sflag:s4] =	ssyncset.s32 $0xFFFFF086  }
0x25: {  	[simem:s6], [sflag:s4] =	dma.local [hbm:s3], $0xF7A  }
0x26: {  	[smem:$0x3F9E] =	sst s1;
	(tag) =	ssettag s2;
	_ =	strace s9  }
0x27: {  	s1 =	sld [smem:$0x3FAE]  }
0x28: {  	s2 =	sld [smem:$0x3FAF]  }
0x29: {  	s4 =	sld [smem:$0x3FB1]  }
0x2a: {  	p0 =	seq.s32 s5, $0x0;
	s5 =	sld [smem:$0x3FB2]  }
0x2b: {  	s6 =	sld [smem:$0x3FB3]  }
0x2c: {  	s7 =	sld [smem:$0x3FB4]  }
0x2d: {  	s3 =	simm.s32 $0x108;
	s8 =	sld [smem:$0x3FB5]  }
0x2e: {  	s3 =	simm.s32 @!p0 $0x1082;
	s9 =	sld [smem:$0x3FB6]  }
0x2f: {  	lr =	sadd.s32 s0, s3;
	s0 =	sld [smem:$0x3FAD]  }
0x30: {  	s3 =	sld [smem:$0x3FB0]  }
0x31: {  	[smem:$0x3FB9] =	sst s10  }
0x32: {  	s10 =	sld [smem:$0x3FB7];
	_ =	sdelay $0x3  }
0x33: {  	p0 =	seq.s32 s10, $0x1;
	s10 =	sld [smem:$0x3FB9];
	_ =	sdelay $0x3  }
0x34: {  	[smem:$0x3FB9] =	sst s10  }
0x35: {  	s10 =	sld [smem:$0x3FB8];
	_ =	sdelay $0x3  }
0x36: {  	p1 =	seq.s32 s10, $0x1;
	s10 =	sld [smem:$0x3FB9];
	_ =	sdelay $0x3  }
0x37: {  	[smem:$0x3FB9] =	sst s10  }
0x38: {  	s10 =	sld [smem:$0x3FBA]  }
0x39: {  	_ = 	snop;
	(pc) =	sbr.ind lr, $3  }
0x3a: {  	_ = 	snop  }
0x3b: {  	_ = 	snop  }
0x3c: {  	p2 =	seq.s32 s10, $0x1;
	s10 =	sld [smem:$0x3FB9]  }
0x3d: {  	_ =	shalt  }
0x3e: {  	_ =	shalt  }
0x3f: {  	_ =	shalt  }
0x40: {  	_ =	shalt  }
0x41: {  	_ =	shalt  }
0x42: {  	_ =	shalt  }
0x43: {  	_ =	shalt  }
0x44: {  	_ =	shalt  }
0x45: {  	_ =	shalt  }
0x46: {  	_ =	shalt  }
0x47: {  	_ =	shalt  }
0x48: {  	_ =	shalt  }
0x49: {  	_ =	shalt  }
0x4a: {  	_ =	shalt  }
0x4b: {  	_ =	shalt  }
0x4c: {  	_ =	shalt  }
0x4d: {  	_ =	shalt  }
0x4e: {  	_ =	shalt  }
0x4f: {  	_ =	shalt  }
0x50: {  	_ =	shalt  }
0x51: {  	_ =	shalt  }
0x52: {  	_ =	shalt  }
0x53: {  	_ =	shalt  }
0x54: {  	_ =	shalt  }
0x55: {  	_ =	shalt  }
0x56: {  	_ =	shalt  }
0x57: {  	_ =	shalt  }
0x58: {  	_ =	shalt  }
0x59: {  	_ =	shalt  }
0x5a: {  	_ =	shalt  }
0x5b: {  	_ =	shalt  }
0x5c: {  	_ =	shalt  }
0x5d: {  	_ =	shalt  }
0x5e: {  	_ =	shalt  }
0x5f: {  	_ =	shalt  }
0x60: {  	_ =	shalt  }
0x61: {  	_ =	shalt  }
0x62: {  	_ =	shalt  }
0x63: {  	_ =	shalt  }
0x64: {  	_ =	shalt  }
0x65: {  	_ =	shalt  }
0x66: {  	_ =	shalt  }
0x67: {  	_ =	shalt  }
0x68: {  	_ =	shalt  }
0x69: {  	_ =	shalt  }
0x6a: {  	_ =	shalt  }
0x6b: {  	_ =	shalt  }
0x6c: {  	_ =	shalt  }
0x6d: {  	_ =	shalt  }
0x6e: {  	_ =	shalt  }
0x6f: {  	_ =	shalt  }
0x70: {  	_ =	shalt  }
0x71: {  	_ =	shalt  }
0x72: {  	_ =	shalt  }
0x73: {  	_ =	shalt  }
0x74: {  	_ =	shalt  }
0x75: {  	_ =	shalt  }
0x76: {  	_ =	shalt  }
0x77: {  	_ =	shalt  }
0x78: {  	_ =	shalt  }
0x79: {  	_ =	shalt  }
0x7a: {  	_ =	shalt  }
0x7b: {  	_ =	shalt  }
0x7c: {  	_ =	shalt  }
0x7d: {  	_ =	shalt  }
0x7e: {  	_ =	shalt  }
0x7f: {  	_ =	shalt  }
0x80: {  	_ =	shalt  }
0x81: {  	_ =	shalt  }
0x82: {  	_ =	shalt  }
0x83: {  	_ =	shalt  }
0x84: {  	_ =	shalt  }
0x85: {  	_ =	shalt  }
0x86: {  	_ =	shalt  }
0x87: {  	_ =	shalt  }
.Lfunc_end0:
.L_simem_size_0:
called_computation_lowered:
.L_overlay_start_0:
0x88: {  	s2 =	sld [smem:$0x3FD9]  }
0x89: {  	s3 =	sld [smem:$0x3FFE];
	_ =	sdelay $0x1  }
0x8a: {  	s1 =	srdreg.scid  }
0x8b: {  	s0 =	sand.u32 $0x1, s1  }
0x8c: {  	s17 =	sshll.u32 s0, $0xA;
	s2 =	sadd.s32 s3, s2  }
0x8d: {  	s2 =	sadd.s32 s2, s17  }
0x8e: {  	[smem:$0x3FC5] =	sst s2  }
0x8f: {  	_ = 	snop  }
0x90: {  	s2 =	sld [smem:$0x3FC8]  }
0x91: {  	s18 =	sld [smem:$0x3FD0];
	(tm) =	ssettm $0x1  }
0x92: {  	s4 =	sld [smem:$0x3FFB];
	_ =	sdelay $0x3  }
0x93: {  	_ =	strace s4  }
0x94: {  	s4 =	sld [smem:$0x3FFC];
	_ =	sdelay $0x3  }
0x95: {  	_ =	strace s4  }
0x96: {  	s4 =	sld [smem:$0x3FFD];
	_ =	sdelay $0x3  }
0x97: {  	_ =	strace s4  }
0x98: {  	_ =	strace $0x8FFFFFFF  }
0x99: {  	s19 =	sld [smem:$0x3FDB];
	_ =	sdelay $0x1  }
0x9a: {  	s5 =	simm.s32 $_scs_section_size  }
0x9b: {  	s6 =	simm.s32 $_size__tile_overlayer_lowered;
	s7 =	simm.s32 $_tile_overlayer_lowered  }
0x9c: {  	s22 =	simm.s32 $0x1BFF;
	s21 =	sshll.u32 s7, $0x1;
	s4 =	sadd.s32 s5, s19  }
0x9d: {  	s8 =	simm.s32 $0x0;
	s20 =	sshll.u32 s6, $0x1;
	s6 =	sadd.s32 s21, s4  }
0x9e: {  	[timem:s8], [sflag:s22] =	dma.local [hbm:s6], s20  }
0x9f: {  	_ =	swait.ge [sflag:s22], s20  }
0xa0: {  	s5 =	ssub.s32 $0x0, s20;
	[sflag:s22] =	ssyncset.done $0x0  }
0xa1: {  	[sflag:s22] =	ssyncadd.s32 s5;
	_ =	sdelay $0x1  }
0xa2: {  	s23 =	simm.s32 $0x1B8B  }
0xa3: {  	_ =	swait.ge [sflag:s23], $0x1  }
0xa4: {  	[sflag:s23] =	ssyncset.done $0x0  }
0xa5: {  	s25 =	simm.s32 $0x1B8E;
	s24 =	sld [smem:$0x3FFE];
	[sflag:s23] =	ssyncadd.s32 $0xFFFFFFFF  }
0xa6: {  	s26 =	simm.s32 $execute0_lowered;
	[smem:$0x3FD2] =	sst s25  }
0xa7: {  	s6 =	sshll.u32 s26, $0x1;
	_ =	strace $0x80000046;
	[dreg:$0x1] =	wrdreg $0xFFFFFFFF  }
0xa8: {  	s28 =	simm.s32 $_size_execute0_lowered;
	s4 =	sadd.s32 s4, s6;
	[dreg:$0x0] =	wrdreg $0x0  }
0xa9: {  	s6 =	sshll.u32 s28, $0x1;
	[dreg:$0x2] =	wrdreg s4  }
0xaa: {  	[dreg:$0x3] =	wrdreg s6  }
0xab: {  	[dreg:$0x4] =	wrdreg $0xC0  }
0xac: {  	_ =	task [dreg:s8], $0x5FFFF  }
0xad: {  	[dreg:$0x1] =	wrdreg $0xFFFFFFFF  }
0xae: {  	[dreg:$0x0] =	wrdreg $0x60  }
0xaf: {  	[dreg:$0x2] =	wrdreg s24  }
0xb0: {  	[dreg:$0x3] =	wrdreg s18  }
0xb1: {  	[dreg:$0x4] =	wrdreg s2  }
0xb2: {  	[dreg:$0x5] =	wrdreg $0x9  }
0xb3: {  	_ =	task.clear_ibuf [dreg:s8], $0x6FFFF;
	_ =	strace $0x90000046  }
0xb4: {  	s29 =	simm.s32 $0x9;
	_ =	strace $0x80000048  }
0xb5: {  	_ =	swait.ge [sflag:s29], $0x1  }
0xb6: {  	[sflag:s29] =	ssyncadd.s32 $0xFFFFFFFF  }
0xb7: {  	_ =	strace $0x90000048  }
0xb8: {  	_ =	sfence  }
0xb9: {  	s30 =	sld [smem:$0x0];
	_ =	sdelay $0x2  }
0xba: {  	s31 =	sshll.u32 s1, $0xD;
	s1 =	sshrl.u32 s1, $0x2  }
0xbb: {  	s3 =	sand.u32 $0x4000, s31;
	s1 =	sadd.s32 s1, s30  }
0xbc: {  	s0 =	sor.u32 s3, s0;
	s1 =	sshll.u32 s1, $0x11  }
0xbd: {  	s0 =	sor.u32 s1, s0  }
0xbe: {  	s0 =	sadd.s32 $0x8F2B, s0  }
0xbf: {  	[sflag:s0] =	ssyncadd.remote.s32 $0x1  }
0xc0: {  	_ =	sfence.sel $0xFFFF  }
0xc1: {  	[dreg:$0x0] =	wrdreg $0xFFFFFFFF;
	(pc) =	sbr.abs _section_cstart, $3  }
0xc2: {  	[dreg:$0x1] =	wrdreg $0xFFFFFFFF  }
0xc3: {  	_ =	task.clear_ibuf [dreg:s8], $0x2FFFF;
	_ =	strace $0x9FFFFFFF  }
0xc4: {  	(tm) =	ssettm $0x7FFFFFFF  }
0xc5: {  	_ =	shalt  }
tec
execute0_lowered:
.L_overlay_start_1:
0x0: {  	(tag) =	ssettag $0x1  }
0x1: {  	s5 =	rddreg [dreg:$0x0]  }
0x2: {  	s7 =	rddreg [dreg:$0x1];
	s1 =	srdreg.scid  }
0x3: {  	s0 =	stileid.u32;
	s8 =	rddreg [dreg:$0x2]  }
0x4: {  	s2 =	simm.s32 $0x0;
	s13 =	simm.s32 $0x4000;
	s14 =	simm.s32 $0x8000  }
0x5: {  	s15 =	simm.s32 $0xC000;
	s16 =	simm.s32 $0x10000;
	s17 =	simm.s32 $0x10100  }
0x6: {  	s18 =	simm.s32 $0x80;
	s19 =	simm.s32 $0x400;
	s20 =	simm.s32 $0x12100  }
0x7: {  	s4 =	sand.u32 $0x1, s1;
	s3 =	sshll.u32 s0, $0x1;
	s1 =	rddreg [dreg:$0x3]  }
0x8: {  	s21 =	simm.s32 $0x0;
	[smem:$0x7FF] =	sst s2;
	s9 =	sor.u32 s4, s3  }
0x9: {  	_ =	strace $0x80000047;
	s3 =	sadd.s32 $0xA00, s5;
	s12 =	ssub.s32 $0x2, s4  }
0xa: {  	s4 =	sadd.s32 $0x20E00, s5;
	s10 =	sshll.u32 s9, $0xB;
	s11 =	sshll.u32 s9, $0x4  }
0xb: {  	s31 =	sshrl.u32 s12, $0x1;
	s9 =	sshll.u32 s9, $0x13;
	s6 =	sadd.s32 s10, s5  }
0xc: {  	s11 =	sadd.s32 s11, s5;
	s12 =	ssub.s32 s12, s31;
	s7 =	sadd.s32 s7, s10  }
0xd: {  	v49 =	vlaneseq.u32;
	v2 =	vimm.f32 $0.0e+00;
	v5 =	vimm.f32 $1.000000000e+00;
	s8 =	sadd.s32 s8, s10;
	s5 =	sadd.s32 $0x10C00, s6;
	s6 =	sadd.s32 $0xC00, s6  }
0xe: {  	v3 =	vor.u32 $0x10, v49;
	v4 =	vor.u32 $0x20, v49;
	v6 =	vor.u32 $0x30, v49;
	s10 =	sadd.s32 $0x20C00, s11;
	s11 =	smax.u32 s12, $0x1;
	s12 =	simm.s32 $0x1  }
.LBB2_1:
0xf: {  	[tilespmem:s2], [sflag:$0x1] =	stream.linear.gather [hbm4b:s5+s2], $0x4000, $0x38;
	[tilespmem:$0x12180] =	vst v63  }
0x10: {  	_ =	swait.ge [sflag:s12], $0x4000  }
0x11: {  	[sflag:s12] =	ssyncset.done $0x0  }
0x12: {  	[sflag:s12] =	ssyncadd.s32 $0xFFFFC000  }
0x13: {  	[tilespmem:s13], [sflag:$0x1] =	stream.linear.gather [hbm4b:s6+s2], $0x4000, $0x38;
	[tilespmem:$0x12180] =	vst v63  }
0x14: {  	_ =	swait.ge [sflag:s12], $0x4000  }
0x15: {  	[sflag:s12] =	ssyncset.done $0x0  }
0x16: {  	[sflag:s12] =	ssyncadd.s32 $0xFFFFC000  }
0x17: {  	[tilespmem:s14], [sflag:$0x1] =	stream.linear.gather [hbm4b:s7+s2], $0x4000, $0x38;
	[tilespmem:$0x12180] =	vst v63  }
0x18: {  	_ =	swait.ge [sflag:s12], $0x4000  }
0x19: {  	[sflag:s12] =	ssyncset.done $0x0  }
0x1a: {  	[sflag:s12] =	ssyncadd.s32 $0xFFFFC000  }
0x1b: {  	[tilespmem:s15], [sflag:$0x1] =	stream.linear.gather [hbm4b:s8+s2], $0x4000, $0x38;
	[tilespmem:$0x12180] =	vst v63  }
0x1c: {  	_ =	swait.ge [sflag:s12], $0x4000  }
0x1d: {  	[sflag:s12] =	ssyncset.done $0x0  }
0x1e: {  	[sflag:s12] =	ssyncadd.s32 $0xFFFFC000  }
0x1f: {  	[tilespmem:s16], [sflag:$0x1] =	stream.linear.gather [hbm4b:s3+s2], $0x100, $0x38;
	[tilespmem:$0x12180] =	vst v63  }
0x20: {  	_ =	swait.ge [sflag:s12], $0x100  }
0x21: {  	[sflag:s12] =	ssyncset.done $0x0  }
0x22: {  	[sflag:s12] =	ssyncadd.s32 $0xFFFFFF00  }
0x23: {  	v0 =	vld [tilespmem:$0x10000]  }
0x24: {  	v1 =	vld [tilespmem:$0x10040]  }
0x25: {  	v9 =	vld [tilespmem:$0x10080]  }
0x26: {  	v10 =	vld [tilespmem:$0x10010]  }
0x27: {  	v11 =	vld [tilespmem:$0x10050]  }
0x28: {  	v13 =	vld [tilespmem:$0x10090]  }
0x29: {  	v7 =	vimm.s32 $0xFFFFFFFF;
	v14 =	vld [tilespmem:$0x10020]  }
0x2a: {  	v15 =	vld [tilespmem:$0x10060];
	[tilespmem:$0x12100] =	vst v7  }
0x2b: {  	v16 =	vld [tilespmem:$0x100A0];
	[tilespmem:$0x12110] =	vst v7  }
0x2c: {  	v17 =	vld [tilespmem:$0x10030];
	[tilespmem:$0x12120] =	vst v7  }
0x2d: {  	s22 =	simm.s32 $0x10140;
	v18 =	vld [tilespmem:$0x10070];
	[tilespmem:$0x12130] =	vst v7  }
0x2e: {  	v19 =	vld [tilespmem:$0x100B0];
	[tilespmem:s22+$0xFFFFFFC0] =	vst v2  }
0x2f: {  	[tilespmem:s22+$0x30] =	vst v2  }
0x30: {  	[tilespmem:s22+$0x20] =	vst v2  }
0x31: {  	[tilespmem:s22+$0x10] =	vst v2  }
0x32: {  	[tilespmem:s22+$0x0] =	vst v2  }
0x33: {  	[tilespmem:s22+$0xFFFFFFF0] =	vst v2  }
0x34: {  	s23 =	simm.s32 $0x0;
	[tilespmem:s22+$0xFFFFFFE0] =	vst v2  }
.LBB2_2:
0x35: {  	s23 =	sadd.s32 $0x8, s23;
	[tilespmem:s22+$0xFFFFFFD0] =	vst v2;
	s22 =	sadd.s32 $0x80, s22  }
0x36: {  	[tilespmem:s22+$0xFFFFFFC0] =	vst v2;
	p0 =	slt.u32 s23, $0x1F8  }
0x37: {  	[tilespmem:s22+$0x30] =	vst v2  }
.Ltmp0:
0x38: {  	[tilespmem:s22+$0x20] =	vst v2;
	(pc) =	sbr.rel @p0 .LBB2_2-.Ltmp0, $4  }
0x39: {  	[tilespmem:s22+$0x10] =	vst v2  }
0x3a: {  	[tilespmem:s22+$0x0] =	vst v2  }
0x3b: {  	[tilespmem:s22+$0xFFFFFFF0] =	vst v2  }
0x3c: {  	[tilespmem:s22+$0xFFFFFFE0] =	vst v2  }
0x3d: {  	[tilespmem:s22+$0xFFFFFFD0] =	vst v2  }
0x3e: {  	v7 =	vld [tilespmem:$0xC000];
	_ =	sdelay $0x4  }
0x3f: {  	(v2sf) =	vpush v7, $0x0;
	_ =	sdelay $0x9  }
0x40: {  	v8 =	vmul.f32 $6.400000000e+01, v1;
	v9 =	vmul.f32 $6.400000000e+01, v9  }
.Ltmp1:
0x41: {  	v10 =	vmul.f32 $6.400000000e+01, v10;
	v12 =	vmul.f32 $6.400000000e+01, v11;
	(pc) =	sbr.rel .LBB2_4-.Ltmp1, $4  }
0x42: {  	v13 =	vmul.f32 $6.400000000e+01, v13;
	v14 =	vmul.f32 $6.400000000e+01, v14  }
0x43: {  	v15 =	vmul.f32 $6.400000000e+01, v15;
	v16 =	vmul.f32 $6.400000000e+01, v16  }
0x44: {  	v17 =	vmul.f32 $6.400000000e+01, v17;
	v18 =	vmul.f32 $6.400000000e+01, v18  }
0x45: {  	v19 =	vmul.f32 $6.400000000e+01, v19;
	s22 =	simm.s32 $0x0;
	s24 =	simm.s32 $0x0;
	v7 =	vmul.f32 $6.400000000e+01, v0;
	s23 =	spop (v2sf)  }
.LBB2_5:
0x46: {  	v25 =	vmul.f32 v11, v9;
	_ =	sdelay $0x1  }
0x47: {  	v25 =	vadd.f32 $6.400000000e+01, v25;
	_ =	sdelay $0x1  }
0x48: {  	v26 =	vmul.f32 v11, v13;
	v24 =	vadd.f32 v25, v24  }
0x49: {  	v37 =	vmul.f32 v0, v10;
	v27 =	vmul.f32 v1, v12  }
0x4a: {  	v28 =	vmul.f32 v0, v14;
	v51 =	vadd.f32 v24, v23;
	v23 =	vmul.f32 v11, v16  }
0x4b: {  	v40 =	vbroadcast v22, $0x1;
	v11 =	vmul.f32 v11, v19  }
0x4c: {  	v39 =	vmul.f32 v1, v15;
	v41 =	vbroadcast v21, $0x1;
	v23 =	vadd.f32 $6.400000000e+01, v23  }
0x4d: {  	v1 =	vmul.f32 v1, v18;
	v42 =	vmul.f32 v40, v9;
	v11 =	vadd.f32 $6.400000000e+01, v11  }
0x4e: {  	v0 =	vmul.f32 v0, v17;
	v43 =	vmul.f32 v41, v8;
	v23 =	vadd.f32 v23, v39  }
0x4f: {  	v25 =	vadd.f32 $6.400000000e+01, v42;
	v1 =	vadd.f32 v11, v1;
	v11 =	vbroadcast v20, $0x1  }
0x50: {  	v60 =	vadd.f32 v23, v28  }
0x51: {  	v59 =	vadd.f32 v1, v0;
	v1 =	vmul.f32 v11, v7;
	v23 =	vadd.f32 v25, v43  }
0x52: {  	v48 =	vbroadcast v22, $0x2;
	v0 =	vmul.f32 v40, v13  }
0x53: {  	v53 =	vadd.f32 v23, v1;
	v1 =	vmul.f32 v40, v16;
	v23 =	vmul.f32 v40, v19  }
0x54: {  	v45 =	vmul.f32 v41, v12;
	v47 =	vmul.f32 v41, v15;
	v0 =	vadd.f32 $6.400000000e+01, v0  }
0x55: {  	v24 =	vmul.f32 v41, v18;
	v1 =	vadd.f32 $6.400000000e+01, v1;
	v23 =	vadd.f32 $6.400000000e+01, v23  }
0x56: {  	v44 =	vmul.f32 v11, v10;
	v46 =	vmul.f32 v11, v14;
	v0 =	vadd.f32 v0, v45  }
0x57: {  	v11 =	vmul.f32 v11, v17;
	v1 =	vadd.f32 v1, v47;
	v23 =	vadd.f32 v23, v24  }
0x58: {  	v50 =	vmul.f32 v48, v9;
	v55 =	vadd.f32 v0, v44  }
0x59: {  	v0 =	vbroadcast v21, $0x2;
	v43 =	vadd.f32 v1, v46;
	v1 =	vadd.f32 v23, v11  }
0x5a: {  	v54 =	vbroadcast v20, $0x2;
	v35 =	vbroadcast v22, $0x3  }
0x5b: {  	v25 =	vadd.f32 $6.400000000e+01, v50;
	v61 =	vmul.f32 v0, v8;
	[tilespmem:$0x1FE50] =	vst v1;
	v1 =	vmul.f32 v48, v13  }
0x5c: {  	v30 =	vbroadcast v22, $0x7;
	v11 =	vmul.f32 v54, v7  }
0x5d: {  	v32 =	vmul.f32 v0, v12;
	v23 =	vadd.f32 v25, v61;
	v1 =	vadd.f32 $6.400000000e+01, v1  }
0x5e: {  	v26 =	vadd.f32 $6.400000000e+01, v26;
	v63 =	vmul.f32 v54, v10;
	v33 =	vmul.f32 v54, v14  }
0x5f: {  	v58 =	vadd.f32 v23, v11;
	v23 =	vmul.f32 v48, v19;
	v1 =	vadd.f32 v1, v32  }
0x60: {  	v38 =	vadd.f32 v26, v27;
	v34 =	vmul.f32 v0, v15;
	v11 =	vmul.f32 v48, v16  }
0x61: {  	v0 =	vmul.f32 v0, v18;
	v23 =	vadd.f32 $6.400000000e+01, v23;
	v1 =	vadd.f32 v1, v63  }
0x62: {  	v36 =	vmul.f32 v35, v9;
	v52 =	vadd.f32 v38, v37;
	v11 =	vadd.f32 $6.400000000e+01, v11  }
0x63: {  	v24 =	vmul.f32 v54, v17;
	v0 =	vadd.f32 v23, v0;
	[tilespmem:$0x1FE60] =	vst v1;
	v1 =	vbroadcast v21, $0x3  }
0x64: {  	v25 =	vadd.f32 $6.400000000e+01, v36;
	v11 =	vadd.f32 v11, v34;
	v23 =	vbroadcast v20, $0x3  }
0x65: {  	v47 =	vadd.f32 v0, v24;
	v0 =	vmul.f32 v35, v13;
	v37 =	vmul.f32 v1, v8  }
0x66: {  	v45 =	vbroadcast v22, $0x4;
	v50 =	vadd.f32 v11, v33;
	v11 =	vmul.f32 v23, v7  }
0x67: {  	v40 =	vmul.f32 v1, v12;
	v0 =	vadd.f32 $6.400000000e+01, v0;
	v38 =	vadd.f32 v25, v37  }
0x68: {  	v42 =	vmul.f32 v35, v19;
	v46 =	vmul.f32 v45, v9  }
0x69: {  	v39 =	vmul.f32 v23, v10;
	v0 =	vadd.f32 v0, v40;
	v11 =	vadd.f32 v38, v11  }
0x6a: {  	v24 =	vadd.f32 $6.400000000e+01, v42;
	v44 =	vmul.f32 v1, v15;
	v1 =	vmul.f32 v1, v18  }
0x6b: {  	v43 =	vmax.f32 v43, $0.0e+00;
	v0 =	vadd.f32 v0, v39;
	[tilespmem:$0x1FE70] =	vst v11;
	v11 =	vmul.f32 v35, v16  }
0x6c: {  	v41 =	vmul.f32 v23, v14;
	v23 =	vmul.f32 v23, v17;
	v1 =	vadd.f32 v24, v1  }
0x6d: {  	v43 =	vmin.f32 v43, $1.270000000e+02;
	[tilespmem:$0x1FE80] =	vst v0;
	v0 =	vbroadcast v21, $0x4;
	v11 =	vadd.f32 $6.400000000e+01, v11  }
0x6e: {  	v48 =	vbroadcast v20, $0x4;
	v54 =	vadd.f32 v1, v23;
	v1 =	vmul.f32 v45, v13  }
0x6f: {  	v25 =	vadd.f32 $6.400000000e+01, v46;
	v61 =	vmul.f32 v0, v8;
	v11 =	vadd.f32 v11, v44  }
0x70: {  	v43 =	vtrunc.f32 v43;
	v1 =	vadd.f32 $6.400000000e+01, v1;
	v32 =	vmul.f32 v0, v12  }
0x71: {  	v23 =	vadd.f32 v25, v61;
	v56 =	vadd.f32 v11, v41;
	v11 =	vmul.f32 v48, v7  }
0x72: {  	v43 =	vcvt.f32.s32 v43;
	v63 =	vmul.f32 v48, v10;
	v1 =	vadd.f32 v1, v32  }
0x73: {  	v33 =	vmul.f32 v48, v14;
	v35 =	vbroadcast v22, $0x5;
	v11 =	vadd.f32 v23, v11  }
0x74: {  	v34 =	vmul.f32 v0, v15;
	v1 =	vadd.f32 v1, v63;
	v23 =	vmul.f32 v45, v19  }
0x75: {  	v47 =	vmax.f32 v47, $0.0e+00;
	v0 =	vmul.f32 v0, v18;
	[tilespmem:$0x1FE90] =	vst v11;
	v11 =	vmul.f32 v45, v16  }
0x76: {  	v36 =	vmul.f32 v35, v9;
	[tilespmem:$0x1FEA0] =	vst v1;
	v1 =	vbroadcast v21, $0x5;
	v23 =	vadd.f32 $6.400000000e+01, v23  }
0x77: {  	v47 =	vmin.f32 v47, $1.270000000e+02;
	v24 =	vmul.f32 v48, v17;
	v11 =	vadd.f32 $6.400000000e+01, v11  }
0x78: {  	v25 =	vadd.f32 $6.400000000e+01, v36;
	v37 =	vmul.f32 v1, v8;
	v0 =	vadd.f32 v23, v0  }
0x79: {  	v47 =	vtrunc.f32 v47;
	v23 =	vbroadcast v20, $0x5;
	v11 =	vadd.f32 v11, v34  }
0x7a: {  	v47 =	vcvt.f32.s32 v47;
	v38 =	vadd.f32 v25, v37;
	v61 =	vadd.f32 v0, v24  }
0x7b: {  	v0 =	vmul.f32 v35, v13;
	v63 =	vadd.f32 v11, v33;
	v11 =	vmul.f32 v23, v7  }
0x7c: {  	v51 =	vmax.f32 v51, $0.0e+00;
	v42 =	vmul.f32 v35, v19;
	v48 =	vbroadcast v20, $0x6  }
0x7d: {  	v40 =	vmul.f32 v1, v12;
	v0 =	vadd.f32 $6.400000000e+01, v0;
	v11 =	vadd.f32 v38, v11  }
0x7e: {  	v53 =	vmax.f32 v53, $0.0e+00;
	v44 =	vmul.f32 v1, v15;
	v45 =	vbroadcast v22, $0x6  }
0x7f: {  	v39 =	vmul.f32 v23, v10;
	v0 =	vadd.f32 v0, v40;
	[tilespmem:$0x1FEB0] =	vst v11;
	v11 =	vmul.f32 v35, v16  }
0x80: {  	v1 =	vmul.f32 v1, v18;
	v46 =	vmul.f32 v45, v9;
	v24 =	vadd.f32 $6.400000000e+01, v42  }
0x81: {  	v57 =	vadd.f32 v0, v39;
	v0 =	vbroadcast v21, $0x6;
	v11 =	vadd.f32 $6.400000000e+01, v11  }
0x82: {  	v41 =	vmul.f32 v23, v14;
	v23 =	vmul.f32 v23, v17;
	v1 =	vadd.f32 v24, v1  }
0x83: {  	v25 =	vadd.f32 $6.400000000e+01, v46;
	v40 =	vmul.f32 v0, v8;
	v11 =	vadd.f32 v11, v44  }
0x84: {  	v47 =	vshll.u32 v47, $0x6;
	v37 =	vadd.f32 v1, v23;
	v1 =	vmul.f32 v45, v13  }
0x85: {  	v23 =	vadd.f32 v25, v40;
	v33 =	vadd.f32 v11, v41;
	v11 =	vmul.f32 v48, v7  }
0x86: {  	v47 =	vor.u32 v6, v47;
	v36 =	vbroadcast v20, $0x8;
	v46 =	vmul.f32 v30, v9  }
0x87: {  	v1 =	vadd.f32 $6.400000000e+01, v1;
	v42 =	vmul.f32 v0, v12;
	v11 =	vadd.f32 v23, v11  }
0x88: {  	v24 =	vmul.f32 v48, v17;
	v57 =	vmax.f32 v57, $0.0e+00;
	v23 =	vmul.f32 v45, v19  }
0x89: {  	v1 =	vadd.f32 v1, v42;
	v41 =	vmul.f32 v48, v10;
	[tilespmem:$0x1FEC0] =	vst v11;
	v11 =	vmul.f32 v45, v16  }
0x8a: {  	v45 =	vmul.f32 v0, v15;
	v0 =	vmul.f32 v0, v18;
	v23 =	vadd.f32 $6.400000000e+01, v23  }
0x8b: {  	v44 =	vmul.f32 v48, v14;
	v38 =	vadd.f32 v1, v41;
	v1 =	vbroadcast v21, $0x7  }
0x8c: {  	v42 =	vmul.f32 v30, v19;
	v11 =	vadd.f32 $6.400000000e+01, v11;
	v0 =	vadd.f32 v23, v0  }
0x8d: {  	v25 =	vadd.f32 $6.400000000e+01, v46;
	v48 =	vmul.f32 v1, v8;
	v23 =	vbroadcast v20, $0x7  }
0x8e: {  	v11 =	vadd.f32 v11, v45;
	v29 =	vadd.f32 v0, v24;
	v0 =	vmul.f32 v30, v13  }
0x8f: {  	v35 =	vmul.f32 v1, v12;
	v32 =	vadd.f32 v25, v48;
	v34 =	vmul.f32 v23, v10  }
0x90: {  	v27 =	vadd.f32 v11, v44;
	v11 =	vmul.f32 v23, v7;
	v0 =	vadd.f32 $6.400000000e+01, v0  }
0x91: {  	v57 =	vmin.f32 v57, $1.270000000e+02;
	v45 =	vbroadcast v22, $0x8;
	v44 =	vmul.f32 v1, v15  }
0x92: {  	v39 =	vadd.f32 v32, v11;
	v11 =	vmul.f32 v30, v16;
	v0 =	vadd.f32 v0, v35  }
0x93: {  	v24 =	vadd.f32 $6.400000000e+01, v42;
	v1 =	vmul.f32 v1, v18;
	v46 =	vmul.f32 v45, v9  }
0x94: {  	v11 =	vadd.f32 $6.400000000e+01, v11;
	v31 =	vadd.f32 v0, v34;
	v0 =	vbroadcast v21, $0x8  }
0x95: {  	v28 =	vmul.f32 v23, v14;
	v48 =	vmul.f32 v23, v17;
	v1 =	vadd.f32 v24, v1  }
0x96: {  	v34 =	vadd.f32 $6.400000000e+01, v46;
	v11 =	vadd.f32 v11, v44;
	v32 =	vmul.f32 v0, v8  }
0x97: {  	v40 =	vbroadcast v21, $0x9;
	v25 =	vadd.f32 v1, v48;
	v1 =	vmul.f32 v45, v13  }
0x98: {  	v23 =	vadd.f32 v11, v28;
	v11 =	vmul.f32 v36, v7;
	v41 =	vadd.f32 v34, v32  }
0x99: {  	v42 =	vmul.f32 v36, v10;
	v44 =	vmul.f32 v0, v12;
	v1 =	vadd.f32 $6.400000000e+01, v1  }
0x9a: {  	v32 =	vadd.f32 v41, v11;
	v11 =	vmul.f32 v45, v16;
	v45 =	vmul.f32 v45, v19  }
0x9b: {  	v35 =	vmul.f32 v36, v14;
	v48 =	vbroadcast v22, $0x9;
	v1 =	vadd.f32 v1, v44  }
0x9c: {  	v46 =	vmul.f32 v0, v15;
	v0 =	vmul.f32 v0, v18;
	v26 =	vadd.f32 $6.400000000e+01, v45  }
0x9d: {  	v28 =	vadd.f32 v1, v42;
	v1 =	vmul.f32 v48, v9;
	v11 =	vadd.f32 $6.400000000e+01, v11  }
0x9e: {  	v24 =	vmul.f32 v36, v17;
	v44 =	vmul.f32 v40, v8;
	v0 =	vadd.f32 v26, v0  }
0x9f: {  	v36 =	vadd.f32 $6.400000000e+01, v1;
	v11 =	vadd.f32 v11, v46;
	v26 =	vbroadcast v20, $0x9  }
0xa0: {  	v57 =	vtrunc.f32 v57;
	v24 =	vadd.f32 v0, v24;
	v0 =	vmul.f32 v48, v13  }
0xa1: {  	v30 =	vadd.f32 v36, v44;
	v1 =	vadd.f32 v11, v35;
	v11 =	vmul.f32 v26, v7  }
0xa2: {  	v41 =	vmul.f32 v40, v12;
	v46 =	vmul.f32 v48, v19;
	v0 =	vadd.f32 $6.400000000e+01, v0  }
0xa3: {  	v45 =	vmul.f32 v26, v10;
	v36 =	vadd.f32 v30, v11;
	v11 =	vmul.f32 v48, v16  }
0xa4: {  	v48 =	vmul.f32 v40, v15;
	v0 =	vadd.f32 v0, v41;
	v41 =	vbroadcast v22, $0xA  }
0xa5: {  	v40 =	vmul.f32 v40, v18;
	v30 =	vadd.f32 $6.400000000e+01, v46;
	v11 =	vadd.f32 $6.400000000e+01, v11  }
0xa6: {  	v35 =	vadd.f32 v0, v45;
	v0 =	vbroadcast v21, $0xA;
	v44 =	vmul.f32 v41, v9  }
0xa7: {  	v42 =	vmul.f32 v26, v14;
	v30 =	vadd.f32 v30, v40;
	v40 =	vbroadcast v20, $0xA  }
0xa8: {  	v11 =	vadd.f32 v11, v48;
	v45 =	vmul.f32 v0, v8;
	v44 =	vadd.f32 $6.400000000e+01, v44  }
0xa9: {  	v37 =	vmax.f32 v37, $0.0e+00;
	v48 =	vmul.f32 v26, v17;
	v34 =	vmul.f32 v40, v7  }
0xaa: {  	v26 =	vadd.f32 v11, v42;
	v11 =	vmul.f32 v41, v13;
	v42 =	vadd.f32 v44, v45  }
0xab: {  	v37 =	vmin.f32 v37, $1.270000000e+02;
	v57 =	vcvt.f32.s32 v57;
	v30 =	vadd.f32 v30, v48  }
0xac: {  	v48 =	vmul.f32 v0, v12;
	v11 =	vadd.f32 $6.400000000e+01, v11;
	v34 =	vadd.f32 v42, v34  }
0xad: {  	v37 =	vtrunc.f32 v37;
	v57 =	vshll.u32 v57, $0x6;
	v44 =	vmul.f32 v40, v10  }
0xae: {  	v11 =	vadd.f32 v11, v48;
	[tilespmem:$0x1FED0] =	vst v34;
	v34 =	vmul.f32 v41, v16;
	v41 =	vmul.f32 v41, v19  }
0xaf: {  	v33 =	vmax.f32 v33, $0.0e+00;
	v45 =	vbroadcast v22, $0xB;
	v48 =	vmul.f32 v0, v15  }
0xb0: {  	v0 =	vmul.f32 v0, v18;
	v11 =	vadd.f32 v11, v44;
	v41 =	vadd.f32 $6.400000000e+01, v41  }
0xb1: {  	v46 =	vmul.f32 v40, v14;
	v44 =	vmul.f32 v45, v9;
	v34 =	vadd.f32 $6.400000000e+01, v34  }
0xb2: {  	v40 =	vmul.f32 v40, v17;
	[tilespmem:$0x1FEE0] =	vst v11;
	v11 =	vbroadcast v21, $0xB;
	v0 =	vadd.f32 v41, v0  }
0xb3: {  	v33 =	vmin.f32 v33, $1.270000000e+02;
	v44 =	vadd.f32 $6.400000000e+01, v44;
	v34 =	vadd.f32 v34, v48  }
0xb4: {  	v41 =	vbroadcast v20, $0xB;
	v48 =	vmul.f32 v11, v8;
	v0 =	vadd.f32 v0, v40  }
0xb5: {  	v57 =	vor.u32 v3, v57;
	v33 =	vtrunc.f32 v33;
	v38 =	vmax.f32 v38, $0.0e+00  }
0xb6: {  	v40 =	vmul.f32 v41, v7;
	v42 =	vadd.f32 v44, v48;
	[tilespmem:$0x1FEF0] =	vst v0;
	v0 =	vmul.f32 v45, v13  }
0xb7: {  	v33 =	vcvt.f32.s32 v33;
	v38 =	vmin.f32 v38, $1.270000000e+02;
	v34 =	vadd.f32 v34, v46  }
0xb8: {  	v46 =	vmul.f32 v11, v12;
	v40 =	vadd.f32 v42, v40;
	v0 =	vadd.f32 $6.400000000e+01, v0  }
0xb9: {  	v38 =	vtrunc.f32 v38;
	v33 =	vshll.u32 v33, $0x6;
	v42 =	vmul.f32 v45, v19  }
0xba: {  	v44 =	vmul.f32 v41, v10;
	[tilespmem:$0x1FF00] =	vst v40;
	v40 =	vmul.f32 v45, v16;
	v0 =	vadd.f32 v0, v46  }
0xbb: {  	v45 =	vmul.f32 v11, v15;
	v11 =	vmul.f32 v11, v18;
	v42 =	vadd.f32 $6.400000000e+01, v42  }
0xbc: {  	v46 =	vbroadcast v22, $0xC;
	v40 =	vadd.f32 $6.400000000e+01, v40;
	v0 =	vadd.f32 v0, v44  }
0xbd: {  	v48 =	vmul.f32 v41, v14;
	v41 =	vmul.f32 v41, v17;
	v11 =	vadd.f32 v42, v11  }
0xbe: {  	v44 =	vmul.f32 v46, v9;
	v40 =	vadd.f32 v40, v45;
	[tilespmem:$0x1FF10] =	vst v0;
	v0 =	vbroadcast v21, $0xC  }
0xbf: {  	v29 =	vmax.f32 v29, $0.0e+00;
	v42 =	vbroadcast v20, $0xC;
	v11 =	vadd.f32 v11, v41  }
0xc0: {  	v44 =	vadd.f32 $6.400000000e+01, v44;
	v40 =	vadd.f32 v40, v48;
	v45 =	vmul.f32 v0, v8  }
0xc1: {  	v38 =	vcvt.f32.s32 v38;
	v29 =	vmin.f32 v29, $1.270000000e+02;
	v27 =	vmax.f32 v27, $0.0e+00;
	[tilespmem:$0x1FF30] =	vst v11  }
0xc2: {  	v11 =	vmul.f32 v46, v13;
	[tilespmem:$0x1FF20] =	vst v40;
	v40 =	vmul.f32 v42, v7;
	v41 =	vadd.f32 v44, v45  }
0xc3: {  	v38 =	vshll.u32 v38, $0x6;
	v29 =	vtrunc.f32 v29;
	v27 =	vmin.f32 v27, $1.270000000e+02  }
0xc4: {  	v11 =	vadd.f32 $6.400000000e+01, v11;
	v45 =	vmul.f32 v0, v12;
	v40 =	vadd.f32 v41, v40  }
0xc5: {  	v27 =	vtrunc.f32 v27;
	v39 =	vmax.f32 v39, $0.0e+00;
	v41 =	vmul.f32 v46, v19  }
0xc6: {  	v44 =	vmul.f32 v42, v10;
	v11 =	vadd.f32 v11, v45;
	[tilespmem:$0x1FF40] =	vst v40;
	v40 =	vmul.f32 v46, v16  }
0xc7: {  	v45 =	vmul.f32 v0, v15;
	v0 =	vmul.f32 v0, v18;
	v41 =	vadd.f32 $6.400000000e+01, v41  }
0xc8: {  	v46 =	vbroadcast v22, $0xD;
	v11 =	vadd.f32 v11, v44;
	v40 =	vadd.f32 $6.400000000e+01, v40  }
0xc9: {  	v48 =	vmul.f32 v42, v14;
	v42 =	vmul.f32 v42, v17;
	v0 =	vadd.f32 v41, v0  }
0xca: {  	[tilespmem:$0x1FF50] =	vst v11;
	v11 =	vbroadcast v21, $0xD;
	v44 =	vmul.f32 v46, v9;
	v40 =	vadd.f32 v40, v45  }
0xcb: {  	v39 =	vmin.f32 v39, $1.270000000e+02;
	v41 =	vbroadcast v20, $0xD;
	v0 =	vadd.f32 v0, v42  }
0xcc: {  	v45 =	vmul.f32 v11, v8;
	v44 =	vadd.f32 $6.400000000e+01, v44;
	v40 =	vadd.f32 v40, v48  }
0xcd: {  	v38 =	vor.u32 v3, v38;
	v27 =	vcvt.f32.s32 v27;
	v39 =	vtrunc.f32 v39;
	[tilespmem:$0x1FF70] =	vst v0  }
0xce: {  	v0 =	vmul.f32 v46, v13;
	v42 =	vadd.f32 v44, v45;
	[tilespmem:$0x1FF60] =	vst v40;
	v40 =	vmul.f32 v41, v7  }
0xcf: {  	v31 =	vmax.f32 v31, $0.0e+00;
	v25 =	vmax.f32 v25, $0.0e+00;
	v39 =	vcvt.f32.s32 v39  }
0xd0: {  	v45 =	vmul.f32 v11, v12;
	v0 =	vadd.f32 $6.400000000e+01, v0;
	v40 =	vadd.f32 v42, v40  }
0xd1: {  	v31 =	vmin.f32 v31, $1.270000000e+02;
	v25 =	vmin.f32 v25, $1.270000000e+02;
	v42 =	vmul.f32 v46, v19  }
0xd2: {  	v44 =	vmul.f32 v41, v10;
	v0 =	vadd.f32 v0, v45;
	[tilespmem:$0x1FF80] =	vst v40;
	v40 =	vmul.f32 v46, v16  }
0xd3: {  	v45 =	vmul.f32 v11, v15;
	v11 =	vmul.f32 v11, v18;
	v42 =	vadd.f32 $6.400000000e+01, v42  }
0xd4: {  	v46 =	vbroadcast v22, $0xE;
	v0 =	vadd.f32 v0, v44;
	v40 =	vadd.f32 $6.400000000e+01, v40  }
0xd5: {  	v48 =	vmul.f32 v41, v14;
	v41 =	vmul.f32 v41, v17;
	v11 =	vadd.f32 v42, v11  }
0xd6: {  	[tilespmem:$0x1FF90] =	vst v0;
	v0 =	vbroadcast v21, $0xE;
	v44 =	vmul.f32 v46, v9;
	v40 =	vadd.f32 v40, v45  }
0xd7: {  	v31 =	vtrunc.f32 v31;
	v42 =	vbroadcast v20, $0xE;
	v11 =	vadd.f32 v11, v41  }
0xd8: {  	v45 =	vmul.f32 v0, v8;
	v44 =	vadd.f32 $6.400000000e+01, v44;
	v40 =	vadd.f32 v40, v48  }
0xd9: {  	v27 =	vshll.u32 v27, $0x6;
	v25 =	vtrunc.f32 v25;
	v31 =	vcvt.f32.s32 v31;
	[tilespmem:$0x1FFB0] =	vst v11  }
0xda: {  	v11 =	vmul.f32 v46, v13;
	v41 =	vadd.f32 v44, v45;
	[tilespmem:$0x1FFA0] =	vst v40;
	v40 =	vmul.f32 v42, v7  }
0xdb: {  	v39 =	vshll.u32 v39, $0x6;
	v23 =	vmax.f32 v23, $0.0e+00;
	v48 =	vmul.f32 v46, v16  }
0xdc: {  	v45 =	vmul.f32 v0, v12;
	v11 =	vadd.f32 $6.400000000e+01, v11;
	v40 =	vadd.f32 v41, v40  }
0xdd: {  	v23 =	vmin.f32 v23, $1.270000000e+02;
	v46 =	vmul.f32 v46, v19;
	v48 =	vadd.f32 $6.400000000e+01, v48  }
0xde: {  	v11 =	vadd.f32 v11, v45;
	v45 =	vmul.f32 v42, v10;
	[tilespmem:$0x1FFC0] =	vst v40;
	v40 =	vmul.f32 v0, v15  }
0xdf: {  	v31 =	vshll.u32 v31, $0x6;
	v44 =	vadd.f32 $6.400000000e+01, v46;
	v0 =	vmul.f32 v0, v18  }
0xe0: {  	v11 =	vadd.f32 v11, v45;
	v40 =	vadd.f32 v48, v40;
	v48 =	vmul.f32 v42, v14  }
0xe1: {  	v23 =	vtrunc.f32 v23;
	v0 =	vadd.f32 v44, v0;
	v42 =	vmul.f32 v42, v17  }
0xe2: {  	v32 =	vmax.f32 v32, $0.0e+00;
	v28 =	vmax.f32 v28, $0.0e+00;
	[tilespmem:$0x1FFD0] =	vst v11;
	v11 =	vadd.f32 v40, v48  }
0xe3: {  	v23 =	vcvt.f32.s32 v23;
	v32 =	vmin.f32 v32, $1.270000000e+02;
	v0 =	vadd.f32 v0, v42  }
0xe4: {  	v28 =	vmin.f32 v28, $1.270000000e+02;
	v32 =	vtrunc.f32 v32;
	[tilespmem:$0x1FFE0] =	vst v11;
	v11 =	vmin.f32 v51, $1.270000000e+02  }
0xe5: {  	v28 =	vtrunc.f32 v28;
	[tilespmem:$0x1FFF0] =	vst v0;
	v0 =	vtrunc.f32 v11;
	v11 =	vmax.f32 v52, $0.0e+00  }
0xe6: {  	v46 =	vmax.f32 v59, $0.0e+00;
	v45 =	vmax.f32 v60, $0.0e+00;
	v11 =	vmin.f32 v11, $1.270000000e+02  }
0xe7: {  	v40 =	vmin.f32 v45, $1.270000000e+02;
	v0 =	vcvt.f32.s32 v0;
	v11 =	vtrunc.f32 v11  }
0xe8: {  	v41 =	vmin.f32 v46, $1.270000000e+02;
	v40 =	vtrunc.f32 v40;
	v11 =	vcvt.f32.s32 v11  }
0xe9: {  	v60 =	vld [tilespmem:$0x1FE50];
	v48 =	vcvt.f32.s32 v40;
	v51 =	vtrunc.f32 v41;
	v0 =	vshll.u32 v0, $0x6  }
0xea: {  	v52 =	vcvt.f32.s32 v51;
	v41 =	vor.u32 v49, v0;
	v0 =	vshll.u32 v11, $0x6  }
0xeb: {  	v59 =	vmax.f32 v55, $0.0e+00;
	v40 =	vor.u32 v3, v0;
	v0 =	vshll.u32 v48, $0x6  }
0xec: {  	v11 =	vor.u32 v4, v0;
	v0 =	vshll.u32 v52, $0x6;
	v52 =	vmax.f32 v58, $0.0e+00;
	v58 =	vld [tilespmem:$0x1FE60]  }
0xed: {  	v32 =	vcvt.f32.s32 v32;
	v1 =	vmax.f32 v1, $0.0e+00;
	v44 =	vmin.f32 v59, $1.270000000e+02  }
0xee: {  	v44 =	vtrunc.f32 v44;
	v42 =	vmin.f32 v53, $1.270000000e+02;
	v45 =	vmax.f32 v60, $0.0e+00  }
0xef: {  	v44 =	vcvt.f32.s32 v44;
	v42 =	vtrunc.f32 v42;
	v45 =	vmin.f32 v45, $1.270000000e+02  }
0xf0: {  	v59 =	vmax.f32 v50, $0.0e+00;
	v42 =	vcvt.f32.s32 v42;
	v48 =	vtrunc.f32 v45  }
0xf1: {  	v51 =	vshll.u32 v43, $0x6;
	v46 =	vcvt.f32.s32 v48;
	v48 =	vmax.f32 v58, $0.0e+00  }
0xf2: {  	v42 =	vshll.u32 v42, $0x6;
	v53 =	vmin.f32 v52, $1.270000000e+02;
	v48 =	vmin.f32 v48, $1.270000000e+02  }
0xf3: {  	v46 =	vshll.u32 v46, $0x6;
	v55 =	vtrunc.f32 v53;
	v48 =	vtrunc.f32 v48  }
0xf4: {  	v43 =	vor.u32 v6, v46;
	v46 =	vcvt.f32.s32 v55;
	v58 =	vld [tilespmem:$0x1FE70];
	v52 =	vcvt.f32.s32 v48  }
0xf5: {  	v60 =	vlaneseq.u32;
	v45 =	vor.u32 v49, v42;
	v49 =	vshll.u32 v44, $0x6  }
0xf6: {  	v44 =	vor.u32 v3, v49;
	v46 =	vshll.u32 v46, $0x6;
	v55 =	vshll.u32 v52, $0x6  }
0xf7: {  	v49 =	vmin.f32 v59, $1.270000000e+02;
	v48 =	vor.u32 v60, v46;
	v46 =	vor.u32 v3, v55;
	v55 =	vld [tilespmem:$0x1FE80]  }
0xf8: {  	v24 =	vmax.f32 v24, $0.0e+00;
	v1 =	vmin.f32 v1, $1.270000000e+02;
	v53 =	vtrunc.f32 v49  }
0xf9: {  	v0 =	vor.u32 v6, v0;
	v49 =	vcvt.f32.s32 v53;
	v59 =	vmax.f32 v58, $0.0e+00  }
0xfa: {  	v58 =	vmax.f32 v56, $0.0e+00;
	v53 =	vmin.f32 v59, $1.270000000e+02;
	v59 =	vmax.f32 v54, $0.0e+00  }
0xfb: {  	v42 =	vor.u32 v4, v51;
	[tilespmem:v41+s17+$0x0] =	vst.idx.add.f32.msk $0xffff, v5;
	v52 =	vmin.f32 v58, $1.270000000e+02;
	v58 =	vmin.f32 v59, $1.270000000e+02  }
0xfc: {  	v56 =	vtrunc.f32 v52;
	v52 =	vtrunc.f32 v58;
	v58 =	vld [tilespmem:$0x1FE90];
	v51 =	vmax.f32 v55, $0.0e+00  }
0xfd: {  	v24 =	vmin.f32 v24, $1.270000000e+02;
	v1 =	vtrunc.f32 v1;
	[tilespmem:v40+s17+$0x0] =	vst.idx.add.f32.msk $0xffff, v5;
	v51 =	vmin.f32 v51, $1.270000000e+02  }
0xfe: {  	v31 =	vor.u32 v3, v31;
	v24 =	vtrunc.f32 v24;
	[tilespmem:v11+s17+$0x0] =	vst.idx.add.f32.msk $0xffff, v5;
	v51 =	vtrunc.f32 v51  }
0xff: {  	v1 =	vcvt.f32.s32 v1;
	v49 =	vshll.u32 v49, $0x6;
	[tilespmem:v0+s17+$0x0] =	vst.idx.add.f32.msk $0xffff, v5;
	v54 =	vcvt.f32.s32 v51  }
0x100: {  	v24 =	vcvt.f32.s32 v24;
	v50 =	vor.u32 v4, v49;
	[tilespmem:v45+s17+$0x0] =	vst.idx.add.f32.msk $0xffff, v5;
	v59 =	vcvt.f32.s32 v56  }
0x101: {  	[tilespmem:v44+s17+$0x0] =	vst.idx.add.f32.msk $0xffff, v5;
	v49 =	vtrunc.f32 v53;
	v56 =	vshll.u32 v54, $0x6;
	v54 =	vmax.f32 v58, $0.0e+00  }
0x102: {  	[tilespmem:v42+s17+$0x0] =	vst.idx.add.f32.msk $0xffff, v5;
	v49 =	vcvt.f32.s32 v49;
	v53 =	vshll.u32 v59, $0x6;
	v59 =	vmin.f32 v54, $1.270000000e+02  }
0x103: {  	v23 =	vshll.u32 v23, $0x6;
	v52 =	vcvt.f32.s32 v52;
	v58 =	vtrunc.f32 v59;
	v59 =	vld [tilespmem:$0x1FEA0]  }
0x104: {  	v28 =	vcvt.f32.s32 v28;
	v1 =	vshll.u32 v1, $0x6;
	v24 =	vshll.u32 v24, $0x6;
	[tilespmem:v43+s17+$0x0] =	vst.idx.add.f32.msk $0xffff, v5  }
0x105: {  	v1 =	vor.u32 v4, v1;
	v43 =	vld [tilespmem:$0x1FF60];
	v49 =	vshll.u32 v49, $0x6;
	v52 =	vshll.u32 v52, $0x6  }
0x106: {  	[tilespmem:v48+s17+$0x0] =	vst.idx.add.f32.msk $0xffff, v5;
	v54 =	vor.u32 v6, v52;
	v52 =	vcvt.f32.s32 v58;
	v58 =	vmax.f32 v63, $0.0e+00  }
0x107: {  	[tilespmem:v46+s17+$0x0] =	vst.idx.add.f32.msk $0xffff, v5;
	v51 =	vor.u32 v60, v49;
	v49 =	vor.u32 v3, v56;
	v55 =	vmin.f32 v58, $1.270000000e+02  }
0x108: {  	[tilespmem:v50+s17+$0x0] =	vst.idx.add.f32.msk $0xffff, v5;
	v56 =	vor.u32 v4, v53;
	v53 =	vmax.f32 v59, $0.0e+00;
	v59 =	vtrunc.f32 v55  }
0x109: {  	v24 =	vor.u32 v6, v24;
	v26 =	vmax.f32 v26, $0.0e+00;
	[tilespmem:v47+s17+$0x0] =	vst.idx.add.f32.msk $0xffff, v5;
	v63 =	vcvt.f32.s32 v59  }
0x10a: {  	v30 =	vmax.f32 v30, $0.0e+00;
	v26 =	vmin.f32 v26, $1.270000000e+02;
	v47 =	vld [tilespmem:$0x1FF30];
	v58 =	vmax.f32 v61, $0.0e+00  }
0x10b: {  	v30 =	vmin.f32 v30, $1.270000000e+02;
	v55 =	vmin.f32 v58, $1.270000000e+02;
	v58 =	vshll.u32 v63, $0x6;
	v63 =	vld [tilespmem:$0x1FEB0]  }
0x10c: {  	v26 =	vtrunc.f32 v26;
	v30 =	vtrunc.f32 v30;
	v34 =	vmax.f32 v34, $0.0e+00;
	v46 =	vld [tilespmem:$0x1FF20]  }
0x10d: {  	v26 =	vcvt.f32.s32 v26;
	v30 =	vcvt.f32.s32 v30;
	v34 =	vmin.f32 v34, $1.270000000e+02;
	v50 =	vld [tilespmem:$0x1FED0]  }
0x10e: {  	v34 =	vtrunc.f32 v34;
	v41 =	vmax.f32 v36, $0.0e+00;
	[tilespmem:v51+s17+$0x0] =	vst.idx.add.f32.msk $0xffff, v5;
	v53 =	vmin.f32 v53, $1.270000000e+02  }
0x10f: {  	v42 =	vmax.f32 v47, $0.0e+00;
	v51 =	vld [tilespmem:$0x1FEE0];
	v55 =	vtrunc.f32 v55;
	v53 =	vtrunc.f32 v53  }
0x110: {  	v47 =	vld [tilespmem:$0x1FF80];
	v55 =	vcvt.f32.s32 v55;
	v61 =	vcvt.f32.s32 v53;
	v59 =	vmax.f32 v63, $0.0e+00  }
0x111: {  	v52 =	vshll.u32 v52, $0x6;
	v63 =	vor.u32 v4, v58;
	v58 =	vmin.f32 v59, $1.270000000e+02;
	v59 =	vld [tilespmem:$0x1FEC0]  }
0x112: {  	[tilespmem:v49+s17+$0x0] =	vst.idx.add.f32.msk $0xffff, v5;
	v53 =	vor.u32 v60, v52;
	v55 =	vshll.u32 v55, $0x6;
	v61 =	vshll.u32 v61, $0x6  }
0x113: {  	[tilespmem:v56+s17+$0x0] =	vst.idx.add.f32.msk $0xffff, v5;
	v52 =	vor.u32 v3, v61;
	v61 =	vor.u32 v6, v55;
	v55 =	vtrunc.f32 v58  }
0x114: {  	v56 =	vld [tilespmem:$0x1FEF0];
	v36 =	vmax.f32 v51, $0.0e+00;
	v51 =	vmin.f32 v42, $1.270000000e+02;
	v55 =	vcvt.f32.s32 v55  }
0x115: {  	v26 =	vshll.u32 v26, $0x6;
	[tilespmem:v54+s17+$0x0] =	vst.idx.add.f32.msk $0xffff, v5;
	v54 =	vtrunc.f32 v51;
	v58 =	vcvt.f32.s32 v37  }
0x116: {  	v51 =	vld [tilespmem:$0x1FFB0];
	v37 =	vor.u32 v4, v33;
	v55 =	vshll.u32 v55, $0x6;
	v59 =	vmax.f32 v59, $0.0e+00  }
0x117: {  	[tilespmem:v53+s17+$0x0] =	vst.idx.add.f32.msk $0xffff, v5;
	v33 =	vshll.u32 v58, $0x6;
	v55 =	vor.u32 v60, v55;
	v58 =	vmin.f32 v59, $1.270000000e+02  }
0x118: {  	v30 =	vshll.u32 v30, $0x6;
	[tilespmem:v52+s17+$0x0] =	vst.idx.add.f32.msk $0xffff, v5;
	v59 =	vcvt.f32.s32 v29;
	v58 =	vtrunc.f32 v58  }
0x119: {  	v34 =	vcvt.f32.s32 v34;
	v11 =	vshll.u32 v32, $0x6;
	[tilespmem:v63+s17+$0x0] =	vst.idx.add.f32.msk $0xffff, v5;
	v58 =	vcvt.f32.s32 v58  }
0x11a: {  	v33 =	vor.u32 v6, v33;
	[tilespmem:v61+s17+$0x0] =	vst.idx.add.f32.msk $0xffff, v5;
	v29 =	vor.u32 v4, v27;
	v59 =	vshll.u32 v59, $0x6  }
0x11b: {  	v61 =	vld [tilespmem:$0x1FF10];
	v27 =	vor.u32 v6, v59;
	v59 =	vcvt.f32.s32 v25;
	v58 =	vshll.u32 v58, $0x6  }
0x11c: {  	v0 =	vor.u32 v60, v11;
	v11 =	vshll.u32 v28, $0x6;
	[tilespmem:v55+s17+$0x0] =	vst.idx.add.f32.msk $0xffff, v5;
	v58 =	vor.u32 v60, v58  }
0x11d: {  	v28 =	vmin.f32 v41, $1.270000000e+02;
	v25 =	vor.u32 v4, v23;
	v23 =	vshll.u32 v59, $0x6;
	v59 =	vld [tilespmem:$0x1FF00]  }
0x11e: {  	v26 =	vor.u32 v4, v26;
	v30 =	vor.u32 v6, v30;
	v28 =	vtrunc.f32 v28;
	[tilespmem:v57+s17+$0x0] =	vst.idx.add.f32.msk $0xffff, v5  }
0x11f: {  	v34 =	vshll.u32 v34, $0x6;
	v45 =	vmax.f32 v35, $0.0e+00;
	v28 =	vcvt.f32.s32 v28;
	[tilespmem:v37+s17+$0x0] =	vst.idx.add.f32.msk $0xffff, v5  }
0x120: {  	v34 =	vor.u32 v4, v34;
	v39 =	vor.u32 v60, v39;
	v32 =	vmin.f32 v45, $1.270000000e+02;
	[tilespmem:v33+s17+$0x0] =	vst.idx.add.f32.msk $0xffff, v5  }
0x121: {  	v32 =	vtrunc.f32 v32;
	v28 =	vshll.u32 v28, $0x6;
	v40 =	vmax.f32 v56, $0.0e+00;
	[tilespmem:v58+s17+$0x0] =	vst.idx.add.f32.msk $0xffff, v5  }
0x122: {  	v32 =	vcvt.f32.s32 v32;
	v28 =	vor.u32 v60, v28;
	v40 =	vmin.f32 v40, $1.270000000e+02;
	v58 =	vld [tilespmem:$0x1FF40]  }
0x123: {  	v35 =	vmax.f32 v50, $0.0e+00;
	v40 =	vtrunc.f32 v40;
	v41 =	vmax.f32 v59, $0.0e+00;
	[tilespmem:v38+s17+$0x0] =	vst.idx.add.f32.msk $0xffff, v5  }
0x124: {  	v35 =	vmin.f32 v35, $1.270000000e+02;
	v40 =	vcvt.f32.s32 v40;
	v41 =	vmin.f32 v41, $1.270000000e+02;
	[tilespmem:v29+s17+$0x0] =	vst.idx.add.f32.msk $0xffff, v5  }
0x125: {  	v35 =	vtrunc.f32 v35;
	v60 =	vtrunc.f32 v41;
	v41 =	vmax.f32 v61, $0.0e+00;
	[tilespmem:v27+s17+$0x0] =	vst.idx.add.f32.msk $0xffff, v5  }
0x126: {  	v40 =	vshll.u32 v40, $0x6;
	v23 =	vor.u32 v6, v23;
	v45 =	vmin.f32 v41, $1.270000000e+02;
	[tilespmem:v39+s17+$0x0] =	vst.idx.add.f32.msk $0xffff, v5  }
0x127: {  	v37 =	vor.u32 v6, v40;
	v41 =	vmax.f32 v46, $0.0e+00;
	v40 =	vtrunc.f32 v45;
	v45 =	vld [tilespmem:$0x1FF70]  }
0x128: {  	v35 =	vcvt.f32.s32 v35;
	v36 =	vmin.f32 v36, $1.270000000e+02;
	v41 =	vmin.f32 v41, $1.270000000e+02;
	[tilespmem:v31+s17+$0x0] =	vst.idx.add.f32.msk $0xffff, v5  }
0x129: {  	v11 =	vor.u32 v3, v11;
	v36 =	vtrunc.f32 v36;
	v50 =	vtrunc.f32 v41;
	v41 =	vld [tilespmem:$0x1FF50]  }
0x12a: {  	v32 =	vshll.u32 v32, $0x6;
	v49 =	vlaneseq.u32;
	v36 =	vcvt.f32.s32 v36;
	[tilespmem:v25+s17+$0x0] =	vst.idx.add.f32.msk $0xffff, v5  }
0x12b: {  	v35 =	vshll.u32 v35, $0x6;
	v48 =	vcvt.f32.s32 v40;
	v53 =	vcvt.f32.s32 v50;
	v50 =	vld [tilespmem:$0x1FFA0]  }
0x12c: {  	v32 =	vor.u32 v3, v32;
	v35 =	vor.u32 v49, v35;
	v36 =	vshll.u32 v36, $0x6;
	[tilespmem:v23+s17+$0x0] =	vst.idx.add.f32.msk $0xffff, v5  }
0x12d: {  	v57 =	vcvt.f32.s32 v54;
	v39 =	vmax.f32 v58, $0.0e+00;
	v56 =	vshll.u32 v48, $0x6;
	v48 =	vld [tilespmem:$0x1FF90]  }
0x12e: {  	v36 =	vor.u32 v3, v36;
	v63 =	vcvt.f32.s32 v60;
	v61 =	vmin.f32 v39, $1.270000000e+02;
	[tilespmem:v0+s17+$0x0] =	vst.idx.add.f32.msk $0xffff, v5  }
0x12f: {  	v60 =	vshll.u32 v57, $0x6;
	v40 =	vtrunc.f32 v61;
	v33 =	vshll.u32 v53, $0x6;
	v53 =	vld [tilespmem:$0x1FFC0]  }
0x130: {  	v52 =	vshll.u32 v63, $0x6;
	v63 =	vor.u32 v6, v60;
	v23 =	vcvt.f32.s32 v40;
	[tilespmem:v11+s17+$0x0] =	vst.idx.add.f32.msk $0xffff, v5  }
0x131: {  	v55 =	vor.u32 v49, v52;
	v29 =	vor.u32 v3, v56;
	v38 =	vmax.f32 v41, $0.0e+00;
	[tilespmem:v1+s17+$0x0] =	vst.idx.add.f32.msk $0xffff, v5  }
0x132: {  	v59 =	vor.u32 v4, v33;
	v1 =	vshll.u32 v23, $0x6;
	v42 =	vmin.f32 v38, $1.270000000e+02;
	[tilespmem:v24+s17+$0x0] =	vst.idx.add.f32.msk $0xffff, v5  }
0x133: {  	v38 =	vmax.f32 v43, $0.0e+00;
	v1 =	vor.u32 v49, v1;
	v24 =	vmax.f32 v47, $0.0e+00;
	[tilespmem:v28+s17+$0x0] =	vst.idx.add.f32.msk $0xffff, v5  }
0x134: {  	v0 =	vtrunc.f32 v42;
	v44 =	vmin.f32 v38, $1.270000000e+02;
	v38 =	vmax.f32 v45, $0.0e+00;
	[tilespmem:v32+s17+$0x0] =	vst.idx.add.f32.msk $0xffff, v5  }
0x135: {  	v24 =	vmin.f32 v24, $1.270000000e+02;
	v28 =	vmax.f32 v50, $0.0e+00;
	v0 =	vcvt.f32.s32 v0;
	[tilespmem:v26+s17+$0x0] =	vst.idx.add.f32.msk $0xffff, v5  }
0x136: {  	v11 =	vtrunc.f32 v44;
	v46 =	vmin.f32 v38, $1.270000000e+02;
	v24 =	vtrunc.f32 v24;
	[tilespmem:v30+s17+$0x0] =	vst.idx.add.f32.msk $0xffff, v5  }
0x137: {  	v28 =	vmin.f32 v28, $1.270000000e+02;
	v11 =	vcvt.f32.s32 v11;
	v23 =	vtrunc.f32 v46;
	[tilespmem:v35+s17+$0x0] =	vst.idx.add.f32.msk $0xffff, v5  }
0x138: {  	v26 =	vmax.f32 v48, $0.0e+00;
	v24 =	vcvt.f32.s32 v24;
	v28 =	vtrunc.f32 v28;
	[tilespmem:v36+s17+$0x0] =	vst.idx.add.f32.msk $0xffff, v5  }
0x139: {  	v0 =	vshll.u32 v0, $0x6;
	v23 =	vcvt.f32.s32 v23;
	v26 =	vmin.f32 v26, $1.270000000e+02;
	[tilespmem:v34+s17+$0x0] =	vst.idx.add.f32.msk $0xffff, v5  }
0x13a: {  	v30 =	vmax.f32 v51, $0.0e+00;
	v28 =	vcvt.f32.s32 v28;
	v0 =	vor.u32 v3, v0;
	[tilespmem:v37+s17+$0x0] =	vst.idx.add.f32.msk $0xffff, v5  }
0x13b: {  	v11 =	vshll.u32 v11, $0x6;
	v26 =	vtrunc.f32 v26;
	v30 =	vmin.f32 v30, $1.270000000e+02;
	[tilespmem:v55+s17+$0x0] =	vst.idx.add.f32.msk $0xffff, v5  }
0x13c: {  	v24 =	vshll.u32 v24, $0x6;
	v11 =	vor.u32 v4, v11;
	v23 =	vshll.u32 v23, $0x6;
	v55 =	vld [tilespmem:$0x1FFD0]  }
0x13d: {  	v58 =	vld [tilespmem:$0x1FFE0];
	v26 =	vcvt.f32.s32 v26;
	v30 =	vtrunc.f32 v30;
	v24 =	vor.u32 v49, v24  }
0x13e: {  	v60 =	vld [tilespmem:$0x1FFF0];
	v52 =	vshll.u32 v28, $0x6;
	v28 =	vmax.f32 v53, $0.0e+00;
	v23 =	vor.u32 v6, v23  }
0x13f: {  	v30 =	vcvt.f32.s32 v30;
	v28 =	vmin.f32 v28, $1.270000000e+02;
	v26 =	vshll.u32 v26, $0x6  }
0x140: {  	v27 =	vor.u32 v4, v52;
	v28 =	vtrunc.f32 v28;
	v26 =	vor.u32 v3, v26;
	[tilespmem:v29+s17+$0x0] =	vst.idx.add.f32.msk $0xffff, v5  }
0x141: {  	v54 =	vshll.u32 v30, $0x6;
	v56 =	vcvt.f32.s32 v28;
	[tilespmem:v59+s17+$0x0] =	vst.idx.add.f32.msk $0xffff, v5;
	v30 =	vmax.f32 v55, $0.0e+00  }
0x142: {  	v29 =	vor.u32 v6, v54;
	[tilespmem:v63+s17+$0x0] =	vst.idx.add.f32.msk $0xffff, v5;
	v57 =	vmin.f32 v30, $1.270000000e+02;
	v30 =	vmax.f32 v58, $0.0e+00  }
0x143: {  	[tilespmem:v1+s17+$0x0] =	vst.idx.add.f32.msk $0xffff, v5;
	v1 =	vtrunc.f32 v57;
	v59 =	vmin.f32 v30, $1.270000000e+02;
	v30 =	vmax.f32 v60, $0.0e+00  }
0x144: {  	[tilespmem:v0+s17+$0x0] =	vst.idx.add.f32.msk $0xffff, v5;
	v0 =	vcvt.f32.s32 v1;
	v1 =	vtrunc.f32 v59;
	v61 =	vmin.f32 v30, $1.270000000e+02  }
0x145: {  	[tilespmem:v11+s17+$0x0] =	vst.idx.add.f32.msk $0xffff, v5;
	v11 =	vshll.u32 v56, $0x6;
	v1 =	vcvt.f32.s32 v1;
	v63 =	vtrunc.f32 v61  }
0x146: {  	[tilespmem:v23+s17+$0x0] =	vst.idx.add.f32.msk $0xffff, v5;
	v11 =	vor.u32 v49, v11;
	v0 =	vshll.u32 v0, $0x6;
	v23 =	vcvt.f32.s32 v63  }
0x147: {  	[tilespmem:v24+s17+$0x0] =	vst.idx.add.f32.msk $0xffff, v5;
	v0 =	vor.u32 v3, v0;
	v1 =	vshll.u32 v1, $0x6  }
0x148: {  	[tilespmem:v26+s17+$0x0] =	vst.idx.add.f32.msk $0xffff, v5;
	v1 =	vor.u32 v4, v1;
	v23 =	vshll.u32 v23, $0x6  }
0x149: {  	[tilespmem:v27+s17+$0x0] =	vst.idx.add.f32.msk $0xffff, v5;
	v23 =	vor.u32 v6, v23  }
0x14a: {  	[tilespmem:v29+s17+$0x0] =	vst.idx.add.f32.msk $0xffff, v5  }
0x14b: {  	[tilespmem:v11+s17+$0x0] =	vst.idx.add.f32.msk $0xffff, v5  }
0x14c: {  	[tilespmem:v0+s17+$0x0] =	vst.idx.add.f32.msk $0xffff, v5  }
0x14d: {  	[tilespmem:v1+s17+$0x0] =	vst.idx.add.f32.msk $0xffff, v5  }
0x14e: {  	[tilespmem:v23+s17+$0x0] =	vst.idx.add.f32.msk $0xffff, v5  }
.LBB2_70:
0x14f: {  	v0 =	vbroadcast v22, $0xF  }
0x150: {  	v1 =	vbroadcast v21, $0xF  }
0x151: {  	v20 =	vbroadcast v20, $0xF;
	v11 =	vmul.f32 v0, v9  }
0x152: {  	v21 =	vmul.f32 v1, v8;
	v22 =	vmul.f32 v0, v13  }
0x153: {  	v23 =	vmul.f32 v20, v7;
	v58 =	vmul.f32 v1, v12  }
0x154: {  	v24 =	vmul.f32 v0, v16;
	v0 =	vmul.f32 v0, v19;
	v11 =	vadd.f32 $6.400000000e+01, v11  }
0x155: {  	v59 =	vmul.f32 v1, v15;
	v61 =	vmul.f32 v20, v10;
	v22 =	vadd.f32 $6.400000000e+01, v22  }
0x156: {  	v1 =	vmul.f32 v1, v18;
	v0 =	vadd.f32 $6.400000000e+01, v0;
	v11 =	vadd.f32 v11, v21  }
0x157: {  	v63 =	vmul.f32 v20, v14;
	v60 =	vadd.f32 $6.400000000e+01, v24;
	v21 =	vadd.f32 v22, v58  }
0x158: {  	v20 =	vmul.f32 v20, v17;
	v0 =	vadd.f32 v0, v1;
	v11 =	vadd.f32 v11, v23  }
0x159: {  	v22 =	vadd.f32 v60, v59  }
0x15a: {  	v21 =	vadd.f32 v21, v61;
	v0 =	vadd.f32 v0, v20;
	v11 =	vmax.f32 v11, $0.0e+00  }
0x15b: {  	v1 =	vmin.f32 v11, $1.270000000e+02;
	v11 =	vadd.f32 v22, v63  }
0x15c: {  	v21 =	vmax.f32 v21, $0.0e+00;
	v0 =	vmax.f32 v0, $0.0e+00  }
0x15d: {  	v20 =	vmin.f32 v21, $1.270000000e+02;
	v1 =	vtrunc.f32 v1;
	v11 =	vmax.f32 v11, $0.0e+00  }
0x15e: {  	v20 =	vtrunc.f32 v20;
	v1 =	vcvt.f32.s32 v1;
	v11 =	vmin.f32 v11, $1.270000000e+02  }
0x15f: {  	v0 =	vmin.f32 v0, $1.270000000e+02;
	v20 =	vcvt.f32.s32 v20;
	v11 =	vtrunc.f32 v11  }
0x160: {  	v0 =	vtrunc.f32 v0;
	v1 =	vshll.u32 v1, $0x6;
	v11 =	vcvt.f32.s32 v11  }
0x161: {  	v0 =	vcvt.f32.s32 v0;
	v20 =	vshll.u32 v20, $0x6;
	v1 =	vor.u32 v49, v1  }
0x162: {  	v20 =	vor.u32 v3, v20;
	v11 =	vshll.u32 v11, $0x6  }
0x163: {  	s24 =	sadd.s32 $0x1, s24;
	v0 =	vshll.u32 v0, $0x6;
	v11 =	vor.u32 v4, v11  }
0x164: {  	p0 =	sne.s32 s24, $0x400;
	v0 =	vor.u32 v6, v0  }
.Ltmp2:
0x165: {  	_ = 	snop;
	(pc) =	sbr.rel @!p0 .LBB2_71-.Ltmp2, $4  }
0x166: {  	[tilespmem:v1+s17+$0x0] =	vst.idx.add.f32.msk $0xffff, v5  }
0x167: {  	[tilespmem:v20+s17+$0x0] =	vst.idx.add.f32.msk $0xffff, v5  }
0x168: {  	[tilespmem:v11+s17+$0x0] =	vst.idx.add.f32.msk $0xffff, v5  }
0x169: {  	[tilespmem:v0+s17+$0x0] =	vst.idx.add.f32.msk $0xffff, v5  }
.LBB2_4:
0x16a: {  	s25 =	sshll.u32 s24, $0x4  }
0x16b: {  	v62 =	vld [tilespmem:s25+$0xC000];
	_ =	sdelay $0x4  }
0x16c: {  	(v2sf) =	vpush v62, $0x0  }
0x16d: {  	(v2sf) =	vpush v62, $0xF;
	_ =	sdelay $0xb  }
0x16e: {  	v20 =	vld [tilespmem:s25+$0x0]  }
0x16f: {  	v21 =	vld [tilespmem:s25+$0x4000]  }
0x170: {  	s26 =	smov.u32 s23;
	v22 =	vld [tilespmem:s25+$0x8000];
	s25 =	spop (v2sf)  }
0x171: {  	s23 =	spop (v2sf);
	p0 =	sne.s32 s25, s26  }
0x172: {  	p1 =	sne.s32 @!p0 s23, s26  }
0x173: {  	p0 =	por p0, p1  }
.Ltmp3:
0x174: {  	_ = 	snop;
	(pc) =	sbr.rel @!p0 .LBB2_5-.Ltmp3, $4  }
0x175: {  	_ = 	snop  }
0x176: {  	v0 =	vbroadcast v20, $0x0;
	v1 =	vbroadcast v21, $0x0  }
0x177: {  	v11 =	vbroadcast v22, $0x0  }
0x178: {  	v23 =	vmul.f32 v0, v7;
	v24 =	vmul.f32 v1, v8  }
0x179: {  	p0 =	seq.s32 s25, s26  }
.Ltmp4:
0x17a: {  	_ = 	snop;
	(pc) =	sbr.rel @p0 .LBB2_10-.Ltmp4, $1  }
0x17b: {  	_ =	sdelay $0x3  }
0x17c: {  	s28 =	sshll.u32 s22, $0xD  }
0x17d: {  	s29 =	sshll.u32 s22, $0x7;
	s28 =	sand.u32 $0xFFFF0000, s28  }
0x17e: {  	s29 =	sand.u32 $0x380, s29;
	s28 =	sadd.s32 s9, s28  }
0x17f: {  	s28 =	sor.u32 s29, s28  }
0x180: {  	s28 =	sshrl.u32 s28, $0x3  }
0x181: {  	v25 =	vmov s22;
	s28 =	sadd.s32 s4, s28  }
0x182: {  	[hbm4b:s28+s18] =	stream.strided.scatter [tilespmem:s17], [sflag:$0x1], $0x2000, s19, s18, $0x38;
	[tilespmem:$0x12180] =	vst v63  }
0x183: {  	_ =	swait.ge [sflag:s12], $0x2000  }
0x184: {  	[sflag:s12] =	ssyncset.done $0x0  }
0x185: {  	v26 =	vmov s26;
	[sflag:s12] =	ssyncadd.s32 $0xFFFFE000  }
0x186: {  	s26 =	simm.s32 $0x10140;
	[tilespmem:v25+s20+$0x0] =	vst.idx.msk $0x1, v26  }
0x187: {  	[tilespmem:s26+$0xFFFFFFC0] =	vst v2  }
0x188: {  	[tilespmem:s26+$0x30] =	vst v2  }
0x189: {  	[tilespmem:s26+$0x20] =	vst v2  }
0x18a: {  	[tilespmem:s26+$0x10] =	vst v2  }
0x18b: {  	[tilespmem:s26+$0x0] =	vst v2  }
0x18c: {  	[tilespmem:s26+$0xFFFFFFF0] =	vst v2  }
0x18d: {  	s28 =	simm.s32 $0x0;
	[tilespmem:s26+$0xFFFFFFE0] =	vst v2  }
.LBB2_8:
0x18e: {  	s28 =	sadd.s32 $0x8, s28;
	[tilespmem:s26+$0xFFFFFFD0] =	vst v2;
	s26 =	sadd.s32 $0x80, s26  }
0x18f: {  	[tilespmem:s26+$0xFFFFFFC0] =	vst v2;
	p0 =	slt.u32 s28, $0x1F8  }
0x190: {  	[tilespmem:s26+$0x30] =	vst v2  }
.Ltmp5:
0x191: {  	[tilespmem:s26+$0x20] =	vst v2;
	(pc) =	sbr.rel @p0 .LBB2_8-.Ltmp5, $4  }
0x192: {  	[tilespmem:s26+$0x10] =	vst v2  }
0x193: {  	[tilespmem:s26+$0x0] =	vst v2  }
0x194: {  	[tilespmem:s26+$0xFFFFFFF0] =	vst v2  }
0x195: {  	[tilespmem:s26+$0xFFFFFFE0] =	vst v2  }
0x196: {  	[tilespmem:s26+$0xFFFFFFD0] =	vst v2;
	s22 =	sadd.s32 $0x1, s22  }
.LBB2_10:
0x197: {  	v25 =	vmul.f32 v11, v9  }
0x198: {  	v26 =	vmul.f32 v11, v13  }
0x199: {  	v59 =	vmul.f32 v1, v12;
	(v2sf) =	vpush v62, $0x1;
	v25 =	vadd.f32 $6.400000000e+01, v25  }
0x19a: {  	v27 =	vmul.f32 v11, v16;
	v11 =	vmul.f32 v11, v19  }
0x19b: {  	v60 =	vmul.f32 v0, v10;
	v26 =	vadd.f32 $6.400000000e+01, v26;
	v24 =	vadd.f32 v25, v24  }
0x19c: {  	v61 =	vmul.f32 v1, v15;
	v27 =	vadd.f32 $6.400000000e+01, v27;
	v11 =	vadd.f32 $6.400000000e+01, v11  }
0x19d: {  	v1 =	vmul.f32 v1, v18;
	v25 =	vadd.f32 v26, v59;
	v23 =	vadd.f32 v24, v23  }
0x19e: {  	v63 =	vmul.f32 v0, v14;
	v0 =	vmul.f32 v0, v17;
	v26 =	vadd.f32 v27, v61  }
0x19f: {  	v1 =	vadd.f32 v11, v1;
	v24 =	vadd.f32 v25, v60;
	v23 =	vmax.f32 v23, $0.0e+00  }
0x1a0: {  	v11 =	vmin.f32 v23, $1.270000000e+02;
	v23 =	vadd.f32 v26, v63  }
0x1a1: {  	v0 =	vadd.f32 v1, v0;
	v24 =	vmax.f32 v24, $0.0e+00;
	v11 =	vtrunc.f32 v11  }
0x1a2: {  	v1 =	vcvt.f32.s32 v11;
	v11 =	vmin.f32 v24, $1.270000000e+02;
	v23 =	vmax.f32 v23, $0.0e+00  }
0x1a3: {  	v0 =	vmax.f32 v0, $0.0e+00;
	v11 =	vtrunc.f32 v11;
	v23 =	vmin.f32 v23, $1.270000000e+02  }
0x1a4: {  	v0 =	vmin.f32 v0, $1.270000000e+02;
	v11 =	vcvt.f32.s32 v11;
	v23 =	vtrunc.f32 v23  }
0x1a5: {  	v0 =	vtrunc.f32 v0;
	v1 =	vshll.u32 v1, $0x6;
	v23 =	vcvt.f32.s32 v23  }
0x1a6: {  	v0 =	vcvt.f32.s32 v0;
	v1 =	vor.u32 v49, v1;
	v11 =	vshll.u32 v11, $0x6  }
0x1a7: {  	v11 =	vor.u32 v3, v11;
	v23 =	vshll.u32 v23, $0x6  }
0x1a8: {  	v0 =	vshll.u32 v0, $0x6;
	s26 =	spop (v2sf);
	v23 =	vor.u32 v4, v23  }
0x1a9: {  	v0 =	vor.u32 v6, v0;
	p0 =	seq.s32 s26, s25  }
.Ltmp6:
0x1aa: {  	_ = 	snop;
	(pc) =	sbr.rel @p0 .LBB2_14-.Ltmp6, $4  }
0x1ab: {  	[tilespmem:v1+s17+$0x0] =	vst.idx.add.f32.msk $0xffff, v5  }
0x1ac: {  	[tilespmem:v11+s17+$0x0] =	vst.idx.add.f32.msk $0xffff, v5  }
0x1ad: {  	[tilespmem:v23+s17+$0x0] =	vst.idx.add.f32.msk $0xffff, v5  }
0x1ae: {  	[tilespmem:v0+s17+$0x0] =	vst.idx.add.f32.msk $0xffff, v5  }
0x1af: {  	s25 =	sshll.u32 s22, $0xD  }
0x1b0: {  	s28 =	sshll.u32 s22, $0x7;
	s25 =	sand.u32 $0xFFFF0000, s25  }
0x1b1: {  	s28 =	sand.u32 $0x380, s28;
	s25 =	sadd.s32 s9, s25  }
0x1b2: {  	s25 =	sor.u32 s28, s25  }
0x1b3: {  	s25 =	sshrl.u32 s25, $0x3  }
0x1b4: {  	v0 =	vmov s22;
	s25 =	sadd.s32 s4, s25  }
0x1b5: {  	[hbm4b:s25+s18] =	stream.strided.scatter [tilespmem:s17], [sflag:$0x1], $0x2000, s19, s18, $0x38;
	[tilespmem:$0x12180] =	vst v63  }
0x1b6: {  	_ =	swait.ge [sflag:s12], $0x2000  }
0x1b7: {  	v1 =	vbroadcast v62, $0x0;
	[sflag:s12] =	ssyncset.done $0x0  }
0x1b8: {  	[sflag:s12] =	ssyncadd.s32 $0xFFFFE000  }
0x1b9: {  	s25 =	simm.s32 $0x10140;
	[tilespmem:v0+s20+$0x0] =	vst.idx.msk $0x1, v1  }
0x1ba: {  	[tilespmem:s25+$0xFFFFFFC0] =	vst v2  }
0x1bb: {  	[tilespmem:s25+$0x30] =	vst v2  }
0x1bc: {  	[tilespmem:s25+$0x20] =	vst v2  }
0x1bd: {  	[tilespmem:s25+$0x10] =	vst v2  }
0x1be: {  	[tilespmem:s25+$0x0] =	vst v2  }
0x1bf: {  	[tilespmem:s25+$0xFFFFFFF0] =	vst v2  }
0x1c0: {  	s28 =	simm.s32 $0x0;
	[tilespmem:s25+$0xFFFFFFE0] =	vst v2  }
.LBB2_12:
0x1c1: {  	s28 =	sadd.s32 $0x8, s28;
	[tilespmem:s25+$0xFFFFFFD0] =	vst v2;
	s25 =	sadd.s32 $0x80, s25  }
0x1c2: {  	[tilespmem:s25+$0xFFFFFFC0] =	vst v2;
	p0 =	slt.u32 s28, $0x1F8  }
0x1c3: {  	[tilespmem:s25+$0x30] =	vst v2  }
.Ltmp7:
0x1c4: {  	[tilespmem:s25+$0x20] =	vst v2;
	(pc) =	sbr.rel @p0 .LBB2_12-.Ltmp7, $4  }
0x1c5: {  	[tilespmem:s25+$0x10] =	vst v2  }
0x1c6: {  	[tilespmem:s25+$0x0] =	vst v2  }
0x1c7: {  	[tilespmem:s25+$0xFFFFFFF0] =	vst v2  }
0x1c8: {  	[tilespmem:s25+$0xFFFFFFE0] =	vst v2  }
0x1c9: {  	[tilespmem:s25+$0xFFFFFFD0] =	vst v2;
	s22 =	sadd.s32 $0x1, s22  }
.LBB2_14:
0x1ca: {  	v0 =	vbroadcast v22, $0x1  }
0x1cb: {  	v1 =	vbroadcast v21, $0x1  }
0x1cc: {  	v23 =	vbroadcast v20, $0x1;
	v11 =	vmul.f32 v0, v9  }
0x1cd: {  	v24 =	vmul.f32 v1, v8;
	v25 =	vmul.f32 v0, v13  }
0x1ce: {  	(v2sf) =	vpush v62, $0x2;
	v26 =	vmul.f32 v23, v7;
	v59 =	vmul.f32 v1, v12  }
0x1cf: {  	v27 =	vmul.f32 v0, v16;
	v0 =	vmul.f32 v0, v19;
	v11 =	vadd.f32 $6.400000000e+01, v11  }
0x1d0: {  	v60 =	vmul.f32 v23, v10;
	v61 =	vmul.f32 v1, v15;
	v25 =	vadd.f32 $6.400000000e+01, v25  }
0x1d1: {  	v1 =	vmul.f32 v1, v18;
	v0 =	vadd.f32 $6.400000000e+01, v0;
	v11 =	vadd.f32 v11, v24  }
0x1d2: {  	v63 =	vmul.f32 v23, v14;
	v27 =	vadd.f32 $6.400000000e+01, v27;
	v24 =	vadd.f32 v25, v59  }
0x1d3: {  	v23 =	vmul.f32 v23, v17;
	v0 =	vadd.f32 v0, v1;
	v11 =	vadd.f32 v11, v26  }
0x1d4: {  	v25 =	vadd.f32 v27, v61  }
0x1d5: {  	v24 =	vadd.f32 v24, v60;
	v0 =	vadd.f32 v0, v23;
	v11 =	vmax.f32 v11, $0.0e+00  }
0x1d6: {  	v1 =	vmin.f32 v11, $1.270000000e+02;
	v11 =	vadd.f32 v25, v63  }
0x1d7: {  	v24 =	vmax.f32 v24, $0.0e+00;
	v0 =	vmax.f32 v0, $0.0e+00  }
0x1d8: {  	v23 =	vmin.f32 v24, $1.270000000e+02;
	v1 =	vtrunc.f32 v1;
	v11 =	vmax.f32 v11, $0.0e+00  }
0x1d9: {  	v23 =	vtrunc.f32 v23;
	v1 =	vcvt.f32.s32 v1;
	v11 =	vmin.f32 v11, $1.270000000e+02  }
0x1da: {  	v0 =	vmin.f32 v0, $1.270000000e+02;
	v23 =	vcvt.f32.s32 v23;
	v11 =	vtrunc.f32 v11  }
0x1db: {  	v0 =	vtrunc.f32 v0;
	v1 =	vshll.u32 v1, $0x6;
	v11 =	vcvt.f32.s32 v11  }
0x1dc: {  	v0 =	vcvt.f32.s32 v0;
	v23 =	vshll.u32 v23, $0x6;
	v1 =	vor.u32 v49, v1  }
0x1dd: {  	v23 =	vor.u32 v3, v23;
	v11 =	vshll.u32 v11, $0x6  }
0x1de: {  	v0 =	vshll.u32 v0, $0x6;
	s25 =	spop (v2sf);
	v11 =	vor.u32 v4, v11  }
0x1df: {  	v0 =	vor.u32 v6, v0;
	p0 =	seq.s32 s25, s26  }
.Ltmp8:
0x1e0: {  	_ = 	snop;
	(pc) =	sbr.rel @p0 .LBB2_18-.Ltmp8, $4  }
0x1e1: {  	[tilespmem:v1+s17+$0x0] =	vst.idx.add.f32.msk $0xffff, v5  }
0x1e2: {  	[tilespmem:v23+s17+$0x0] =	vst.idx.add.f32.msk $0xffff, v5  }
0x1e3: {  	[tilespmem:v11+s17+$0x0] =	vst.idx.add.f32.msk $0xffff, v5  }
0x1e4: {  	[tilespmem:v0+s17+$0x0] =	vst.idx.add.f32.msk $0xffff, v5  }
0x1e5: {  	s26 =	sshll.u32 s22, $0xD  }
0x1e6: {  	s28 =	sshll.u32 s22, $0x7;
	s26 =	sand.u32 $0xFFFF0000, s26  }
0x1e7: {  	s28 =	sand.u32 $0x380, s28;
	s26 =	sadd.s32 s9, s26  }
0x1e8: {  	s26 =	sor.u32 s28, s26  }
0x1e9: {  	s26 =	sshrl.u32 s26, $0x3  }
0x1ea: {  	v0 =	vmov s22;
	s26 =	sadd.s32 s4, s26  }
0x1eb: {  	[hbm4b:s26+s18] =	stream.strided.scatter [tilespmem:s17], [sflag:$0x1], $0x2000, s19, s18, $0x38;
	[tilespmem:$0x12180] =	vst v63  }
0x1ec: {  	_ =	swait.ge [sflag:s12], $0x2000  }
0x1ed: {  	v1 =	vbroadcast v62, $0x1;
	[sflag:s12] =	ssyncset.done $0x0  }
0x1ee: {  	[sflag:s12] =	ssyncadd.s32 $0xFFFFE000  }
0x1ef: {  	s26 =	simm.s32 $0x10140;
	[tilespmem:v0+s20+$0x0] =	vst.idx.msk $0x1, v1  }
0x1f0: {  	[tilespmem:s26+$0xFFFFFFC0] =	vst v2  }
0x1f1: {  	[tilespmem:s26+$0x30] =	vst v2  }
0x1f2: {  	[tilespmem:s26+$0x20] =	vst v2  }
0x1f3: {  	[tilespmem:s26+$0x10] =	vst v2  }
0x1f4: {  	[tilespmem:s26+$0x0] =	vst v2  }
0x1f5: {  	[tilespmem:s26+$0xFFFFFFF0] =	vst v2  }
0x1f6: {  	s28 =	simm.s32 $0x0;
	[tilespmem:s26+$0xFFFFFFE0] =	vst v2  }
.LBB2_16:
0x1f7: {  	s28 =	sadd.s32 $0x8, s28;
	[tilespmem:s26+$0xFFFFFFD0] =	vst v2;
	s26 =	sadd.s32 $0x80, s26  }
0x1f8: {  	[tilespmem:s26+$0xFFFFFFC0] =	vst v2;
	p0 =	slt.u32 s28, $0x1F8  }
0x1f9: {  	[tilespmem:s26+$0x30] =	vst v2  }
.Ltmp9:
0x1fa: {  	[tilespmem:s26+$0x20] =	vst v2;
	(pc) =	sbr.rel @p0 .LBB2_16-.Ltmp9, $4  }
0x1fb: {  	[tilespmem:s26+$0x10] =	vst v2  }
0x1fc: {  	[tilespmem:s26+$0x0] =	vst v2  }
0x1fd: {  	[tilespmem:s26+$0xFFFFFFF0] =	vst v2  }
0x1fe: {  	[tilespmem:s26+$0xFFFFFFE0] =	vst v2  }
0x1ff: {  	[tilespmem:s26+$0xFFFFFFD0] =	vst v2;
	s22 =	sadd.s32 $0x1, s22  }
.LBB2_18:
0x200: {  	v0 =	vbroadcast v22, $0x2  }
0x201: {  	v1 =	vbroadcast v21, $0x2  }
0x202: {  	v23 =	vbroadcast v20, $0x2;
	v11 =	vmul.f32 v0, v9  }
0x203: {  	v24 =	vmul.f32 v1, v8;
	v25 =	vmul.f32 v0, v13  }
0x204: {  	(v2sf) =	vpush v62, $0x3;
	v26 =	vmul.f32 v23, v7;
	v59 =	vmul.f32 v1, v12  }
0x205: {  	v27 =	vmul.f32 v0, v16;
	v0 =	vmul.f32 v0, v19;
	v11 =	vadd.f32 $6.400000000e+01, v11  }
0x206: {  	v60 =	vmul.f32 v23, v10;
	v61 =	vmul.f32 v1, v15;
	v25 =	vadd.f32 $6.400000000e+01, v25  }
0x207: {  	v1 =	vmul.f32 v1, v18;
	v0 =	vadd.f32 $6.400000000e+01, v0;
	v11 =	vadd.f32 v11, v24  }
0x208: {  	v63 =	vmul.f32 v23, v14;
	v27 =	vadd.f32 $6.400000000e+01, v27;
	v24 =	vadd.f32 v25, v59  }
0x209: {  	v23 =	vmul.f32 v23, v17;
	v0 =	vadd.f32 v0, v1;
	v11 =	vadd.f32 v11, v26  }
0x20a: {  	v25 =	vadd.f32 v27, v61  }
0x20b: {  	v24 =	vadd.f32 v24, v60;
	v0 =	vadd.f32 v0, v23;
	v11 =	vmax.f32 v11, $0.0e+00  }
0x20c: {  	v1 =	vmin.f32 v11, $1.270000000e+02;
	v11 =	vadd.f32 v25, v63  }
0x20d: {  	v24 =	vmax.f32 v24, $0.0e+00;
	v0 =	vmax.f32 v0, $0.0e+00  }
0x20e: {  	v23 =	vmin.f32 v24, $1.270000000e+02;
	v1 =	vtrunc.f32 v1;
	v11 =	vmax.f32 v11, $0.0e+00  }
0x20f: {  	v23 =	vtrunc.f32 v23;
	v1 =	vcvt.f32.s32 v1;
	v11 =	vmin.f32 v11, $1.270000000e+02  }
0x210: {  	v0 =	vmin.f32 v0, $1.270000000e+02;
	v23 =	vcvt.f32.s32 v23;
	v11 =	vtrunc.f32 v11  }
0x211: {  	v0 =	vtrunc.f32 v0;
	v1 =	vshll.u32 v1, $0x6;
	v11 =	vcvt.f32.s32 v11  }
0x212: {  	v0 =	vcvt.f32.s32 v0;
	v23 =	vshll.u32 v23, $0x6;
	v1 =	vor.u32 v49, v1  }
0x213: {  	v23 =	vor.u32 v3, v23;
	v11 =	vshll.u32 v11, $0x6  }
0x214: {  	v0 =	vshll.u32 v0, $0x6;
	s26 =	spop (v2sf);
	v11 =	vor.u32 v4, v11  }
0x215: {  	v0 =	vor.u32 v6, v0;
	p0 =	seq.s32 s26, s25  }
.Ltmp10:
0x216: {  	_ = 	snop;
	(pc) =	sbr.rel @p0 .LBB2_22-.Ltmp10, $4  }
0x217: {  	[tilespmem:v1+s17+$0x0] =	vst.idx.add.f32.msk $0xffff, v5  }
0x218: {  	[tilespmem:v23+s17+$0x0] =	vst.idx.add.f32.msk $0xffff, v5  }
0x219: {  	[tilespmem:v11+s17+$0x0] =	vst.idx.add.f32.msk $0xffff, v5  }
0x21a: {  	[tilespmem:v0+s17+$0x0] =	vst.idx.add.f32.msk $0xffff, v5  }
0x21b: {  	s25 =	sshll.u32 s22, $0xD  }
0x21c: {  	s28 =	sshll.u32 s22, $0x7;
	s25 =	sand.u32 $0xFFFF0000, s25  }
0x21d: {  	s28 =	sand.u32 $0x380, s28;
	s25 =	sadd.s32 s9, s25  }
0x21e: {  	s25 =	sor.u32 s28, s25  }
0x21f: {  	s25 =	sshrl.u32 s25, $0x3  }
0x220: {  	v0 =	vmov s22;
	s25 =	sadd.s32 s4, s25  }
0x221: {  	[hbm4b:s25+s18] =	stream.strided.scatter [tilespmem:s17], [sflag:$0x1], $0x2000, s19, s18, $0x38;
	[tilespmem:$0x12180] =	vst v63  }
0x222: {  	_ =	swait.ge [sflag:s12], $0x2000  }
0x223: {  	v1 =	vbroadcast v62, $0x2;
	[sflag:s12] =	ssyncset.done $0x0  }
0x224: {  	[sflag:s12] =	ssyncadd.s32 $0xFFFFE000  }
0x225: {  	s25 =	simm.s32 $0x10140;
	[tilespmem:v0+s20+$0x0] =	vst.idx.msk $0x1, v1  }
0x226: {  	[tilespmem:s25+$0xFFFFFFC0] =	vst v2  }
0x227: {  	[tilespmem:s25+$0x30] =	vst v2  }
0x228: {  	[tilespmem:s25+$0x20] =	vst v2  }
0x229: {  	[tilespmem:s25+$0x10] =	vst v2  }
0x22a: {  	[tilespmem:s25+$0x0] =	vst v2  }
0x22b: {  	[tilespmem:s25+$0xFFFFFFF0] =	vst v2  }
0x22c: {  	s28 =	simm.s32 $0x0;
	[tilespmem:s25+$0xFFFFFFE0] =	vst v2  }
.LBB2_20:
0x22d: {  	s28 =	sadd.s32 $0x8, s28;
	[tilespmem:s25+$0xFFFFFFD0] =	vst v2;
	s25 =	sadd.s32 $0x80, s25  }
0x22e: {  	[tilespmem:s25+$0xFFFFFFC0] =	vst v2;
	p0 =	slt.u32 s28, $0x1F8  }
0x22f: {  	[tilespmem:s25+$0x30] =	vst v2  }
.Ltmp11:
0x230: {  	[tilespmem:s25+$0x20] =	vst v2;
	(pc) =	sbr.rel @p0 .LBB2_20-.Ltmp11, $4  }
0x231: {  	[tilespmem:s25+$0x10] =	vst v2  }
0x232: {  	[tilespmem:s25+$0x0] =	vst v2  }
0x233: {  	[tilespmem:s25+$0xFFFFFFF0] =	vst v2  }
0x234: {  	[tilespmem:s25+$0xFFFFFFE0] =	vst v2  }
0x235: {  	[tilespmem:s25+$0xFFFFFFD0] =	vst v2;
	s22 =	sadd.s32 $0x1, s22  }
.LBB2_22:
0x236: {  	v0 =	vbroadcast v22, $0x3  }
0x237: {  	v1 =	vbroadcast v21, $0x3  }
0x238: {  	v23 =	vbroadcast v20, $0x3;
	v11 =	vmul.f32 v0, v9  }
0x239: {  	v24 =	vmul.f32 v1, v8;
	v25 =	vmul.f32 v0, v13  }
0x23a: {  	(v2sf) =	vpush v62, $0x4;
	v26 =	vmul.f32 v23, v7;
	v59 =	vmul.f32 v1, v12  }
0x23b: {  	v27 =	vmul.f32 v0, v16;
	v0 =	vmul.f32 v0, v19;
	v11 =	vadd.f32 $6.400000000e+01, v11  }
0x23c: {  	v60 =	vmul.f32 v23, v10;
	v61 =	vmul.f32 v1, v15;
	v25 =	vadd.f32 $6.400000000e+01, v25  }
0x23d: {  	v1 =	vmul.f32 v1, v18;
	v0 =	vadd.f32 $6.400000000e+01, v0;
	v11 =	vadd.f32 v11, v24  }
0x23e: {  	v63 =	vmul.f32 v23, v14;
	v27 =	vadd.f32 $6.400000000e+01, v27;
	v24 =	vadd.f32 v25, v59  }
0x23f: {  	v23 =	vmul.f32 v23, v17;
	v0 =	vadd.f32 v0, v1;
	v11 =	vadd.f32 v11, v26  }
0x240: {  	v25 =	vadd.f32 v27, v61  }
0x241: {  	v24 =	vadd.f32 v24, v60;
	v0 =	vadd.f32 v0, v23;
	v11 =	vmax.f32 v11, $0.0e+00  }
0x242: {  	v1 =	vmin.f32 v11, $1.270000000e+02;
	v11 =	vadd.f32 v25, v63  }
0x243: {  	v24 =	vmax.f32 v24, $0.0e+00;
	v0 =	vmax.f32 v0, $0.0e+00  }
0x244: {  	v23 =	vmin.f32 v24, $1.270000000e+02;
	v1 =	vtrunc.f32 v1;
	v11 =	vmax.f32 v11, $0.0e+00  }
0x245: {  	v23 =	vtrunc.f32 v23;
	v1 =	vcvt.f32.s32 v1;
	v11 =	vmin.f32 v11, $1.270000000e+02  }
0x246: {  	v0 =	vmin.f32 v0, $1.270000000e+02;
	v23 =	vcvt.f32.s32 v23;
	v11 =	vtrunc.f32 v11  }
0x247: {  	v0 =	vtrunc.f32 v0;
	v1 =	vshll.u32 v1, $0x6;
	v11 =	vcvt.f32.s32 v11  }
0x248: {  	v0 =	vcvt.f32.s32 v0;
	v23 =	vshll.u32 v23, $0x6;
	v1 =	vor.u32 v49, v1  }
0x249: {  	v23 =	vor.u32 v3, v23;
	v11 =	vshll.u32 v11, $0x6  }
0x24a: {  	v0 =	vshll.u32 v0, $0x6;
	s25 =	spop (v2sf);
	v11 =	vor.u32 v4, v11  }
0x24b: {  	v0 =	vor.u32 v6, v0;
	p0 =	seq.s32 s25, s26  }
.Ltmp12:
0x24c: {  	_ = 	snop;
	(pc) =	sbr.rel @p0 .LBB2_26-.Ltmp12, $4  }
0x24d: {  	[tilespmem:v1+s17+$0x0] =	vst.idx.add.f32.msk $0xffff, v5  }
0x24e: {  	[tilespmem:v23+s17+$0x0] =	vst.idx.add.f32.msk $0xffff, v5  }
0x24f: {  	[tilespmem:v11+s17+$0x0] =	vst.idx.add.f32.msk $0xffff, v5  }
0x250: {  	[tilespmem:v0+s17+$0x0] =	vst.idx.add.f32.msk $0xffff, v5  }
0x251: {  	s26 =	sshll.u32 s22, $0xD  }
0x252: {  	s28 =	sshll.u32 s22, $0x7;
	s26 =	sand.u32 $0xFFFF0000, s26  }
0x253: {  	s28 =	sand.u32 $0x380, s28;
	s26 =	sadd.s32 s9, s26  }
0x254: {  	s26 =	sor.u32 s28, s26  }
0x255: {  	s26 =	sshrl.u32 s26, $0x3  }
0x256: {  	v0 =	vmov s22;
	s26 =	sadd.s32 s4, s26  }
0x257: {  	[hbm4b:s26+s18] =	stream.strided.scatter [tilespmem:s17], [sflag:$0x1], $0x2000, s19, s18, $0x38;
	[tilespmem:$0x12180] =	vst v63  }
0x258: {  	_ =	swait.ge [sflag:s12], $0x2000  }
0x259: {  	v1 =	vbroadcast v62, $0x3;
	[sflag:s12] =	ssyncset.done $0x0  }
0x25a: {  	[sflag:s12] =	ssyncadd.s32 $0xFFFFE000  }
0x25b: {  	s26 =	simm.s32 $0x10140;
	[tilespmem:v0+s20+$0x0] =	vst.idx.msk $0x1, v1  }
0x25c: {  	[tilespmem:s26+$0xFFFFFFC0] =	vst v2  }
0x25d: {  	[tilespmem:s26+$0x30] =	vst v2  }
0x25e: {  	[tilespmem:s26+$0x20] =	vst v2  }
0x25f: {  	[tilespmem:s26+$0x10] =	vst v2  }
0x260: {  	[tilespmem:s26+$0x0] =	vst v2  }
0x261: {  	[tilespmem:s26+$0xFFFFFFF0] =	vst v2  }
0x262: {  	s28 =	simm.s32 $0x0;
	[tilespmem:s26+$0xFFFFFFE0] =	vst v2  }
.LBB2_24:
0x263: {  	s28 =	sadd.s32 $0x8, s28;
	[tilespmem:s26+$0xFFFFFFD0] =	vst v2;
	s26 =	sadd.s32 $0x80, s26  }
0x264: {  	[tilespmem:s26+$0xFFFFFFC0] =	vst v2;
	p0 =	slt.u32 s28, $0x1F8  }
0x265: {  	[tilespmem:s26+$0x30] =	vst v2  }
.Ltmp13:
0x266: {  	[tilespmem:s26+$0x20] =	vst v2;
	(pc) =	sbr.rel @p0 .LBB2_24-.Ltmp13, $4  }
0x267: {  	[tilespmem:s26+$0x10] =	vst v2  }
0x268: {  	[tilespmem:s26+$0x0] =	vst v2  }
0x269: {  	[tilespmem:s26+$0xFFFFFFF0] =	vst v2  }
0x26a: {  	[tilespmem:s26+$0xFFFFFFE0] =	vst v2  }
0x26b: {  	[tilespmem:s26+$0xFFFFFFD0] =	vst v2;
	s22 =	sadd.s32 $0x1, s22  }
.LBB2_26:
0x26c: {  	v0 =	vbroadcast v22, $0x4  }
0x26d: {  	v1 =	vbroadcast v21, $0x4  }
0x26e: {  	v23 =	vbroadcast v20, $0x4;
	v11 =	vmul.f32 v0, v9  }
0x26f: {  	v24 =	vmul.f32 v1, v8;
	v25 =	vmul.f32 v0, v13  }
0x270: {  	(v2sf) =	vpush v62, $0x5;
	v26 =	vmul.f32 v23, v7;
	v59 =	vmul.f32 v1, v12  }
0x271: {  	v27 =	vmul.f32 v0, v16;
	v0 =	vmul.f32 v0, v19;
	v11 =	vadd.f32 $6.400000000e+01, v11  }
0x272: {  	v60 =	vmul.f32 v23, v10;
	v61 =	vmul.f32 v1, v15;
	v25 =	vadd.f32 $6.400000000e+01, v25  }
0x273: {  	v1 =	vmul.f32 v1, v18;
	v0 =	vadd.f32 $6.400000000e+01, v0;
	v11 =	vadd.f32 v11, v24  }
0x274: {  	v63 =	vmul.f32 v23, v14;
	v27 =	vadd.f32 $6.400000000e+01, v27;
	v24 =	vadd.f32 v25, v59  }
0x275: {  	v23 =	vmul.f32 v23, v17;
	v0 =	vadd.f32 v0, v1;
	v11 =	vadd.f32 v11, v26  }
0x276: {  	v25 =	vadd.f32 v27, v61  }
0x277: {  	v24 =	vadd.f32 v24, v60;
	v0 =	vadd.f32 v0, v23;
	v11 =	vmax.f32 v11, $0.0e+00  }
0x278: {  	v1 =	vmin.f32 v11, $1.270000000e+02;
	v11 =	vadd.f32 v25, v63  }
0x279: {  	v24 =	vmax.f32 v24, $0.0e+00;
	v0 =	vmax.f32 v0, $0.0e+00  }
0x27a: {  	v23 =	vmin.f32 v24, $1.270000000e+02;
	v1 =	vtrunc.f32 v1;
	v11 =	vmax.f32 v11, $0.0e+00  }
0x27b: {  	v23 =	vtrunc.f32 v23;
	v1 =	vcvt.f32.s32 v1;
	v11 =	vmin.f32 v11, $1.270000000e+02  }
0x27c: {  	v0 =	vmin.f32 v0, $1.270000000e+02;
	v23 =	vcvt.f32.s32 v23;
	v11 =	vtrunc.f32 v11  }
0x27d: {  	v0 =	vtrunc.f32 v0;
	v1 =	vshll.u32 v1, $0x6;
	v11 =	vcvt.f32.s32 v11  }
0x27e: {  	v0 =	vcvt.f32.s32 v0;
	v23 =	vshll.u32 v23, $0x6;
	v1 =	vor.u32 v49, v1  }
0x27f: {  	v23 =	vor.u32 v3, v23;
	v11 =	vshll.u32 v11, $0x6  }
0x280: {  	v0 =	vshll.u32 v0, $0x6;
	s26 =	spop (v2sf);
	v11 =	vor.u32 v4, v11  }
0x281: {  	v0 =	vor.u32 v6, v0;
	p0 =	seq.s32 s26, s25  }
.Ltmp14:
0x282: {  	_ = 	snop;
	(pc) =	sbr.rel @p0 .LBB2_30-.Ltmp14, $4  }
0x283: {  	[tilespmem:v1+s17+$0x0] =	vst.idx.add.f32.msk $0xffff, v5  }
0x284: {  	[tilespmem:v23+s17+$0x0] =	vst.idx.add.f32.msk $0xffff, v5  }
0x285: {  	[tilespmem:v11+s17+$0x0] =	vst.idx.add.f32.msk $0xffff, v5  }
0x286: {  	[tilespmem:v0+s17+$0x0] =	vst.idx.add.f32.msk $0xffff, v5  }
0x287: {  	s25 =	sshll.u32 s22, $0xD  }
0x288: {  	s28 =	sshll.u32 s22, $0x7;
	s25 =	sand.u32 $0xFFFF0000, s25  }
0x289: {  	s28 =	sand.u32 $0x380, s28;
	s25 =	sadd.s32 s9, s25  }
0x28a: {  	s25 =	sor.u32 s28, s25  }
0x28b: {  	s25 =	sshrl.u32 s25, $0x3  }
0x28c: {  	v0 =	vmov s22;
	s25 =	sadd.s32 s4, s25  }
0x28d: {  	[hbm4b:s25+s18] =	stream.strided.scatter [tilespmem:s17], [sflag:$0x1], $0x2000, s19, s18, $0x38;
	[tilespmem:$0x12180] =	vst v63  }
0x28e: {  	_ =	swait.ge [sflag:s12], $0x2000  }
0x28f: {  	v1 =	vbroadcast v62, $0x4;
	[sflag:s12] =	ssyncset.done $0x0  }
0x290: {  	[sflag:s12] =	ssyncadd.s32 $0xFFFFE000  }
0x291: {  	s25 =	simm.s32 $0x10140;
	[tilespmem:v0+s20+$0x0] =	vst.idx.msk $0x1, v1  }
0x292: {  	[tilespmem:s25+$0xFFFFFFC0] =	vst v2  }
0x293: {  	[tilespmem:s25+$0x30] =	vst v2  }
0x294: {  	[tilespmem:s25+$0x20] =	vst v2  }
0x295: {  	[tilespmem:s25+$0x10] =	vst v2  }
0x296: {  	[tilespmem:s25+$0x0] =	vst v2  }
0x297: {  	[tilespmem:s25+$0xFFFFFFF0] =	vst v2  }
0x298: {  	s28 =	simm.s32 $0x0;
	[tilespmem:s25+$0xFFFFFFE0] =	vst v2  }
.LBB2_28:
0x299: {  	s28 =	sadd.s32 $0x8, s28;
	[tilespmem:s25+$0xFFFFFFD0] =	vst v2;
	s25 =	sadd.s32 $0x80, s25  }
0x29a: {  	[tilespmem:s25+$0xFFFFFFC0] =	vst v2;
	p0 =	slt.u32 s28, $0x1F8  }
0x29b: {  	[tilespmem:s25+$0x30] =	vst v2  }
.Ltmp15:
0x29c: {  	[tilespmem:s25+$0x20] =	vst v2;
	(pc) =	sbr.rel @p0 .LBB2_28-.Ltmp15, $4  }
0x29d: {  	[tilespmem:s25+$0x10] =	vst v2  }
0x29e: {  	[tilespmem:s25+$0x0] =	vst v2  }
0x29f: {  	[tilespmem:s25+$0xFFFFFFF0] =	vst v2  }
0x2a0: {  	[tilespmem:s25+$0xFFFFFFE0] =	vst v2  }
0x2a1: {  	[tilespmem:s25+$0xFFFFFFD0] =	vst v2;
	s22 =	sadd.s32 $0x1, s22  }
.LBB2_30:
0x2a2: {  	v0 =	vbroadcast v22, $0x5  }
0x2a3: {  	v1 =	vbroadcast v21, $0x5  }
0x2a4: {  	v23 =	vbroadcast v20, $0x5;
	v11 =	vmul.f32 v0, v9  }
0x2a5: {  	v24 =	vmul.f32 v1, v8;
	v25 =	vmul.f32 v0, v13  }
0x2a6: {  	(v2sf) =	vpush v62, $0x6;
	v26 =	vmul.f32 v23, v7;
	v59 =	vmul.f32 v1, v12  }
0x2a7: {  	v27 =	vmul.f32 v0, v16;
	v0 =	vmul.f32 v0, v19;
	v11 =	vadd.f32 $6.400000000e+01, v11  }
0x2a8: {  	v60 =	vmul.f32 v23, v10;
	v61 =	vmul.f32 v1, v15;
	v25 =	vadd.f32 $6.400000000e+01, v25  }
0x2a9: {  	v1 =	vmul.f32 v1, v18;
	v0 =	vadd.f32 $6.400000000e+01, v0;
	v11 =	vadd.f32 v11, v24  }
0x2aa: {  	v63 =	vmul.f32 v23, v14;
	v27 =	vadd.f32 $6.400000000e+01, v27;
	v24 =	vadd.f32 v25, v59  }
0x2ab: {  	v23 =	vmul.f32 v23, v17;
	v0 =	vadd.f32 v0, v1;
	v11 =	vadd.f32 v11, v26  }
0x2ac: {  	v25 =	vadd.f32 v27, v61  }
0x2ad: {  	v24 =	vadd.f32 v24, v60;
	v0 =	vadd.f32 v0, v23;
	v11 =	vmax.f32 v11, $0.0e+00  }
0x2ae: {  	v1 =	vmin.f32 v11, $1.270000000e+02;
	v11 =	vadd.f32 v25, v63  }
0x2af: {  	v24 =	vmax.f32 v24, $0.0e+00;
	v0 =	vmax.f32 v0, $0.0e+00  }
0x2b0: {  	v23 =	vmin.f32 v24, $1.270000000e+02;
	v1 =	vtrunc.f32 v1;
	v11 =	vmax.f32 v11, $0.0e+00  }
0x2b1: {  	v23 =	vtrunc.f32 v23;
	v1 =	vcvt.f32.s32 v1;
	v11 =	vmin.f32 v11, $1.270000000e+02  }
0x2b2: {  	v0 =	vmin.f32 v0, $1.270000000e+02;
	v23 =	vcvt.f32.s32 v23;
	v11 =	vtrunc.f32 v11  }
0x2b3: {  	v0 =	vtrunc.f32 v0;
	v1 =	vshll.u32 v1, $0x6;
	v11 =	vcvt.f32.s32 v11  }
0x2b4: {  	v0 =	vcvt.f32.s32 v0;
	v23 =	vshll.u32 v23, $0x6;
	v1 =	vor.u32 v49, v1  }
0x2b5: {  	v23 =	vor.u32 v3, v23;
	v11 =	vshll.u32 v11, $0x6  }
0x2b6: {  	v0 =	vshll.u32 v0, $0x6;
	s25 =	spop (v2sf);
	v11 =	vor.u32 v4, v11  }
0x2b7: {  	v0 =	vor.u32 v6, v0;
	p0 =	seq.s32 s25, s26  }
.Ltmp16:
0x2b8: {  	_ = 	snop;
	(pc) =	sbr.rel @p0 .LBB2_34-.Ltmp16, $4  }
0x2b9: {  	[tilespmem:v1+s17+$0x0] =	vst.idx.add.f32.msk $0xffff, v5  }
0x2ba: {  	[tilespmem:v23+s17+$0x0] =	vst.idx.add.f32.msk $0xffff, v5  }
0x2bb: {  	[tilespmem:v11+s17+$0x0] =	vst.idx.add.f32.msk $0xffff, v5  }
0x2bc: {  	[tilespmem:v0+s17+$0x0] =	vst.idx.add.f32.msk $0xffff, v5  }
0x2bd: {  	s26 =	sshll.u32 s22, $0xD  }
0x2be: {  	s28 =	sshll.u32 s22, $0x7;
	s26 =	sand.u32 $0xFFFF0000, s26  }
0x2bf: {  	s28 =	sand.u32 $0x380, s28;
	s26 =	sadd.s32 s9, s26  }
0x2c0: {  	s26 =	sor.u32 s28, s26  }
0x2c1: {  	s26 =	sshrl.u32 s26, $0x3  }
0x2c2: {  	v0 =	vmov s22;
	s26 =	sadd.s32 s4, s26  }
0x2c3: {  	[hbm4b:s26+s18] =	stream.strided.scatter [tilespmem:s17], [sflag:$0x1], $0x2000, s19, s18, $0x38;
	[tilespmem:$0x12180] =	vst v63  }
0x2c4: {  	_ =	swait.ge [sflag:s12], $0x2000  }
0x2c5: {  	v1 =	vbroadcast v62, $0x5;
	[sflag:s12] =	ssyncset.done $0x0  }
0x2c6: {  	[sflag:s12] =	ssyncadd.s32 $0xFFFFE000  }
0x2c7: {  	s26 =	simm.s32 $0x10140;
	[tilespmem:v0+s20+$0x0] =	vst.idx.msk $0x1, v1  }
0x2c8: {  	[tilespmem:s26+$0xFFFFFFC0] =	vst v2  }
0x2c9: {  	[tilespmem:s26+$0x30] =	vst v2  }
0x2ca: {  	[tilespmem:s26+$0x20] =	vst v2  }
0x2cb: {  	[tilespmem:s26+$0x10] =	vst v2  }
0x2cc: {  	[tilespmem:s26+$0x0] =	vst v2  }
0x2cd: {  	[tilespmem:s26+$0xFFFFFFF0] =	vst v2  }
0x2ce: {  	s28 =	simm.s32 $0x0;
	[tilespmem:s26+$0xFFFFFFE0] =	vst v2  }
.LBB2_32:
0x2cf: {  	s28 =	sadd.s32 $0x8, s28;
	[tilespmem:s26+$0xFFFFFFD0] =	vst v2;
	s26 =	sadd.s32 $0x80, s26  }
0x2d0: {  	[tilespmem:s26+$0xFFFFFFC0] =	vst v2;
	p0 =	slt.u32 s28, $0x1F8  }
0x2d1: {  	[tilespmem:s26+$0x30] =	vst v2  }
.Ltmp17:
0x2d2: {  	[tilespmem:s26+$0x20] =	vst v2;
	(pc) =	sbr.rel @p0 .LBB2_32-.Ltmp17, $4  }
0x2d3: {  	[tilespmem:s26+$0x10] =	vst v2  }
0x2d4: {  	[tilespmem:s26+$0x0] =	vst v2  }
0x2d5: {  	[tilespmem:s26+$0xFFFFFFF0] =	vst v2  }
0x2d6: {  	[tilespmem:s26+$0xFFFFFFE0] =	vst v2  }
0x2d7: {  	[tilespmem:s26+$0xFFFFFFD0] =	vst v2;
	s22 =	sadd.s32 $0x1, s22  }
.LBB2_34:
0x2d8: {  	v0 =	vbroadcast v22, $0x6  }
0x2d9: {  	v1 =	vbroadcast v21, $0x6  }
0x2da: {  	v23 =	vbroadcast v20, $0x6;
	v11 =	vmul.f32 v0, v9  }
0x2db: {  	v24 =	vmul.f32 v1, v8;
	v25 =	vmul.f32 v0, v13  }
0x2dc: {  	(v2sf) =	vpush v62, $0x7;
	v26 =	vmul.f32 v23, v7;
	v59 =	vmul.f32 v1, v12  }
0x2dd: {  	v27 =	vmul.f32 v0, v16;
	v0 =	vmul.f32 v0, v19;
	v11 =	vadd.f32 $6.400000000e+01, v11  }
0x2de: {  	v60 =	vmul.f32 v23, v10;
	v61 =	vmul.f32 v1, v15;
	v25 =	vadd.f32 $6.400000000e+01, v25  }
0x2df: {  	v1 =	vmul.f32 v1, v18;
	v0 =	vadd.f32 $6.400000000e+01, v0;
	v11 =	vadd.f32 v11, v24  }
0x2e0: {  	v63 =	vmul.f32 v23, v14;
	v27 =	vadd.f32 $6.400000000e+01, v27;
	v24 =	vadd.f32 v25, v59  }
0x2e1: {  	v23 =	vmul.f32 v23, v17;
	v0 =	vadd.f32 v0, v1;
	v11 =	vadd.f32 v11, v26  }
0x2e2: {  	v25 =	vadd.f32 v27, v61  }
0x2e3: {  	v24 =	vadd.f32 v24, v60;
	v0 =	vadd.f32 v0, v23;
	v11 =	vmax.f32 v11, $0.0e+00  }
0x2e4: {  	v1 =	vmin.f32 v11, $1.270000000e+02;
	v11 =	vadd.f32 v25, v63  }
0x2e5: {  	v24 =	vmax.f32 v24, $0.0e+00;
	v0 =	vmax.f32 v0, $0.0e+00  }
0x2e6: {  	v23 =	vmin.f32 v24, $1.270000000e+02;
	v1 =	vtrunc.f32 v1;
	v11 =	vmax.f32 v11, $0.0e+00  }
0x2e7: {  	v23 =	vtrunc.f32 v23;
	v1 =	vcvt.f32.s32 v1;
	v11 =	vmin.f32 v11, $1.270000000e+02  }
0x2e8: {  	v0 =	vmin.f32 v0, $1.270000000e+02;
	v23 =	vcvt.f32.s32 v23;
	v11 =	vtrunc.f32 v11  }
0x2e9: {  	v0 =	vtrunc.f32 v0;
	v1 =	vshll.u32 v1, $0x6;
	v11 =	vcvt.f32.s32 v11  }
0x2ea: {  	v0 =	vcvt.f32.s32 v0;
	v23 =	vshll.u32 v23, $0x6;
	v1 =	vor.u32 v49, v1  }
0x2eb: {  	v23 =	vor.u32 v3, v23;
	v11 =	vshll.u32 v11, $0x6  }
0x2ec: {  	v0 =	vshll.u32 v0, $0x6;
	s26 =	spop (v2sf);
	v11 =	vor.u32 v4, v11  }
0x2ed: {  	v0 =	vor.u32 v6, v0;
	p0 =	seq.s32 s26, s25  }
.Ltmp18:
0x2ee: {  	_ = 	snop;
	(pc) =	sbr.rel @p0 .LBB2_38-.Ltmp18, $4  }
0x2ef: {  	[tilespmem:v1+s17+$0x0] =	vst.idx.add.f32.msk $0xffff, v5  }
0x2f0: {  	[tilespmem:v23+s17+$0x0] =	vst.idx.add.f32.msk $0xffff, v5  }
0x2f1: {  	[tilespmem:v11+s17+$0x0] =	vst.idx.add.f32.msk $0xffff, v5  }
0x2f2: {  	[tilespmem:v0+s17+$0x0] =	vst.idx.add.f32.msk $0xffff, v5  }
0x2f3: {  	s25 =	sshll.u32 s22, $0xD  }
0x2f4: {  	s28 =	sshll.u32 s22, $0x7;
	s25 =	sand.u32 $0xFFFF0000, s25  }
0x2f5: {  	s28 =	sand.u32 $0x380, s28;
	s25 =	sadd.s32 s9, s25  }
0x2f6: {  	s25 =	sor.u32 s28, s25  }
0x2f7: {  	s25 =	sshrl.u32 s25, $0x3  }
0x2f8: {  	v0 =	vmov s22;
	s25 =	sadd.s32 s4, s25  }
0x2f9: {  	[hbm4b:s25+s18] =	stream.strided.scatter [tilespmem:s17], [sflag:$0x1], $0x2000, s19, s18, $0x38;
	[tilespmem:$0x12180] =	vst v63  }
0x2fa: {  	_ =	swait.ge [sflag:s12], $0x2000  }
0x2fb: {  	v1 =	vbroadcast v62, $0x6;
	[sflag:s12] =	ssyncset.done $0x0  }
0x2fc: {  	[sflag:s12] =	ssyncadd.s32 $0xFFFFE000  }
0x2fd: {  	s25 =	simm.s32 $0x10140;
	[tilespmem:v0+s20+$0x0] =	vst.idx.msk $0x1, v1  }
0x2fe: {  	[tilespmem:s25+$0xFFFFFFC0] =	vst v2  }
0x2ff: {  	[tilespmem:s25+$0x30] =	vst v2  }
0x300: {  	[tilespmem:s25+$0x20] =	vst v2  }
0x301: {  	[tilespmem:s25+$0x10] =	vst v2  }
0x302: {  	[tilespmem:s25+$0x0] =	vst v2  }
0x303: {  	[tilespmem:s25+$0xFFFFFFF0] =	vst v2  }
0x304: {  	s28 =	simm.s32 $0x0;
	[tilespmem:s25+$0xFFFFFFE0] =	vst v2  }
.LBB2_36:
0x305: {  	s28 =	sadd.s32 $0x8, s28;
	[tilespmem:s25+$0xFFFFFFD0] =	vst v2;
	s25 =	sadd.s32 $0x80, s25  }
0x306: {  	[tilespmem:s25+$0xFFFFFFC0] =	vst v2;
	p0 =	slt.u32 s28, $0x1F8  }
0x307: {  	[tilespmem:s25+$0x30] =	vst v2  }
.Ltmp19:
0x308: {  	[tilespmem:s25+$0x20] =	vst v2;
	(pc) =	sbr.rel @p0 .LBB2_36-.Ltmp19, $4  }
0x309: {  	[tilespmem:s25+$0x10] =	vst v2  }
0x30a: {  	[tilespmem:s25+$0x0] =	vst v2  }
0x30b: {  	[tilespmem:s25+$0xFFFFFFF0] =	vst v2  }
0x30c: {  	[tilespmem:s25+$0xFFFFFFE0] =	vst v2  }
0x30d: {  	[tilespmem:s25+$0xFFFFFFD0] =	vst v2;
	s22 =	sadd.s32 $0x1, s22  }
.LBB2_38:
0x30e: {  	v0 =	vbroadcast v22, $0x7  }
0x30f: {  	v1 =	vbroadcast v21, $0x7  }
0x310: {  	v23 =	vbroadcast v20, $0x7;
	v11 =	vmul.f32 v0, v9  }
0x311: {  	v24 =	vmul.f32 v1, v8;
	v25 =	vmul.f32 v0, v13  }
0x312: {  	(v2sf) =	vpush v62, $0x8;
	v26 =	vmul.f32 v23, v7;
	v59 =	vmul.f32 v1, v12  }
0x313: {  	v27 =	vmul.f32 v0, v16;
	v0 =	vmul.f32 v0, v19;
	v11 =	vadd.f32 $6.400000000e+01, v11  }
0x314: {  	v60 =	vmul.f32 v23, v10;
	v61 =	vmul.f32 v1, v15;
	v25 =	vadd.f32 $6.400000000e+01, v25  }
0x315: {  	v1 =	vmul.f32 v1, v18;
	v0 =	vadd.f32 $6.400000000e+01, v0;
	v11 =	vadd.f32 v11, v24  }
0x316: {  	v63 =	vmul.f32 v23, v14;
	v27 =	vadd.f32 $6.400000000e+01, v27;
	v24 =	vadd.f32 v25, v59  }
0x317: {  	v23 =	vmul.f32 v23, v17;
	v0 =	vadd.f32 v0, v1;
	v11 =	vadd.f32 v11, v26  }
0x318: {  	v25 =	vadd.f32 v27, v61  }
0x319: {  	v24 =	vadd.f32 v24, v60;
	v0 =	vadd.f32 v0, v23;
	v11 =	vmax.f32 v11, $0.0e+00  }
0x31a: {  	v1 =	vmin.f32 v11, $1.270000000e+02;
	v11 =	vadd.f32 v25, v63  }
0x31b: {  	v24 =	vmax.f32 v24, $0.0e+00;
	v0 =	vmax.f32 v0, $0.0e+00  }
0x31c: {  	v23 =	vmin.f32 v24, $1.270000000e+02;
	v1 =	vtrunc.f32 v1;
	v11 =	vmax.f32 v11, $0.0e+00  }
0x31d: {  	v23 =	vtrunc.f32 v23;
	v1 =	vcvt.f32.s32 v1;
	v11 =	vmin.f32 v11, $1.270000000e+02  }
0x31e: {  	v0 =	vmin.f32 v0, $1.270000000e+02;
	v23 =	vcvt.f32.s32 v23;
	v11 =	vtrunc.f32 v11  }
0x31f: {  	v0 =	vtrunc.f32 v0;
	v1 =	vshll.u32 v1, $0x6;
	v11 =	vcvt.f32.s32 v11  }
0x320: {  	v0 =	vcvt.f32.s32 v0;
	v23 =	vshll.u32 v23, $0x6;
	v1 =	vor.u32 v49, v1  }
0x321: {  	v23 =	vor.u32 v3, v23;
	v11 =	vshll.u32 v11, $0x6  }
0x322: {  	v0 =	vshll.u32 v0, $0x6;
	s25 =	spop (v2sf);
	v11 =	vor.u32 v4, v11  }
0x323: {  	v0 =	vor.u32 v6, v0;
	p0 =	seq.s32 s25, s26  }
.Ltmp20:
0x324: {  	_ = 	snop;
	(pc) =	sbr.rel @p0 .LBB2_42-.Ltmp20, $4  }
0x325: {  	[tilespmem:v1+s17+$0x0] =	vst.idx.add.f32.msk $0xffff, v5  }
0x326: {  	[tilespmem:v23+s17+$0x0] =	vst.idx.add.f32.msk $0xffff, v5  }
0x327: {  	[tilespmem:v11+s17+$0x0] =	vst.idx.add.f32.msk $0xffff, v5  }
0x328: {  	[tilespmem:v0+s17+$0x0] =	vst.idx.add.f32.msk $0xffff, v5  }
0x329: {  	s26 =	sshll.u32 s22, $0xD  }
0x32a: {  	s28 =	sshll.u32 s22, $0x7;
	s26 =	sand.u32 $0xFFFF0000, s26  }
0x32b: {  	s28 =	sand.u32 $0x380, s28;
	s26 =	sadd.s32 s9, s26  }
0x32c: {  	s26 =	sor.u32 s28, s26  }
0x32d: {  	s26 =	sshrl.u32 s26, $0x3  }
0x32e: {  	v0 =	vmov s22;
	s26 =	sadd.s32 s4, s26  }
0x32f: {  	[hbm4b:s26+s18] =	stream.strided.scatter [tilespmem:s17], [sflag:$0x1], $0x2000, s19, s18, $0x38;
	[tilespmem:$0x12180] =	vst v63  }
0x330: {  	_ =	swait.ge [sflag:s12], $0x2000  }
0x331: {  	v1 =	vbroadcast v62, $0x7;
	[sflag:s12] =	ssyncset.done $0x0  }
0x332: {  	[sflag:s12] =	ssyncadd.s32 $0xFFFFE000  }
0x333: {  	s26 =	simm.s32 $0x10140;
	[tilespmem:v0+s20+$0x0] =	vst.idx.msk $0x1, v1  }
0x334: {  	[tilespmem:s26+$0xFFFFFFC0] =	vst v2  }
0x335: {  	[tilespmem:s26+$0x30] =	vst v2  }
0x336: {  	[tilespmem:s26+$0x20] =	vst v2  }
0x337: {  	[tilespmem:s26+$0x10] =	vst v2  }
0x338: {  	[tilespmem:s26+$0x0] =	vst v2  }
0x339: {  	[tilespmem:s26+$0xFFFFFFF0] =	vst v2  }
0x33a: {  	s28 =	simm.s32 $0x0;
	[tilespmem:s26+$0xFFFFFFE0] =	vst v2  }
.LBB2_40:
0x33b: {  	s28 =	sadd.s32 $0x8, s28;
	[tilespmem:s26+$0xFFFFFFD0] =	vst v2;
	s26 =	sadd.s32 $0x80, s26  }
0x33c: {  	[tilespmem:s26+$0xFFFFFFC0] =	vst v2;
	p0 =	slt.u32 s28, $0x1F8  }
0x33d: {  	[tilespmem:s26+$0x30] =	vst v2  }
.Ltmp21:
0x33e: {  	[tilespmem:s26+$0x20] =	vst v2;
	(pc) =	sbr.rel @p0 .LBB2_40-.Ltmp21, $4  }
0x33f: {  	[tilespmem:s26+$0x10] =	vst v2  }
0x340: {  	[tilespmem:s26+$0x0] =	vst v2  }
0x341: {  	[tilespmem:s26+$0xFFFFFFF0] =	vst v2  }
0x342: {  	[tilespmem:s26+$0xFFFFFFE0] =	vst v2  }
0x343: {  	[tilespmem:s26+$0xFFFFFFD0] =	vst v2;
	s22 =	sadd.s32 $0x1, s22  }
.LBB2_42:
0x344: {  	v0 =	vbroadcast v22, $0x8  }
0x345: {  	v1 =	vbroadcast v21, $0x8  }
0x346: {  	v23 =	vbroadcast v20, $0x8;
	v11 =	vmul.f32 v0, v9  }
0x347: {  	v24 =	vmul.f32 v1, v8;
	v25 =	vmul.f32 v0, v13  }
0x348: {  	(v2sf) =	vpush v62, $0x9;
	v26 =	vmul.f32 v23, v7;
	v59 =	vmul.f32 v1, v12  }
0x349: {  	v27 =	vmul.f32 v0, v16;
	v0 =	vmul.f32 v0, v19;
	v11 =	vadd.f32 $6.400000000e+01, v11  }
0x34a: {  	v60 =	vmul.f32 v23, v10;
	v61 =	vmul.f32 v1, v15;
	v25 =	vadd.f32 $6.400000000e+01, v25  }
0x34b: {  	v1 =	vmul.f32 v1, v18;
	v0 =	vadd.f32 $6.400000000e+01, v0;
	v11 =	vadd.f32 v11, v24  }
0x34c: {  	v63 =	vmul.f32 v23, v14;
	v27 =	vadd.f32 $6.400000000e+01, v27;
	v24 =	vadd.f32 v25, v59  }
0x34d: {  	v23 =	vmul.f32 v23, v17;
	v0 =	vadd.f32 v0, v1;
	v11 =	vadd.f32 v11, v26  }
0x34e: {  	v25 =	vadd.f32 v27, v61  }
0x34f: {  	v24 =	vadd.f32 v24, v60;
	v0 =	vadd.f32 v0, v23;
	v11 =	vmax.f32 v11, $0.0e+00  }
0x350: {  	v1 =	vmin.f32 v11, $1.270000000e+02;
	v11 =	vadd.f32 v25, v63  }
0x351: {  	v24 =	vmax.f32 v24, $0.0e+00;
	v0 =	vmax.f32 v0, $0.0e+00  }
0x352: {  	v23 =	vmin.f32 v24, $1.270000000e+02;
	v1 =	vtrunc.f32 v1;
	v11 =	vmax.f32 v11, $0.0e+00  }
0x353: {  	v23 =	vtrunc.f32 v23;
	v1 =	vcvt.f32.s32 v1;
	v11 =	vmin.f32 v11, $1.270000000e+02  }
0x354: {  	v0 =	vmin.f32 v0, $1.270000000e+02;
	v23 =	vcvt.f32.s32 v23;
	v11 =	vtrunc.f32 v11  }
0x355: {  	v0 =	vtrunc.f32 v0;
	v1 =	vshll.u32 v1, $0x6;
	v11 =	vcvt.f32.s32 v11  }
0x356: {  	v0 =	vcvt.f32.s32 v0;
	v23 =	vshll.u32 v23, $0x6;
	v1 =	vor.u32 v49, v1  }
0x357: {  	v23 =	vor.u32 v3, v23;
	v11 =	vshll.u32 v11, $0x6  }
0x358: {  	v0 =	vshll.u32 v0, $0x6;
	s26 =	spop (v2sf);
	v11 =	vor.u32 v4, v11  }
0x359: {  	v0 =	vor.u32 v6, v0;
	p0 =	seq.s32 s26, s25  }
.Ltmp22:
0x35a: {  	_ = 	snop;
	(pc) =	sbr.rel @p0 .LBB2_46-.Ltmp22, $4  }
0x35b: {  	[tilespmem:v1+s17+$0x0] =	vst.idx.add.f32.msk $0xffff, v5  }
0x35c: {  	[tilespmem:v23+s17+$0x0] =	vst.idx.add.f32.msk $0xffff, v5  }
0x35d: {  	[tilespmem:v11+s17+$0x0] =	vst.idx.add.f32.msk $0xffff, v5  }
0x35e: {  	[tilespmem:v0+s17+$0x0] =	vst.idx.add.f32.msk $0xffff, v5  }
0x35f: {  	s25 =	sshll.u32 s22, $0xD  }
0x360: {  	s28 =	sshll.u32 s22, $0x7;
	s25 =	sand.u32 $0xFFFF0000, s25  }
0x361: {  	s28 =	sand.u32 $0x380, s28;
	s25 =	sadd.s32 s9, s25  }
0x362: {  	s25 =	sor.u32 s28, s25  }
0x363: {  	s25 =	sshrl.u32 s25, $0x3  }
0x364: {  	v0 =	vmov s22;
	s25 =	sadd.s32 s4, s25  }
0x365: {  	[hbm4b:s25+s18] =	stream.strided.scatter [tilespmem:s17], [sflag:$0x1], $0x2000, s19, s18, $0x38;
	[tilespmem:$0x12180] =	vst v63  }
0x366: {  	_ =	swait.ge [sflag:s12], $0x2000  }
0x367: {  	v1 =	vbroadcast v62, $0x8;
	[sflag:s12] =	ssyncset.done $0x0  }
0x368: {  	[sflag:s12] =	ssyncadd.s32 $0xFFFFE000  }
0x369: {  	s25 =	simm.s32 $0x10140;
	[tilespmem:v0+s20+$0x0] =	vst.idx.msk $0x1, v1  }
0x36a: {  	[tilespmem:s25+$0xFFFFFFC0] =	vst v2  }
0x36b: {  	[tilespmem:s25+$0x30] =	vst v2  }
0x36c: {  	[tilespmem:s25+$0x20] =	vst v2  }
0x36d: {  	[tilespmem:s25+$0x10] =	vst v2  }
0x36e: {  	[tilespmem:s25+$0x0] =	vst v2  }
0x36f: {  	[tilespmem:s25+$0xFFFFFFF0] =	vst v2  }
0x370: {  	s28 =	simm.s32 $0x0;
	[tilespmem:s25+$0xFFFFFFE0] =	vst v2  }
.LBB2_44:
0x371: {  	s28 =	sadd.s32 $0x8, s28;
	[tilespmem:s25+$0xFFFFFFD0] =	vst v2;
	s25 =	sadd.s32 $0x80, s25  }
0x372: {  	[tilespmem:s25+$0xFFFFFFC0] =	vst v2;
	p0 =	slt.u32 s28, $0x1F8  }
0x373: {  	[tilespmem:s25+$0x30] =	vst v2  }
.Ltmp23:
0x374: {  	[tilespmem:s25+$0x20] =	vst v2;
	(pc) =	sbr.rel @p0 .LBB2_44-.Ltmp23, $4  }
0x375: {  	[tilespmem:s25+$0x10] =	vst v2  }
0x376: {  	[tilespmem:s25+$0x0] =	vst v2  }
0x377: {  	[tilespmem:s25+$0xFFFFFFF0] =	vst v2  }
0x378: {  	[tilespmem:s25+$0xFFFFFFE0] =	vst v2  }
0x379: {  	[tilespmem:s25+$0xFFFFFFD0] =	vst v2;
	s22 =	sadd.s32 $0x1, s22  }
.LBB2_46:
0x37a: {  	v0 =	vbroadcast v22, $0x9  }
0x37b: {  	v1 =	vbroadcast v21, $0x9  }
0x37c: {  	v23 =	vbroadcast v20, $0x9;
	v11 =	vmul.f32 v0, v9  }
0x37d: {  	v24 =	vmul.f32 v1, v8;
	v25 =	vmul.f32 v0, v13  }
0x37e: {  	(v2sf) =	vpush v62, $0xA;
	v26 =	vmul.f32 v23, v7;
	v59 =	vmul.f32 v1, v12  }
0x37f: {  	v27 =	vmul.f32 v0, v16;
	v0 =	vmul.f32 v0, v19;
	v11 =	vadd.f32 $6.400000000e+01, v11  }
0x380: {  	v60 =	vmul.f32 v23, v10;
	v61 =	vmul.f32 v1, v15;
	v25 =	vadd.f32 $6.400000000e+01, v25  }
0x381: {  	v1 =	vmul.f32 v1, v18;
	v0 =	vadd.f32 $6.400000000e+01, v0;
	v11 =	vadd.f32 v11, v24  }
0x382: {  	v63 =	vmul.f32 v23, v14;
	v27 =	vadd.f32 $6.400000000e+01, v27;
	v24 =	vadd.f32 v25, v59  }
0x383: {  	v23 =	vmul.f32 v23, v17;
	v0 =	vadd.f32 v0, v1;
	v11 =	vadd.f32 v11, v26  }
0x384: {  	v25 =	vadd.f32 v27, v61  }
0x385: {  	v24 =	vadd.f32 v24, v60;
	v0 =	vadd.f32 v0, v23;
	v11 =	vmax.f32 v11, $0.0e+00  }
0x386: {  	v1 =	vmin.f32 v11, $1.270000000e+02;
	v11 =	vadd.f32 v25, v63  }
0x387: {  	v24 =	vmax.f32 v24, $0.0e+00;
	v0 =	vmax.f32 v0, $0.0e+00  }
0x388: {  	v23 =	vmin.f32 v24, $1.270000000e+02;
	v1 =	vtrunc.f32 v1;
	v11 =	vmax.f32 v11, $0.0e+00  }
0x389: {  	v23 =	vtrunc.f32 v23;
	v1 =	vcvt.f32.s32 v1;
	v11 =	vmin.f32 v11, $1.270000000e+02  }
0x38a: {  	v0 =	vmin.f32 v0, $1.270000000e+02;
	v23 =	vcvt.f32.s32 v23;
	v11 =	vtrunc.f32 v11  }
0x38b: {  	v0 =	vtrunc.f32 v0;
	v1 =	vshll.u32 v1, $0x6;
	v11 =	vcvt.f32.s32 v11  }
0x38c: {  	v0 =	vcvt.f32.s32 v0;
	v23 =	vshll.u32 v23, $0x6;
	v1 =	vor.u32 v49, v1  }
0x38d: {  	v23 =	vor.u32 v3, v23;
	v11 =	vshll.u32 v11, $0x6  }
0x38e: {  	v0 =	vshll.u32 v0, $0x6;
	s25 =	spop (v2sf);
	v11 =	vor.u32 v4, v11  }
0x38f: {  	v0 =	vor.u32 v6, v0;
	p0 =	seq.s32 s25, s26  }
.Ltmp24:
0x390: {  	_ = 	snop;
	(pc) =	sbr.rel @p0 .LBB2_50-.Ltmp24, $4  }
0x391: {  	[tilespmem:v1+s17+$0x0] =	vst.idx.add.f32.msk $0xffff, v5  }
0x392: {  	[tilespmem:v23+s17+$0x0] =	vst.idx.add.f32.msk $0xffff, v5  }
0x393: {  	[tilespmem:v11+s17+$0x0] =	vst.idx.add.f32.msk $0xffff, v5  }
0x394: {  	[tilespmem:v0+s17+$0x0] =	vst.idx.add.f32.msk $0xffff, v5  }
0x395: {  	s26 =	sshll.u32 s22, $0xD  }
0x396: {  	s28 =	sshll.u32 s22, $0x7;
	s26 =	sand.u32 $0xFFFF0000, s26  }
0x397: {  	s28 =	sand.u32 $0x380, s28;
	s26 =	sadd.s32 s9, s26  }
0x398: {  	s26 =	sor.u32 s28, s26  }
0x399: {  	s26 =	sshrl.u32 s26, $0x3  }
0x39a: {  	v0 =	vmov s22;
	s26 =	sadd.s32 s4, s26  }
0x39b: {  	[hbm4b:s26+s18] =	stream.strided.scatter [tilespmem:s17], [sflag:$0x1], $0x2000, s19, s18, $0x38;
	[tilespmem:$0x12180] =	vst v63  }
0x39c: {  	_ =	swait.ge [sflag:s12], $0x2000  }
0x39d: {  	v1 =	vbroadcast v62, $0x9;
	[sflag:s12] =	ssyncset.done $0x0  }
0x39e: {  	[sflag:s12] =	ssyncadd.s32 $0xFFFFE000  }
0x39f: {  	s26 =	simm.s32 $0x10140;
	[tilespmem:v0+s20+$0x0] =	vst.idx.msk $0x1, v1  }
0x3a0: {  	[tilespmem:s26+$0xFFFFFFC0] =	vst v2  }
0x3a1: {  	[tilespmem:s26+$0x30] =	vst v2  }
0x3a2: {  	[tilespmem:s26+$0x20] =	vst v2  }
0x3a3: {  	[tilespmem:s26+$0x10] =	vst v2  }
0x3a4: {  	[tilespmem:s26+$0x0] =	vst v2  }
0x3a5: {  	[tilespmem:s26+$0xFFFFFFF0] =	vst v2  }
0x3a6: {  	s28 =	simm.s32 $0x0;
	[tilespmem:s26+$0xFFFFFFE0] =	vst v2  }
.LBB2_48:
0x3a7: {  	s28 =	sadd.s32 $0x8, s28;
	[tilespmem:s26+$0xFFFFFFD0] =	vst v2;
	s26 =	sadd.s32 $0x80, s26  }
0x3a8: {  	[tilespmem:s26+$0xFFFFFFC0] =	vst v2;
	p0 =	slt.u32 s28, $0x1F8  }
0x3a9: {  	[tilespmem:s26+$0x30] =	vst v2  }
.Ltmp25:
0x3aa: {  	[tilespmem:s26+$0x20] =	vst v2;
	(pc) =	sbr.rel @p0 .LBB2_48-.Ltmp25, $4  }
0x3ab: {  	[tilespmem:s26+$0x10] =	vst v2  }
0x3ac: {  	[tilespmem:s26+$0x0] =	vst v2  }
0x3ad: {  	[tilespmem:s26+$0xFFFFFFF0] =	vst v2  }
0x3ae: {  	[tilespmem:s26+$0xFFFFFFE0] =	vst v2  }
0x3af: {  	[tilespmem:s26+$0xFFFFFFD0] =	vst v2;
	s22 =	sadd.s32 $0x1, s22  }
.LBB2_50:
0x3b0: {  	v0 =	vbroadcast v22, $0xA  }
0x3b1: {  	v1 =	vbroadcast v21, $0xA  }
0x3b2: {  	v23 =	vbroadcast v20, $0xA;
	v11 =	vmul.f32 v0, v9  }
0x3b3: {  	v24 =	vmul.f32 v1, v8;
	v25 =	vmul.f32 v0, v13  }
0x3b4: {  	(v2sf) =	vpush v62, $0xB;
	v26 =	vmul.f32 v23, v7;
	v59 =	vmul.f32 v1, v12  }
0x3b5: {  	v27 =	vmul.f32 v0, v16;
	v0 =	vmul.f32 v0, v19;
	v11 =	vadd.f32 $6.400000000e+01, v11  }
0x3b6: {  	v60 =	vmul.f32 v23, v10;
	v61 =	vmul.f32 v1, v15;
	v25 =	vadd.f32 $6.400000000e+01, v25  }
0x3b7: {  	v1 =	vmul.f32 v1, v18;
	v0 =	vadd.f32 $6.400000000e+01, v0;
	v11 =	vadd.f32 v11, v24  }
0x3b8: {  	v63 =	vmul.f32 v23, v14;
	v27 =	vadd.f32 $6.400000000e+01, v27;
	v24 =	vadd.f32 v25, v59  }
0x3b9: {  	v23 =	vmul.f32 v23, v17;
	v0 =	vadd.f32 v0, v1;
	v11 =	vadd.f32 v11, v26  }
0x3ba: {  	v25 =	vadd.f32 v27, v61  }
0x3bb: {  	v24 =	vadd.f32 v24, v60;
	v0 =	vadd.f32 v0, v23;
	v11 =	vmax.f32 v11, $0.0e+00  }
0x3bc: {  	v1 =	vmin.f32 v11, $1.270000000e+02;
	v11 =	vadd.f32 v25, v63  }
0x3bd: {  	v24 =	vmax.f32 v24, $0.0e+00;
	v0 =	vmax.f32 v0, $0.0e+00  }
0x3be: {  	v23 =	vmin.f32 v24, $1.270000000e+02;
	v1 =	vtrunc.f32 v1;
	v11 =	vmax.f32 v11, $0.0e+00  }
0x3bf: {  	v23 =	vtrunc.f32 v23;
	v1 =	vcvt.f32.s32 v1;
	v11 =	vmin.f32 v11, $1.270000000e+02  }
0x3c0: {  	v0 =	vmin.f32 v0, $1.270000000e+02;
	v23 =	vcvt.f32.s32 v23;
	v11 =	vtrunc.f32 v11  }
0x3c1: {  	v0 =	vtrunc.f32 v0;
	v1 =	vshll.u32 v1, $0x6;
	v11 =	vcvt.f32.s32 v11  }
0x3c2: {  	v0 =	vcvt.f32.s32 v0;
	v23 =	vshll.u32 v23, $0x6;
	v1 =	vor.u32 v49, v1  }
0x3c3: {  	v23 =	vor.u32 v3, v23;
	v11 =	vshll.u32 v11, $0x6  }
0x3c4: {  	v0 =	vshll.u32 v0, $0x6;
	s26 =	spop (v2sf);
	v11 =	vor.u32 v4, v11  }
0x3c5: {  	v0 =	vor.u32 v6, v0;
	p0 =	seq.s32 s26, s25  }
.Ltmp26:
0x3c6: {  	_ = 	snop;
	(pc) =	sbr.rel @p0 .LBB2_54-.Ltmp26, $4  }
0x3c7: {  	[tilespmem:v1+s17+$0x0] =	vst.idx.add.f32.msk $0xffff, v5  }
0x3c8: {  	[tilespmem:v23+s17+$0x0] =	vst.idx.add.f32.msk $0xffff, v5  }
0x3c9: {  	[tilespmem:v11+s17+$0x0] =	vst.idx.add.f32.msk $0xffff, v5  }
0x3ca: {  	[tilespmem:v0+s17+$0x0] =	vst.idx.add.f32.msk $0xffff, v5  }
0x3cb: {  	s25 =	sshll.u32 s22, $0xD  }
0x3cc: {  	s28 =	sshll.u32 s22, $0x7;
	s25 =	sand.u32 $0xFFFF0000, s25  }
0x3cd: {  	s28 =	sand.u32 $0x380, s28;
	s25 =	sadd.s32 s9, s25  }
0x3ce: {  	s25 =	sor.u32 s28, s25  }
0x3cf: {  	s25 =	sshrl.u32 s25, $0x3  }
0x3d0: {  	v0 =	vmov s22;
	s25 =	sadd.s32 s4, s25  }
0x3d1: {  	[hbm4b:s25+s18] =	stream.strided.scatter [tilespmem:s17], [sflag:$0x1], $0x2000, s19, s18, $0x38;
	[tilespmem:$0x12180] =	vst v63  }
0x3d2: {  	_ =	swait.ge [sflag:s12], $0x2000  }
0x3d3: {  	v1 =	vbroadcast v62, $0xA;
	[sflag:s12] =	ssyncset.done $0x0  }
0x3d4: {  	[sflag:s12] =	ssyncadd.s32 $0xFFFFE000  }
0x3d5: {  	s25 =	simm.s32 $0x10140;
	[tilespmem:v0+s20+$0x0] =	vst.idx.msk $0x1, v1  }
0x3d6: {  	[tilespmem:s25+$0xFFFFFFC0] =	vst v2  }
0x3d7: {  	[tilespmem:s25+$0x30] =	vst v2  }
0x3d8: {  	[tilespmem:s25+$0x20] =	vst v2  }
0x3d9: {  	[tilespmem:s25+$0x10] =	vst v2  }
0x3da: {  	[tilespmem:s25+$0x0] =	vst v2  }
0x3db: {  	[tilespmem:s25+$0xFFFFFFF0] =	vst v2  }
0x3dc: {  	s28 =	simm.s32 $0x0;
	[tilespmem:s25+$0xFFFFFFE0] =	vst v2  }
.LBB2_52:
0x3dd: {  	s28 =	sadd.s32 $0x8, s28;
	[tilespmem:s25+$0xFFFFFFD0] =	vst v2;
	s25 =	sadd.s32 $0x80, s25  }
0x3de: {  	[tilespmem:s25+$0xFFFFFFC0] =	vst v2;
	p0 =	slt.u32 s28, $0x1F8  }
0x3df: {  	[tilespmem:s25+$0x30] =	vst v2  }
.Ltmp27:
0x3e0: {  	[tilespmem:s25+$0x20] =	vst v2;
	(pc) =	sbr.rel @p0 .LBB2_52-.Ltmp27, $4  }
0x3e1: {  	[tilespmem:s25+$0x10] =	vst v2  }
0x3e2: {  	[tilespmem:s25+$0x0] =	vst v2  }
0x3e3: {  	[tilespmem:s25+$0xFFFFFFF0] =	vst v2  }
0x3e4: {  	[tilespmem:s25+$0xFFFFFFE0] =	vst v2  }
0x3e5: {  	[tilespmem:s25+$0xFFFFFFD0] =	vst v2;
	s22 =	sadd.s32 $0x1, s22  }
.LBB2_54:
0x3e6: {  	v0 =	vbroadcast v22, $0xB  }
0x3e7: {  	v1 =	vbroadcast v21, $0xB  }
0x3e8: {  	v23 =	vbroadcast v20, $0xB;
	v11 =	vmul.f32 v0, v9  }
0x3e9: {  	v24 =	vmul.f32 v1, v8;
	v25 =	vmul.f32 v0, v13  }
0x3ea: {  	(v2sf) =	vpush v62, $0xC;
	v26 =	vmul.f32 v23, v7;
	v59 =	vmul.f32 v1, v12  }
0x3eb: {  	v27 =	vmul.f32 v0, v16;
	v0 =	vmul.f32 v0, v19;
	v11 =	vadd.f32 $6.400000000e+01, v11  }
0x3ec: {  	v60 =	vmul.f32 v23, v10;
	v61 =	vmul.f32 v1, v15;
	v25 =	vadd.f32 $6.400000000e+01, v25  }
0x3ed: {  	v1 =	vmul.f32 v1, v18;
	v0 =	vadd.f32 $6.400000000e+01, v0;
	v11 =	vadd.f32 v11, v24  }
0x3ee: {  	v63 =	vmul.f32 v23, v14;
	v27 =	vadd.f32 $6.400000000e+01, v27;
	v24 =	vadd.f32 v25, v59  }
0x3ef: {  	v23 =	vmul.f32 v23, v17;
	v0 =	vadd.f32 v0, v1;
	v11 =	vadd.f32 v11, v26  }
0x3f0: {  	v25 =	vadd.f32 v27, v61  }
0x3f1: {  	v24 =	vadd.f32 v24, v60;
	v0 =	vadd.f32 v0, v23;
	v11 =	vmax.f32 v11, $0.0e+00  }
0x3f2: {  	v1 =	vmin.f32 v11, $1.270000000e+02;
	v11 =	vadd.f32 v25, v63  }
0x3f3: {  	v24 =	vmax.f32 v24, $0.0e+00;
	v0 =	vmax.f32 v0, $0.0e+00  }
0x3f4: {  	v23 =	vmin.f32 v24, $1.270000000e+02;
	v1 =	vtrunc.f32 v1;
	v11 =	vmax.f32 v11, $0.0e+00  }
0x3f5: {  	v23 =	vtrunc.f32 v23;
	v1 =	vcvt.f32.s32 v1;
	v11 =	vmin.f32 v11, $1.270000000e+02  }
0x3f6: {  	v0 =	vmin.f32 v0, $1.270000000e+02;
	v23 =	vcvt.f32.s32 v23;
	v11 =	vtrunc.f32 v11  }
0x3f7: {  	v0 =	vtrunc.f32 v0;
	v1 =	vshll.u32 v1, $0x6;
	v11 =	vcvt.f32.s32 v11  }
0x3f8: {  	v0 =	vcvt.f32.s32 v0;
	v23 =	vshll.u32 v23, $0x6;
	v1 =	vor.u32 v49, v1  }
0x3f9: {  	v23 =	vor.u32 v3, v23;
	v11 =	vshll.u32 v11, $0x6  }
0x3fa: {  	v0 =	vshll.u32 v0, $0x6;
	s25 =	spop (v2sf);
	v11 =	vor.u32 v4, v11  }
0x3fb: {  	v0 =	vor.u32 v6, v0;
	p0 =	seq.s32 s25, s26  }
.Ltmp28:
0x3fc: {  	_ = 	snop;
	(pc) =	sbr.rel @p0 .LBB2_58-.Ltmp28, $4  }
0x3fd: {  	[tilespmem:v1+s17+$0x0] =	vst.idx.add.f32.msk $0xffff, v5  }
0x3fe: {  	[tilespmem:v23+s17+$0x0] =	vst.idx.add.f32.msk $0xffff, v5  }
0x3ff: {  	[tilespmem:v11+s17+$0x0] =	vst.idx.add.f32.msk $0xffff, v5  }
0x400: {  	[tilespmem:v0+s17+$0x0] =	vst.idx.add.f32.msk $0xffff, v5  }
0x401: {  	s26 =	sshll.u32 s22, $0xD  }
0x402: {  	s28 =	sshll.u32 s22, $0x7;
	s26 =	sand.u32 $0xFFFF0000, s26  }
0x403: {  	s28 =	sand.u32 $0x380, s28;
	s26 =	sadd.s32 s9, s26  }
0x404: {  	s26 =	sor.u32 s28, s26  }
0x405: {  	s26 =	sshrl.u32 s26, $0x3  }
0x406: {  	v0 =	vmov s22;
	s26 =	sadd.s32 s4, s26  }
0x407: {  	[hbm4b:s26+s18] =	stream.strided.scatter [tilespmem:s17], [sflag:$0x1], $0x2000, s19, s18, $0x38;
	[tilespmem:$0x12180] =	vst v63  }
0x408: {  	_ =	swait.ge [sflag:s12], $0x2000  }
0x409: {  	v1 =	vbroadcast v62, $0xB;
	[sflag:s12] =	ssyncset.done $0x0  }
0x40a: {  	[sflag:s12] =	ssyncadd.s32 $0xFFFFE000  }
0x40b: {  	s26 =	simm.s32 $0x10140;
	[tilespmem:v0+s20+$0x0] =	vst.idx.msk $0x1, v1  }
0x40c: {  	[tilespmem:s26+$0xFFFFFFC0] =	vst v2  }
0x40d: {  	[tilespmem:s26+$0x30] =	vst v2  }
0x40e: {  	[tilespmem:s26+$0x20] =	vst v2  }
0x40f: {  	[tilespmem:s26+$0x10] =	vst v2  }
0x410: {  	[tilespmem:s26+$0x0] =	vst v2  }
0x411: {  	[tilespmem:s26+$0xFFFFFFF0] =	vst v2  }
0x412: {  	s28 =	simm.s32 $0x0;
	[tilespmem:s26+$0xFFFFFFE0] =	vst v2  }
.LBB2_56:
0x413: {  	s28 =	sadd.s32 $0x8, s28;
	[tilespmem:s26+$0xFFFFFFD0] =	vst v2;
	s26 =	sadd.s32 $0x80, s26  }
0x414: {  	[tilespmem:s26+$0xFFFFFFC0] =	vst v2;
	p0 =	slt.u32 s28, $0x1F8  }
0x415: {  	[tilespmem:s26+$0x30] =	vst v2  }
.Ltmp29:
0x416: {  	[tilespmem:s26+$0x20] =	vst v2;
	(pc) =	sbr.rel @p0 .LBB2_56-.Ltmp29, $4  }
0x417: {  	[tilespmem:s26+$0x10] =	vst v2  }
0x418: {  	[tilespmem:s26+$0x0] =	vst v2  }
0x419: {  	[tilespmem:s26+$0xFFFFFFF0] =	vst v2  }
0x41a: {  	[tilespmem:s26+$0xFFFFFFE0] =	vst v2  }
0x41b: {  	[tilespmem:s26+$0xFFFFFFD0] =	vst v2;
	s22 =	sadd.s32 $0x1, s22  }
.LBB2_58:
0x41c: {  	v0 =	vbroadcast v22, $0xC  }
0x41d: {  	v1 =	vbroadcast v21, $0xC  }
0x41e: {  	v23 =	vbroadcast v20, $0xC;
	v11 =	vmul.f32 v0, v9  }
0x41f: {  	v24 =	vmul.f32 v1, v8;
	v25 =	vmul.f32 v0, v13  }
0x420: {  	(v2sf) =	vpush v62, $0xD;
	v26 =	vmul.f32 v23, v7;
	v59 =	vmul.f32 v1, v12  }
0x421: {  	v27 =	vmul.f32 v0, v16;
	v0 =	vmul.f32 v0, v19;
	v11 =	vadd.f32 $6.400000000e+01, v11  }
0x422: {  	v60 =	vmul.f32 v23, v10;
	v61 =	vmul.f32 v1, v15;
	v25 =	vadd.f32 $6.400000000e+01, v25  }
0x423: {  	v1 =	vmul.f32 v1, v18;
	v0 =	vadd.f32 $6.400000000e+01, v0;
	v11 =	vadd.f32 v11, v24  }
0x424: {  	v63 =	vmul.f32 v23, v14;
	v27 =	vadd.f32 $6.400000000e+01, v27;
	v24 =	vadd.f32 v25, v59  }
0x425: {  	v23 =	vmul.f32 v23, v17;
	v0 =	vadd.f32 v0, v1;
	v11 =	vadd.f32 v11, v26  }
0x426: {  	v25 =	vadd.f32 v27, v61  }
0x427: {  	v24 =	vadd.f32 v24, v60;
	v0 =	vadd.f32 v0, v23;
	v11 =	vmax.f32 v11, $0.0e+00  }
0x428: {  	v1 =	vmin.f32 v11, $1.270000000e+02;
	v11 =	vadd.f32 v25, v63  }
0x429: {  	v24 =	vmax.f32 v24, $0.0e+00;
	v0 =	vmax.f32 v0, $0.0e+00  }
0x42a: {  	v23 =	vmin.f32 v24, $1.270000000e+02;
	v1 =	vtrunc.f32 v1;
	v11 =	vmax.f32 v11, $0.0e+00  }
0x42b: {  	v23 =	vtrunc.f32 v23;
	v1 =	vcvt.f32.s32 v1;
	v11 =	vmin.f32 v11, $1.270000000e+02  }
0x42c: {  	v0 =	vmin.f32 v0, $1.270000000e+02;
	v23 =	vcvt.f32.s32 v23;
	v11 =	vtrunc.f32 v11  }
0x42d: {  	v0 =	vtrunc.f32 v0;
	v1 =	vshll.u32 v1, $0x6;
	v11 =	vcvt.f32.s32 v11  }
0x42e: {  	v0 =	vcvt.f32.s32 v0;
	v23 =	vshll.u32 v23, $0x6;
	v1 =	vor.u32 v49, v1  }
0x42f: {  	v23 =	vor.u32 v3, v23;
	v11 =	vshll.u32 v11, $0x6  }
0x430: {  	v0 =	vshll.u32 v0, $0x6;
	s26 =	spop (v2sf);
	v11 =	vor.u32 v4, v11  }
0x431: {  	v0 =	vor.u32 v6, v0;
	p0 =	seq.s32 s26, s25  }
.Ltmp30:
0x432: {  	_ = 	snop;
	(pc) =	sbr.rel @p0 .LBB2_62-.Ltmp30, $4  }
0x433: {  	[tilespmem:v1+s17+$0x0] =	vst.idx.add.f32.msk $0xffff, v5  }
0x434: {  	[tilespmem:v23+s17+$0x0] =	vst.idx.add.f32.msk $0xffff, v5  }
0x435: {  	[tilespmem:v11+s17+$0x0] =	vst.idx.add.f32.msk $0xffff, v5  }
0x436: {  	[tilespmem:v0+s17+$0x0] =	vst.idx.add.f32.msk $0xffff, v5  }
0x437: {  	s25 =	sshll.u32 s22, $0xD  }
0x438: {  	s28 =	sshll.u32 s22, $0x7;
	s25 =	sand.u32 $0xFFFF0000, s25  }
0x439: {  	s28 =	sand.u32 $0x380, s28;
	s25 =	sadd.s32 s9, s25  }
0x43a: {  	s25 =	sor.u32 s28, s25  }
0x43b: {  	s25 =	sshrl.u32 s25, $0x3  }
0x43c: {  	v0 =	vmov s22;
	s25 =	sadd.s32 s4, s25  }
0x43d: {  	[hbm4b:s25+s18] =	stream.strided.scatter [tilespmem:s17], [sflag:$0x1], $0x2000, s19, s18, $0x38;
	[tilespmem:$0x12180] =	vst v63  }
0x43e: {  	_ =	swait.ge [sflag:s12], $0x2000  }
0x43f: {  	v1 =	vbroadcast v62, $0xC;
	[sflag:s12] =	ssyncset.done $0x0  }
0x440: {  	[sflag:s12] =	ssyncadd.s32 $0xFFFFE000  }
0x441: {  	s25 =	simm.s32 $0x10140;
	[tilespmem:v0+s20+$0x0] =	vst.idx.msk $0x1, v1  }
0x442: {  	[tilespmem:s25+$0xFFFFFFC0] =	vst v2  }
0x443: {  	[tilespmem:s25+$0x30] =	vst v2  }
0x444: {  	[tilespmem:s25+$0x20] =	vst v2  }
0x445: {  	[tilespmem:s25+$0x10] =	vst v2  }
0x446: {  	[tilespmem:s25+$0x0] =	vst v2  }
0x447: {  	[tilespmem:s25+$0xFFFFFFF0] =	vst v2  }
0x448: {  	s28 =	simm.s32 $0x0;
	[tilespmem:s25+$0xFFFFFFE0] =	vst v2  }
.LBB2_60:
0x449: {  	s28 =	sadd.s32 $0x8, s28;
	[tilespmem:s25+$0xFFFFFFD0] =	vst v2;
	s25 =	sadd.s32 $0x80, s25  }
0x44a: {  	[tilespmem:s25+$0xFFFFFFC0] =	vst v2;
	p0 =	slt.u32 s28, $0x1F8  }
0x44b: {  	[tilespmem:s25+$0x30] =	vst v2  }
.Ltmp31:
0x44c: {  	[tilespmem:s25+$0x20] =	vst v2;
	(pc) =	sbr.rel @p0 .LBB2_60-.Ltmp31, $4  }
0x44d: {  	[tilespmem:s25+$0x10] =	vst v2  }
0x44e: {  	[tilespmem:s25+$0x0] =	vst v2  }
0x44f: {  	[tilespmem:s25+$0xFFFFFFF0] =	vst v2  }
0x450: {  	[tilespmem:s25+$0xFFFFFFE0] =	vst v2  }
0x451: {  	[tilespmem:s25+$0xFFFFFFD0] =	vst v2;
	s22 =	sadd.s32 $0x1, s22  }
.LBB2_62:
0x452: {  	v0 =	vbroadcast v22, $0xD  }
0x453: {  	v1 =	vbroadcast v21, $0xD  }
0x454: {  	v23 =	vbroadcast v20, $0xD;
	v11 =	vmul.f32 v0, v9  }
0x455: {  	v24 =	vmul.f32 v1, v8;
	v25 =	vmul.f32 v0, v13  }
0x456: {  	(v2sf) =	vpush v62, $0xE;
	v26 =	vmul.f32 v23, v7;
	v59 =	vmul.f32 v1, v12  }
0x457: {  	v27 =	vmul.f32 v0, v16;
	v0 =	vmul.f32 v0, v19;
	v11 =	vadd.f32 $6.400000000e+01, v11  }
0x458: {  	v60 =	vmul.f32 v23, v10;
	v61 =	vmul.f32 v1, v15;
	v25 =	vadd.f32 $6.400000000e+01, v25  }
0x459: {  	v1 =	vmul.f32 v1, v18;
	v0 =	vadd.f32 $6.400000000e+01, v0;
	v11 =	vadd.f32 v11, v24  }
0x45a: {  	v63 =	vmul.f32 v23, v14;
	v27 =	vadd.f32 $6.400000000e+01, v27;
	v24 =	vadd.f32 v25, v59  }
0x45b: {  	v23 =	vmul.f32 v23, v17;
	v0 =	vadd.f32 v0, v1;
	v11 =	vadd.f32 v11, v26  }
0x45c: {  	v25 =	vadd.f32 v27, v61  }
0x45d: {  	v24 =	vadd.f32 v24, v60;
	v0 =	vadd.f32 v0, v23;
	v11 =	vmax.f32 v11, $0.0e+00  }
0x45e: {  	v1 =	vmin.f32 v11, $1.270000000e+02;
	v11 =	vadd.f32 v25, v63  }
0x45f: {  	v24 =	vmax.f32 v24, $0.0e+00;
	v0 =	vmax.f32 v0, $0.0e+00  }
0x460: {  	v23 =	vmin.f32 v24, $1.270000000e+02;
	v1 =	vtrunc.f32 v1;
	v11 =	vmax.f32 v11, $0.0e+00  }
0x461: {  	v23 =	vtrunc.f32 v23;
	v1 =	vcvt.f32.s32 v1;
	v11 =	vmin.f32 v11, $1.270000000e+02  }
0x462: {  	v0 =	vmin.f32 v0, $1.270000000e+02;
	v23 =	vcvt.f32.s32 v23;
	v11 =	vtrunc.f32 v11  }
0x463: {  	v0 =	vtrunc.f32 v0;
	v1 =	vshll.u32 v1, $0x6;
	v11 =	vcvt.f32.s32 v11  }
0x464: {  	v0 =	vcvt.f32.s32 v0;
	v23 =	vshll.u32 v23, $0x6;
	v1 =	vor.u32 v49, v1  }
0x465: {  	v23 =	vor.u32 v3, v23;
	v11 =	vshll.u32 v11, $0x6  }
0x466: {  	v0 =	vshll.u32 v0, $0x6;
	s25 =	spop (v2sf);
	v11 =	vor.u32 v4, v11  }
0x467: {  	v0 =	vor.u32 v6, v0;
	p0 =	seq.s32 s25, s26  }
.Ltmp32:
0x468: {  	_ = 	snop;
	(pc) =	sbr.rel @p0 .LBB2_66-.Ltmp32, $4  }
0x469: {  	[tilespmem:v1+s17+$0x0] =	vst.idx.add.f32.msk $0xffff, v5  }
0x46a: {  	[tilespmem:v23+s17+$0x0] =	vst.idx.add.f32.msk $0xffff, v5  }
0x46b: {  	[tilespmem:v11+s17+$0x0] =	vst.idx.add.f32.msk $0xffff, v5  }
0x46c: {  	[tilespmem:v0+s17+$0x0] =	vst.idx.add.f32.msk $0xffff, v5  }
0x46d: {  	s26 =	sshll.u32 s22, $0xD  }
0x46e: {  	s28 =	sshll.u32 s22, $0x7;
	s26 =	sand.u32 $0xFFFF0000, s26  }
0x46f: {  	s28 =	sand.u32 $0x380, s28;
	s26 =	sadd.s32 s9, s26  }
0x470: {  	s26 =	sor.u32 s28, s26  }
0x471: {  	s26 =	sshrl.u32 s26, $0x3  }
0x472: {  	v0 =	vmov s22;
	s26 =	sadd.s32 s4, s26  }
0x473: {  	[hbm4b:s26+s18] =	stream.strided.scatter [tilespmem:s17], [sflag:$0x1], $0x2000, s19, s18, $0x38;
	[tilespmem:$0x12180] =	vst v63  }
0x474: {  	_ =	swait.ge [sflag:s12], $0x2000  }
0x475: {  	v1 =	vbroadcast v62, $0xD;
	[sflag:s12] =	ssyncset.done $0x0  }
0x476: {  	[sflag:s12] =	ssyncadd.s32 $0xFFFFE000  }
0x477: {  	s26 =	simm.s32 $0x10140;
	[tilespmem:v0+s20+$0x0] =	vst.idx.msk $0x1, v1  }
0x478: {  	[tilespmem:s26+$0xFFFFFFC0] =	vst v2  }
0x479: {  	[tilespmem:s26+$0x30] =	vst v2  }
0x47a: {  	[tilespmem:s26+$0x20] =	vst v2  }
0x47b: {  	[tilespmem:s26+$0x10] =	vst v2  }
0x47c: {  	[tilespmem:s26+$0x0] =	vst v2  }
0x47d: {  	[tilespmem:s26+$0xFFFFFFF0] =	vst v2  }
0x47e: {  	s28 =	simm.s32 $0x0;
	[tilespmem:s26+$0xFFFFFFE0] =	vst v2  }
.LBB2_64:
0x47f: {  	s28 =	sadd.s32 $0x8, s28;
	[tilespmem:s26+$0xFFFFFFD0] =	vst v2;
	s26 =	sadd.s32 $0x80, s26  }
0x480: {  	[tilespmem:s26+$0xFFFFFFC0] =	vst v2;
	p0 =	slt.u32 s28, $0x1F8  }
0x481: {  	[tilespmem:s26+$0x30] =	vst v2  }
.Ltmp33:
0x482: {  	[tilespmem:s26+$0x20] =	vst v2;
	(pc) =	sbr.rel @p0 .LBB2_64-.Ltmp33, $4  }
0x483: {  	[tilespmem:s26+$0x10] =	vst v2  }
0x484: {  	[tilespmem:s26+$0x0] =	vst v2  }
0x485: {  	[tilespmem:s26+$0xFFFFFFF0] =	vst v2  }
0x486: {  	[tilespmem:s26+$0xFFFFFFE0] =	vst v2  }
0x487: {  	[tilespmem:s26+$0xFFFFFFD0] =	vst v2;
	s22 =	sadd.s32 $0x1, s22  }
.LBB2_66:
0x488: {  	v0 =	vbroadcast v22, $0xE  }
0x489: {  	v1 =	vbroadcast v21, $0xE  }
0x48a: {  	v23 =	vbroadcast v20, $0xE;
	v11 =	vmul.f32 v0, v9  }
0x48b: {  	v24 =	vmul.f32 v1, v8;
	v25 =	vmul.f32 v0, v13  }
0x48c: {  	v26 =	vmul.f32 v23, v7;
	v58 =	vmul.f32 v1, v12  }
0x48d: {  	v27 =	vmul.f32 v0, v16;
	v0 =	vmul.f32 v0, v19;
	v11 =	vadd.f32 $6.400000000e+01, v11  }
0x48e: {  	v59 =	vmul.f32 v1, v15;
	v61 =	vmul.f32 v23, v10;
	v25 =	vadd.f32 $6.400000000e+01, v25  }
0x48f: {  	v1 =	vmul.f32 v1, v18;
	v0 =	vadd.f32 $6.400000000e+01, v0;
	v11 =	vadd.f32 v11, v24  }
0x490: {  	v63 =	vmul.f32 v23, v14;
	v60 =	vadd.f32 $6.400000000e+01, v27;
	v24 =	vadd.f32 v25, v58  }
0x491: {  	v23 =	vmul.f32 v23, v17;
	v0 =	vadd.f32 v0, v1;
	v11 =	vadd.f32 v11, v26  }
0x492: {  	v25 =	vadd.f32 v60, v59  }
0x493: {  	v24 =	vadd.f32 v24, v61;
	v0 =	vadd.f32 v0, v23;
	v11 =	vmax.f32 v11, $0.0e+00  }
0x494: {  	v1 =	vmin.f32 v11, $1.270000000e+02;
	v11 =	vadd.f32 v25, v63  }
0x495: {  	v24 =	vmax.f32 v24, $0.0e+00;
	v0 =	vmax.f32 v0, $0.0e+00  }
0x496: {  	v23 =	vmin.f32 v24, $1.270000000e+02;
	v1 =	vtrunc.f32 v1;
	v11 =	vmax.f32 v11, $0.0e+00  }
0x497: {  	v23 =	vtrunc.f32 v23;
	v1 =	vcvt.f32.s32 v1;
	v11 =	vmin.f32 v11, $1.270000000e+02  }
0x498: {  	v0 =	vmin.f32 v0, $1.270000000e+02;
	v23 =	vcvt.f32.s32 v23;
	v11 =	vtrunc.f32 v11  }
0x499: {  	v0 =	vtrunc.f32 v0;
	v1 =	vshll.u32 v1, $0x6;
	v11 =	vcvt.f32.s32 v11  }
0x49a: {  	v0 =	vcvt.f32.s32 v0;
	v23 =	vshll.u32 v23, $0x6;
	v1 =	vor.u32 v49, v1  }
0x49b: {  	v23 =	vor.u32 v3, v23;
	v11 =	vshll.u32 v11, $0x6  }
0x49c: {  	v0 =	vshll.u32 v0, $0x6;
	v11 =	vor.u32 v4, v11  }
0x49d: {  	p0 =	seq.s32 s23, s25;
	v0 =	vor.u32 v6, v0  }
.Ltmp34:
0x49e: {  	_ = 	snop;
	(pc) =	sbr.rel @p0 .LBB2_70-.Ltmp34, $4  }
0x49f: {  	[tilespmem:v1+s17+$0x0] =	vst.idx.add.f32.msk $0xffff, v5  }
0x4a0: {  	[tilespmem:v23+s17+$0x0] =	vst.idx.add.f32.msk $0xffff, v5  }
0x4a1: {  	[tilespmem:v11+s17+$0x0] =	vst.idx.add.f32.msk $0xffff, v5  }
0x4a2: {  	[tilespmem:v0+s17+$0x0] =	vst.idx.add.f32.msk $0xffff, v5  }
0x4a3: {  	s25 =	sshll.u32 s22, $0xD  }
0x4a4: {  	s26 =	sshll.u32 s22, $0x7;
	s25 =	sand.u32 $0xFFFF0000, s25  }
0x4a5: {  	s26 =	sand.u32 $0x380, s26;
	s25 =	sadd.s32 s9, s25  }
0x4a6: {  	s25 =	sor.u32 s26, s25  }
0x4a7: {  	s25 =	sshrl.u32 s25, $0x3  }
0x4a8: {  	v0 =	vmov s22;
	s25 =	sadd.s32 s4, s25  }
0x4a9: {  	[hbm4b:s25+s18] =	stream.strided.scatter [tilespmem:s17], [sflag:$0x1], $0x2000, s19, s18, $0x38;
	[tilespmem:$0x12180] =	vst v63  }
0x4aa: {  	_ =	swait.ge [sflag:s12], $0x2000  }
0x4ab: {  	v1 =	vbroadcast v62, $0xE;
	[sflag:s12] =	ssyncset.done $0x0  }
0x4ac: {  	[sflag:s12] =	ssyncadd.s32 $0xFFFFE000  }
0x4ad: {  	s25 =	simm.s32 $0x10140;
	[tilespmem:v0+s20+$0x0] =	vst.idx.msk $0x1, v1  }
0x4ae: {  	[tilespmem:s25+$0xFFFFFFC0] =	vst v2  }
0x4af: {  	[tilespmem:s25+$0x30] =	vst v2  }
0x4b0: {  	[tilespmem:s25+$0x20] =	vst v2  }
0x4b1: {  	[tilespmem:s25+$0x10] =	vst v2  }
0x4b2: {  	[tilespmem:s25+$0x0] =	vst v2  }
0x4b3: {  	[tilespmem:s25+$0xFFFFFFF0] =	vst v2  }
0x4b4: {  	s26 =	simm.s32 $0x0;
	[tilespmem:s25+$0xFFFFFFE0] =	vst v2  }
.LBB2_68:
0x4b5: {  	s26 =	sadd.s32 $0x8, s26;
	[tilespmem:s25+$0xFFFFFFD0] =	vst v2;
	s25 =	sadd.s32 $0x80, s25  }
0x4b6: {  	[tilespmem:s25+$0xFFFFFFC0] =	vst v2;
	p0 =	slt.u32 s26, $0x1F8  }
0x4b7: {  	[tilespmem:s25+$0x30] =	vst v2  }
.Ltmp35:
0x4b8: {  	[tilespmem:s25+$0x20] =	vst v2;
	(pc) =	sbr.rel @p0 .LBB2_68-.Ltmp35, $4  }
0x4b9: {  	[tilespmem:s25+$0x10] =	vst v2  }
0x4ba: {  	[tilespmem:s25+$0x0] =	vst v2  }
0x4bb: {  	[tilespmem:s25+$0xFFFFFFF0] =	vst v2  }
0x4bc: {  	[tilespmem:s25+$0xFFFFFFE0] =	vst v2  }
.Ltmp36:
0x4bd: {  	(pc) =	sbr.rel .LBB2_70-.Ltmp36, $2  }
0x4be: {  	_ =	sdelay $0x2  }
0x4bf: {  	[tilespmem:s25+$0xFFFFFFD0] =	vst v2;
	s22 =	sadd.s32 $0x1, s22  }
.LBB2_71:
0x4c0: {  	s23 =	sshll.u32 s22, $0xD  }
0x4c1: {  	s24 =	sshll.u32 s22, $0x7;
	s23 =	sand.u32 $0xFFFF0000, s23  }
0x4c2: {  	s24 =	sand.u32 $0x380, s24;
	s23 =	sadd.s32 s9, s23  }
0x4c3: {  	s23 =	sor.u32 s24, s23  }
0x4c4: {  	s23 =	sshrl.u32 s23, $0x3  }
0x4c5: {  	v0 =	vmov s22;
	s23 =	sadd.s32 s4, s23  }
0x4c6: {  	[hbm4b:s23+s18] =	stream.strided.scatter [tilespmem:s17], [sflag:$0x1], $0x2000, s19, s18, $0x38;
	[tilespmem:$0x12180] =	vst v63  }
0x4c7: {  	_ =	swait.ge [sflag:s12], $0x2000  }
0x4c8: {  	v1 =	vbroadcast v62, $0xF;
	[sflag:s12] =	ssyncset.done $0x0  }
0x4c9: {  	[sflag:s12] =	ssyncadd.s32 $0xFFFFE000  }
0x4ca: {  	s22 =	simm.s32 $0x10140;
	[tilespmem:v0+s20+$0x0] =	vst.idx.msk $0x1, v1  }
0x4cb: {  	[tilespmem:s22+$0xFFFFFFC0] =	vst v2  }
0x4cc: {  	[tilespmem:s22+$0x30] =	vst v2  }
0x4cd: {  	[tilespmem:s22+$0x20] =	vst v2  }
0x4ce: {  	[tilespmem:s22+$0x10] =	vst v2  }
0x4cf: {  	[tilespmem:s22+$0x0] =	vst v2  }
0x4d0: {  	[tilespmem:s22+$0xFFFFFFF0] =	vst v2  }
0x4d1: {  	s23 =	simm.s32 $0x0;
	[tilespmem:s22+$0xFFFFFFE0] =	vst v2  }
.LBB2_72:
0x4d2: {  	s23 =	sadd.s32 $0x8, s23;
	[tilespmem:s22+$0xFFFFFFD0] =	vst v2;
	s22 =	sadd.s32 $0x80, s22  }
0x4d3: {  	[tilespmem:s22+$0xFFFFFFC0] =	vst v2;
	p0 =	slt.u32 s23, $0x1F8  }
0x4d4: {  	[tilespmem:s22+$0x30] =	vst v2  }
.Ltmp37:
0x4d5: {  	[tilespmem:s22+$0x20] =	vst v2;
	(pc) =	sbr.rel @p0 .LBB2_72-.Ltmp37, $4  }
0x4d6: {  	[tilespmem:s22+$0x10] =	vst v2  }
0x4d7: {  	[tilespmem:s22+$0x0] =	vst v2  }
0x4d8: {  	[tilespmem:s22+$0xFFFFFFF0] =	vst v2  }
0x4d9: {  	[tilespmem:s22+$0xFFFFFFE0] =	vst v2  }
0x4da: {  	s21 =	sadd.s32 $0x1, s21  }
0x4db: {  	p0 =	sne.s32 s21, s11  }
.Ltmp38:
0x4dc: {  	[tilespmem:s22+$0xFFFFFFD0] =	vst v2;
	(pc) =	sbr.rel @p0 .LBB2_1-.Ltmp38, $4  }
0x4dd: {  	[hbm4b:s10+s2] =	stream.linear.scatter [tilespmem:s20], [sflag:$0x1], $0x80, $0x38;
	[tilespmem:$0x12180] =	vst v63  }
0x4de: {  	_ =	swait.ge [sflag:s12], $0x80  }
0x4df: {  	[sflag:s12] =	ssyncset.done $0x0  }
0x4e0: {  	[sflag:s12] =	ssyncadd.s32 $0xFFFFFF80  }
0x4e1: {  	_ =	sfence.sel $0x180000  }
0x4e2: {  	[bflag:$0x0] =	sbarrier.arrive $0xFFFF  }
0x4e3: {  	p0 =	sne.s32 s0, $0x0;
	_ =	strace $0x90000047  }
0x4e4: {  	s0 =	sadd.s32 @!p0 $0x100000, s1;
	[bflag:$0x2] =	sbarrier.arrive $0xFFFF  }
0x4e5: {  	[sflag:s0] =	ssyncadd.tile.s32 @!p0 $0x1;
	_ =	shalt  }
.Lfunc_end2:
_tile_overlayer_lowered:
.L_overlay_start_2:
0x4e6: {  	(tag) =	ssettag $0x2  }
0x4e7: {  	s0 =	rddreg [dreg:$0x0];
	s2 =	stileid.u32  }
0x4e8: {  	s1 =	rddreg [dreg:$0x1];
	p0 =	sne.s32 s2, $0x0  }
0x4e9: {  	s3 =	rddreg [dreg:$0x2];
	[bflag:$0x3] =	sbarrier.arrive $0xFFFF;
	s2 =	simm.s32 @!p0 $0x1C01  }
0x4ea: {  	[timem:s3], [sflag:s2] =	dma.local @!p0 [hbm:s0], s1  }
0x4eb: {  	s0 =	simm.s32 @!p0 $0x1  }
0x4ec: {  	_ =	swait.ge @!p0 [sflag:s0], s1  }
0x4ed: {  	s1 =	ssub.s32 @!p0 $0x0, s1;
	[sflag:s0] =	ssyncset.done @!p0 $0x0  }
0x4ee: {  	[sflag:s0] =	ssyncadd.s32 @!p0 s1  }
0x4ef: {  	[bflag:$0x3] =	sbarrier.arrive $0xFFFF  }
0x4f0: {  	_ =	shalt  }

</sc_bundles>
